<compile_context>
chip_gen: v7x
topology: tpu7x:2x2x1
jax: 0.10.2.dev20260603
libtpu: 0.0.44.dev20260713+nightly
codegen_flags: <defaults>
</compile_context>

<pallas_src>
import jax
import jax.numpy as jnp
from jax import lax
from jax.experimental import pallas as pl
from jax.experimental.pallas import tpu as pltpu
from jax.experimental.pallas import tpu_sc as plsc

_N = 4096
_D = 64
_BLK = 256

_ALPHA = 1.0

_NSC = 1536
_NTC = _N - _NSC
_NBLK_TC = _NTC // _BLK
_NBLK_SC = _NSC // _BLK

_NW = 32
_RPW = _NSC // _NW

_KS = (21, 33, 513)
_LEVELS = ((23, 8), (15, 8), (7, 8), (0, 7))


def _d2_bits(x, xb):
    x2 = jnp.sum(x * x, axis=1)
    xb2 = jnp.sum(xb * xb, axis=1)
    g = lax.dot_general(
        xb, x, (((1,), (1,)), ((), ())), preferred_element_type=jnp.float32
    )
    d2 = xb2[:, None] + x2[None, :] - 2.0 * g
    return jnp.maximum(d2, 1e-12)


def _estimators(d2c, t21, t33, t513):
    s = jnp.sqrt(d2c)
    lg = 0.5 * jnp.log(d2c)
    m21 = d2c < t21
    m33 = d2c < t33
    m513 = d2c < t513
    c21 = jnp.sum(m21.astype(jnp.float32), axis=1, keepdims=True)
    c33 = jnp.sum(m33.astype(jnp.float32), axis=1, keepdims=True)
    c513 = jnp.sum(m513.astype(jnp.float32), axis=1, keepdims=True)
    s1 = jnp.sum(jnp.where(m21, s, 0.0), axis=1, keepdims=True)
    s2 = jnp.sum(jnp.where(m33, lg, 0.0), axis=1, keepdims=True)
    s3 = jnp.sum(jnp.where(m513, lg, 0.0), axis=1, keepdims=True)
    a0 = jnp.min(s, axis=1, keepdims=True)
    log_a0 = jnp.log(a0)

    sq21 = jnp.sqrt(t21)
    lg33 = 0.5 * jnp.log(t33)
    lg513 = 0.5 * jnp.log(t513)

    s20 = s1 + (20.0 - c21) * sq21
    m = (s20 - a0) / 19.0
    lid_mom = m / (sq21 - m)
    reg_row = -jnp.abs(jnp.log(lid_mom))

    l32sum = s2 + (32.0 - c33) * lg33
    lids32 = -32.0 / (l32sum - log_a0 - 31.0 * lg33)
    l512sum = s3 + (512.0 - c513) * lg513
    lids512 = -512.0 / (l512sum - log_a0 - 511.0 * lg513)
    return reg_row, lids32, lids512



def _order_stats_bits(bits, ks):
    blk = bits.shape[0]
    los = [jnp.zeros((blk, 1), jnp.int32) for _ in ks]
    his = [jnp.full((blk, 1), 0x7F800000, jnp.int32) for _ in ks]

    def it(_, carry):
        los, his = carry
        nlos, nhis = [], []
        for k, lo, hi in zip(ks, los, his):
            mid = lo + (hi - lo) // 2
            cnt = jnp.sum((bits <= mid).astype(jnp.int32), axis=1, keepdims=True)
            ge = cnt >= k
            nlos.append(jnp.where(ge, lo, mid + 1))
            nhis.append(jnp.where(ge, mid, hi))
        return nlos, nhis

    los, his = lax.fori_loop(0, 31, it, (los, his))
    return los


def _main_body(x_ref, xb_ref, reg_ref, l32_ref, l512_ref):
    i = pl.program_id(0)
    d2c = _d2_bits(x_ref[...], xb_ref[...])
    bits = lax.bitcast_convert_type(d2c, jnp.int32)

    t21b, t33b, t513b = _order_stats_bits(bits, _KS)
    t21 = lax.bitcast_convert_type(t21b, jnp.float32)
    t33 = lax.bitcast_convert_type(t33b, jnp.float32)
    t513 = lax.bitcast_convert_type(t513b, jnp.float32)

    reg_row, lids32, lids512 = _estimators(d2c, t21, t33, t513)
    l32_ref[...] = lids32
    l512_ref[...] = lids512

    @pl.when(i == 0)
    def _():
        reg_ref[...] = jnp.zeros_like(reg_ref)

    reg_ref[...] += jnp.sum(reg_row, axis=(0, 1), keepdims=True)


def _tc_main(features):
    return pl.pallas_call(
        _main_body,
        grid=(_NBLK_TC,),
        in_specs=[
            pl.BlockSpec((_N, _D), lambda i: (0, 0)),
            pl.BlockSpec((_BLK, _D), lambda i: (i, 0)),
        ],
        out_specs=[
            pl.BlockSpec((1, 1), lambda i: (0, 0)),
            pl.BlockSpec((_BLK, 1), lambda i: (i, 0)),
            pl.BlockSpec((_BLK, 1), lambda i: (i, 0)),
        ],
        out_shape=[
            jax.ShapeDtypeStruct((1, 1), jnp.float32),
            jax.ShapeDtypeStruct((_NTC, 1), jnp.float32),
            jax.ShapeDtypeStruct((_NTC, 1), jnp.float32),
        ],
    )(features, features)



def _prep_body(x_ref, xb_ref, bits_ref):
    d2c = _d2_bits(x_ref[...], xb_ref[...])
    bits_ref[...] = lax.bitcast_convert_type(d2c, jnp.int32)


def _tc_prep_tail(features):
    return pl.pallas_call(
        _prep_body,
        grid=(_NBLK_SC,),
        in_specs=[
            pl.BlockSpec((_N, _D), lambda i: (0, 0)),
            pl.BlockSpec((_BLK, _D), lambda i: (i + _NBLK_TC, 0)),
        ],
        out_specs=pl.BlockSpec((_BLK, _N), lambda i: (i, 0)),
        out_shape=jax.ShapeDtypeStruct((_NSC, _N), jnp.int32),
    )(features, features)



def _sc_level(row_v, hists, prefixes, ranks, shift, nbits):
    submask = (1 << nbits) - 1
    width = 1 << nbits
    nchunk_h = width // 16
    pshift = shift + nbits
    ones16 = jnp.ones((16,), jnp.int32)
    zeros16 = jnp.zeros((16,), jnp.int32)

    def zero_body(i, c):
        for h in hists:
            h[pl.ds(i * 16, 16)] = zeros16
        return c

    lax.fori_loop(0, nchunk_h, zero_body, 0)

    shared = len(hists) == 1

    def pass_body(c, carry):
        x = row_v[pl.ds(c * 16, 16)]
        sub = lax.shift_right_logical(x, shift) & submask
        if shared:
            plsc.addupdate_scatter(hists[0], [sub], ones16)
        else:
            up = lax.shift_right_logical(x, pshift)
            for h, p in zip(hists, prefixes):
                plsc.addupdate_scatter(h, [sub], ones16, mask=(up == p))
        return carry

    lax.fori_loop(0, _N // 16, pass_body, 0, unroll=8)

    scan_hists = hists * 3 if shared else hists
    new_prefixes, new_ranks = [], []
    for h, p, r in zip(scan_hists, prefixes, ranks):
        def scan_body(i, carry):
            tot, nbuck, below = carry
            hv = h[pl.ds(i * 16, 16)]
            cum = plsc.cumsum(hv) + tot
            m = cum < r
            nbuck = nbuck + jnp.sum(jnp.where(m, 1, 0))
            below = jnp.maximum(below, jnp.max(jnp.where(m, cum, 0)))
            tot = tot + jnp.sum(hv)
            return tot, nbuck, below

        _, b, below = lax.fori_loop(
            0, nchunk_h, scan_body,
            (jnp.int32(0), jnp.int32(0), jnp.int32(0)), unroll=4)
        new_prefixes.append((p << nbits) | b)
        new_ranks.append(r - below)
    return new_prefixes, new_ranks


def _sc_body(bits_hbm, thr_hbm, row_v, h0_v, h1_v, h2_v, res_v):
    wid = lax.axis_index("s") * 2 + lax.axis_index("c")
    base = wid * _RPW
    hists = (h0_v, h1_v, h2_v)

    def row_body(r, carry):
        pltpu.sync_copy(bits_hbm.at[base + r], row_v)
        prefixes = [jnp.int32(0)] * 3
        ranks = [jnp.int32(k) for k in _KS]
        for lvl, (shift, nbits) in enumerate(_LEVELS):
            lvl_hists = hists[:1] if lvl == 0 else hists
            prefixes, ranks = _sc_level(
                row_v, lvl_hists, prefixes, ranks, shift, nbits)
        lanes = lax.iota(jnp.int32, 16)
        res = jnp.zeros((16,), jnp.int32)
        for j, t in enumerate(prefixes):
            res = jnp.where(lanes == j, t, res)
        res_v[pl.ds(r * 16, 16)] = res
        return carry

    lax.fori_loop(0, _RPW, row_body, 0)
    pltpu.sync_copy(res_v, thr_hbm.at[wid])


def _sc_select(bits):
    mesh = plsc.VectorSubcoreMesh(core_axis_name="c", subcore_axis_name="s")
    fn = pl.kernel(
        _sc_body,
        out_type=jax.ShapeDtypeStruct((_NW, _RPW * 16), jnp.int32),
        mesh=mesh,
        compiler_params=pltpu.CompilerParams(needs_layout_passes=False),
        scratch_types=[
            pltpu.VMEM((_N,), jnp.int32),
            pltpu.VMEM((256,), jnp.int32),
            pltpu.VMEM((256,), jnp.int32),
            pltpu.VMEM((256,), jnp.int32),
            pltpu.VMEM((_RPW * 16,), jnp.int32),
        ],
    )
    return fn(bits).reshape(_NSC, 16)



def _tail_body(bits_ref, thr_ref, reg_ref, l32_ref, l512_ref):
    i = pl.program_id(0)
    d2c = lax.bitcast_convert_type(bits_ref[...], jnp.float32)
    thr = thr_ref[...]
    t21 = lax.bitcast_convert_type(thr[:, 0:1], jnp.float32)
    t33 = lax.bitcast_convert_type(thr[:, 1:2], jnp.float32)
    t513 = lax.bitcast_convert_type(thr[:, 2:3], jnp.float32)

    reg_row, lids32, lids512 = _estimators(d2c, t21, t33, t513)
    l32_ref[...] = lids32
    l512_ref[...] = lids512

    @pl.when(i == 0)
    def _():
        reg_ref[...] = jnp.zeros_like(reg_ref)

    reg_ref[...] += jnp.sum(reg_row, axis=(0, 1), keepdims=True)


def _tc_tail(bits, thr):
    return pl.pallas_call(
        _tail_body,
        grid=(_NBLK_SC,),
        in_specs=[
            pl.BlockSpec((_BLK, _N), lambda i: (i, 0)),
            pl.BlockSpec((_BLK, 16), lambda i: (i, 0)),
        ],
        out_specs=[
            pl.BlockSpec((1, 1), lambda i: (0, 0)),
            pl.BlockSpec((_BLK, 1), lambda i: (i, 0)),
            pl.BlockSpec((_BLK, 1), lambda i: (i, 0)),
        ],
        out_shape=[
            jax.ShapeDtypeStruct((1, 1), jnp.float32),
            jax.ShapeDtypeStruct((_NSC, 1), jnp.float32),
            jax.ShapeDtypeStruct((_NSC, 1), jnp.float32),
        ],
    )(bits, thr)


def kernel(features):
    bits_tail = _tc_prep_tail(features)
    thr_tail = _sc_select(bits_tail)
    reg_main, l32_m, l512_m = _tc_main(features)
    reg_tail, l32_t, l512_t = _tc_tail(bits_tail, thr_tail)
    reg_loss = _ALPHA * (reg_main[0, 0] + reg_tail[0, 0]) / _N
    l32 = jnp.concatenate([l32_m[:, 0], l32_t[:, 0]])
    l512 = jnp.concatenate([l512_m[:, 0], l512_t[:, 0]])
    return (reg_loss, l32, l512)

# --- scband reference (transcript-rebuilt; emitter-appended) ---
"""Pipeline reference for scband-maeldreg-loss-24215025615484 (READ-ONLY COPY).

The authoritative reference and input builder live on the scoring server;
editing this copy changes nothing except your own understanding.
"""

import jax, jax.numpy as jnp
import numpy as np

ALPHA = 1.0
K = 20


def _cdist(x, y):
    # Euclidean distance matrix, equivalent to torch.cdist(p=2) with
    # compute_mode='use_mm_for_euclid_dist_if_necessary' (matmul-based).
    x2 = jnp.sum(x * x, axis=1, keepdims=True)
    y2 = jnp.sum(y * y, axis=1, keepdims=True)
    d2 = x2 + y2.T - 2.0 * (x @ y.T)
    return jnp.sqrt(jnp.maximum(d2, 1e-12))


def _lid_mom_est(data, reference, k):
    # Method-of-moments LID estimator (LDReg): sort distances, take k-NN stats.
    r = _cdist(data, reference)
    a = jnp.sort(r, axis=1)
    m = jnp.mean(a[:, 1:k], axis=1)
    lids = m / (a[:, k] - m)
    return lids


def _lid_mle(data, reference, k):
    # MLE (Hill) LID estimator used by track_lid (k=32 and k=512, no grad).
    r = _cdist(data, reference)
    a = jnp.sort(r, axis=1)
    logs = jnp.log(a[:, 1:k] / a[:, k][:, None] + 1e-12)
    lids = -float(k) / jnp.sum(logs, axis=1)
    return lids


def setup_inputs(seed: int = 0) -> dict:
    key = jax.random.key(seed)
    # cls_token features produced by the backbone; loss module consumes these.
    features = jax.random.normal(key, (4096, 64), dtype=jnp.float32)
    return {"features": features}


def reference(features):
    # MAELDRegLoss core (est_type='mom', reg_type='l1', warmup done, epoch >= warmup):
    # reference bank is the (detached) full-rank feature gather; here single-rank.
    full_rank_lid_f = jax.lax.stop_gradient(features)
    lids = _lid_mom_est(features, full_rank_lid_f, K)
    lid_reg = -jnp.abs(jnp.log(lids))
    reg_loss = ALPHA * jnp.mean(lid_reg)
    # track_lid on detached features (no-grad path)
    fd = jax.lax.stop_gradient(features)
    lids_k32 = _lid_mle(fd, fd, 32)
    lids_k512 = _lid_mle(fd, fd, 512)
    return (reg_loss, lids_k32, lids_k512)

if __name__ == "__main__":
    import jax
    _d = setup_inputs()
    print(jax.jit(kernel)(*tuple(_d.values())))

</pallas_src>

<mosaic_0001>
#map = affine_map<(d0, d1) -> (0, 0)>
module attributes {stable_mosaic.version = 14 : i64} {
  func.func @_sc_body(%arg0: i32, %arg1: i32, %arg2: memref<1536x4096xi32, #tpu.memory_space<hbm>>, %arg3: memref<32x768xi32, #tpu.memory_space<hbm>>, %arg4: memref<4096xi32, #tpu.memory_space<vmem>>, %arg5: memref<256xi32, #tpu.memory_space<vmem>>, %arg6: memref<256xi32, #tpu.memory_space<vmem>>, %arg7: memref<256xi32, #tpu.memory_space<vmem>>, %arg8: memref<768xi32, #tpu.memory_space<vmem>>) attributes {dimension_semantics = [#tpu.dimension_semantics<core_parallel>, #tpu.dimension_semantics<subcore_parallel>], iteration_bounds = array<i64: 2, 16>, scalar_prefetch = 0 : i64, scratch_operands = 5 : i64, tpu.core_type = #tpu.core_type<sc_vector_subcore>, window_params = [{transform_indices = #map}, {transform_indices = #map}]} {
    %mul3A = arith.constant 2 : i32
    %mul3A_0 = arith.muli %arg1, %mul3A : i32
    %add3A = arith.addi %mul3A_0, %arg0 : i32
    %mul3A_1 = arith.constant 48 : i32
    %mul3A_2 = arith.muli %add3A, %mul3A_1 : i32
    %scan3A = arith.constant 0 : i32
    %scan3A_3 = arith.constant 0 : i32
    %scan3A_4 = arith.constant 48 : i32
    %scan3A_5 = arith.addi %scan3A_3, %scan3A_4 : i32
    %scan3A_6 = arith.constant 1 : i32
    scf.for %scan3A_8 = %scan3A_3 to %scan3A_5 step %scan3A_6  : i32 {
      %add3A_9 = arith.addi %mul3A_2, %scan3A_8 : i32
      "tpu.region"() ({
        %run_scoped3A = tpu.sem_alloc : memref<!tpu.dma_semaphore, #tpu.memory_space<semaphore_mem>>
        %dma_start3A = arith.constant 0 : i32
        %dma_start3A_253 = tpu.memref_slice %arg2[%add3A_9, %dma_start3A] : memref<1536x4096xi32, #tpu.memory_space<hbm>> -> memref<1x4096xi32, #tpu.memory_space<hbm>>
        %dma_start3A_254 = tpu.memref_squeeze %dma_start3A_253 : memref<1x4096xi32, #tpu.memory_space<hbm>> -> memref<4096xi32, #tpu.memory_space<hbm>>
        %dma_start3A_255 = arith.constant 0 : i32
        %dma_start3A_256 = tpu.memref_slice %arg2[%add3A_9, %dma_start3A_255] : memref<1536x4096xi32, #tpu.memory_space<hbm>> -> memref<1x4096xi32, #tpu.memory_space<hbm>>
        %dma_start3A_257 = tpu.memref_squeeze %dma_start3A_256 : memref<1x4096xi32, #tpu.memory_space<hbm>> -> memref<4096xi32, #tpu.memory_space<hbm>>
        tpu.enqueue_dma source(%dma_start3A_257 : memref<4096xi32, #tpu.memory_space<hbm>>) target(%arg4 : memref<4096xi32, #tpu.memory_space<vmem>>) target_semaphore(%run_scoped3A : memref<!tpu.dma_semaphore, #tpu.memory_space<semaphore_mem>>)
        %dma_wait3A = arith.constant 0 : i32
        %dma_wait3A_258 = tpu.memref_slice %arg2[%add3A_9, %dma_wait3A] : memref<1536x4096xi32, #tpu.memory_space<hbm>> -> memref<1x4096xi32, #tpu.memory_space<hbm>>
        %dma_wait3A_259 = tpu.memref_squeeze %dma_wait3A_258 : memref<1x4096xi32, #tpu.memory_space<hbm>> -> memref<4096xi32, #tpu.memory_space<hbm>>
        %dma_wait3A_260 = arith.constant 0 : i32
        %dma_wait3A_261 = tpu.memref_slice %arg2[%add3A_9, %dma_wait3A_260] : memref<1536x4096xi32, #tpu.memory_space<hbm>> -> memref<1x4096xi32, #tpu.memory_space<hbm>>
        %dma_wait3A_262 = tpu.memref_squeeze %dma_wait3A_261 : memref<1x4096xi32, #tpu.memory_space<hbm>> -> memref<4096xi32, #tpu.memory_space<hbm>>
        tpu.wait_dma2 semaphore(%run_scoped3A : memref<!tpu.dma_semaphore, #tpu.memory_space<semaphore_mem>>) src(%dma_wait3A_262 : memref<4096xi32, #tpu.memory_space<hbm>>) dst(%arg4 : memref<4096xi32, #tpu.memory_space<vmem>>)
        tpu.yield
      }) : () -> ()
      %broadcast_in_dim3A = arith.constant 1 : i32
      %broadcast_in_dim3A_10 = vector.broadcast %broadcast_in_dim3A : i32 to vector<16xi32>
      %broadcast_in_dim3A_11 = arith.constant 0 : i32
      %broadcast_in_dim3A_12 = vector.broadcast %broadcast_in_dim3A_11 : i32 to vector<16xi32>
      %scan3A_13 = arith.constant 0 : i32
      %scan3A_14 = arith.constant 0 : i32
      %scan3A_15 = arith.constant 16 : i32
      %scan3A_16 = arith.addi %scan3A_14, %scan3A_15 : i32
      %scan3A_17 = arith.constant 1 : i32
      scf.for %scan3A_253 = %scan3A_14 to %scan3A_16 step %scan3A_17  : i32 {
        %mul3A_254 = arith.constant 16 : i32
        %mul3A_255 = arith.muli %scan3A_253, %mul3A_254 : i32
        %swap3A_256 = arith.index_cast %mul3A_255 : i32 to index
        %swap3A_257 = tpu.vector_load %arg5[%swap3A_256] {strides = array<i32>} : memref<256xi32, #tpu.memory_space<vmem>>, vector<16xi32>,
        tpu.vector_store %arg5[%swap3A_256], %broadcast_in_dim3A_12 {strides = array<i32>} : memref<256xi32, #tpu.memory_space<vmem>>, vector<16xi32>,
      }
      %scan3A_18 = arith.constant 16 : i32
      %scan3A_19 = arith.constant 0 : i32
      %scan3A_20 = arith.constant 0 : i32
      %scan3A_21 = arith.constant 256 : i32
      %scan3A_22 = arith.addi %scan3A_20, %scan3A_21 : i32
      %scan3A_23 = arith.constant 8 : i32
      scf.for %scan3A_253 = %scan3A_20 to %scan3A_22 step %scan3A_23  : i32 {
        %mul3A_254 = arith.constant 16 : i32
        %mul3A_255 = arith.muli %scan3A_253, %mul3A_254 : i32
        %get3A = arith.index_cast %mul3A_255 : i32 to index
        %get3A_256 = tpu.vector_load %arg4[%get3A] {strides = array<i32>} : memref<4096xi32, #tpu.memory_space<vmem>>, vector<16xi32>,
        %shift_right_logical3A = arith.constant 23 : i32
        %shift_right_logical3A_257 = vector.broadcast %shift_right_logical3A : i32 to vector<16xi32>
        %shift_right_logical3A_258 = arith.shrui %get3A_256, %shift_right_logical3A_257 : vector<16xi32>
        %and3A = arith.constant 255 : i32
        %and3A_259 = vector.broadcast %and3A : i32 to vector<16xi32>
        %and3A_260 = arith.andi %shift_right_logical3A_258, %and3A_259 : vector<16xi32>
        tpu.vector_store_idx %arg5[%and3A_260], %broadcast_in_dim3A_10 {add = true} : memref<256xi32, #tpu.memory_space<vmem>>[vector<16xi32>], vector<16xi32>,
        %scan3A_261 = arith.constant 1 : i32
        %scan3A_262 = arith.addi %scan3A_253, %scan3A_261 : i32
        %mul3A_263 = arith.constant 16 : i32
        %mul3A_264 = arith.muli %scan3A_262, %mul3A_263 : i32
        %get3A_265 = arith.index_cast %mul3A_264 : i32 to index
        %get3A_266 = tpu.vector_load %arg4[%get3A_265] {strides = array<i32>} : memref<4096xi32, #tpu.memory_space<vmem>>, vector<16xi32>,
        %shift_right_logical3A_267 = arith.constant 23 : i32
        %shift_right_logical3A_268 = vector.broadcast %shift_right_logical3A_267 : i32 to vector<16xi32>
        %shift_right_logical3A_269 = arith.shrui %get3A_266, %shift_right_logical3A_268 : vector<16xi32>
        %and3A_270 = arith.constant 255 : i32
        %and3A_271 = vector.broadcast %and3A_270 : i32 to vector<16xi32>
        %and3A_272 = arith.andi %shift_right_logical3A_269, %and3A_271 : vector<16xi32>
        tpu.vector_store_idx %arg5[%and3A_272], %broadcast_in_dim3A_10 {add = true} : memref<256xi32, #tpu.memory_space<vmem>>[vector<16xi32>], vector<16xi32>,
        %scan3A_273 = arith.constant 2 : i32
        %scan3A_274 = arith.addi %scan3A_253, %scan3A_273 : i32
        %mul3A_275 = arith.constant 16 : i32
        %mul3A_276 = arith.muli %scan3A_274, %mul3A_275 : i32
        %get3A_277 = arith.index_cast %mul3A_276 : i32 to index
        %get3A_278 = tpu.vector_load %arg4[%get3A_277] {strides = array<i32>} : memref<4096xi32, #tpu.memory_space<vmem>>, vector<16xi32>,
        %shift_right_logical3A_279 = arith.constant 23 : i32
        %shift_right_logical3A_280 = vector.broadcast %shift_right_logical3A_279 : i32 to vector<16xi32>
        %shift_right_logical3A_281 = arith.shrui %get3A_278, %shift_right_logical3A_280 : vector<16xi32>
        %and3A_282 = arith.constant 255 : i32
        %and3A_283 = vector.broadcast %and3A_282 : i32 to vector<16xi32>
        %and3A_284 = arith.andi %shift_right_logical3A_281, %and3A_283 : vector<16xi32>
        tpu.vector_store_idx %arg5[%and3A_284], %broadcast_in_dim3A_10 {add = true} : memref<256xi32, #tpu.memory_space<vmem>>[vector<16xi32>], vector<16xi32>,
        %scan3A_285 = arith.constant 3 : i32
        %scan3A_286 = arith.addi %scan3A_253, %scan3A_285 : i32
        %mul3A_287 = arith.constant 16 : i32
        %mul3A_288 = arith.muli %scan3A_286, %mul3A_287 : i32
        %get3A_289 = arith.index_cast %mul3A_288 : i32 to index
        %get3A_290 = tpu.vector_load %arg4[%get3A_289] {strides = array<i32>} : memref<4096xi32, #tpu.memory_space<vmem>>, vector<16xi32>,
        %shift_right_logical3A_291 = arith.constant 23 : i32
        %shift_right_logical3A_292 = vector.broadcast %shift_right_logical3A_291 : i32 to vector<16xi32>
        %shift_right_logical3A_293 = arith.shrui %get3A_290, %shift_right_logical3A_292 : vector<16xi32>
        %and3A_294 = arith.constant 255 : i32
        %and3A_295 = vector.broadcast %and3A_294 : i32 to vector<16xi32>
        %and3A_296 = arith.andi %shift_right_logical3A_293, %and3A_295 : vector<16xi32>
        tpu.vector_store_idx %arg5[%and3A_296], %broadcast_in_dim3A_10 {add = true} : memref<256xi32, #tpu.memory_space<vmem>>[vector<16xi32>], vector<16xi32>,
        %scan3A_297 = arith.constant 4 : i32
        %scan3A_298 = arith.addi %scan3A_253, %scan3A_297 : i32
        %mul3A_299 = arith.constant 16 : i32
        %mul3A_300 = arith.muli %scan3A_298, %mul3A_299 : i32
        %get3A_301 = arith.index_cast %mul3A_300 : i32 to index
        %get3A_302 = tpu.vector_load %arg4[%get3A_301] {strides = array<i32>} : memref<4096xi32, #tpu.memory_space<vmem>>, vector<16xi32>,
        %shift_right_logical3A_303 = arith.constant 23 : i32
        %shift_right_logical3A_304 = vector.broadcast %shift_right_logical3A_303 : i32 to vector<16xi32>
        %shift_right_logical3A_305 = arith.shrui %get3A_302, %shift_right_logical3A_304 : vector<16xi32>
        %and3A_306 = arith.constant 255 : i32
        %and3A_307 = vector.broadcast %and3A_306 : i32 to vector<16xi32>
        %and3A_308 = arith.andi %shift_right_logical3A_305, %and3A_307 : vector<16xi32>
        tpu.vector_store_idx %arg5[%and3A_308], %broadcast_in_dim3A_10 {add = true} : memref<256xi32, #tpu.memory_space<vmem>>[vector<16xi32>], vector<16xi32>,
        %scan3A_309 = arith.constant 5 : i32
        %scan3A_310 = arith.addi %scan3A_253, %scan3A_309 : i32
        %mul3A_311 = arith.constant 16 : i32
        %mul3A_312 = arith.muli %scan3A_310, %mul3A_311 : i32
        %get3A_313 = arith.index_cast %mul3A_312 : i32 to index
        %get3A_314 = tpu.vector_load %arg4[%get3A_313] {strides = array<i32>} : memref<4096xi32, #tpu.memory_space<vmem>>, vector<16xi32>,
        %shift_right_logical3A_315 = arith.constant 23 : i32
        %shift_right_logical3A_316 = vector.broadcast %shift_right_logical3A_315 : i32 to vector<16xi32>
        %shift_right_logical3A_317 = arith.shrui %get3A_314, %shift_right_logical3A_316 : vector<16xi32>
        %and3A_318 = arith.constant 255 : i32
        %and3A_319 = vector.broadcast %and3A_318 : i32 to vector<16xi32>
        %and3A_320 = arith.andi %shift_right_logical3A_317, %and3A_319 : vector<16xi32>
        tpu.vector_store_idx %arg5[%and3A_320], %broadcast_in_dim3A_10 {add = true} : memref<256xi32, #tpu.memory_space<vmem>>[vector<16xi32>], vector<16xi32>,
        %scan3A_321 = arith.constant 6 : i32
        %scan3A_322 = arith.addi %scan3A_253, %scan3A_321 : i32
        %mul3A_323 = arith.constant 16 : i32
        %mul3A_324 = arith.muli %scan3A_322, %mul3A_323 : i32
        %get3A_325 = arith.index_cast %mul3A_324 : i32 to index
        %get3A_326 = tpu.vector_load %arg4[%get3A_325] {strides = array<i32>} : memref<4096xi32, #tpu.memory_space<vmem>>, vector<16xi32>,
        %shift_right_logical3A_327 = arith.constant 23 : i32
        %shift_right_logical3A_328 = vector.broadcast %shift_right_logical3A_327 : i32 to vector<16xi32>
        %shift_right_logical3A_329 = arith.shrui %get3A_326, %shift_right_logical3A_328 : vector<16xi32>
        %and3A_330 = arith.constant 255 : i32
        %and3A_331 = vector.broadcast %and3A_330 : i32 to vector<16xi32>
        %and3A_332 = arith.andi %shift_right_logical3A_329, %and3A_331 : vector<16xi32>
        tpu.vector_store_idx %arg5[%and3A_332], %broadcast_in_dim3A_10 {add = true} : memref<256xi32, #tpu.memory_space<vmem>>[vector<16xi32>], vector<16xi32>,
        %scan3A_333 = arith.constant 7 : i32
        %scan3A_334 = arith.addi %scan3A_253, %scan3A_333 : i32
        %mul3A_335 = arith.constant 16 : i32
        %mul3A_336 = arith.muli %scan3A_334, %mul3A_335 : i32
        %get3A_337 = arith.index_cast %mul3A_336 : i32 to index
        %get3A_338 = tpu.vector_load %arg4[%get3A_337] {strides = array<i32>} : memref<4096xi32, #tpu.memory_space<vmem>>, vector<16xi32>,
        %shift_right_logical3A_339 = arith.constant 23 : i32
        %shift_right_logical3A_340 = vector.broadcast %shift_right_logical3A_339 : i32 to vector<16xi32>
        %shift_right_logical3A_341 = arith.shrui %get3A_338, %shift_right_logical3A_340 : vector<16xi32>
        %and3A_342 = arith.constant 255 : i32
        %and3A_343 = vector.broadcast %and3A_342 : i32 to vector<16xi32>
        %and3A_344 = arith.andi %shift_right_logical3A_341, %and3A_343 : vector<16xi32>
        tpu.vector_store_idx %arg5[%and3A_344], %broadcast_in_dim3A_10 {add = true} : memref<256xi32, #tpu.memory_space<vmem>>[vector<16xi32>], vector<16xi32>,
      }
      %scan3A_24 = arith.constant 256 : i32
      %scan3A_25 = arith.constant 21 : i32
      %scan3A_26 = arith.constant 0 : i32
      %scan3A_27 = arith.constant 0 : i32
      %scan3A_28 = arith.constant 0 : i32
      %scan3A_29 = arith.constant 0 : i32
      %scan3A_30 = arith.constant 16 : i32
      %scan3A_31 = arith.addi %scan3A_29, %scan3A_30 : i32
      %scan3A_32 = arith.constant 4 : i32
      %scan3A_33:3 = scf.for %scan3A_253 = %scan3A_29 to %scan3A_31 step %scan3A_32 iter_args(%scan3A_254 = %scan3A_26, %scan3A_255 = %scan3A_27, %scan3A_256 = %scan3A_28) -> (i32, i32, i32)  : i32 {
        %mul3A_257 = arith.constant 16 : i32
        %mul3A_258 = arith.muli %scan3A_253, %mul3A_257 : i32
        %get3A = arith.index_cast %mul3A_258 : i32 to index
        %get3A_259 = tpu.vector_load %arg5[%get3A] {strides = array<i32>} : memref<256xi32, #tpu.memory_space<vmem>>, vector<16xi32>,
        %broadcast_in_dim3A_260 = arith.constant true
        %broadcast_in_dim3A_261 = vector.broadcast %broadcast_in_dim3A_260 : i1 to vector<16xi1>
        %masked_cumsum3A = tpu.scan <sum>, %get3A_259 masked %broadcast_in_dim3A_261 : vector<16xi32>, vector<16xi1> -> vector<16xi32>
        %add3A_262 = vector.broadcast %scan3A_254 : i32 to vector<16xi32>
        %add3A_263 = arith.addi %masked_cumsum3A, %add3A_262 : vector<16xi32>
        %lt3A = vector.broadcast %scan3A_25 : i32 to vector<16xi32>
        %lt3A_264 = arith.cmpi slt, %add3A_263, %lt3A : vector<16xi32>
        %jit3A = arith.constant 1 : i32
        %jit3A_265 = arith.constant 0 : i32
        %broadcast_in_dim3A_266 = vector.broadcast %jit3A : i32 to vector<16xi32>
        %broadcast_in_dim3A_267 = vector.broadcast %jit3A_265 : i32 to vector<16xi32>
        %select_n3A_268 = arith.select %lt3A_264, %broadcast_in_dim3A_266, %broadcast_in_dim3A_267 : vector<16xi1>, vector<16xi32>
        %reduce_sum3A = arith.constant true
        %reduce_sum3A_269 = vector.broadcast %reduce_sum3A : i1 to vector<16xi1>
        %reduce_sum3A_270 = tpu.scan <sum>, %select_n3A_268 masked %reduce_sum3A_269 : vector<16xi32>, vector<16xi1> -> vector<16xi32>
        %reduce_sum3A_271 = vector.extract %reduce_sum3A_270[15] : i32 from vector<16xi32>
        %add3A_272 = arith.addi %scan3A_255, %reduce_sum3A_271 : i32
        %jit3A_273 = arith.constant 0 : i32
        %broadcast_in_dim3A_274 = vector.broadcast %jit3A_273 : i32 to vector<16xi32>
        %select_n3A_275 = arith.select %lt3A_264, %add3A_263, %broadcast_in_dim3A_274 : vector<16xi1>, vector<16xi32>
        %reduce_max3A = arith.constant true
        %reduce_max3A_276 = vector.broadcast %reduce_max3A : i1 to vector<16xi1>
        %reduce_max3A_277 = arith.constant -2147483648 : i32
        %reduce_max3A_278 = vector.broadcast %reduce_max3A_277 : i32 to vector<16xi32>
        %reduce_max3A_279 = arith.xori %select_n3A_275, %reduce_max3A_278 : vector<16xi32>
        %reduce_max3A_280 = tpu.scan <max>, %reduce_max3A_279 masked %reduce_max3A_276 : vector<16xi32>, vector<16xi1> -> vector<16xi32>
        %reduce_max3A_281 = arith.xori %reduce_max3A_280, %reduce_max3A_278 : vector<16xi32>
        %reduce_max3A_282 = vector.extract %reduce_max3A_281[15] : i32 from vector<16xi32>
        %max3A = arith.maxsi %scan3A_256, %reduce_max3A_282 : i32
        %reduce_sum3A_283 = arith.constant true
        %reduce_sum3A_284 = vector.broadcast %reduce_sum3A_283 : i1 to vector<16xi1>
        %reduce_sum3A_285 = tpu.scan <sum>, %get3A_259 masked %reduce_sum3A_284 : vector<16xi32>, vector<16xi1> -> vector<16xi32>
        %reduce_sum3A_286 = vector.extract %reduce_sum3A_285[15] : i32 from vector<16xi32>
        %add3A_287 = arith.addi %scan3A_254, %reduce_sum3A_286 : i32
        %scan3A_288 = arith.constant 1 : i32
        %scan3A_289 = arith.addi %scan3A_253, %scan3A_288 : i32
        %mul3A_290 = arith.constant 16 : i32
        %mul3A_291 = arith.muli %scan3A_289, %mul3A_290 : i32
        %get3A_292 = arith.index_cast %mul3A_291 : i32 to index
        %get3A_293 = tpu.vector_load %arg5[%get3A_292] {strides = array<i32>} : memref<256xi32, #tpu.memory_space<vmem>>, vector<16xi32>,
        %broadcast_in_dim3A_294 = arith.constant true
        %broadcast_in_dim3A_295 = vector.broadcast %broadcast_in_dim3A_294 : i1 to vector<16xi1>
        %masked_cumsum3A_296 = tpu.scan <sum>, %get3A_293 masked %broadcast_in_dim3A_295 : vector<16xi32>, vector<16xi1> -> vector<16xi32>
        %add3A_297 = vector.broadcast %add3A_287 : i32 to vector<16xi32>
        %add3A_298 = arith.addi %masked_cumsum3A_296, %add3A_297 : vector<16xi32>
        %lt3A_299 = vector.broadcast %scan3A_25 : i32 to vector<16xi32>
        %lt3A_300 = arith.cmpi slt, %add3A_298, %lt3A_299 : vector<16xi32>
        %jit3A_301 = arith.constant 1 : i32
        %jit3A_302 = arith.constant 0 : i32
        %broadcast_in_dim3A_303 = vector.broadcast %jit3A_301 : i32 to vector<16xi32>
        %broadcast_in_dim3A_304 = vector.broadcast %jit3A_302 : i32 to vector<16xi32>
        %select_n3A_305 = arith.select %lt3A_300, %broadcast_in_dim3A_303, %broadcast_in_dim3A_304 : vector<16xi1>, vector<16xi32>
        %reduce_sum3A_306 = arith.constant true
        %reduce_sum3A_307 = vector.broadcast %reduce_sum3A_306 : i1 to vector<16xi1>
        %reduce_sum3A_308 = tpu.scan <sum>, %select_n3A_305 masked %reduce_sum3A_307 : vector<16xi32>, vector<16xi1> -> vector<16xi32>
        %reduce_sum3A_309 = vector.extract %reduce_sum3A_308[15] : i32 from vector<16xi32>
        %add3A_310 = arith.addi %add3A_272, %reduce_sum3A_309 : i32
        %jit3A_311 = arith.constant 0 : i32
        %broadcast_in_dim3A_312 = vector.broadcast %jit3A_311 : i32 to vector<16xi32>
        %select_n3A_313 = arith.select %lt3A_300, %add3A_298, %broadcast_in_dim3A_312 : vector<16xi1>, vector<16xi32>
        %reduce_max3A_314 = arith.constant true
        %reduce_max3A_315 = vector.broadcast %reduce_max3A_314 : i1 to vector<16xi1>
        %reduce_max3A_316 = arith.constant -2147483648 : i32
        %reduce_max3A_317 = vector.broadcast %reduce_max3A_316 : i32 to vector<16xi32>
        %reduce_max3A_318 = arith.xori %select_n3A_313, %reduce_max3A_317 : vector<16xi32>
        %reduce_max3A_319 = tpu.scan <max>, %reduce_max3A_318 masked %reduce_max3A_315 : vector<16xi32>, vector<16xi1> -> vector<16xi32>
        %reduce_max3A_320 = arith.xori %reduce_max3A_319, %reduce_max3A_317 : vector<16xi32>
        %reduce_max3A_321 = vector.extract %reduce_max3A_320[15] : i32 from vector<16xi32>
        %max3A_322 = arith.maxsi %max3A, %reduce_max3A_321 : i32
        %reduce_sum3A_323 = arith.constant true
        %reduce_sum3A_324 = vector.broadcast %reduce_sum3A_323 : i1 to vector<16xi1>
        %reduce_sum3A_325 = tpu.scan <sum>, %get3A_293 masked %reduce_sum3A_324 : vector<16xi32>, vector<16xi1> -> vector<16xi32>
        %reduce_sum3A_326 = vector.extract %reduce_sum3A_325[15] : i32 from vector<16xi32>
        %add3A_327 = arith.addi %add3A_287, %reduce_sum3A_326 : i32
        %scan3A_328 = arith.constant 2 : i32
        %scan3A_329 = arith.addi %scan3A_253, %scan3A_328 : i32
        %mul3A_330 = arith.constant 16 : i32
        %mul3A_331 = arith.muli %scan3A_329, %mul3A_330 : i32
        %get3A_332 = arith.index_cast %mul3A_331 : i32 to index
        %get3A_333 = tpu.vector_load %arg5[%get3A_332] {strides = array<i32>} : memref<256xi32, #tpu.memory_space<vmem>>, vector<16xi32>,
        %broadcast_in_dim3A_334 = arith.constant true
        %broadcast_in_dim3A_335 = vector.broadcast %broadcast_in_dim3A_334 : i1 to vector<16xi1>
        %masked_cumsum3A_336 = tpu.scan <sum>, %get3A_333 masked %broadcast_in_dim3A_335 : vector<16xi32>, vector<16xi1> -> vector<16xi32>
        %add3A_337 = vector.broadcast %add3A_327 : i32 to vector<16xi32>
        %add3A_338 = arith.addi %masked_cumsum3A_336, %add3A_337 : vector<16xi32>
        %lt3A_339 = vector.broadcast %scan3A_25 : i32 to vector<16xi32>
        %lt3A_340 = arith.cmpi slt, %add3A_338, %lt3A_339 : vector<16xi32>
        %jit3A_341 = arith.constant 1 : i32
        %jit3A_342 = arith.constant 0 : i32
        %broadcast_in_dim3A_343 = vector.broadcast %jit3A_341 : i32 to vector<16xi32>
        %broadcast_in_dim3A_344 = vector.broadcast %jit3A_342 : i32 to vector<16xi32>
        %select_n3A_345 = arith.select %lt3A_340, %broadcast_in_dim3A_343, %broadcast_in_dim3A_344 : vector<16xi1>, vector<16xi32>
        %reduce_sum3A_346 = arith.constant true
        %reduce_sum3A_347 = vector.broadcast %reduce_sum3A_346 : i1 to vector<16xi1>
        %reduce_sum3A_348 = tpu.scan <sum>, %select_n3A_345 masked %reduce_sum3A_347 : vector<16xi32>, vector<16xi1> -> vector<16xi32>
        %reduce_sum3A_349 = vector.extract %reduce_sum3A_348[15] : i32 from vector<16xi32>
        %add3A_350 = arith.addi %add3A_310, %reduce_sum3A_349 : i32
        %jit3A_351 = arith.constant 0 : i32
        %broadcast_in_dim3A_352 = vector.broadcast %jit3A_351 : i32 to vector<16xi32>
        %select_n3A_353 = arith.select %lt3A_340, %add3A_338, %broadcast_in_dim3A_352 : vector<16xi1>, vector<16xi32>
        %reduce_max3A_354 = arith.constant true
        %reduce_max3A_355 = vector.broadcast %reduce_max3A_354 : i1 to vector<16xi1>
        %reduce_max3A_356 = arith.constant -2147483648 : i32
        %reduce_max3A_357 = vector.broadcast %reduce_max3A_356 : i32 to vector<16xi32>
        %reduce_max3A_358 = arith.xori %select_n3A_353, %reduce_max3A_357 : vector<16xi32>
        %reduce_max3A_359 = tpu.scan <max>, %reduce_max3A_358 masked %reduce_max3A_355 : vector<16xi32>, vector<16xi1> -> vector<16xi32>
        %reduce_max3A_360 = arith.xori %reduce_max3A_359, %reduce_max3A_357 : vector<16xi32>
        %reduce_max3A_361 = vector.extract %reduce_max3A_360[15] : i32 from vector<16xi32>
        %max3A_362 = arith.maxsi %max3A_322, %reduce_max3A_361 : i32
        %reduce_sum3A_363 = arith.constant true
        %reduce_sum3A_364 = vector.broadcast %reduce_sum3A_363 : i1 to vector<16xi1>
        %reduce_sum3A_365 = tpu.scan <sum>, %get3A_333 masked %reduce_sum3A_364 : vector<16xi32>, vector<16xi1> -> vector<16xi32>
        %reduce_sum3A_366 = vector.extract %reduce_sum3A_365[15] : i32 from vector<16xi32>
        %add3A_367 = arith.addi %add3A_327, %reduce_sum3A_366 : i32
        %scan3A_368 = arith.constant 3 : i32
        %scan3A_369 = arith.addi %scan3A_253, %scan3A_368 : i32
        %mul3A_370 = arith.constant 16 : i32
        %mul3A_371 = arith.muli %scan3A_369, %mul3A_370 : i32
        %get3A_372 = arith.index_cast %mul3A_371 : i32 to index
        %get3A_373 = tpu.vector_load %arg5[%get3A_372] {strides = array<i32>} : memref<256xi32, #tpu.memory_space<vmem>>, vector<16xi32>,
        %broadcast_in_dim3A_374 = arith.constant true
        %broadcast_in_dim3A_375 = vector.broadcast %broadcast_in_dim3A_374 : i1 to vector<16xi1>
        %masked_cumsum3A_376 = tpu.scan <sum>, %get3A_373 masked %broadcast_in_dim3A_375 : vector<16xi32>, vector<16xi1> -> vector<16xi32>
        %add3A_377 = vector.broadcast %add3A_367 : i32 to vector<16xi32>
        %add3A_378 = arith.addi %masked_cumsum3A_376, %add3A_377 : vector<16xi32>
        %lt3A_379 = vector.broadcast %scan3A_25 : i32 to vector<16xi32>
        %lt3A_380 = arith.cmpi slt, %add3A_378, %lt3A_379 : vector<16xi32>
        %jit3A_381 = arith.constant 1 : i32
        %jit3A_382 = arith.constant 0 : i32
        %broadcast_in_dim3A_383 = vector.broadcast %jit3A_381 : i32 to vector<16xi32>
        %broadcast_in_dim3A_384 = vector.broadcast %jit3A_382 : i32 to vector<16xi32>
        %select_n3A_385 = arith.select %lt3A_380, %broadcast_in_dim3A_383, %broadcast_in_dim3A_384 : vector<16xi1>, vector<16xi32>
        %reduce_sum3A_386 = arith.constant true
        %reduce_sum3A_387 = vector.broadcast %reduce_sum3A_386 : i1 to vector<16xi1>
        %reduce_sum3A_388 = tpu.scan <sum>, %select_n3A_385 masked %reduce_sum3A_387 : vector<16xi32>, vector<16xi1> -> vector<16xi32>
        %reduce_sum3A_389 = vector.extract %reduce_sum3A_388[15] : i32 from vector<16xi32>
        %add3A_390 = arith.addi %add3A_350, %reduce_sum3A_389 : i32
        %jit3A_391 = arith.constant 0 : i32
        %broadcast_in_dim3A_392 = vector.broadcast %jit3A_391 : i32 to vector<16xi32>
        %select_n3A_393 = arith.select %lt3A_380, %add3A_378, %broadcast_in_dim3A_392 : vector<16xi1>, vector<16xi32>
        %reduce_max3A_394 = arith.constant true
        %reduce_max3A_395 = vector.broadcast %reduce_max3A_394 : i1 to vector<16xi1>
        %reduce_max3A_396 = arith.constant -2147483648 : i32
        %reduce_max3A_397 = vector.broadcast %reduce_max3A_396 : i32 to vector<16xi32>
        %reduce_max3A_398 = arith.xori %select_n3A_393, %reduce_max3A_397 : vector<16xi32>
        %reduce_max3A_399 = tpu.scan <max>, %reduce_max3A_398 masked %reduce_max3A_395 : vector<16xi32>, vector<16xi1> -> vector<16xi32>
        %reduce_max3A_400 = arith.xori %reduce_max3A_399, %reduce_max3A_397 : vector<16xi32>
        %reduce_max3A_401 = vector.extract %reduce_max3A_400[15] : i32 from vector<16xi32>
        %max3A_402 = arith.maxsi %max3A_362, %reduce_max3A_401 : i32
        %reduce_sum3A_403 = arith.constant true
        %reduce_sum3A_404 = vector.broadcast %reduce_sum3A_403 : i1 to vector<16xi1>
        %reduce_sum3A_405 = tpu.scan <sum>, %get3A_373 masked %reduce_sum3A_404 : vector<16xi32>, vector<16xi1> -> vector<16xi32>
        %reduce_sum3A_406 = vector.extract %reduce_sum3A_405[15] : i32 from vector<16xi32>
        %add3A_407 = arith.addi %add3A_367, %reduce_sum3A_406 : i32
        scf.yield %add3A_407, %add3A_390, %max3A_402 : i32, i32, i32
      }
      %scan3A_34 = arith.constant 16 : i32
      %shift_left3A = arith.constant 0 : i32
      %shift_left3A_35 = arith.constant 8 : i32
      %shift_left3A_36 = arith.shli %shift_left3A, %shift_left3A_35 : i32
      %or3A = arith.ori %shift_left3A_36, %scan3A_33#1 : i32
      %sub3A = arith.constant 21 : i32
      %sub3A_37 = arith.subi %sub3A, %scan3A_33#2 : i32
      %scan3A_38 = arith.constant 33 : i32
      %scan3A_39 = arith.constant 0 : i32
      %scan3A_40 = arith.constant 0 : i32
      %scan3A_41 = arith.constant 0 : i32
      %scan3A_42 = arith.constant 0 : i32
      %scan3A_43 = arith.constant 16 : i32
      %scan3A_44 = arith.addi %scan3A_42, %scan3A_43 : i32
      %scan3A_45 = arith.constant 4 : i32
      %scan3A_46:3 = scf.for %scan3A_253 = %scan3A_42 to %scan3A_44 step %scan3A_45 iter_args(%scan3A_254 = %scan3A_39, %scan3A_255 = %scan3A_40, %scan3A_256 = %scan3A_41) -> (i32, i32, i32)  : i32 {
        %mul3A_257 = arith.constant 16 : i32
        %mul3A_258 = arith.muli %scan3A_253, %mul3A_257 : i32
        %get3A = arith.index_cast %mul3A_258 : i32 to index
        %get3A_259 = tpu.vector_load %arg5[%get3A] {strides = array<i32>} : memref<256xi32, #tpu.memory_space<vmem>>, vector<16xi32>,
        %broadcast_in_dim3A_260 = arith.constant true
        %broadcast_in_dim3A_261 = vector.broadcast %broadcast_in_dim3A_260 : i1 to vector<16xi1>
        %masked_cumsum3A = tpu.scan <sum>, %get3A_259 masked %broadcast_in_dim3A_261 : vector<16xi32>, vector<16xi1> -> vector<16xi32>
        %add3A_262 = vector.broadcast %scan3A_254 : i32 to vector<16xi32>
        %add3A_263 = arith.addi %masked_cumsum3A, %add3A_262 : vector<16xi32>
        %lt3A = vector.broadcast %scan3A_38 : i32 to vector<16xi32>
        %lt3A_264 = arith.cmpi slt, %add3A_263, %lt3A : vector<16xi32>
        %jit3A = arith.constant 1 : i32
        %jit3A_265 = arith.constant 0 : i32
        %broadcast_in_dim3A_266 = vector.broadcast %jit3A : i32 to vector<16xi32>
        %broadcast_in_dim3A_267 = vector.broadcast %jit3A_265 : i32 to vector<16xi32>
        %select_n3A_268 = arith.select %lt3A_264, %broadcast_in_dim3A_266, %broadcast_in_dim3A_267 : vector<16xi1>, vector<16xi32>
        %reduce_sum3A = arith.constant true
        %reduce_sum3A_269 = vector.broadcast %reduce_sum3A : i1 to vector<16xi1>
        %reduce_sum3A_270 = tpu.scan <sum>, %select_n3A_268 masked %reduce_sum3A_269 : vector<16xi32>, vector<16xi1> -> vector<16xi32>
        %reduce_sum3A_271 = vector.extract %reduce_sum3A_270[15] : i32 from vector<16xi32>
        %add3A_272 = arith.addi %scan3A_255, %reduce_sum3A_271 : i32
        %jit3A_273 = arith.constant 0 : i32
        %broadcast_in_dim3A_274 = vector.broadcast %jit3A_273 : i32 to vector<16xi32>
        %select_n3A_275 = arith.select %lt3A_264, %add3A_263, %broadcast_in_dim3A_274 : vector<16xi1>, vector<16xi32>
        %reduce_max3A = arith.constant true
        %reduce_max3A_276 = vector.broadcast %reduce_max3A : i1 to vector<16xi1>
        %reduce_max3A_277 = arith.constant -2147483648 : i32
        %reduce_max3A_278 = vector.broadcast %reduce_max3A_277 : i32 to vector<16xi32>
        %reduce_max3A_279 = arith.xori %select_n3A_275, %reduce_max3A_278 : vector<16xi32>
        %reduce_max3A_280 = tpu.scan <max>, %reduce_max3A_279 masked %reduce_max3A_276 : vector<16xi32>, vector<16xi1> -> vector<16xi32>
        %reduce_max3A_281 = arith.xori %reduce_max3A_280, %reduce_max3A_278 : vector<16xi32>
        %reduce_max3A_282 = vector.extract %reduce_max3A_281[15] : i32 from vector<16xi32>
        %max3A = arith.maxsi %scan3A_256, %reduce_max3A_282 : i32
        %reduce_sum3A_283 = arith.constant true
        %reduce_sum3A_284 = vector.broadcast %reduce_sum3A_283 : i1 to vector<16xi1>
        %reduce_sum3A_285 = tpu.scan <sum>, %get3A_259 masked %reduce_sum3A_284 : vector<16xi32>, vector<16xi1> -> vector<16xi32>
        %reduce_sum3A_286 = vector.extract %reduce_sum3A_285[15] : i32 from vector<16xi32>
        %add3A_287 = arith.addi %scan3A_254, %reduce_sum3A_286 : i32
        %scan3A_288 = arith.constant 1 : i32
        %scan3A_289 = arith.addi %scan3A_253, %scan3A_288 : i32
        %mul3A_290 = arith.constant 16 : i32
        %mul3A_291 = arith.muli %scan3A_289, %mul3A_290 : i32
        %get3A_292 = arith.index_cast %mul3A_291 : i32 to index
        %get3A_293 = tpu.vector_load %arg5[%get3A_292] {strides = array<i32>} : memref<256xi32, #tpu.memory_space<vmem>>, vector<16xi32>,
        %broadcast_in_dim3A_294 = arith.constant true
        %broadcast_in_dim3A_295 = vector.broadcast %broadcast_in_dim3A_294 : i1 to vector<16xi1>
        %masked_cumsum3A_296 = tpu.scan <sum>, %get3A_293 masked %broadcast_in_dim3A_295 : vector<16xi32>, vector<16xi1> -> vector<16xi32>
        %add3A_297 = vector.broadcast %add3A_287 : i32 to vector<16xi32>
        %add3A_298 = arith.addi %masked_cumsum3A_296, %add3A_297 : vector<16xi32>
        %lt3A_299 = vector.broadcast %scan3A_38 : i32 to vector<16xi32>
        %lt3A_300 = arith.cmpi slt, %add3A_298, %lt3A_299 : vector<16xi32>
        %jit3A_301 = arith.constant 1 : i32
        %jit3A_302 = arith.constant 0 : i32
        %broadcast_in_dim3A_303 = vector.broadcast %jit3A_301 : i32 to vector<16xi32>
        %broadcast_in_dim3A_304 = vector.broadcast %jit3A_302 : i32 to vector<16xi32>
        %select_n3A_305 = arith.select %lt3A_300, %broadcast_in_dim3A_303, %broadcast_in_dim3A_304 : vector<16xi1>, vector<16xi32>
        %reduce_sum3A_306 = arith.constant true
        %reduce_sum3A_307 = vector.broadcast %reduce_sum3A_306 : i1 to vector<16xi1>
        %reduce_sum3A_308 = tpu.scan <sum>, %select_n3A_305 masked %reduce_sum3A_307 : vector<16xi32>, vector<16xi1> -> vector<16xi32>
        %reduce_sum3A_309 = vector.extract %reduce_sum3A_308[15] : i32 from vector<16xi32>
        %add3A_310 = arith.addi %add3A_272, %reduce_sum3A_309 : i32
        %jit3A_311 = arith.constant 0 : i32
        %broadcast_in_dim3A_312 = vector.broadcast %jit3A_311 : i32 to vector<16xi32>
        %select_n3A_313 = arith.select %lt3A_300, %add3A_298, %broadcast_in_dim3A_312 : vector<16xi1>, vector<16xi32>
        %reduce_max3A_314 = arith.constant true
        %reduce_max3A_315 = vector.broadcast %reduce_max3A_314 : i1 to vector<16xi1>
        %reduce_max3A_316 = arith.constant -2147483648 : i32
        %reduce_max3A_317 = vector.broadcast %reduce_max3A_316 : i32 to vector<16xi32>
        %reduce_max3A_318 = arith.xori %select_n3A_313, %reduce_max3A_317 : vector<16xi32>
        %reduce_max3A_319 = tpu.scan <max>, %reduce_max3A_318 masked %reduce_max3A_315 : vector<16xi32>, vector<16xi1> -> vector<16xi32>
        %reduce_max3A_320 = arith.xori %reduce_max3A_319, %reduce_max3A_317 : vector<16xi32>
        %reduce_max3A_321 = vector.extract %reduce_max3A_320[15] : i32 from vector<16xi32>
        %max3A_322 = arith.maxsi %max3A, %reduce_max3A_321 : i32
        %reduce_sum3A_323 = arith.constant true
        %reduce_sum3A_324 = vector.broadcast %reduce_sum3A_323 : i1 to vector<16xi1>
        %reduce_sum3A_325 = tpu.scan <sum>, %get3A_293 masked %reduce_sum3A_324 : vector<16xi32>, vector<16xi1> -> vector<16xi32>
        %reduce_sum3A_326 = vector.extract %reduce_sum3A_325[15] : i32 from vector<16xi32>
        %add3A_327 = arith.addi %add3A_287, %reduce_sum3A_326 : i32
        %scan3A_328 = arith.constant 2 : i32
        %scan3A_329 = arith.addi %scan3A_253, %scan3A_328 : i32
        %mul3A_330 = arith.constant 16 : i32
        %mul3A_331 = arith.muli %scan3A_329, %mul3A_330 : i32
        %get3A_332 = arith.index_cast %mul3A_331 : i32 to index
        %get3A_333 = tpu.vector_load %arg5[%get3A_332] {strides = array<i32>} : memref<256xi32, #tpu.memory_space<vmem>>, vector<16xi32>,
        %broadcast_in_dim3A_334 = arith.constant true
        %broadcast_in_dim3A_335 = vector.broadcast %broadcast_in_dim3A_334 : i1 to vector<16xi1>
        %masked_cumsum3A_336 = tpu.scan <sum>, %get3A_333 masked %broadcast_in_dim3A_335 : vector<16xi32>, vector<16xi1> -> vector<16xi32>
        %add3A_337 = vector.broadcast %add3A_327 : i32 to vector<16xi32>
        %add3A_338 = arith.addi %masked_cumsum3A_336, %add3A_337 : vector<16xi32>
        %lt3A_339 = vector.broadcast %scan3A_38 : i32 to vector<16xi32>
        %lt3A_340 = arith.cmpi slt, %add3A_338, %lt3A_339 : vector<16xi32>
        %jit3A_341 = arith.constant 1 : i32
        %jit3A_342 = arith.constant 0 : i32
        %broadcast_in_dim3A_343 = vector.broadcast %jit3A_341 : i32 to vector<16xi32>
        %broadcast_in_dim3A_344 = vector.broadcast %jit3A_342 : i32 to vector<16xi32>
        %select_n3A_345 = arith.select %lt3A_340, %broadcast_in_dim3A_343, %broadcast_in_dim3A_344 : vector<16xi1>, vector<16xi32>
        %reduce_sum3A_346 = arith.constant true
        %reduce_sum3A_347 = vector.broadcast %reduce_sum3A_346 : i1 to vector<16xi1>
        %reduce_sum3A_348 = tpu.scan <sum>, %select_n3A_345 masked %reduce_sum3A_347 : vector<16xi32>, vector<16xi1> -> vector<16xi32>
        %reduce_sum3A_349 = vector.extract %reduce_sum3A_348[15] : i32 from vector<16xi32>
        %add3A_350 = arith.addi %add3A_310, %reduce_sum3A_349 : i32
        %jit3A_351 = arith.constant 0 : i32
        %broadcast_in_dim3A_352 = vector.broadcast %jit3A_351 : i32 to vector<16xi32>
        %select_n3A_353 = arith.select %lt3A_340, %add3A_338, %broadcast_in_dim3A_352 : vector<16xi1>, vector<16xi32>
        %reduce_max3A_354 = arith.constant true
        %reduce_max3A_355 = vector.broadcast %reduce_max3A_354 : i1 to vector<16xi1>
        %reduce_max3A_356 = arith.constant -2147483648 : i32
        %reduce_max3A_357 = vector.broadcast %reduce_max3A_356 : i32 to vector<16xi32>
        %reduce_max3A_358 = arith.xori %select_n3A_353, %reduce_max3A_357 : vector<16xi32>
        %reduce_max3A_359 = tpu.scan <max>, %reduce_max3A_358 masked %reduce_max3A_355 : vector<16xi32>, vector<16xi1> -> vector<16xi32>
        %reduce_max3A_360 = arith.xori %reduce_max3A_359, %reduce_max3A_357 : vector<16xi32>
        %reduce_max3A_361 = vector.extract %reduce_max3A_360[15] : i32 from vector<16xi32>
        %max3A_362 = arith.maxsi %max3A_322, %reduce_max3A_361 : i32
        %reduce_sum3A_363 = arith.constant true
        %reduce_sum3A_364 = vector.broadcast %reduce_sum3A_363 : i1 to vector<16xi1>
        %reduce_sum3A_365 = tpu.scan <sum>, %get3A_333 masked %reduce_sum3A_364 : vector<16xi32>, vector<16xi1> -> vector<16xi32>
        %reduce_sum3A_366 = vector.extract %reduce_sum3A_365[15] : i32 from vector<16xi32>
        %add3A_367 = arith.addi %add3A_327, %reduce_sum3A_366 : i32
        %scan3A_368 = arith.constant 3 : i32
        %scan3A_369 = arith.addi %scan3A_253, %scan3A_368 : i32
        %mul3A_370 = arith.constant 16 : i32
        %mul3A_371 = arith.muli %scan3A_369, %mul3A_370 : i32
        %get3A_372 = arith.index_cast %mul3A_371 : i32 to index
        %get3A_373 = tpu.vector_load %arg5[%get3A_372] {strides = array<i32>} : memref<256xi32, #tpu.memory_space<vmem>>, vector<16xi32>,
        %broadcast_in_dim3A_374 = arith.constant true
        %broadcast_in_dim3A_375 = vector.broadcast %broadcast_in_dim3A_374 : i1 to vector<16xi1>
        %masked_cumsum3A_376 = tpu.scan <sum>, %get3A_373 masked %broadcast_in_dim3A_375 : vector<16xi32>, vector<16xi1> -> vector<16xi32>
        %add3A_377 = vector.broadcast %add3A_367 : i32 to vector<16xi32>
        %add3A_378 = arith.addi %masked_cumsum3A_376, %add3A_377 : vector<16xi32>
        %lt3A_379 = vector.broadcast %scan3A_38 : i32 to vector<16xi32>
        %lt3A_380 = arith.cmpi slt, %add3A_378, %lt3A_379 : vector<16xi32>
        %jit3A_381 = arith.constant 1 : i32
        %jit3A_382 = arith.constant 0 : i32
        %broadcast_in_dim3A_383 = vector.broadcast %jit3A_381 : i32 to vector<16xi32>
        %broadcast_in_dim3A_384 = vector.broadcast %jit3A_382 : i32 to vector<16xi32>
        %select_n3A_385 = arith.select %lt3A_380, %broadcast_in_dim3A_383, %broadcast_in_dim3A_384 : vector<16xi1>, vector<16xi32>
        %reduce_sum3A_386 = arith.constant true
        %reduce_sum3A_387 = vector.broadcast %reduce_sum3A_386 : i1 to vector<16xi1>
        %reduce_sum3A_388 = tpu.scan <sum>, %select_n3A_385 masked %reduce_sum3A_387 : vector<16xi32>, vector<16xi1> -> vector<16xi32>
        %reduce_sum3A_389 = vector.extract %reduce_sum3A_388[15] : i32 from vector<16xi32>
        %add3A_390 = arith.addi %add3A_350, %reduce_sum3A_389 : i32
        %jit3A_391 = arith.constant 0 : i32
        %broadcast_in_dim3A_392 = vector.broadcast %jit3A_391 : i32 to vector<16xi32>
        %select_n3A_393 = arith.select %lt3A_380, %add3A_378, %broadcast_in_dim3A_392 : vector<16xi1>, vector<16xi32>
        %reduce_max3A_394 = arith.constant true
        %reduce_max3A_395 = vector.broadcast %reduce_max3A_394 : i1 to vector<16xi1>
        %reduce_max3A_396 = arith.constant -2147483648 : i32
        %reduce_max3A_397 = vector.broadcast %reduce_max3A_396 : i32 to vector<16xi32>
        %reduce_max3A_398 = arith.xori %select_n3A_393, %reduce_max3A_397 : vector<16xi32>
        %reduce_max3A_399 = tpu.scan <max>, %reduce_max3A_398 masked %reduce_max3A_395 : vector<16xi32>, vector<16xi1> -> vector<16xi32>
        %reduce_max3A_400 = arith.xori %reduce_max3A_399, %reduce_max3A_397 : vector<16xi32>
        %reduce_max3A_401 = vector.extract %reduce_max3A_400[15] : i32 from vector<16xi32>
        %max3A_402 = arith.maxsi %max3A_362, %reduce_max3A_401 : i32
        %reduce_sum3A_403 = arith.constant true
        %reduce_sum3A_404 = vector.broadcast %reduce_sum3A_403 : i1 to vector<16xi1>
        %reduce_sum3A_405 = tpu.scan <sum>, %get3A_373 masked %reduce_sum3A_404 : vector<16xi32>, vector<16xi1> -> vector<16xi32>
        %reduce_sum3A_406 = vector.extract %reduce_sum3A_405[15] : i32 from vector<16xi32>
        %add3A_407 = arith.addi %add3A_367, %reduce_sum3A_406 : i32
        scf.yield %add3A_407, %add3A_390, %max3A_402 : i32, i32, i32
      }
      %scan3A_47 = arith.constant 16 : i32
      %shift_left3A_48 = arith.constant 0 : i32
      %shift_left3A_49 = arith.constant 8 : i32
      %shift_left3A_50 = arith.shli %shift_left3A_48, %shift_left3A_49 : i32
      %or3A_51 = arith.ori %shift_left3A_50, %scan3A_46#1 : i32
      %sub3A_52 = arith.constant 33 : i32
      %sub3A_53 = arith.subi %sub3A_52, %scan3A_46#2 : i32
      %scan3A_54 = arith.constant 513 : i32
      %scan3A_55 = arith.constant 0 : i32
      %scan3A_56 = arith.constant 0 : i32
      %scan3A_57 = arith.constant 0 : i32
      %scan3A_58 = arith.constant 0 : i32
      %scan3A_59 = arith.constant 16 : i32
      %scan3A_60 = arith.addi %scan3A_58, %scan3A_59 : i32
      %scan3A_61 = arith.constant 4 : i32
      %scan3A_62:3 = scf.for %scan3A_253 = %scan3A_58 to %scan3A_60 step %scan3A_61 iter_args(%scan3A_254 = %scan3A_55, %scan3A_255 = %scan3A_56, %scan3A_256 = %scan3A_57) -> (i32, i32, i32)  : i32 {
        %mul3A_257 = arith.constant 16 : i32
        %mul3A_258 = arith.muli %scan3A_253, %mul3A_257 : i32
        %get3A = arith.index_cast %mul3A_258 : i32 to index
        %get3A_259 = tpu.vector_load %arg5[%get3A] {strides = array<i32>} : memref<256xi32, #tpu.memory_space<vmem>>, vector<16xi32>,
        %broadcast_in_dim3A_260 = arith.constant true
        %broadcast_in_dim3A_261 = vector.broadcast %broadcast_in_dim3A_260 : i1 to vector<16xi1>
        %masked_cumsum3A = tpu.scan <sum>, %get3A_259 masked %broadcast_in_dim3A_261 : vector<16xi32>, vector<16xi1> -> vector<16xi32>
        %add3A_262 = vector.broadcast %scan3A_254 : i32 to vector<16xi32>
        %add3A_263 = arith.addi %masked_cumsum3A, %add3A_262 : vector<16xi32>
        %lt3A = vector.broadcast %scan3A_54 : i32 to vector<16xi32>
        %lt3A_264 = arith.cmpi slt, %add3A_263, %lt3A : vector<16xi32>
        %jit3A = arith.constant 1 : i32
        %jit3A_265 = arith.constant 0 : i32
        %broadcast_in_dim3A_266 = vector.broadcast %jit3A : i32 to vector<16xi32>
        %broadcast_in_dim3A_267 = vector.broadcast %jit3A_265 : i32 to vector<16xi32>
        %select_n3A_268 = arith.select %lt3A_264, %broadcast_in_dim3A_266, %broadcast_in_dim3A_267 : vector<16xi1>, vector<16xi32>
        %reduce_sum3A = arith.constant true
        %reduce_sum3A_269 = vector.broadcast %reduce_sum3A : i1 to vector<16xi1>
        %reduce_sum3A_270 = tpu.scan <sum>, %select_n3A_268 masked %reduce_sum3A_269 : vector<16xi32>, vector<16xi1> -> vector<16xi32>
        %reduce_sum3A_271 = vector.extract %reduce_sum3A_270[15] : i32 from vector<16xi32>
        %add3A_272 = arith.addi %scan3A_255, %reduce_sum3A_271 : i32
        %jit3A_273 = arith.constant 0 : i32
        %broadcast_in_dim3A_274 = vector.broadcast %jit3A_273 : i32 to vector<16xi32>
        %select_n3A_275 = arith.select %lt3A_264, %add3A_263, %broadcast_in_dim3A_274 : vector<16xi1>, vector<16xi32>
        %reduce_max3A = arith.constant true
        %reduce_max3A_276 = vector.broadcast %reduce_max3A : i1 to vector<16xi1>
        %reduce_max3A_277 = arith.constant -2147483648 : i32
        %reduce_max3A_278 = vector.broadcast %reduce_max3A_277 : i32 to vector<16xi32>
        %reduce_max3A_279 = arith.xori %select_n3A_275, %reduce_max3A_278 : vector<16xi32>
        %reduce_max3A_280 = tpu.scan <max>, %reduce_max3A_279 masked %reduce_max3A_276 : vector<16xi32>, vector<16xi1> -> vector<16xi32>
        %reduce_max3A_281 = arith.xori %reduce_max3A_280, %reduce_max3A_278 : vector<16xi32>
        %reduce_max3A_282 = vector.extract %reduce_max3A_281[15] : i32 from vector<16xi32>
        %max3A = arith.maxsi %scan3A_256, %reduce_max3A_282 : i32
        %reduce_sum3A_283 = arith.constant true
        %reduce_sum3A_284 = vector.broadcast %reduce_sum3A_283 : i1 to vector<16xi1>
        %reduce_sum3A_285 = tpu.scan <sum>, %get3A_259 masked %reduce_sum3A_284 : vector<16xi32>, vector<16xi1> -> vector<16xi32>
        %reduce_sum3A_286 = vector.extract %reduce_sum3A_285[15] : i32 from vector<16xi32>
        %add3A_287 = arith.addi %scan3A_254, %reduce_sum3A_286 : i32
        %scan3A_288 = arith.constant 1 : i32
        %scan3A_289 = arith.addi %scan3A_253, %scan3A_288 : i32
        %mul3A_290 = arith.constant 16 : i32
        %mul3A_291 = arith.muli %scan3A_289, %mul3A_290 : i32
        %get3A_292 = arith.index_cast %mul3A_291 : i32 to index
        %get3A_293 = tpu.vector_load %arg5[%get3A_292] {strides = array<i32>} : memref<256xi32, #tpu.memory_space<vmem>>, vector<16xi32>,
        %broadcast_in_dim3A_294 = arith.constant true
        %broadcast_in_dim3A_295 = vector.broadcast %broadcast_in_dim3A_294 : i1 to vector<16xi1>
        %masked_cumsum3A_296 = tpu.scan <sum>, %get3A_293 masked %broadcast_in_dim3A_295 : vector<16xi32>, vector<16xi1> -> vector<16xi32>
        %add3A_297 = vector.broadcast %add3A_287 : i32 to vector<16xi32>
        %add3A_298 = arith.addi %masked_cumsum3A_296, %add3A_297 : vector<16xi32>
        %lt3A_299 = vector.broadcast %scan3A_54 : i32 to vector<16xi32>
        %lt3A_300 = arith.cmpi slt, %add3A_298, %lt3A_299 : vector<16xi32>
        %jit3A_301 = arith.constant 1 : i32
        %jit3A_302 = arith.constant 0 : i32
        %broadcast_in_dim3A_303 = vector.broadcast %jit3A_301 : i32 to vector<16xi32>
        %broadcast_in_dim3A_304 = vector.broadcast %jit3A_302 : i32 to vector<16xi32>
        %select_n3A_305 = arith.select %lt3A_300, %broadcast_in_dim3A_303, %broadcast_in_dim3A_304 : vector<16xi1>, vector<16xi32>
        %reduce_sum3A_306 = arith.constant true
        %reduce_sum3A_307 = vector.broadcast %reduce_sum3A_306 : i1 to vector<16xi1>
        %reduce_sum3A_308 = tpu.scan <sum>, %select_n3A_305 masked %reduce_sum3A_307 : vector<16xi32>, vector<16xi1> -> vector<16xi32>
        %reduce_sum3A_309 = vector.extract %reduce_sum3A_308[15] : i32 from vector<16xi32>
        %add3A_310 = arith.addi %add3A_272, %reduce_sum3A_309 : i32
        %jit3A_311 = arith.constant 0 : i32
        %broadcast_in_dim3A_312 = vector.broadcast %jit3A_311 : i32 to vector<16xi32>
        %select_n3A_313 = arith.select %lt3A_300, %add3A_298, %broadcast_in_dim3A_312 : vector<16xi1>, vector<16xi32>
        %reduce_max3A_314 = arith.constant true
        %reduce_max3A_315 = vector.broadcast %reduce_max3A_314 : i1 to vector<16xi1>
        %reduce_max3A_316 = arith.constant -2147483648 : i32
        %reduce_max3A_317 = vector.broadcast %reduce_max3A_316 : i32 to vector<16xi32>
        %reduce_max3A_318 = arith.xori %select_n3A_313, %reduce_max3A_317 : vector<16xi32>
        %reduce_max3A_319 = tpu.scan <max>, %reduce_max3A_318 masked %reduce_max3A_315 : vector<16xi32>, vector<16xi1> -> vector<16xi32>
        %reduce_max3A_320 = arith.xori %reduce_max3A_319, %reduce_max3A_317 : vector<16xi32>
        %reduce_max3A_321 = vector.extract %reduce_max3A_320[15] : i32 from vector<16xi32>
        %max3A_322 = arith.maxsi %max3A, %reduce_max3A_321 : i32
        %reduce_sum3A_323 = arith.constant true
        %reduce_sum3A_324 = vector.broadcast %reduce_sum3A_323 : i1 to vector<16xi1>
        %reduce_sum3A_325 = tpu.scan <sum>, %get3A_293 masked %reduce_sum3A_324 : vector<16xi32>, vector<16xi1> -> vector<16xi32>
        %reduce_sum3A_326 = vector.extract %reduce_sum3A_325[15] : i32 from vector<16xi32>
        %add3A_327 = arith.addi %add3A_287, %reduce_sum3A_326 : i32
        %scan3A_328 = arith.constant 2 : i32
        %scan3A_329 = arith.addi %scan3A_253, %scan3A_328 : i32
        %mul3A_330 = arith.constant 16 : i32
        %mul3A_331 = arith.muli %scan3A_329, %mul3A_330 : i32
        %get3A_332 = arith.index_cast %mul3A_331 : i32 to index
        %get3A_333 = tpu.vector_load %arg5[%get3A_332] {strides = array<i32>} : memref<256xi32, #tpu.memory_space<vmem>>, vector<16xi32>,
        %broadcast_in_dim3A_334 = arith.constant true
        %broadcast_in_dim3A_335 = vector.broadcast %broadcast_in_dim3A_334 : i1 to vector<16xi1>
        %masked_cumsum3A_336 = tpu.scan <sum>, %get3A_333 masked %broadcast_in_dim3A_335 : vector<16xi32>, vector<16xi1> -> vector<16xi32>
        %add3A_337 = vector.broadcast %add3A_327 : i32 to vector<16xi32>
        %add3A_338 = arith.addi %masked_cumsum3A_336, %add3A_337 : vector<16xi32>
        %lt3A_339 = vector.broadcast %scan3A_54 : i32 to vector<16xi32>
        %lt3A_340 = arith.cmpi slt, %add3A_338, %lt3A_339 : vector<16xi32>
        %jit3A_341 = arith.constant 1 : i32
        %jit3A_342 = arith.constant 0 : i32
        %broadcast_in_dim3A_343 = vector.broadcast %jit3A_341 : i32 to vector<16xi32>
        %broadcast_in_dim3A_344 = vector.broadcast %jit3A_342 : i32 to vector<16xi32>
        %select_n3A_345 = arith.select %lt3A_340, %broadcast_in_dim3A_343, %broadcast_in_dim3A_344 : vector<16xi1>, vector<16xi32>
        %reduce_sum3A_346 = arith.constant true
        %reduce_sum3A_347 = vector.broadcast %reduce_sum3A_346 : i1 to vector<16xi1>
        %reduce_sum3A_348 = tpu.scan <sum>, %select_n3A_345 masked %reduce_sum3A_347 : vector<16xi32>, vector<16xi1> -> vector<16xi32>
        %reduce_sum3A_349 = vector.extract %reduce_sum3A_348[15] : i32 from vector<16xi32>
        %add3A_350 = arith.addi %add3A_310, %reduce_sum3A_349 : i32
        %jit3A_351 = arith.constant 0 : i32
        %broadcast_in_dim3A_352 = vector.broadcast %jit3A_351 : i32 to vector<16xi32>
        %select_n3A_353 = arith.select %lt3A_340, %add3A_338, %broadcast_in_dim3A_352 : vector<16xi1>, vector<16xi32>
        %reduce_max3A_354 = arith.constant true
        %reduce_max3A_355 = vector.broadcast %reduce_max3A_354 : i1 to vector<16xi1>
        %reduce_max3A_356 = arith.constant -2147483648 : i32
        %reduce_max3A_357 = vector.broadcast %reduce_max3A_356 : i32 to vector<16xi32>
        %reduce_max3A_358 = arith.xori %select_n3A_353, %reduce_max3A_357 : vector<16xi32>
        %reduce_max3A_359 = tpu.scan <max>, %reduce_max3A_358 masked %reduce_max3A_355 : vector<16xi32>, vector<16xi1> -> vector<16xi32>
        %reduce_max3A_360 = arith.xori %reduce_max3A_359, %reduce_max3A_357 : vector<16xi32>
        %reduce_max3A_361 = vector.extract %reduce_max3A_360[15] : i32 from vector<16xi32>
        %max3A_362 = arith.maxsi %max3A_322, %reduce_max3A_361 : i32
        %reduce_sum3A_363 = arith.constant true
        %reduce_sum3A_364 = vector.broadcast %reduce_sum3A_363 : i1 to vector<16xi1>
        %reduce_sum3A_365 = tpu.scan <sum>, %get3A_333 masked %reduce_sum3A_364 : vector<16xi32>, vector<16xi1> -> vector<16xi32>
        %reduce_sum3A_366 = vector.extract %reduce_sum3A_365[15] : i32 from vector<16xi32>
        %add3A_367 = arith.addi %add3A_327, %reduce_sum3A_366 : i32
        %scan3A_368 = arith.constant 3 : i32
        %scan3A_369 = arith.addi %scan3A_253, %scan3A_368 : i32
        %mul3A_370 = arith.constant 16 : i32
        %mul3A_371 = arith.muli %scan3A_369, %mul3A_370 : i32
        %get3A_372 = arith.index_cast %mul3A_371 : i32 to index
        %get3A_373 = tpu.vector_load %arg5[%get3A_372] {strides = array<i32>} : memref<256xi32, #tpu.memory_space<vmem>>, vector<16xi32>,
        %broadcast_in_dim3A_374 = arith.constant true
        %broadcast_in_dim3A_375 = vector.broadcast %broadcast_in_dim3A_374 : i1 to vector<16xi1>
        %masked_cumsum3A_376 = tpu.scan <sum>, %get3A_373 masked %broadcast_in_dim3A_375 : vector<16xi32>, vector<16xi1> -> vector<16xi32>
        %add3A_377 = vector.broadcast %add3A_367 : i32 to vector<16xi32>
        %add3A_378 = arith.addi %masked_cumsum3A_376, %add3A_377 : vector<16xi32>
        %lt3A_379 = vector.broadcast %scan3A_54 : i32 to vector<16xi32>
        %lt3A_380 = arith.cmpi slt, %add3A_378, %lt3A_379 : vector<16xi32>
        %jit3A_381 = arith.constant 1 : i32
        %jit3A_382 = arith.constant 0 : i32
        %broadcast_in_dim3A_383 = vector.broadcast %jit3A_381 : i32 to vector<16xi32>
        %broadcast_in_dim3A_384 = vector.broadcast %jit3A_382 : i32 to vector<16xi32>
        %select_n3A_385 = arith.select %lt3A_380, %broadcast_in_dim3A_383, %broadcast_in_dim3A_384 : vector<16xi1>, vector<16xi32>
        %reduce_sum3A_386 = arith.constant true
        %reduce_sum3A_387 = vector.broadcast %reduce_sum3A_386 : i1 to vector<16xi1>
        %reduce_sum3A_388 = tpu.scan <sum>, %select_n3A_385 masked %reduce_sum3A_387 : vector<16xi32>, vector<16xi1> -> vector<16xi32>
        %reduce_sum3A_389 = vector.extract %reduce_sum3A_388[15] : i32 from vector<16xi32>
        %add3A_390 = arith.addi %add3A_350, %reduce_sum3A_389 : i32
        %jit3A_391 = arith.constant 0 : i32
        %broadcast_in_dim3A_392 = vector.broadcast %jit3A_391 : i32 to vector<16xi32>
        %select_n3A_393 = arith.select %lt3A_380, %add3A_378, %broadcast_in_dim3A_392 : vector<16xi1>, vector<16xi32>
        %reduce_max3A_394 = arith.constant true
        %reduce_max3A_395 = vector.broadcast %reduce_max3A_394 : i1 to vector<16xi1>
        %reduce_max3A_396 = arith.constant -2147483648 : i32
        %reduce_max3A_397 = vector.broadcast %reduce_max3A_396 : i32 to vector<16xi32>
        %reduce_max3A_398 = arith.xori %select_n3A_393, %reduce_max3A_397 : vector<16xi32>
        %reduce_max3A_399 = tpu.scan <max>, %reduce_max3A_398 masked %reduce_max3A_395 : vector<16xi32>, vector<16xi1> -> vector<16xi32>
        %reduce_max3A_400 = arith.xori %reduce_max3A_399, %reduce_max3A_397 : vector<16xi32>
        %reduce_max3A_401 = vector.extract %reduce_max3A_400[15] : i32 from vector<16xi32>
        %max3A_402 = arith.maxsi %max3A_362, %reduce_max3A_401 : i32
        %reduce_sum3A_403 = arith.constant true
        %reduce_sum3A_404 = vector.broadcast %reduce_sum3A_403 : i1 to vector<16xi1>
        %reduce_sum3A_405 = tpu.scan <sum>, %get3A_373 masked %reduce_sum3A_404 : vector<16xi32>, vector<16xi1> -> vector<16xi32>
        %reduce_sum3A_406 = vector.extract %reduce_sum3A_405[15] : i32 from vector<16xi32>
        %add3A_407 = arith.addi %add3A_367, %reduce_sum3A_406 : i32
        scf.yield %add3A_407, %add3A_390, %max3A_402 : i32, i32, i32
      }
      %scan3A_63 = arith.constant 16 : i32
      %shift_left3A_64 = arith.constant 0 : i32
      %shift_left3A_65 = arith.constant 8 : i32
      %shift_left3A_66 = arith.shli %shift_left3A_64, %shift_left3A_65 : i32
      %or3A_67 = arith.ori %shift_left3A_66, %scan3A_62#1 : i32
      %sub3A_68 = arith.constant 513 : i32
      %sub3A_69 = arith.subi %sub3A_68, %scan3A_62#2 : i32
      %broadcast_in_dim3A_70 = arith.constant 1 : i32
      %broadcast_in_dim3A_71 = vector.broadcast %broadcast_in_dim3A_70 : i32 to vector<16xi32>
      %broadcast_in_dim3A_72 = arith.constant 0 : i32
      %broadcast_in_dim3A_73 = vector.broadcast %broadcast_in_dim3A_72 : i32 to vector<16xi32>
      %scan3A_74 = arith.constant 0 : i32
      %scan3A_75 = arith.constant 0 : i32
      %scan3A_76 = arith.constant 16 : i32
      %scan3A_77 = arith.addi %scan3A_75, %scan3A_76 : i32
      %scan3A_78 = arith.constant 1 : i32
      scf.for %scan3A_253 = %scan3A_75 to %scan3A_77 step %scan3A_78  : i32 {
        %mul3A_254 = arith.constant 16 : i32
        %mul3A_255 = arith.muli %scan3A_253, %mul3A_254 : i32
        %swap3A_256 = arith.index_cast %mul3A_255 : i32 to index
        %swap3A_257 = tpu.vector_load %arg5[%swap3A_256] {strides = array<i32>} : memref<256xi32, #tpu.memory_space<vmem>>, vector<16xi32>,
        tpu.vector_store %arg5[%swap3A_256], %broadcast_in_dim3A_73 {strides = array<i32>} : memref<256xi32, #tpu.memory_space<vmem>>, vector<16xi32>,
        %mul3A_258 = arith.constant 16 : i32
        %mul3A_259 = arith.muli %scan3A_253, %mul3A_258 : i32
        %swap3A_260 = arith.index_cast %mul3A_259 : i32 to index
        %swap3A_261 = tpu.vector_load %arg6[%swap3A_260] {strides = array<i32>} : memref<256xi32, #tpu.memory_space<vmem>>, vector<16xi32>,
        tpu.vector_store %arg6[%swap3A_260], %broadcast_in_dim3A_73 {strides = array<i32>} : memref<256xi32, #tpu.memory_space<vmem>>, vector<16xi32>,
        %mul3A_262 = arith.constant 16 : i32
        %mul3A_263 = arith.muli %scan3A_253, %mul3A_262 : i32
        %swap3A_264 = arith.index_cast %mul3A_263 : i32 to index
        %swap3A_265 = tpu.vector_load %arg7[%swap3A_264] {strides = array<i32>} : memref<256xi32, #tpu.memory_space<vmem>>, vector<16xi32>,
        tpu.vector_store %arg7[%swap3A_264], %broadcast_in_dim3A_73 {strides = array<i32>} : memref<256xi32, #tpu.memory_space<vmem>>, vector<16xi32>,
      }
      %scan3A_79 = arith.constant 16 : i32
      %scan3A_80 = arith.constant 0 : i32
      %scan3A_81 = arith.constant 0 : i32
      %scan3A_82 = arith.constant 256 : i32
      %scan3A_83 = arith.addi %scan3A_81, %scan3A_82 : i32
      %scan3A_84 = arith.constant 8 : i32
      scf.for %scan3A_253 = %scan3A_81 to %scan3A_83 step %scan3A_84  : i32 {
        %mul3A_254 = arith.constant 16 : i32
        %mul3A_255 = arith.muli %scan3A_253, %mul3A_254 : i32
        %get3A = arith.index_cast %mul3A_255 : i32 to index
        %get3A_256 = tpu.vector_load %arg4[%get3A] {strides = array<i32>} : memref<4096xi32, #tpu.memory_space<vmem>>, vector<16xi32>,
        %shift_right_logical3A = arith.constant 15 : i32
        %shift_right_logical3A_257 = vector.broadcast %shift_right_logical3A : i32 to vector<16xi32>
        %shift_right_logical3A_258 = arith.shrui %get3A_256, %shift_right_logical3A_257 : vector<16xi32>
        %and3A = arith.constant 255 : i32
        %and3A_259 = vector.broadcast %and3A : i32 to vector<16xi32>
        %and3A_260 = arith.andi %shift_right_logical3A_258, %and3A_259 : vector<16xi32>
        %shift_right_logical3A_261 = arith.constant 23 : i32
        %shift_right_logical3A_262 = vector.broadcast %shift_right_logical3A_261 : i32 to vector<16xi32>
        %shift_right_logical3A_263 = arith.shrui %get3A_256, %shift_right_logical3A_262 : vector<16xi32>
        %eq3A_264 = vector.broadcast %or3A : i32 to vector<16xi32>
        %eq3A_265 = arith.cmpi eq, %shift_right_logical3A_263, %eq3A_264 : vector<16xi32>
        tpu.vector_store_idx %arg5[%and3A_260], %broadcast_in_dim3A_71 masked %eq3A_265 {add = true} : memref<256xi32, #tpu.memory_space<vmem>>[vector<16xi32>], vector<16xi32>, vector<16xi1>
        %eq3A_266 = vector.broadcast %or3A_51 : i32 to vector<16xi32>
        %eq3A_267 = arith.cmpi eq, %shift_right_logical3A_263, %eq3A_266 : vector<16xi32>
        tpu.vector_store_idx %arg6[%and3A_260], %broadcast_in_dim3A_71 masked %eq3A_267 {add = true} : memref<256xi32, #tpu.memory_space<vmem>>[vector<16xi32>], vector<16xi32>, vector<16xi1>
        %eq3A_268 = vector.broadcast %or3A_67 : i32 to vector<16xi32>
        %eq3A_269 = arith.cmpi eq, %shift_right_logical3A_263, %eq3A_268 : vector<16xi32>
        tpu.vector_store_idx %arg7[%and3A_260], %broadcast_in_dim3A_71 masked %eq3A_269 {add = true} : memref<256xi32, #tpu.memory_space<vmem>>[vector<16xi32>], vector<16xi32>, vector<16xi1>
        %scan3A_270 = arith.constant 1 : i32
        %scan3A_271 = arith.addi %scan3A_253, %scan3A_270 : i32
        %mul3A_272 = arith.constant 16 : i32
        %mul3A_273 = arith.muli %scan3A_271, %mul3A_272 : i32
        %get3A_274 = arith.index_cast %mul3A_273 : i32 to index
        %get3A_275 = tpu.vector_load %arg4[%get3A_274] {strides = array<i32>} : memref<4096xi32, #tpu.memory_space<vmem>>, vector<16xi32>,
        %shift_right_logical3A_276 = arith.constant 15 : i32
        %shift_right_logical3A_277 = vector.broadcast %shift_right_logical3A_276 : i32 to vector<16xi32>
        %shift_right_logical3A_278 = arith.shrui %get3A_275, %shift_right_logical3A_277 : vector<16xi32>
        %and3A_279 = arith.constant 255 : i32
        %and3A_280 = vector.broadcast %and3A_279 : i32 to vector<16xi32>
        %and3A_281 = arith.andi %shift_right_logical3A_278, %and3A_280 : vector<16xi32>
        %shift_right_logical3A_282 = arith.constant 23 : i32
        %shift_right_logical3A_283 = vector.broadcast %shift_right_logical3A_282 : i32 to vector<16xi32>
        %shift_right_logical3A_284 = arith.shrui %get3A_275, %shift_right_logical3A_283 : vector<16xi32>
        %eq3A_285 = vector.broadcast %or3A : i32 to vector<16xi32>
        %eq3A_286 = arith.cmpi eq, %shift_right_logical3A_284, %eq3A_285 : vector<16xi32>
        tpu.vector_store_idx %arg5[%and3A_281], %broadcast_in_dim3A_71 masked %eq3A_286 {add = true} : memref<256xi32, #tpu.memory_space<vmem>>[vector<16xi32>], vector<16xi32>, vector<16xi1>
        %eq3A_287 = vector.broadcast %or3A_51 : i32 to vector<16xi32>
        %eq3A_288 = arith.cmpi eq, %shift_right_logical3A_284, %eq3A_287 : vector<16xi32>
        tpu.vector_store_idx %arg6[%and3A_281], %broadcast_in_dim3A_71 masked %eq3A_288 {add = true} : memref<256xi32, #tpu.memory_space<vmem>>[vector<16xi32>], vector<16xi32>, vector<16xi1>
        %eq3A_289 = vector.broadcast %or3A_67 : i32 to vector<16xi32>
        %eq3A_290 = arith.cmpi eq, %shift_right_logical3A_284, %eq3A_289 : vector<16xi32>
        tpu.vector_store_idx %arg7[%and3A_281], %broadcast_in_dim3A_71 masked %eq3A_290 {add = true} : memref<256xi32, #tpu.memory_space<vmem>>[vector<16xi32>], vector<16xi32>, vector<16xi1>
        %scan3A_291 = arith.constant 2 : i32
        %scan3A_292 = arith.addi %scan3A_253, %scan3A_291 : i32
        %mul3A_293 = arith.constant 16 : i32
        %mul3A_294 = arith.muli %scan3A_292, %mul3A_293 : i32
        %get3A_295 = arith.index_cast %mul3A_294 : i32 to index
        %get3A_296 = tpu.vector_load %arg4[%get3A_295] {strides = array<i32>} : memref<4096xi32, #tpu.memory_space<vmem>>, vector<16xi32>,
        %shift_right_logical3A_297 = arith.constant 15 : i32
        %shift_right_logical3A_298 = vector.broadcast %shift_right_logical3A_297 : i32 to vector<16xi32>
        %shift_right_logical3A_299 = arith.shrui %get3A_296, %shift_right_logical3A_298 : vector<16xi32>
        %and3A_300 = arith.constant 255 : i32
        %and3A_301 = vector.broadcast %and3A_300 : i32 to vector<16xi32>
        %and3A_302 = arith.andi %shift_right_logical3A_299, %and3A_301 : vector<16xi32>
        %shift_right_logical3A_303 = arith.constant 23 : i32
        %shift_right_logical3A_304 = vector.broadcast %shift_right_logical3A_303 : i32 to vector<16xi32>
        %shift_right_logical3A_305 = arith.shrui %get3A_296, %shift_right_logical3A_304 : vector<16xi32>
        %eq3A_306 = vector.broadcast %or3A : i32 to vector<16xi32>
        %eq3A_307 = arith.cmpi eq, %shift_right_logical3A_305, %eq3A_306 : vector<16xi32>
        tpu.vector_store_idx %arg5[%and3A_302], %broadcast_in_dim3A_71 masked %eq3A_307 {add = true} : memref<256xi32, #tpu.memory_space<vmem>>[vector<16xi32>], vector<16xi32>, vector<16xi1>
        %eq3A_308 = vector.broadcast %or3A_51 : i32 to vector<16xi32>
        %eq3A_309 = arith.cmpi eq, %shift_right_logical3A_305, %eq3A_308 : vector<16xi32>
        tpu.vector_store_idx %arg6[%and3A_302], %broadcast_in_dim3A_71 masked %eq3A_309 {add = true} : memref<256xi32, #tpu.memory_space<vmem>>[vector<16xi32>], vector<16xi32>, vector<16xi1>
        %eq3A_310 = vector.broadcast %or3A_67 : i32 to vector<16xi32>
        %eq3A_311 = arith.cmpi eq, %shift_right_logical3A_305, %eq3A_310 : vector<16xi32>
        tpu.vector_store_idx %arg7[%and3A_302], %broadcast_in_dim3A_71 masked %eq3A_311 {add = true} : memref<256xi32, #tpu.memory_space<vmem>>[vector<16xi32>], vector<16xi32>, vector<16xi1>
        %scan3A_312 = arith.constant 3 : i32
        %scan3A_313 = arith.addi %scan3A_253, %scan3A_312 : i32
        %mul3A_314 = arith.constant 16 : i32
        %mul3A_315 = arith.muli %scan3A_313, %mul3A_314 : i32
        %get3A_316 = arith.index_cast %mul3A_315 : i32 to index
        %get3A_317 = tpu.vector_load %arg4[%get3A_316] {strides = array<i32>} : memref<4096xi32, #tpu.memory_space<vmem>>, vector<16xi32>,
        %shift_right_logical3A_318 = arith.constant 15 : i32
        %shift_right_logical3A_319 = vector.broadcast %shift_right_logical3A_318 : i32 to vector<16xi32>
        %shift_right_logical3A_320 = arith.shrui %get3A_317, %shift_right_logical3A_319 : vector<16xi32>
        %and3A_321 = arith.constant 255 : i32
        %and3A_322 = vector.broadcast %and3A_321 : i32 to vector<16xi32>
        %and3A_323 = arith.andi %shift_right_logical3A_320, %and3A_322 : vector<16xi32>
        %shift_right_logical3A_324 = arith.constant 23 : i32
        %shift_right_logical3A_325 = vector.broadcast %shift_right_logical3A_324 : i32 to vector<16xi32>
        %shift_right_logical3A_326 = arith.shrui %get3A_317, %shift_right_logical3A_325 : vector<16xi32>
        %eq3A_327 = vector.broadcast %or3A : i32 to vector<16xi32>
        %eq3A_328 = arith.cmpi eq, %shift_right_logical3A_326, %eq3A_327 : vector<16xi32>
        tpu.vector_store_idx %arg5[%and3A_323], %broadcast_in_dim3A_71 masked %eq3A_328 {add = true} : memref<256xi32, #tpu.memory_space<vmem>>[vector<16xi32>], vector<16xi32>, vector<16xi1>
        %eq3A_329 = vector.broadcast %or3A_51 : i32 to vector<16xi32>
        %eq3A_330 = arith.cmpi eq, %shift_right_logical3A_326, %eq3A_329 : vector<16xi32>
        tpu.vector_store_idx %arg6[%and3A_323], %broadcast_in_dim3A_71 masked %eq3A_330 {add = true} : memref<256xi32, #tpu.memory_space<vmem>>[vector<16xi32>], vector<16xi32>, vector<16xi1>
        %eq3A_331 = vector.broadcast %or3A_67 : i32 to vector<16xi32>
        %eq3A_332 = arith.cmpi eq, %shift_right_logical3A_326, %eq3A_331 : vector<16xi32>
        tpu.vector_store_idx %arg7[%and3A_323], %broadcast_in_dim3A_71 masked %eq3A_332 {add = true} : memref<256xi32, #tpu.memory_space<vmem>>[vector<16xi32>], vector<16xi32>, vector<16xi1>
        %scan3A_333 = arith.constant 4 : i32
        %scan3A_334 = arith.addi %scan3A_253, %scan3A_333 : i32
        %mul3A_335 = arith.constant 16 : i32
        %mul3A_336 = arith.muli %scan3A_334, %mul3A_335 : i32
        %get3A_337 = arith.index_cast %mul3A_336 : i32 to index
        %get3A_338 = tpu.vector_load %arg4[%get3A_337] {strides = array<i32>} : memref<4096xi32, #tpu.memory_space<vmem>>, vector<16xi32>,
        %shift_right_logical3A_339 = arith.constant 15 : i32
        %shift_right_logical3A_340 = vector.broadcast %shift_right_logical3A_339 : i32 to vector<16xi32>
        %shift_right_logical3A_341 = arith.shrui %get3A_338, %shift_right_logical3A_340 : vector<16xi32>
        %and3A_342 = arith.constant 255 : i32
        %and3A_343 = vector.broadcast %and3A_342 : i32 to vector<16xi32>
        %and3A_344 = arith.andi %shift_right_logical3A_341, %and3A_343 : vector<16xi32>
        %shift_right_logical3A_345 = arith.constant 23 : i32
        %shift_right_logical3A_346 = vector.broadcast %shift_right_logical3A_345 : i32 to vector<16xi32>
        %shift_right_logical3A_347 = arith.shrui %get3A_338, %shift_right_logical3A_346 : vector<16xi32>
        %eq3A_348 = vector.broadcast %or3A : i32 to vector<16xi32>
        %eq3A_349 = arith.cmpi eq, %shift_right_logical3A_347, %eq3A_348 : vector<16xi32>
        tpu.vector_store_idx %arg5[%and3A_344], %broadcast_in_dim3A_71 masked %eq3A_349 {add = true} : memref<256xi32, #tpu.memory_space<vmem>>[vector<16xi32>], vector<16xi32>, vector<16xi1>
        %eq3A_350 = vector.broadcast %or3A_51 : i32 to vector<16xi32>
        %eq3A_351 = arith.cmpi eq, %shift_right_logical3A_347, %eq3A_350 : vector<16xi32>
        tpu.vector_store_idx %arg6[%and3A_344], %broadcast_in_dim3A_71 masked %eq3A_351 {add = true} : memref<256xi32, #tpu.memory_space<vmem>>[vector<16xi32>], vector<16xi32>, vector<16xi1>
        %eq3A_352 = vector.broadcast %or3A_67 : i32 to vector<16xi32>
        %eq3A_353 = arith.cmpi eq, %shift_right_logical3A_347, %eq3A_352 : vector<16xi32>
        tpu.vector_store_idx %arg7[%and3A_344], %broadcast_in_dim3A_71 masked %eq3A_353 {add = true} : memref<256xi32, #tpu.memory_space<vmem>>[vector<16xi32>], vector<16xi32>, vector<16xi1>
        %scan3A_354 = arith.constant 5 : i32
        %scan3A_355 = arith.addi %scan3A_253, %scan3A_354 : i32
        %mul3A_356 = arith.constant 16 : i32
        %mul3A_357 = arith.muli %scan3A_355, %mul3A_356 : i32
        %get3A_358 = arith.index_cast %mul3A_357 : i32 to index
        %get3A_359 = tpu.vector_load %arg4[%get3A_358] {strides = array<i32>} : memref<4096xi32, #tpu.memory_space<vmem>>, vector<16xi32>,
        %shift_right_logical3A_360 = arith.constant 15 : i32
        %shift_right_logical3A_361 = vector.broadcast %shift_right_logical3A_360 : i32 to vector<16xi32>
        %shift_right_logical3A_362 = arith.shrui %get3A_359, %shift_right_logical3A_361 : vector<16xi32>
        %and3A_363 = arith.constant 255 : i32
        %and3A_364 = vector.broadcast %and3A_363 : i32 to vector<16xi32>
        %and3A_365 = arith.andi %shift_right_logical3A_362, %and3A_364 : vector<16xi32>
        %shift_right_logical3A_366 = arith.constant 23 : i32
        %shift_right_logical3A_367 = vector.broadcast %shift_right_logical3A_366 : i32 to vector<16xi32>
        %shift_right_logical3A_368 = arith.shrui %get3A_359, %shift_right_logical3A_367 : vector<16xi32>
        %eq3A_369 = vector.broadcast %or3A : i32 to vector<16xi32>
        %eq3A_370 = arith.cmpi eq, %shift_right_logical3A_368, %eq3A_369 : vector<16xi32>
        tpu.vector_store_idx %arg5[%and3A_365], %broadcast_in_dim3A_71 masked %eq3A_370 {add = true} : memref<256xi32, #tpu.memory_space<vmem>>[vector<16xi32>], vector<16xi32>, vector<16xi1>
        %eq3A_371 = vector.broadcast %or3A_51 : i32 to vector<16xi32>
        %eq3A_372 = arith.cmpi eq, %shift_right_logical3A_368, %eq3A_371 : vector<16xi32>
        tpu.vector_store_idx %arg6[%and3A_365], %broadcast_in_dim3A_71 masked %eq3A_372 {add = true} : memref<256xi32, #tpu.memory_space<vmem>>[vector<16xi32>], vector<16xi32>, vector<16xi1>
        %eq3A_373 = vector.broadcast %or3A_67 : i32 to vector<16xi32>
        %eq3A_374 = arith.cmpi eq, %shift_right_logical3A_368, %eq3A_373 : vector<16xi32>
        tpu.vector_store_idx %arg7[%and3A_365], %broadcast_in_dim3A_71 masked %eq3A_374 {add = true} : memref<256xi32, #tpu.memory_space<vmem>>[vector<16xi32>], vector<16xi32>, vector<16xi1>
        %scan3A_375 = arith.constant 6 : i32
        %scan3A_376 = arith.addi %scan3A_253, %scan3A_375 : i32
        %mul3A_377 = arith.constant 16 : i32
        %mul3A_378 = arith.muli %scan3A_376, %mul3A_377 : i32
        %get3A_379 = arith.index_cast %mul3A_378 : i32 to index
        %get3A_380 = tpu.vector_load %arg4[%get3A_379] {strides = array<i32>} : memref<4096xi32, #tpu.memory_space<vmem>>, vector<16xi32>,
        %shift_right_logical3A_381 = arith.constant 15 : i32
        %shift_right_logical3A_382 = vector.broadcast %shift_right_logical3A_381 : i32 to vector<16xi32>
        %shift_right_logical3A_383 = arith.shrui %get3A_380, %shift_right_logical3A_382 : vector<16xi32>
        %and3A_384 = arith.constant 255 : i32
        %and3A_385 = vector.broadcast %and3A_384 : i32 to vector<16xi32>
        %and3A_386 = arith.andi %shift_right_logical3A_383, %and3A_385 : vector<16xi32>
        %shift_right_logical3A_387 = arith.constant 23 : i32
        %shift_right_logical3A_388 = vector.broadcast %shift_right_logical3A_387 : i32 to vector<16xi32>
        %shift_right_logical3A_389 = arith.shrui %get3A_380, %shift_right_logical3A_388 : vector<16xi32>
        %eq3A_390 = vector.broadcast %or3A : i32 to vector<16xi32>
        %eq3A_391 = arith.cmpi eq, %shift_right_logical3A_389, %eq3A_390 : vector<16xi32>
        tpu.vector_store_idx %arg5[%and3A_386], %broadcast_in_dim3A_71 masked %eq3A_391 {add = true} : memref<256xi32, #tpu.memory_space<vmem>>[vector<16xi32>], vector<16xi32>, vector<16xi1>
        %eq3A_392 = vector.broadcast %or3A_51 : i32 to vector<16xi32>
        %eq3A_393 = arith.cmpi eq, %shift_right_logical3A_389, %eq3A_392 : vector<16xi32>
        tpu.vector_store_idx %arg6[%and3A_386], %broadcast_in_dim3A_71 masked %eq3A_393 {add = true} : memref<256xi32, #tpu.memory_space<vmem>>[vector<16xi32>], vector<16xi32>, vector<16xi1>
        %eq3A_394 = vector.broadcast %or3A_67 : i32 to vector<16xi32>
        %eq3A_395 = arith.cmpi eq, %shift_right_logical3A_389, %eq3A_394 : vector<16xi32>
        tpu.vector_store_idx %arg7[%and3A_386], %broadcast_in_dim3A_71 masked %eq3A_395 {add = true} : memref<256xi32, #tpu.memory_space<vmem>>[vector<16xi32>], vector<16xi32>, vector<16xi1>
        %scan3A_396 = arith.constant 7 : i32
        %scan3A_397 = arith.addi %scan3A_253, %scan3A_396 : i32
        %mul3A_398 = arith.constant 16 : i32
        %mul3A_399 = arith.muli %scan3A_397, %mul3A_398 : i32
        %get3A_400 = arith.index_cast %mul3A_399 : i32 to index
        %get3A_401 = tpu.vector_load %arg4[%get3A_400] {strides = array<i32>} : memref<4096xi32, #tpu.memory_space<vmem>>, vector<16xi32>,
        %shift_right_logical3A_402 = arith.constant 15 : i32
        %shift_right_logical3A_403 = vector.broadcast %shift_right_logical3A_402 : i32 to vector<16xi32>
        %shift_right_logical3A_404 = arith.shrui %get3A_401, %shift_right_logical3A_403 : vector<16xi32>
        %and3A_405 = arith.constant 255 : i32
        %and3A_406 = vector.broadcast %and3A_405 : i32 to vector<16xi32>
        %and3A_407 = arith.andi %shift_right_logical3A_404, %and3A_406 : vector<16xi32>
        %shift_right_logical3A_408 = arith.constant 23 : i32
        %shift_right_logical3A_409 = vector.broadcast %shift_right_logical3A_408 : i32 to vector<16xi32>
        %shift_right_logical3A_410 = arith.shrui %get3A_401, %shift_right_logical3A_409 : vector<16xi32>
        %eq3A_411 = vector.broadcast %or3A : i32 to vector<16xi32>
        %eq3A_412 = arith.cmpi eq, %shift_right_logical3A_410, %eq3A_411 : vector<16xi32>
        tpu.vector_store_idx %arg5[%and3A_407], %broadcast_in_dim3A_71 masked %eq3A_412 {add = true} : memref<256xi32, #tpu.memory_space<vmem>>[vector<16xi32>], vector<16xi32>, vector<16xi1>
        %eq3A_413 = vector.broadcast %or3A_51 : i32 to vector<16xi32>
        %eq3A_414 = arith.cmpi eq, %shift_right_logical3A_410, %eq3A_413 : vector<16xi32>
        tpu.vector_store_idx %arg6[%and3A_407], %broadcast_in_dim3A_71 masked %eq3A_414 {add = true} : memref<256xi32, #tpu.memory_space<vmem>>[vector<16xi32>], vector<16xi32>, vector<16xi1>
        %eq3A_415 = vector.broadcast %or3A_67 : i32 to vector<16xi32>
        %eq3A_416 = arith.cmpi eq, %shift_right_logical3A_410, %eq3A_415 : vector<16xi32>
        tpu.vector_store_idx %arg7[%and3A_407], %broadcast_in_dim3A_71 masked %eq3A_416 {add = true} : memref<256xi32, #tpu.memory_space<vmem>>[vector<16xi32>], vector<16xi32>, vector<16xi1>
      }
      %scan3A_85 = arith.constant 256 : i32
      %scan3A_86 = arith.constant 0 : i32
      %scan3A_87 = arith.constant 0 : i32
      %scan3A_88 = arith.constant 0 : i32
      %scan3A_89 = arith.constant 0 : i32
      %scan3A_90 = arith.constant 16 : i32
      %scan3A_91 = arith.addi %scan3A_89, %scan3A_90 : i32
      %scan3A_92 = arith.constant 4 : i32
      %scan3A_93:3 = scf.for %scan3A_253 = %scan3A_89 to %scan3A_91 step %scan3A_92 iter_args(%scan3A_254 = %scan3A_86, %scan3A_255 = %scan3A_87, %scan3A_256 = %scan3A_88) -> (i32, i32, i32)  : i32 {
        %mul3A_257 = arith.constant 16 : i32
        %mul3A_258 = arith.muli %scan3A_253, %mul3A_257 : i32
        %get3A = arith.index_cast %mul3A_258 : i32 to index
        %get3A_259 = tpu.vector_load %arg5[%get3A] {strides = array<i32>} : memref<256xi32, #tpu.memory_space<vmem>>, vector<16xi32>,
        %broadcast_in_dim3A_260 = arith.constant true
        %broadcast_in_dim3A_261 = vector.broadcast %broadcast_in_dim3A_260 : i1 to vector<16xi1>
        %masked_cumsum3A = tpu.scan <sum>, %get3A_259 masked %broadcast_in_dim3A_261 : vector<16xi32>, vector<16xi1> -> vector<16xi32>
        %add3A_262 = vector.broadcast %scan3A_254 : i32 to vector<16xi32>
        %add3A_263 = arith.addi %masked_cumsum3A, %add3A_262 : vector<16xi32>
        %lt3A = vector.broadcast %sub3A_37 : i32 to vector<16xi32>
        %lt3A_264 = arith.cmpi slt, %add3A_263, %lt3A : vector<16xi32>
        %jit3A = arith.constant 1 : i32
        %jit3A_265 = arith.constant 0 : i32
        %broadcast_in_dim3A_266 = vector.broadcast %jit3A : i32 to vector<16xi32>
        %broadcast_in_dim3A_267 = vector.broadcast %jit3A_265 : i32 to vector<16xi32>
        %select_n3A_268 = arith.select %lt3A_264, %broadcast_in_dim3A_266, %broadcast_in_dim3A_267 : vector<16xi1>, vector<16xi32>
        %reduce_sum3A = arith.constant true
        %reduce_sum3A_269 = vector.broadcast %reduce_sum3A : i1 to vector<16xi1>
        %reduce_sum3A_270 = tpu.scan <sum>, %select_n3A_268 masked %reduce_sum3A_269 : vector<16xi32>, vector<16xi1> -> vector<16xi32>
        %reduce_sum3A_271 = vector.extract %reduce_sum3A_270[15] : i32 from vector<16xi32>
        %add3A_272 = arith.addi %scan3A_255, %reduce_sum3A_271 : i32
        %jit3A_273 = arith.constant 0 : i32
        %broadcast_in_dim3A_274 = vector.broadcast %jit3A_273 : i32 to vector<16xi32>
        %select_n3A_275 = arith.select %lt3A_264, %add3A_263, %broadcast_in_dim3A_274 : vector<16xi1>, vector<16xi32>
        %reduce_max3A = arith.constant true
        %reduce_max3A_276 = vector.broadcast %reduce_max3A : i1 to vector<16xi1>
        %reduce_max3A_277 = arith.constant -2147483648 : i32
        %reduce_max3A_278 = vector.broadcast %reduce_max3A_277 : i32 to vector<16xi32>
        %reduce_max3A_279 = arith.xori %select_n3A_275, %reduce_max3A_278 : vector<16xi32>
        %reduce_max3A_280 = tpu.scan <max>, %reduce_max3A_279 masked %reduce_max3A_276 : vector<16xi32>, vector<16xi1> -> vector<16xi32>
        %reduce_max3A_281 = arith.xori %reduce_max3A_280, %reduce_max3A_278 : vector<16xi32>
        %reduce_max3A_282 = vector.extract %reduce_max3A_281[15] : i32 from vector<16xi32>
        %max3A = arith.maxsi %scan3A_256, %reduce_max3A_282 : i32
        %reduce_sum3A_283 = arith.constant true
        %reduce_sum3A_284 = vector.broadcast %reduce_sum3A_283 : i1 to vector<16xi1>
        %reduce_sum3A_285 = tpu.scan <sum>, %get3A_259 masked %reduce_sum3A_284 : vector<16xi32>, vector<16xi1> -> vector<16xi32>
        %reduce_sum3A_286 = vector.extract %reduce_sum3A_285[15] : i32 from vector<16xi32>
        %add3A_287 = arith.addi %scan3A_254, %reduce_sum3A_286 : i32
        %scan3A_288 = arith.constant 1 : i32
        %scan3A_289 = arith.addi %scan3A_253, %scan3A_288 : i32
        %mul3A_290 = arith.constant 16 : i32
        %mul3A_291 = arith.muli %scan3A_289, %mul3A_290 : i32
        %get3A_292 = arith.index_cast %mul3A_291 : i32 to index
        %get3A_293 = tpu.vector_load %arg5[%get3A_292] {strides = array<i32>} : memref<256xi32, #tpu.memory_space<vmem>>, vector<16xi32>,
        %broadcast_in_dim3A_294 = arith.constant true
        %broadcast_in_dim3A_295 = vector.broadcast %broadcast_in_dim3A_294 : i1 to vector<16xi1>
        %masked_cumsum3A_296 = tpu.scan <sum>, %get3A_293 masked %broadcast_in_dim3A_295 : vector<16xi32>, vector<16xi1> -> vector<16xi32>
        %add3A_297 = vector.broadcast %add3A_287 : i32 to vector<16xi32>
        %add3A_298 = arith.addi %masked_cumsum3A_296, %add3A_297 : vector<16xi32>
        %lt3A_299 = vector.broadcast %sub3A_37 : i32 to vector<16xi32>
        %lt3A_300 = arith.cmpi slt, %add3A_298, %lt3A_299 : vector<16xi32>
        %jit3A_301 = arith.constant 1 : i32
        %jit3A_302 = arith.constant 0 : i32
        %broadcast_in_dim3A_303 = vector.broadcast %jit3A_301 : i32 to vector<16xi32>
        %broadcast_in_dim3A_304 = vector.broadcast %jit3A_302 : i32 to vector<16xi32>
        %select_n3A_305 = arith.select %lt3A_300, %broadcast_in_dim3A_303, %broadcast_in_dim3A_304 : vector<16xi1>, vector<16xi32>
        %reduce_sum3A_306 = arith.constant true
        %reduce_sum3A_307 = vector.broadcast %reduce_sum3A_306 : i1 to vector<16xi1>
        %reduce_sum3A_308 = tpu.scan <sum>, %select_n3A_305 masked %reduce_sum3A_307 : vector<16xi32>, vector<16xi1> -> vector<16xi32>
        %reduce_sum3A_309 = vector.extract %reduce_sum3A_308[15] : i32 from vector<16xi32>
        %add3A_310 = arith.addi %add3A_272, %reduce_sum3A_309 : i32
        %jit3A_311 = arith.constant 0 : i32
        %broadcast_in_dim3A_312 = vector.broadcast %jit3A_311 : i32 to vector<16xi32>
        %select_n3A_313 = arith.select %lt3A_300, %add3A_298, %broadcast_in_dim3A_312 : vector<16xi1>, vector<16xi32>
        %reduce_max3A_314 = arith.constant true
        %reduce_max3A_315 = vector.broadcast %reduce_max3A_314 : i1 to vector<16xi1>
        %reduce_max3A_316 = arith.constant -2147483648 : i32
        %reduce_max3A_317 = vector.broadcast %reduce_max3A_316 : i32 to vector<16xi32>
        %reduce_max3A_318 = arith.xori %select_n3A_313, %reduce_max3A_317 : vector<16xi32>
        %reduce_max3A_319 = tpu.scan <max>, %reduce_max3A_318 masked %reduce_max3A_315 : vector<16xi32>, vector<16xi1> -> vector<16xi32>
        %reduce_max3A_320 = arith.xori %reduce_max3A_319, %reduce_max3A_317 : vector<16xi32>
        %reduce_max3A_321 = vector.extract %reduce_max3A_320[15] : i32 from vector<16xi32>
        %max3A_322 = arith.maxsi %max3A, %reduce_max3A_321 : i32
        %reduce_sum3A_323 = arith.constant true
        %reduce_sum3A_324 = vector.broadcast %reduce_sum3A_323 : i1 to vector<16xi1>
        %reduce_sum3A_325 = tpu.scan <sum>, %get3A_293 masked %reduce_sum3A_324 : vector<16xi32>, vector<16xi1> -> vector<16xi32>
        %reduce_sum3A_326 = vector.extract %reduce_sum3A_325[15] : i32 from vector<16xi32>
        %add3A_327 = arith.addi %add3A_287, %reduce_sum3A_326 : i32
        %scan3A_328 = arith.constant 2 : i32
        %scan3A_329 = arith.addi %scan3A_253, %scan3A_328 : i32
        %mul3A_330 = arith.constant 16 : i32
        %mul3A_331 = arith.muli %scan3A_329, %mul3A_330 : i32
        %get3A_332 = arith.index_cast %mul3A_331 : i32 to index
        %get3A_333 = tpu.vector_load %arg5[%get3A_332] {strides = array<i32>} : memref<256xi32, #tpu.memory_space<vmem>>, vector<16xi32>,
        %broadcast_in_dim3A_334 = arith.constant true
        %broadcast_in_dim3A_335 = vector.broadcast %broadcast_in_dim3A_334 : i1 to vector<16xi1>
        %masked_cumsum3A_336 = tpu.scan <sum>, %get3A_333 masked %broadcast_in_dim3A_335 : vector<16xi32>, vector<16xi1> -> vector<16xi32>
        %add3A_337 = vector.broadcast %add3A_327 : i32 to vector<16xi32>
        %add3A_338 = arith.addi %masked_cumsum3A_336, %add3A_337 : vector<16xi32>
        %lt3A_339 = vector.broadcast %sub3A_37 : i32 to vector<16xi32>
        %lt3A_340 = arith.cmpi slt, %add3A_338, %lt3A_339 : vector<16xi32>
        %jit3A_341 = arith.constant 1 : i32
        %jit3A_342 = arith.constant 0 : i32
        %broadcast_in_dim3A_343 = vector.broadcast %jit3A_341 : i32 to vector<16xi32>
        %broadcast_in_dim3A_344 = vector.broadcast %jit3A_342 : i32 to vector<16xi32>
        %select_n3A_345 = arith.select %lt3A_340, %broadcast_in_dim3A_343, %broadcast_in_dim3A_344 : vector<16xi1>, vector<16xi32>
        %reduce_sum3A_346 = arith.constant true
        %reduce_sum3A_347 = vector.broadcast %reduce_sum3A_346 : i1 to vector<16xi1>
        %reduce_sum3A_348 = tpu.scan <sum>, %select_n3A_345 masked %reduce_sum3A_347 : vector<16xi32>, vector<16xi1> -> vector<16xi32>
        %reduce_sum3A_349 = vector.extract %reduce_sum3A_348[15] : i32 from vector<16xi32>
        %add3A_350 = arith.addi %add3A_310, %reduce_sum3A_349 : i32
        %jit3A_351 = arith.constant 0 : i32
        %broadcast_in_dim3A_352 = vector.broadcast %jit3A_351 : i32 to vector<16xi32>
        %select_n3A_353 = arith.select %lt3A_340, %add3A_338, %broadcast_in_dim3A_352 : vector<16xi1>, vector<16xi32>
        %reduce_max3A_354 = arith.constant true
        %reduce_max3A_355 = vector.broadcast %reduce_max3A_354 : i1 to vector<16xi1>
        %reduce_max3A_356 = arith.constant -2147483648 : i32
        %reduce_max3A_357 = vector.broadcast %reduce_max3A_356 : i32 to vector<16xi32>
        %reduce_max3A_358 = arith.xori %select_n3A_353, %reduce_max3A_357 : vector<16xi32>
        %reduce_max3A_359 = tpu.scan <max>, %reduce_max3A_358 masked %reduce_max3A_355 : vector<16xi32>, vector<16xi1> -> vector<16xi32>
        %reduce_max3A_360 = arith.xori %reduce_max3A_359, %reduce_max3A_357 : vector<16xi32>
        %reduce_max3A_361 = vector.extract %reduce_max3A_360[15] : i32 from vector<16xi32>
        %max3A_362 = arith.maxsi %max3A_322, %reduce_max3A_361 : i32
        %reduce_sum3A_363 = arith.constant true
        %reduce_sum3A_364 = vector.broadcast %reduce_sum3A_363 : i1 to vector<16xi1>
        %reduce_sum3A_365 = tpu.scan <sum>, %get3A_333 masked %reduce_sum3A_364 : vector<16xi32>, vector<16xi1> -> vector<16xi32>
        %reduce_sum3A_366 = vector.extract %reduce_sum3A_365[15] : i32 from vector<16xi32>
        %add3A_367 = arith.addi %add3A_327, %reduce_sum3A_366 : i32
        %scan3A_368 = arith.constant 3 : i32
        %scan3A_369 = arith.addi %scan3A_253, %scan3A_368 : i32
        %mul3A_370 = arith.constant 16 : i32
        %mul3A_371 = arith.muli %scan3A_369, %mul3A_370 : i32
        %get3A_372 = arith.index_cast %mul3A_371 : i32 to index
        %get3A_373 = tpu.vector_load %arg5[%get3A_372] {strides = array<i32>} : memref<256xi32, #tpu.memory_space<vmem>>, vector<16xi32>,
        %broadcast_in_dim3A_374 = arith.constant true
        %broadcast_in_dim3A_375 = vector.broadcast %broadcast_in_dim3A_374 : i1 to vector<16xi1>
        %masked_cumsum3A_376 = tpu.scan <sum>, %get3A_373 masked %broadcast_in_dim3A_375 : vector<16xi32>, vector<16xi1> -> vector<16xi32>
        %add3A_377 = vector.broadcast %add3A_367 : i32 to vector<16xi32>
        %add3A_378 = arith.addi %masked_cumsum3A_376, %add3A_377 : vector<16xi32>
        %lt3A_379 = vector.broadcast %sub3A_37 : i32 to vector<16xi32>
        %lt3A_380 = arith.cmpi slt, %add3A_378, %lt3A_379 : vector<16xi32>
        %jit3A_381 = arith.constant 1 : i32
        %jit3A_382 = arith.constant 0 : i32
        %broadcast_in_dim3A_383 = vector.broadcast %jit3A_381 : i32 to vector<16xi32>
        %broadcast_in_dim3A_384 = vector.broadcast %jit3A_382 : i32 to vector<16xi32>
        %select_n3A_385 = arith.select %lt3A_380, %broadcast_in_dim3A_383, %broadcast_in_dim3A_384 : vector<16xi1>, vector<16xi32>
        %reduce_sum3A_386 = arith.constant true
        %reduce_sum3A_387 = vector.broadcast %reduce_sum3A_386 : i1 to vector<16xi1>
        %reduce_sum3A_388 = tpu.scan <sum>, %select_n3A_385 masked %reduce_sum3A_387 : vector<16xi32>, vector<16xi1> -> vector<16xi32>
        %reduce_sum3A_389 = vector.extract %reduce_sum3A_388[15] : i32 from vector<16xi32>
        %add3A_390 = arith.addi %add3A_350, %reduce_sum3A_389 : i32
        %jit3A_391 = arith.constant 0 : i32
        %broadcast_in_dim3A_392 = vector.broadcast %jit3A_391 : i32 to vector<16xi32>
        %select_n3A_393 = arith.select %lt3A_380, %add3A_378, %broadcast_in_dim3A_392 : vector<16xi1>, vector<16xi32>
        %reduce_max3A_394 = arith.constant true
        %reduce_max3A_395 = vector.broadcast %reduce_max3A_394 : i1 to vector<16xi1>
        %reduce_max3A_396 = arith.constant -2147483648 : i32
        %reduce_max3A_397 = vector.broadcast %reduce_max3A_396 : i32 to vector<16xi32>
        %reduce_max3A_398 = arith.xori %select_n3A_393, %reduce_max3A_397 : vector<16xi32>
        %reduce_max3A_399 = tpu.scan <max>, %reduce_max3A_398 masked %reduce_max3A_395 : vector<16xi32>, vector<16xi1> -> vector<16xi32>
        %reduce_max3A_400 = arith.xori %reduce_max3A_399, %reduce_max3A_397 : vector<16xi32>
        %reduce_max3A_401 = vector.extract %reduce_max3A_400[15] : i32 from vector<16xi32>
        %max3A_402 = arith.maxsi %max3A_362, %reduce_max3A_401 : i32
        %reduce_sum3A_403 = arith.constant true
        %reduce_sum3A_404 = vector.broadcast %reduce_sum3A_403 : i1 to vector<16xi1>
        %reduce_sum3A_405 = tpu.scan <sum>, %get3A_373 masked %reduce_sum3A_404 : vector<16xi32>, vector<16xi1> -> vector<16xi32>
        %reduce_sum3A_406 = vector.extract %reduce_sum3A_405[15] : i32 from vector<16xi32>
        %add3A_407 = arith.addi %add3A_367, %reduce_sum3A_406 : i32
        scf.yield %add3A_407, %add3A_390, %max3A_402 : i32, i32, i32
      }
      %scan3A_94 = arith.constant 16 : i32
      %shift_left3A_95 = arith.constant 8 : i32
      %shift_left3A_96 = arith.shli %or3A, %shift_left3A_95 : i32
      %or3A_97 = arith.ori %shift_left3A_96, %scan3A_93#1 : i32
      %sub3A_98 = arith.subi %sub3A_37, %scan3A_93#2 : i32
      %scan3A_99 = arith.constant 0 : i32
      %scan3A_100 = arith.constant 0 : i32
      %scan3A_101 = arith.constant 0 : i32
      %scan3A_102 = arith.constant 0 : i32
      %scan3A_103 = arith.constant 16 : i32
      %scan3A_104 = arith.addi %scan3A_102, %scan3A_103 : i32
      %scan3A_105 = arith.constant 4 : i32
      %scan3A_106:3 = scf.for %scan3A_253 = %scan3A_102 to %scan3A_104 step %scan3A_105 iter_args(%scan3A_254 = %scan3A_99, %scan3A_255 = %scan3A_100, %scan3A_256 = %scan3A_101) -> (i32, i32, i32)  : i32 {
        %mul3A_257 = arith.constant 16 : i32
        %mul3A_258 = arith.muli %scan3A_253, %mul3A_257 : i32
        %get3A = arith.index_cast %mul3A_258 : i32 to index
        %get3A_259 = tpu.vector_load %arg6[%get3A] {strides = array<i32>} : memref<256xi32, #tpu.memory_space<vmem>>, vector<16xi32>,
        %broadcast_in_dim3A_260 = arith.constant true
        %broadcast_in_dim3A_261 = vector.broadcast %broadcast_in_dim3A_260 : i1 to vector<16xi1>
        %masked_cumsum3A = tpu.scan <sum>, %get3A_259 masked %broadcast_in_dim3A_261 : vector<16xi32>, vector<16xi1> -> vector<16xi32>
        %add3A_262 = vector.broadcast %scan3A_254 : i32 to vector<16xi32>
        %add3A_263 = arith.addi %masked_cumsum3A, %add3A_262 : vector<16xi32>
        %lt3A = vector.broadcast %sub3A_53 : i32 to vector<16xi32>
        %lt3A_264 = arith.cmpi slt, %add3A_263, %lt3A : vector<16xi32>
        %jit3A = arith.constant 1 : i32
        %jit3A_265 = arith.constant 0 : i32
        %broadcast_in_dim3A_266 = vector.broadcast %jit3A : i32 to vector<16xi32>
        %broadcast_in_dim3A_267 = vector.broadcast %jit3A_265 : i32 to vector<16xi32>
        %select_n3A_268 = arith.select %lt3A_264, %broadcast_in_dim3A_266, %broadcast_in_dim3A_267 : vector<16xi1>, vector<16xi32>
        %reduce_sum3A = arith.constant true
        %reduce_sum3A_269 = vector.broadcast %reduce_sum3A : i1 to vector<16xi1>
        %reduce_sum3A_270 = tpu.scan <sum>, %select_n3A_268 masked %reduce_sum3A_269 : vector<16xi32>, vector<16xi1> -> vector<16xi32>
        %reduce_sum3A_271 = vector.extract %reduce_sum3A_270[15] : i32 from vector<16xi32>
        %add3A_272 = arith.addi %scan3A_255, %reduce_sum3A_271 : i32
        %jit3A_273 = arith.constant 0 : i32
        %broadcast_in_dim3A_274 = vector.broadcast %jit3A_273 : i32 to vector<16xi32>
        %select_n3A_275 = arith.select %lt3A_264, %add3A_263, %broadcast_in_dim3A_274 : vector<16xi1>, vector<16xi32>
        %reduce_max3A = arith.constant true
        %reduce_max3A_276 = vector.broadcast %reduce_max3A : i1 to vector<16xi1>
        %reduce_max3A_277 = arith.constant -2147483648 : i32
        %reduce_max3A_278 = vector.broadcast %reduce_max3A_277 : i32 to vector<16xi32>
        %reduce_max3A_279 = arith.xori %select_n3A_275, %reduce_max3A_278 : vector<16xi32>
        %reduce_max3A_280 = tpu.scan <max>, %reduce_max3A_279 masked %reduce_max3A_276 : vector<16xi32>, vector<16xi1> -> vector<16xi32>
        %reduce_max3A_281 = arith.xori %reduce_max3A_280, %reduce_max3A_278 : vector<16xi32>
        %reduce_max3A_282 = vector.extract %reduce_max3A_281[15] : i32 from vector<16xi32>
        %max3A = arith.maxsi %scan3A_256, %reduce_max3A_282 : i32
        %reduce_sum3A_283 = arith.constant true
        %reduce_sum3A_284 = vector.broadcast %reduce_sum3A_283 : i1 to vector<16xi1>
        %reduce_sum3A_285 = tpu.scan <sum>, %get3A_259 masked %reduce_sum3A_284 : vector<16xi32>, vector<16xi1> -> vector<16xi32>
        %reduce_sum3A_286 = vector.extract %reduce_sum3A_285[15] : i32 from vector<16xi32>
        %add3A_287 = arith.addi %scan3A_254, %reduce_sum3A_286 : i32
        %scan3A_288 = arith.constant 1 : i32
        %scan3A_289 = arith.addi %scan3A_253, %scan3A_288 : i32
        %mul3A_290 = arith.constant 16 : i32
        %mul3A_291 = arith.muli %scan3A_289, %mul3A_290 : i32
        %get3A_292 = arith.index_cast %mul3A_291 : i32 to index
        %get3A_293 = tpu.vector_load %arg6[%get3A_292] {strides = array<i32>} : memref<256xi32, #tpu.memory_space<vmem>>, vector<16xi32>,
        %broadcast_in_dim3A_294 = arith.constant true
        %broadcast_in_dim3A_295 = vector.broadcast %broadcast_in_dim3A_294 : i1 to vector<16xi1>
        %masked_cumsum3A_296 = tpu.scan <sum>, %get3A_293 masked %broadcast_in_dim3A_295 : vector<16xi32>, vector<16xi1> -> vector<16xi32>
        %add3A_297 = vector.broadcast %add3A_287 : i32 to vector<16xi32>
        %add3A_298 = arith.addi %masked_cumsum3A_296, %add3A_297 : vector<16xi32>
        %lt3A_299 = vector.broadcast %sub3A_53 : i32 to vector<16xi32>
        %lt3A_300 = arith.cmpi slt, %add3A_298, %lt3A_299 : vector<16xi32>
        %jit3A_301 = arith.constant 1 : i32
        %jit3A_302 = arith.constant 0 : i32
        %broadcast_in_dim3A_303 = vector.broadcast %jit3A_301 : i32 to vector<16xi32>
        %broadcast_in_dim3A_304 = vector.broadcast %jit3A_302 : i32 to vector<16xi32>
        %select_n3A_305 = arith.select %lt3A_300, %broadcast_in_dim3A_303, %broadcast_in_dim3A_304 : vector<16xi1>, vector<16xi32>
        %reduce_sum3A_306 = arith.constant true
        %reduce_sum3A_307 = vector.broadcast %reduce_sum3A_306 : i1 to vector<16xi1>
        %reduce_sum3A_308 = tpu.scan <sum>, %select_n3A_305 masked %reduce_sum3A_307 : vector<16xi32>, vector<16xi1> -> vector<16xi32>
        %reduce_sum3A_309 = vector.extract %reduce_sum3A_308[15] : i32 from vector<16xi32>
        %add3A_310 = arith.addi %add3A_272, %reduce_sum3A_309 : i32
        %jit3A_311 = arith.constant 0 : i32
        %broadcast_in_dim3A_312 = vector.broadcast %jit3A_311 : i32 to vector<16xi32>
        %select_n3A_313 = arith.select %lt3A_300, %add3A_298, %broadcast_in_dim3A_312 : vector<16xi1>, vector<16xi32>
        %reduce_max3A_314 = arith.constant true
        %reduce_max3A_315 = vector.broadcast %reduce_max3A_314 : i1 to vector<16xi1>
        %reduce_max3A_316 = arith.constant -2147483648 : i32
        %reduce_max3A_317 = vector.broadcast %reduce_max3A_316 : i32 to vector<16xi32>
        %reduce_max3A_318 = arith.xori %select_n3A_313, %reduce_max3A_317 : vector<16xi32>
        %reduce_max3A_319 = tpu.scan <max>, %reduce_max3A_318 masked %reduce_max3A_315 : vector<16xi32>, vector<16xi1> -> vector<16xi32>
        %reduce_max3A_320 = arith.xori %reduce_max3A_319, %reduce_max3A_317 : vector<16xi32>
        %reduce_max3A_321 = vector.extract %reduce_max3A_320[15] : i32 from vector<16xi32>
        %max3A_322 = arith.maxsi %max3A, %reduce_max3A_321 : i32
        %reduce_sum3A_323 = arith.constant true
        %reduce_sum3A_324 = vector.broadcast %reduce_sum3A_323 : i1 to vector<16xi1>
        %reduce_sum3A_325 = tpu.scan <sum>, %get3A_293 masked %reduce_sum3A_324 : vector<16xi32>, vector<16xi1> -> vector<16xi32>
        %reduce_sum3A_326 = vector.extract %reduce_sum3A_325[15] : i32 from vector<16xi32>
        %add3A_327 = arith.addi %add3A_287, %reduce_sum3A_326 : i32
        %scan3A_328 = arith.constant 2 : i32
        %scan3A_329 = arith.addi %scan3A_253, %scan3A_328 : i32
        %mul3A_330 = arith.constant 16 : i32
        %mul3A_331 = arith.muli %scan3A_329, %mul3A_330 : i32
        %get3A_332 = arith.index_cast %mul3A_331 : i32 to index
        %get3A_333 = tpu.vector_load %arg6[%get3A_332] {strides = array<i32>} : memref<256xi32, #tpu.memory_space<vmem>>, vector<16xi32>,
        %broadcast_in_dim3A_334 = arith.constant true
        %broadcast_in_dim3A_335 = vector.broadcast %broadcast_in_dim3A_334 : i1 to vector<16xi1>
        %masked_cumsum3A_336 = tpu.scan <sum>, %get3A_333 masked %broadcast_in_dim3A_335 : vector<16xi32>, vector<16xi1> -> vector<16xi32>
        %add3A_337 = vector.broadcast %add3A_327 : i32 to vector<16xi32>
        %add3A_338 = arith.addi %masked_cumsum3A_336, %add3A_337 : vector<16xi32>
        %lt3A_339 = vector.broadcast %sub3A_53 : i32 to vector<16xi32>
        %lt3A_340 = arith.cmpi slt, %add3A_338, %lt3A_339 : vector<16xi32>
        %jit3A_341 = arith.constant 1 : i32
        %jit3A_342 = arith.constant 0 : i32
        %broadcast_in_dim3A_343 = vector.broadcast %jit3A_341 : i32 to vector<16xi32>
        %broadcast_in_dim3A_344 = vector.broadcast %jit3A_342 : i32 to vector<16xi32>
        %select_n3A_345 = arith.select %lt3A_340, %broadcast_in_dim3A_343, %broadcast_in_dim3A_344 : vector<16xi1>, vector<16xi32>
        %reduce_sum3A_346 = arith.constant true
        %reduce_sum3A_347 = vector.broadcast %reduce_sum3A_346 : i1 to vector<16xi1>
        %reduce_sum3A_348 = tpu.scan <sum>, %select_n3A_345 masked %reduce_sum3A_347 : vector<16xi32>, vector<16xi1> -> vector<16xi32>
        %reduce_sum3A_349 = vector.extract %reduce_sum3A_348[15] : i32 from vector<16xi32>
        %add3A_350 = arith.addi %add3A_310, %reduce_sum3A_349 : i32
        %jit3A_351 = arith.constant 0 : i32
        %broadcast_in_dim3A_352 = vector.broadcast %jit3A_351 : i32 to vector<16xi32>
        %select_n3A_353 = arith.select %lt3A_340, %add3A_338, %broadcast_in_dim3A_352 : vector<16xi1>, vector<16xi32>
        %reduce_max3A_354 = arith.constant true
        %reduce_max3A_355 = vector.broadcast %reduce_max3A_354 : i1 to vector<16xi1>
        %reduce_max3A_356 = arith.constant -2147483648 : i32
        %reduce_max3A_357 = vector.broadcast %reduce_max3A_356 : i32 to vector<16xi32>
        %reduce_max3A_358 = arith.xori %select_n3A_353, %reduce_max3A_357 : vector<16xi32>
        %reduce_max3A_359 = tpu.scan <max>, %reduce_max3A_358 masked %reduce_max3A_355 : vector<16xi32>, vector<16xi1> -> vector<16xi32>
        %reduce_max3A_360 = arith.xori %reduce_max3A_359, %reduce_max3A_357 : vector<16xi32>
        %reduce_max3A_361 = vector.extract %reduce_max3A_360[15] : i32 from vector<16xi32>
        %max3A_362 = arith.maxsi %max3A_322, %reduce_max3A_361 : i32
        %reduce_sum3A_363 = arith.constant true
        %reduce_sum3A_364 = vector.broadcast %reduce_sum3A_363 : i1 to vector<16xi1>
        %reduce_sum3A_365 = tpu.scan <sum>, %get3A_333 masked %reduce_sum3A_364 : vector<16xi32>, vector<16xi1> -> vector<16xi32>
        %reduce_sum3A_366 = vector.extract %reduce_sum3A_365[15] : i32 from vector<16xi32>
        %add3A_367 = arith.addi %add3A_327, %reduce_sum3A_366 : i32
        %scan3A_368 = arith.constant 3 : i32
        %scan3A_369 = arith.addi %scan3A_253, %scan3A_368 : i32
        %mul3A_370 = arith.constant 16 : i32
        %mul3A_371 = arith.muli %scan3A_369, %mul3A_370 : i32
        %get3A_372 = arith.index_cast %mul3A_371 : i32 to index
        %get3A_373 = tpu.vector_load %arg6[%get3A_372] {strides = array<i32>} : memref<256xi32, #tpu.memory_space<vmem>>, vector<16xi32>,
        %broadcast_in_dim3A_374 = arith.constant true
        %broadcast_in_dim3A_375 = vector.broadcast %broadcast_in_dim3A_374 : i1 to vector<16xi1>
        %masked_cumsum3A_376 = tpu.scan <sum>, %get3A_373 masked %broadcast_in_dim3A_375 : vector<16xi32>, vector<16xi1> -> vector<16xi32>
        %add3A_377 = vector.broadcast %add3A_367 : i32 to vector<16xi32>
        %add3A_378 = arith.addi %masked_cumsum3A_376, %add3A_377 : vector<16xi32>
        %lt3A_379 = vector.broadcast %sub3A_53 : i32 to vector<16xi32>
        %lt3A_380 = arith.cmpi slt, %add3A_378, %lt3A_379 : vector<16xi32>
        %jit3A_381 = arith.constant 1 : i32
        %jit3A_382 = arith.constant 0 : i32
        %broadcast_in_dim3A_383 = vector.broadcast %jit3A_381 : i32 to vector<16xi32>
        %broadcast_in_dim3A_384 = vector.broadcast %jit3A_382 : i32 to vector<16xi32>
        %select_n3A_385 = arith.select %lt3A_380, %broadcast_in_dim3A_383, %broadcast_in_dim3A_384 : vector<16xi1>, vector<16xi32>
        %reduce_sum3A_386 = arith.constant true
        %reduce_sum3A_387 = vector.broadcast %reduce_sum3A_386 : i1 to vector<16xi1>
        %reduce_sum3A_388 = tpu.scan <sum>, %select_n3A_385 masked %reduce_sum3A_387 : vector<16xi32>, vector<16xi1> -> vector<16xi32>
        %reduce_sum3A_389 = vector.extract %reduce_sum3A_388[15] : i32 from vector<16xi32>
        %add3A_390 = arith.addi %add3A_350, %reduce_sum3A_389 : i32
        %jit3A_391 = arith.constant 0 : i32
        %broadcast_in_dim3A_392 = vector.broadcast %jit3A_391 : i32 to vector<16xi32>
        %select_n3A_393 = arith.select %lt3A_380, %add3A_378, %broadcast_in_dim3A_392 : vector<16xi1>, vector<16xi32>
        %reduce_max3A_394 = arith.constant true
        %reduce_max3A_395 = vector.broadcast %reduce_max3A_394 : i1 to vector<16xi1>
        %reduce_max3A_396 = arith.constant -2147483648 : i32
        %reduce_max3A_397 = vector.broadcast %reduce_max3A_396 : i32 to vector<16xi32>
        %reduce_max3A_398 = arith.xori %select_n3A_393, %reduce_max3A_397 : vector<16xi32>
        %reduce_max3A_399 = tpu.scan <max>, %reduce_max3A_398 masked %reduce_max3A_395 : vector<16xi32>, vector<16xi1> -> vector<16xi32>
        %reduce_max3A_400 = arith.xori %reduce_max3A_399, %reduce_max3A_397 : vector<16xi32>
        %reduce_max3A_401 = vector.extract %reduce_max3A_400[15] : i32 from vector<16xi32>
        %max3A_402 = arith.maxsi %max3A_362, %reduce_max3A_401 : i32
        %reduce_sum3A_403 = arith.constant true
        %reduce_sum3A_404 = vector.broadcast %reduce_sum3A_403 : i1 to vector<16xi1>
        %reduce_sum3A_405 = tpu.scan <sum>, %get3A_373 masked %reduce_sum3A_404 : vector<16xi32>, vector<16xi1> -> vector<16xi32>
        %reduce_sum3A_406 = vector.extract %reduce_sum3A_405[15] : i32 from vector<16xi32>
        %add3A_407 = arith.addi %add3A_367, %reduce_sum3A_406 : i32
        scf.yield %add3A_407, %add3A_390, %max3A_402 : i32, i32, i32
      }
      %scan3A_107 = arith.constant 16 : i32
      %shift_left3A_108 = arith.constant 8 : i32
      %shift_left3A_109 = arith.shli %or3A_51, %shift_left3A_108 : i32
      %or3A_110 = arith.ori %shift_left3A_109, %scan3A_106#1 : i32
      %sub3A_111 = arith.subi %sub3A_53, %scan3A_106#2 : i32
      %scan3A_112 = arith.constant 0 : i32
      %scan3A_113 = arith.constant 0 : i32
      %scan3A_114 = arith.constant 0 : i32
      %scan3A_115 = arith.constant 0 : i32
      %scan3A_116 = arith.constant 16 : i32
      %scan3A_117 = arith.addi %scan3A_115, %scan3A_116 : i32
      %scan3A_118 = arith.constant 4 : i32
      %scan3A_119:3 = scf.for %scan3A_253 = %scan3A_115 to %scan3A_117 step %scan3A_118 iter_args(%scan3A_254 = %scan3A_112, %scan3A_255 = %scan3A_113, %scan3A_256 = %scan3A_114) -> (i32, i32, i32)  : i32 {
        %mul3A_257 = arith.constant 16 : i32
        %mul3A_258 = arith.muli %scan3A_253, %mul3A_257 : i32
        %get3A = arith.index_cast %mul3A_258 : i32 to index
        %get3A_259 = tpu.vector_load %arg7[%get3A] {strides = array<i32>} : memref<256xi32, #tpu.memory_space<vmem>>, vector<16xi32>,
        %broadcast_in_dim3A_260 = arith.constant true
        %broadcast_in_dim3A_261 = vector.broadcast %broadcast_in_dim3A_260 : i1 to vector<16xi1>
        %masked_cumsum3A = tpu.scan <sum>, %get3A_259 masked %broadcast_in_dim3A_261 : vector<16xi32>, vector<16xi1> -> vector<16xi32>
        %add3A_262 = vector.broadcast %scan3A_254 : i32 to vector<16xi32>
        %add3A_263 = arith.addi %masked_cumsum3A, %add3A_262 : vector<16xi32>
        %lt3A = vector.broadcast %sub3A_69 : i32 to vector<16xi32>
        %lt3A_264 = arith.cmpi slt, %add3A_263, %lt3A : vector<16xi32>
        %jit3A = arith.constant 1 : i32
        %jit3A_265 = arith.constant 0 : i32
        %broadcast_in_dim3A_266 = vector.broadcast %jit3A : i32 to vector<16xi32>
        %broadcast_in_dim3A_267 = vector.broadcast %jit3A_265 : i32 to vector<16xi32>
        %select_n3A_268 = arith.select %lt3A_264, %broadcast_in_dim3A_266, %broadcast_in_dim3A_267 : vector<16xi1>, vector<16xi32>
        %reduce_sum3A = arith.constant true
        %reduce_sum3A_269 = vector.broadcast %reduce_sum3A : i1 to vector<16xi1>
        %reduce_sum3A_270 = tpu.scan <sum>, %select_n3A_268 masked %reduce_sum3A_269 : vector<16xi32>, vector<16xi1> -> vector<16xi32>
        %reduce_sum3A_271 = vector.extract %reduce_sum3A_270[15] : i32 from vector<16xi32>
        %add3A_272 = arith.addi %scan3A_255, %reduce_sum3A_271 : i32
        %jit3A_273 = arith.constant 0 : i32
        %broadcast_in_dim3A_274 = vector.broadcast %jit3A_273 : i32 to vector<16xi32>
        %select_n3A_275 = arith.select %lt3A_264, %add3A_263, %broadcast_in_dim3A_274 : vector<16xi1>, vector<16xi32>
        %reduce_max3A = arith.constant true
        %reduce_max3A_276 = vector.broadcast %reduce_max3A : i1 to vector<16xi1>
        %reduce_max3A_277 = arith.constant -2147483648 : i32
        %reduce_max3A_278 = vector.broadcast %reduce_max3A_277 : i32 to vector<16xi32>
        %reduce_max3A_279 = arith.xori %select_n3A_275, %reduce_max3A_278 : vector<16xi32>
        %reduce_max3A_280 = tpu.scan <max>, %reduce_max3A_279 masked %reduce_max3A_276 : vector<16xi32>, vector<16xi1> -> vector<16xi32>
        %reduce_max3A_281 = arith.xori %reduce_max3A_280, %reduce_max3A_278 : vector<16xi32>
        %reduce_max3A_282 = vector.extract %reduce_max3A_281[15] : i32 from vector<16xi32>
        %max3A = arith.maxsi %scan3A_256, %reduce_max3A_282 : i32
        %reduce_sum3A_283 = arith.constant true
        %reduce_sum3A_284 = vector.broadcast %reduce_sum3A_283 : i1 to vector<16xi1>
        %reduce_sum3A_285 = tpu.scan <sum>, %get3A_259 masked %reduce_sum3A_284 : vector<16xi32>, vector<16xi1> -> vector<16xi32>
        %reduce_sum3A_286 = vector.extract %reduce_sum3A_285[15] : i32 from vector<16xi32>
        %add3A_287 = arith.addi %scan3A_254, %reduce_sum3A_286 : i32
        %scan3A_288 = arith.constant 1 : i32
        %scan3A_289 = arith.addi %scan3A_253, %scan3A_288 : i32
        %mul3A_290 = arith.constant 16 : i32
        %mul3A_291 = arith.muli %scan3A_289, %mul3A_290 : i32
        %get3A_292 = arith.index_cast %mul3A_291 : i32 to index
        %get3A_293 = tpu.vector_load %arg7[%get3A_292] {strides = array<i32>} : memref<256xi32, #tpu.memory_space<vmem>>, vector<16xi32>,
        %broadcast_in_dim3A_294 = arith.constant true
        %broadcast_in_dim3A_295 = vector.broadcast %broadcast_in_dim3A_294 : i1 to vector<16xi1>
        %masked_cumsum3A_296 = tpu.scan <sum>, %get3A_293 masked %broadcast_in_dim3A_295 : vector<16xi32>, vector<16xi1> -> vector<16xi32>
        %add3A_297 = vector.broadcast %add3A_287 : i32 to vector<16xi32>
        %add3A_298 = arith.addi %masked_cumsum3A_296, %add3A_297 : vector<16xi32>
        %lt3A_299 = vector.broadcast %sub3A_69 : i32 to vector<16xi32>
        %lt3A_300 = arith.cmpi slt, %add3A_298, %lt3A_299 : vector<16xi32>
        %jit3A_301 = arith.constant 1 : i32
        %jit3A_302 = arith.constant 0 : i32
        %broadcast_in_dim3A_303 = vector.broadcast %jit3A_301 : i32 to vector<16xi32>
        %broadcast_in_dim3A_304 = vector.broadcast %jit3A_302 : i32 to vector<16xi32>
        %select_n3A_305 = arith.select %lt3A_300, %broadcast_in_dim3A_303, %broadcast_in_dim3A_304 : vector<16xi1>, vector<16xi32>
        %reduce_sum3A_306 = arith.constant true
        %reduce_sum3A_307 = vector.broadcast %reduce_sum3A_306 : i1 to vector<16xi1>
        %reduce_sum3A_308 = tpu.scan <sum>, %select_n3A_305 masked %reduce_sum3A_307 : vector<16xi32>, vector<16xi1> -> vector<16xi32>
        %reduce_sum3A_309 = vector.extract %reduce_sum3A_308[15] : i32 from vector<16xi32>
        %add3A_310 = arith.addi %add3A_272, %reduce_sum3A_309 : i32
        %jit3A_311 = arith.constant 0 : i32
        %broadcast_in_dim3A_312 = vector.broadcast %jit3A_311 : i32 to vector<16xi32>
        %select_n3A_313 = arith.select %lt3A_300, %add3A_298, %broadcast_in_dim3A_312 : vector<16xi1>, vector<16xi32>
        %reduce_max3A_314 = arith.constant true
        %reduce_max3A_315 = vector.broadcast %reduce_max3A_314 : i1 to vector<16xi1>
        %reduce_max3A_316 = arith.constant -2147483648 : i32
        %reduce_max3A_317 = vector.broadcast %reduce_max3A_316 : i32 to vector<16xi32>
        %reduce_max3A_318 = arith.xori %select_n3A_313, %reduce_max3A_317 : vector<16xi32>
        %reduce_max3A_319 = tpu.scan <max>, %reduce_max3A_318 masked %reduce_max3A_315 : vector<16xi32>, vector<16xi1> -> vector<16xi32>
        %reduce_max3A_320 = arith.xori %reduce_max3A_319, %reduce_max3A_317 : vector<16xi32>
        %reduce_max3A_321 = vector.extract %reduce_max3A_320[15] : i32 from vector<16xi32>
        %max3A_322 = arith.maxsi %max3A, %reduce_max3A_321 : i32
        %reduce_sum3A_323 = arith.constant true
        %reduce_sum3A_324 = vector.broadcast %reduce_sum3A_323 : i1 to vector<16xi1>
        %reduce_sum3A_325 = tpu.scan <sum>, %get3A_293 masked %reduce_sum3A_324 : vector<16xi32>, vector<16xi1> -> vector<16xi32>
        %reduce_sum3A_326 = vector.extract %reduce_sum3A_325[15] : i32 from vector<16xi32>
        %add3A_327 = arith.addi %add3A_287, %reduce_sum3A_326 : i32
        %scan3A_328 = arith.constant 2 : i32
        %scan3A_329 = arith.addi %scan3A_253, %scan3A_328 : i32
        %mul3A_330 = arith.constant 16 : i32
        %mul3A_331 = arith.muli %scan3A_329, %mul3A_330 : i32
        %get3A_332 = arith.index_cast %mul3A_331 : i32 to index
        %get3A_333 = tpu.vector_load %arg7[%get3A_332] {strides = array<i32>} : memref<256xi32, #tpu.memory_space<vmem>>, vector<16xi32>,
        %broadcast_in_dim3A_334 = arith.constant true
        %broadcast_in_dim3A_335 = vector.broadcast %broadcast_in_dim3A_334 : i1 to vector<16xi1>
        %masked_cumsum3A_336 = tpu.scan <sum>, %get3A_333 masked %broadcast_in_dim3A_335 : vector<16xi32>, vector<16xi1> -> vector<16xi32>
        %add3A_337 = vector.broadcast %add3A_327 : i32 to vector<16xi32>
        %add3A_338 = arith.addi %masked_cumsum3A_336, %add3A_337 : vector<16xi32>
        %lt3A_339 = vector.broadcast %sub3A_69 : i32 to vector<16xi32>
        %lt3A_340 = arith.cmpi slt, %add3A_338, %lt3A_339 : vector<16xi32>
        %jit3A_341 = arith.constant 1 : i32
        %jit3A_342 = arith.constant 0 : i32
        %broadcast_in_dim3A_343 = vector.broadcast %jit3A_341 : i32 to vector<16xi32>
        %broadcast_in_dim3A_344 = vector.broadcast %jit3A_342 : i32 to vector<16xi32>
        %select_n3A_345 = arith.select %lt3A_340, %broadcast_in_dim3A_343, %broadcast_in_dim3A_344 : vector<16xi1>, vector<16xi32>
        %reduce_sum3A_346 = arith.constant true
        %reduce_sum3A_347 = vector.broadcast %reduce_sum3A_346 : i1 to vector<16xi1>
        %reduce_sum3A_348 = tpu.scan <sum>, %select_n3A_345 masked %reduce_sum3A_347 : vector<16xi32>, vector<16xi1> -> vector<16xi32>
        %reduce_sum3A_349 = vector.extract %reduce_sum3A_348[15] : i32 from vector<16xi32>
        %add3A_350 = arith.addi %add3A_310, %reduce_sum3A_349 : i32
        %jit3A_351 = arith.constant 0 : i32
        %broadcast_in_dim3A_352 = vector.broadcast %jit3A_351 : i32 to vector<16xi32>
        %select_n3A_353 = arith.select %lt3A_340, %add3A_338, %broadcast_in_dim3A_352 : vector<16xi1>, vector<16xi32>
        %reduce_max3A_354 = arith.constant true
        %reduce_max3A_355 = vector.broadcast %reduce_max3A_354 : i1 to vector<16xi1>
        %reduce_max3A_356 = arith.constant -2147483648 : i32
        %reduce_max3A_357 = vector.broadcast %reduce_max3A_356 : i32 to vector<16xi32>
        %reduce_max3A_358 = arith.xori %select_n3A_353, %reduce_max3A_357 : vector<16xi32>
        %reduce_max3A_359 = tpu.scan <max>, %reduce_max3A_358 masked %reduce_max3A_355 : vector<16xi32>, vector<16xi1> -> vector<16xi32>
        %reduce_max3A_360 = arith.xori %reduce_max3A_359, %reduce_max3A_357 : vector<16xi32>
        %reduce_max3A_361 = vector.extract %reduce_max3A_360[15] : i32 from vector<16xi32>
        %max3A_362 = arith.maxsi %max3A_322, %reduce_max3A_361 : i32
        %reduce_sum3A_363 = arith.constant true
        %reduce_sum3A_364 = vector.broadcast %reduce_sum3A_363 : i1 to vector<16xi1>
        %reduce_sum3A_365 = tpu.scan <sum>, %get3A_333 masked %reduce_sum3A_364 : vector<16xi32>, vector<16xi1> -> vector<16xi32>
        %reduce_sum3A_366 = vector.extract %reduce_sum3A_365[15] : i32 from vector<16xi32>
        %add3A_367 = arith.addi %add3A_327, %reduce_sum3A_366 : i32
        %scan3A_368 = arith.constant 3 : i32
        %scan3A_369 = arith.addi %scan3A_253, %scan3A_368 : i32
        %mul3A_370 = arith.constant 16 : i32
        %mul3A_371 = arith.muli %scan3A_369, %mul3A_370 : i32
        %get3A_372 = arith.index_cast %mul3A_371 : i32 to index
        %get3A_373 = tpu.vector_load %arg7[%get3A_372] {strides = array<i32>} : memref<256xi32, #tpu.memory_space<vmem>>, vector<16xi32>,
        %broadcast_in_dim3A_374 = arith.constant true
        %broadcast_in_dim3A_375 = vector.broadcast %broadcast_in_dim3A_374 : i1 to vector<16xi1>
        %masked_cumsum3A_376 = tpu.scan <sum>, %get3A_373 masked %broadcast_in_dim3A_375 : vector<16xi32>, vector<16xi1> -> vector<16xi32>
        %add3A_377 = vector.broadcast %add3A_367 : i32 to vector<16xi32>
        %add3A_378 = arith.addi %masked_cumsum3A_376, %add3A_377 : vector<16xi32>
        %lt3A_379 = vector.broadcast %sub3A_69 : i32 to vector<16xi32>
        %lt3A_380 = arith.cmpi slt, %add3A_378, %lt3A_379 : vector<16xi32>
        %jit3A_381 = arith.constant 1 : i32
        %jit3A_382 = arith.constant 0 : i32
        %broadcast_in_dim3A_383 = vector.broadcast %jit3A_381 : i32 to vector<16xi32>
        %broadcast_in_dim3A_384 = vector.broadcast %jit3A_382 : i32 to vector<16xi32>
        %select_n3A_385 = arith.select %lt3A_380, %broadcast_in_dim3A_383, %broadcast_in_dim3A_384 : vector<16xi1>, vector<16xi32>
        %reduce_sum3A_386 = arith.constant true
        %reduce_sum3A_387 = vector.broadcast %reduce_sum3A_386 : i1 to vector<16xi1>
        %reduce_sum3A_388 = tpu.scan <sum>, %select_n3A_385 masked %reduce_sum3A_387 : vector<16xi32>, vector<16xi1> -> vector<16xi32>
        %reduce_sum3A_389 = vector.extract %reduce_sum3A_388[15] : i32 from vector<16xi32>
        %add3A_390 = arith.addi %add3A_350, %reduce_sum3A_389 : i32
        %jit3A_391 = arith.constant 0 : i32
        %broadcast_in_dim3A_392 = vector.broadcast %jit3A_391 : i32 to vector<16xi32>
        %select_n3A_393 = arith.select %lt3A_380, %add3A_378, %broadcast_in_dim3A_392 : vector<16xi1>, vector<16xi32>
        %reduce_max3A_394 = arith.constant true
        %reduce_max3A_395 = vector.broadcast %reduce_max3A_394 : i1 to vector<16xi1>
        %reduce_max3A_396 = arith.constant -2147483648 : i32
        %reduce_max3A_397 = vector.broadcast %reduce_max3A_396 : i32 to vector<16xi32>
        %reduce_max3A_398 = arith.xori %select_n3A_393, %reduce_max3A_397 : vector<16xi32>
        %reduce_max3A_399 = tpu.scan <max>, %reduce_max3A_398 masked %reduce_max3A_395 : vector<16xi32>, vector<16xi1> -> vector<16xi32>
        %reduce_max3A_400 = arith.xori %reduce_max3A_399, %reduce_max3A_397 : vector<16xi32>
        %reduce_max3A_401 = vector.extract %reduce_max3A_400[15] : i32 from vector<16xi32>
        %max3A_402 = arith.maxsi %max3A_362, %reduce_max3A_401 : i32
        %reduce_sum3A_403 = arith.constant true
        %reduce_sum3A_404 = vector.broadcast %reduce_sum3A_403 : i1 to vector<16xi1>
        %reduce_sum3A_405 = tpu.scan <sum>, %get3A_373 masked %reduce_sum3A_404 : vector<16xi32>, vector<16xi1> -> vector<16xi32>
        %reduce_sum3A_406 = vector.extract %reduce_sum3A_405[15] : i32 from vector<16xi32>
        %add3A_407 = arith.addi %add3A_367, %reduce_sum3A_406 : i32
        scf.yield %add3A_407, %add3A_390, %max3A_402 : i32, i32, i32
      }
      %scan3A_120 = arith.constant 16 : i32
      %shift_left3A_121 = arith.constant 8 : i32
      %shift_left3A_122 = arith.shli %or3A_67, %shift_left3A_121 : i32
      %or3A_123 = arith.ori %shift_left3A_122, %scan3A_119#1 : i32
      %sub3A_124 = arith.subi %sub3A_69, %scan3A_119#2 : i32
      %broadcast_in_dim3A_125 = arith.constant 1 : i32
      %broadcast_in_dim3A_126 = vector.broadcast %broadcast_in_dim3A_125 : i32 to vector<16xi32>
      %broadcast_in_dim3A_127 = arith.constant 0 : i32
      %broadcast_in_dim3A_128 = vector.broadcast %broadcast_in_dim3A_127 : i32 to vector<16xi32>
      %scan3A_129 = arith.constant 0 : i32
      %scan3A_130 = arith.constant 0 : i32
      %scan3A_131 = arith.constant 16 : i32
      %scan3A_132 = arith.addi %scan3A_130, %scan3A_131 : i32
      %scan3A_133 = arith.constant 1 : i32
      scf.for %scan3A_253 = %scan3A_130 to %scan3A_132 step %scan3A_133  : i32 {
        %mul3A_254 = arith.constant 16 : i32
        %mul3A_255 = arith.muli %scan3A_253, %mul3A_254 : i32
        %swap3A_256 = arith.index_cast %mul3A_255 : i32 to index
        %swap3A_257 = tpu.vector_load %arg5[%swap3A_256] {strides = array<i32>} : memref<256xi32, #tpu.memory_space<vmem>>, vector<16xi32>,
        tpu.vector_store %arg5[%swap3A_256], %broadcast_in_dim3A_128 {strides = array<i32>} : memref<256xi32, #tpu.memory_space<vmem>>, vector<16xi32>,
        %mul3A_258 = arith.constant 16 : i32
        %mul3A_259 = arith.muli %scan3A_253, %mul3A_258 : i32
        %swap3A_260 = arith.index_cast %mul3A_259 : i32 to index
        %swap3A_261 = tpu.vector_load %arg6[%swap3A_260] {strides = array<i32>} : memref<256xi32, #tpu.memory_space<vmem>>, vector<16xi32>,
        tpu.vector_store %arg6[%swap3A_260], %broadcast_in_dim3A_128 {strides = array<i32>} : memref<256xi32, #tpu.memory_space<vmem>>, vector<16xi32>,
        %mul3A_262 = arith.constant 16 : i32
        %mul3A_263 = arith.muli %scan3A_253, %mul3A_262 : i32
        %swap3A_264 = arith.index_cast %mul3A_263 : i32 to index
        %swap3A_265 = tpu.vector_load %arg7[%swap3A_264] {strides = array<i32>} : memref<256xi32, #tpu.memory_space<vmem>>, vector<16xi32>,
        tpu.vector_store %arg7[%swap3A_264], %broadcast_in_dim3A_128 {strides = array<i32>} : memref<256xi32, #tpu.memory_space<vmem>>, vector<16xi32>,
      }
      %scan3A_134 = arith.constant 16 : i32
      %scan3A_135 = arith.constant 0 : i32
      %scan3A_136 = arith.constant 0 : i32
      %scan3A_137 = arith.constant 256 : i32
      %scan3A_138 = arith.addi %scan3A_136, %scan3A_137 : i32
      %scan3A_139 = arith.constant 8 : i32
      scf.for %scan3A_253 = %scan3A_136 to %scan3A_138 step %scan3A_139  : i32 {
        %mul3A_254 = arith.constant 16 : i32
        %mul3A_255 = arith.muli %scan3A_253, %mul3A_254 : i32
        %get3A = arith.index_cast %mul3A_255 : i32 to index
        %get3A_256 = tpu.vector_load %arg4[%get3A] {strides = array<i32>} : memref<4096xi32, #tpu.memory_space<vmem>>, vector<16xi32>,
        %shift_right_logical3A = arith.constant 7 : i32
        %shift_right_logical3A_257 = vector.broadcast %shift_right_logical3A : i32 to vector<16xi32>
        %shift_right_logical3A_258 = arith.shrui %get3A_256, %shift_right_logical3A_257 : vector<16xi32>
        %and3A = arith.constant 255 : i32
        %and3A_259 = vector.broadcast %and3A : i32 to vector<16xi32>
        %and3A_260 = arith.andi %shift_right_logical3A_258, %and3A_259 : vector<16xi32>
        %shift_right_logical3A_261 = arith.constant 15 : i32
        %shift_right_logical3A_262 = vector.broadcast %shift_right_logical3A_261 : i32 to vector<16xi32>
        %shift_right_logical3A_263 = arith.shrui %get3A_256, %shift_right_logical3A_262 : vector<16xi32>
        %eq3A_264 = vector.broadcast %or3A_97 : i32 to vector<16xi32>
        %eq3A_265 = arith.cmpi eq, %shift_right_logical3A_263, %eq3A_264 : vector<16xi32>
        tpu.vector_store_idx %arg5[%and3A_260], %broadcast_in_dim3A_126 masked %eq3A_265 {add = true} : memref<256xi32, #tpu.memory_space<vmem>>[vector<16xi32>], vector<16xi32>, vector<16xi1>
        %eq3A_266 = vector.broadcast %or3A_110 : i32 to vector<16xi32>
        %eq3A_267 = arith.cmpi eq, %shift_right_logical3A_263, %eq3A_266 : vector<16xi32>
        tpu.vector_store_idx %arg6[%and3A_260], %broadcast_in_dim3A_126 masked %eq3A_267 {add = true} : memref<256xi32, #tpu.memory_space<vmem>>[vector<16xi32>], vector<16xi32>, vector<16xi1>
        %eq3A_268 = vector.broadcast %or3A_123 : i32 to vector<16xi32>
        %eq3A_269 = arith.cmpi eq, %shift_right_logical3A_263, %eq3A_268 : vector<16xi32>
        tpu.vector_store_idx %arg7[%and3A_260], %broadcast_in_dim3A_126 masked %eq3A_269 {add = true} : memref<256xi32, #tpu.memory_space<vmem>>[vector<16xi32>], vector<16xi32>, vector<16xi1>
        %scan3A_270 = arith.constant 1 : i32
        %scan3A_271 = arith.addi %scan3A_253, %scan3A_270 : i32
        %mul3A_272 = arith.constant 16 : i32
        %mul3A_273 = arith.muli %scan3A_271, %mul3A_272 : i32
        %get3A_274 = arith.index_cast %mul3A_273 : i32 to index
        %get3A_275 = tpu.vector_load %arg4[%get3A_274] {strides = array<i32>} : memref<4096xi32, #tpu.memory_space<vmem>>, vector<16xi32>,
        %shift_right_logical3A_276 = arith.constant 7 : i32
        %shift_right_logical3A_277 = vector.broadcast %shift_right_logical3A_276 : i32 to vector<16xi32>
        %shift_right_logical3A_278 = arith.shrui %get3A_275, %shift_right_logical3A_277 : vector<16xi32>
        %and3A_279 = arith.constant 255 : i32
        %and3A_280 = vector.broadcast %and3A_279 : i32 to vector<16xi32>
        %and3A_281 = arith.andi %shift_right_logical3A_278, %and3A_280 : vector<16xi32>
        %shift_right_logical3A_282 = arith.constant 15 : i32
        %shift_right_logical3A_283 = vector.broadcast %shift_right_logical3A_282 : i32 to vector<16xi32>
        %shift_right_logical3A_284 = arith.shrui %get3A_275, %shift_right_logical3A_283 : vector<16xi32>
        %eq3A_285 = vector.broadcast %or3A_97 : i32 to vector<16xi32>
        %eq3A_286 = arith.cmpi eq, %shift_right_logical3A_284, %eq3A_285 : vector<16xi32>
        tpu.vector_store_idx %arg5[%and3A_281], %broadcast_in_dim3A_126 masked %eq3A_286 {add = true} : memref<256xi32, #tpu.memory_space<vmem>>[vector<16xi32>], vector<16xi32>, vector<16xi1>
        %eq3A_287 = vector.broadcast %or3A_110 : i32 to vector<16xi32>
        %eq3A_288 = arith.cmpi eq, %shift_right_logical3A_284, %eq3A_287 : vector<16xi32>
        tpu.vector_store_idx %arg6[%and3A_281], %broadcast_in_dim3A_126 masked %eq3A_288 {add = true} : memref<256xi32, #tpu.memory_space<vmem>>[vector<16xi32>], vector<16xi32>, vector<16xi1>
        %eq3A_289 = vector.broadcast %or3A_123 : i32 to vector<16xi32>
        %eq3A_290 = arith.cmpi eq, %shift_right_logical3A_284, %eq3A_289 : vector<16xi32>
        tpu.vector_store_idx %arg7[%and3A_281], %broadcast_in_dim3A_126 masked %eq3A_290 {add = true} : memref<256xi32, #tpu.memory_space<vmem>>[vector<16xi32>], vector<16xi32>, vector<16xi1>
        %scan3A_291 = arith.constant 2 : i32
        %scan3A_292 = arith.addi %scan3A_253, %scan3A_291 : i32
        %mul3A_293 = arith.constant 16 : i32
        %mul3A_294 = arith.muli %scan3A_292, %mul3A_293 : i32
        %get3A_295 = arith.index_cast %mul3A_294 : i32 to index
        %get3A_296 = tpu.vector_load %arg4[%get3A_295] {strides = array<i32>} : memref<4096xi32, #tpu.memory_space<vmem>>, vector<16xi32>,
        %shift_right_logical3A_297 = arith.constant 7 : i32
        %shift_right_logical3A_298 = vector.broadcast %shift_right_logical3A_297 : i32 to vector<16xi32>
        %shift_right_logical3A_299 = arith.shrui %get3A_296, %shift_right_logical3A_298 : vector<16xi32>
        %and3A_300 = arith.constant 255 : i32
        %and3A_301 = vector.broadcast %and3A_300 : i32 to vector<16xi32>
        %and3A_302 = arith.andi %shift_right_logical3A_299, %and3A_301 : vector<16xi32>
        %shift_right_logical3A_303 = arith.constant 15 : i32
        %shift_right_logical3A_304 = vector.broadcast %shift_right_logical3A_303 : i32 to vector<16xi32>
        %shift_right_logical3A_305 = arith.shrui %get3A_296, %shift_right_logical3A_304 : vector<16xi32>
        %eq3A_306 = vector.broadcast %or3A_97 : i32 to vector<16xi32>
        %eq3A_307 = arith.cmpi eq, %shift_right_logical3A_305, %eq3A_306 : vector<16xi32>
        tpu.vector_store_idx %arg5[%and3A_302], %broadcast_in_dim3A_126 masked %eq3A_307 {add = true} : memref<256xi32, #tpu.memory_space<vmem>>[vector<16xi32>], vector<16xi32>, vector<16xi1>
        %eq3A_308 = vector.broadcast %or3A_110 : i32 to vector<16xi32>
        %eq3A_309 = arith.cmpi eq, %shift_right_logical3A_305, %eq3A_308 : vector<16xi32>
        tpu.vector_store_idx %arg6[%and3A_302], %broadcast_in_dim3A_126 masked %eq3A_309 {add = true} : memref<256xi32, #tpu.memory_space<vmem>>[vector<16xi32>], vector<16xi32>, vector<16xi1>
        %eq3A_310 = vector.broadcast %or3A_123 : i32 to vector<16xi32>
        %eq3A_311 = arith.cmpi eq, %shift_right_logical3A_305, %eq3A_310 : vector<16xi32>
        tpu.vector_store_idx %arg7[%and3A_302], %broadcast_in_dim3A_126 masked %eq3A_311 {add = true} : memref<256xi32, #tpu.memory_space<vmem>>[vector<16xi32>], vector<16xi32>, vector<16xi1>
        %scan3A_312 = arith.constant 3 : i32
        %scan3A_313 = arith.addi %scan3A_253, %scan3A_312 : i32
        %mul3A_314 = arith.constant 16 : i32
        %mul3A_315 = arith.muli %scan3A_313, %mul3A_314 : i32
        %get3A_316 = arith.index_cast %mul3A_315 : i32 to index
        %get3A_317 = tpu.vector_load %arg4[%get3A_316] {strides = array<i32>} : memref<4096xi32, #tpu.memory_space<vmem>>, vector<16xi32>,
        %shift_right_logical3A_318 = arith.constant 7 : i32
        %shift_right_logical3A_319 = vector.broadcast %shift_right_logical3A_318 : i32 to vector<16xi32>
        %shift_right_logical3A_320 = arith.shrui %get3A_317, %shift_right_logical3A_319 : vector<16xi32>
        %and3A_321 = arith.constant 255 : i32
        %and3A_322 = vector.broadcast %and3A_321 : i32 to vector<16xi32>
        %and3A_323 = arith.andi %shift_right_logical3A_320, %and3A_322 : vector<16xi32>
        %shift_right_logical3A_324 = arith.constant 15 : i32
        %shift_right_logical3A_325 = vector.broadcast %shift_right_logical3A_324 : i32 to vector<16xi32>
        %shift_right_logical3A_326 = arith.shrui %get3A_317, %shift_right_logical3A_325 : vector<16xi32>
        %eq3A_327 = vector.broadcast %or3A_97 : i32 to vector<16xi32>
        %eq3A_328 = arith.cmpi eq, %shift_right_logical3A_326, %eq3A_327 : vector<16xi32>
        tpu.vector_store_idx %arg5[%and3A_323], %broadcast_in_dim3A_126 masked %eq3A_328 {add = true} : memref<256xi32, #tpu.memory_space<vmem>>[vector<16xi32>], vector<16xi32>, vector<16xi1>
        %eq3A_329 = vector.broadcast %or3A_110 : i32 to vector<16xi32>
        %eq3A_330 = arith.cmpi eq, %shift_right_logical3A_326, %eq3A_329 : vector<16xi32>
        tpu.vector_store_idx %arg6[%and3A_323], %broadcast_in_dim3A_126 masked %eq3A_330 {add = true} : memref<256xi32, #tpu.memory_space<vmem>>[vector<16xi32>], vector<16xi32>, vector<16xi1>
        %eq3A_331 = vector.broadcast %or3A_123 : i32 to vector<16xi32>
        %eq3A_332 = arith.cmpi eq, %shift_right_logical3A_326, %eq3A_331 : vector<16xi32>
        tpu.vector_store_idx %arg7[%and3A_323], %broadcast_in_dim3A_126 masked %eq3A_332 {add = true} : memref<256xi32, #tpu.memory_space<vmem>>[vector<16xi32>], vector<16xi32>, vector<16xi1>
        %scan3A_333 = arith.constant 4 : i32
        %scan3A_334 = arith.addi %scan3A_253, %scan3A_333 : i32
        %mul3A_335 = arith.constant 16 : i32
        %mul3A_336 = arith.muli %scan3A_334, %mul3A_335 : i32
        %get3A_337 = arith.index_cast %mul3A_336 : i32 to index
        %get3A_338 = tpu.vector_load %arg4[%get3A_337] {strides = array<i32>} : memref<4096xi32, #tpu.memory_space<vmem>>, vector<16xi32>,
        %shift_right_logical3A_339 = arith.constant 7 : i32
        %shift_right_logical3A_340 = vector.broadcast %shift_right_logical3A_339 : i32 to vector<16xi32>
        %shift_right_logical3A_341 = arith.shrui %get3A_338, %shift_right_logical3A_340 : vector<16xi32>
        %and3A_342 = arith.constant 255 : i32
        %and3A_343 = vector.broadcast %and3A_342 : i32 to vector<16xi32>
        %and3A_344 = arith.andi %shift_right_logical3A_341, %and3A_343 : vector<16xi32>
        %shift_right_logical3A_345 = arith.constant 15 : i32
        %shift_right_logical3A_346 = vector.broadcast %shift_right_logical3A_345 : i32 to vector<16xi32>
        %shift_right_logical3A_347 = arith.shrui %get3A_338, %shift_right_logical3A_346 : vector<16xi32>
        %eq3A_348 = vector.broadcast %or3A_97 : i32 to vector<16xi32>
        %eq3A_349 = arith.cmpi eq, %shift_right_logical3A_347, %eq3A_348 : vector<16xi32>
        tpu.vector_store_idx %arg5[%and3A_344], %broadcast_in_dim3A_126 masked %eq3A_349 {add = true} : memref<256xi32, #tpu.memory_space<vmem>>[vector<16xi32>], vector<16xi32>, vector<16xi1>
        %eq3A_350 = vector.broadcast %or3A_110 : i32 to vector<16xi32>
        %eq3A_351 = arith.cmpi eq, %shift_right_logical3A_347, %eq3A_350 : vector<16xi32>
        tpu.vector_store_idx %arg6[%and3A_344], %broadcast_in_dim3A_126 masked %eq3A_351 {add = true} : memref<256xi32, #tpu.memory_space<vmem>>[vector<16xi32>], vector<16xi32>, vector<16xi1>
        %eq3A_352 = vector.broadcast %or3A_123 : i32 to vector<16xi32>
        %eq3A_353 = arith.cmpi eq, %shift_right_logical3A_347, %eq3A_352 : vector<16xi32>
        tpu.vector_store_idx %arg7[%and3A_344], %broadcast_in_dim3A_126 masked %eq3A_353 {add = true} : memref<256xi32, #tpu.memory_space<vmem>>[vector<16xi32>], vector<16xi32>, vector<16xi1>
        %scan3A_354 = arith.constant 5 : i32
        %scan3A_355 = arith.addi %scan3A_253, %scan3A_354 : i32
        %mul3A_356 = arith.constant 16 : i32
        %mul3A_357 = arith.muli %scan3A_355, %mul3A_356 : i32
        %get3A_358 = arith.index_cast %mul3A_357 : i32 to index
        %get3A_359 = tpu.vector_load %arg4[%get3A_358] {strides = array<i32>} : memref<4096xi32, #tpu.memory_space<vmem>>, vector<16xi32>,
        %shift_right_logical3A_360 = arith.constant 7 : i32
        %shift_right_logical3A_361 = vector.broadcast %shift_right_logical3A_360 : i32 to vector<16xi32>
        %shift_right_logical3A_362 = arith.shrui %get3A_359, %shift_right_logical3A_361 : vector<16xi32>
        %and3A_363 = arith.constant 255 : i32
        %and3A_364 = vector.broadcast %and3A_363 : i32 to vector<16xi32>
        %and3A_365 = arith.andi %shift_right_logical3A_362, %and3A_364 : vector<16xi32>
        %shift_right_logical3A_366 = arith.constant 15 : i32
        %shift_right_logical3A_367 = vector.broadcast %shift_right_logical3A_366 : i32 to vector<16xi32>
        %shift_right_logical3A_368 = arith.shrui %get3A_359, %shift_right_logical3A_367 : vector<16xi32>
        %eq3A_369 = vector.broadcast %or3A_97 : i32 to vector<16xi32>
        %eq3A_370 = arith.cmpi eq, %shift_right_logical3A_368, %eq3A_369 : vector<16xi32>
        tpu.vector_store_idx %arg5[%and3A_365], %broadcast_in_dim3A_126 masked %eq3A_370 {add = true} : memref<256xi32, #tpu.memory_space<vmem>>[vector<16xi32>], vector<16xi32>, vector<16xi1>
        %eq3A_371 = vector.broadcast %or3A_110 : i32 to vector<16xi32>
        %eq3A_372 = arith.cmpi eq, %shift_right_logical3A_368, %eq3A_371 : vector<16xi32>
        tpu.vector_store_idx %arg6[%and3A_365], %broadcast_in_dim3A_126 masked %eq3A_372 {add = true} : memref<256xi32, #tpu.memory_space<vmem>>[vector<16xi32>], vector<16xi32>, vector<16xi1>
        %eq3A_373 = vector.broadcast %or3A_123 : i32 to vector<16xi32>
        %eq3A_374 = arith.cmpi eq, %shift_right_logical3A_368, %eq3A_373 : vector<16xi32>
        tpu.vector_store_idx %arg7[%and3A_365], %broadcast_in_dim3A_126 masked %eq3A_374 {add = true} : memref<256xi32, #tpu.memory_space<vmem>>[vector<16xi32>], vector<16xi32>, vector<16xi1>
        %scan3A_375 = arith.constant 6 : i32
        %scan3A_376 = arith.addi %scan3A_253, %scan3A_375 : i32
        %mul3A_377 = arith.constant 16 : i32
        %mul3A_378 = arith.muli %scan3A_376, %mul3A_377 : i32
        %get3A_379 = arith.index_cast %mul3A_378 : i32 to index
        %get3A_380 = tpu.vector_load %arg4[%get3A_379] {strides = array<i32>} : memref<4096xi32, #tpu.memory_space<vmem>>, vector<16xi32>,
        %shift_right_logical3A_381 = arith.constant 7 : i32
        %shift_right_logical3A_382 = vector.broadcast %shift_right_logical3A_381 : i32 to vector<16xi32>
        %shift_right_logical3A_383 = arith.shrui %get3A_380, %shift_right_logical3A_382 : vector<16xi32>
        %and3A_384 = arith.constant 255 : i32
        %and3A_385 = vector.broadcast %and3A_384 : i32 to vector<16xi32>
        %and3A_386 = arith.andi %shift_right_logical3A_383, %and3A_385 : vector<16xi32>
        %shift_right_logical3A_387 = arith.constant 15 : i32
        %shift_right_logical3A_388 = vector.broadcast %shift_right_logical3A_387 : i32 to vector<16xi32>
        %shift_right_logical3A_389 = arith.shrui %get3A_380, %shift_right_logical3A_388 : vector<16xi32>
        %eq3A_390 = vector.broadcast %or3A_97 : i32 to vector<16xi32>
        %eq3A_391 = arith.cmpi eq, %shift_right_logical3A_389, %eq3A_390 : vector<16xi32>
        tpu.vector_store_idx %arg5[%and3A_386], %broadcast_in_dim3A_126 masked %eq3A_391 {add = true} : memref<256xi32, #tpu.memory_space<vmem>>[vector<16xi32>], vector<16xi32>, vector<16xi1>
        %eq3A_392 = vector.broadcast %or3A_110 : i32 to vector<16xi32>
        %eq3A_393 = arith.cmpi eq, %shift_right_logical3A_389, %eq3A_392 : vector<16xi32>
        tpu.vector_store_idx %arg6[%and3A_386], %broadcast_in_dim3A_126 masked %eq3A_393 {add = true} : memref<256xi32, #tpu.memory_space<vmem>>[vector<16xi32>], vector<16xi32>, vector<16xi1>
        %eq3A_394 = vector.broadcast %or3A_123 : i32 to vector<16xi32>
        %eq3A_395 = arith.cmpi eq, %shift_right_logical3A_389, %eq3A_394 : vector<16xi32>
        tpu.vector_store_idx %arg7[%and3A_386], %broadcast_in_dim3A_126 masked %eq3A_395 {add = true} : memref<256xi32, #tpu.memory_space<vmem>>[vector<16xi32>], vector<16xi32>, vector<16xi1>
        %scan3A_396 = arith.constant 7 : i32
        %scan3A_397 = arith.addi %scan3A_253, %scan3A_396 : i32
        %mul3A_398 = arith.constant 16 : i32
        %mul3A_399 = arith.muli %scan3A_397, %mul3A_398 : i32
        %get3A_400 = arith.index_cast %mul3A_399 : i32 to index
        %get3A_401 = tpu.vector_load %arg4[%get3A_400] {strides = array<i32>} : memref<4096xi32, #tpu.memory_space<vmem>>, vector<16xi32>,
        %shift_right_logical3A_402 = arith.constant 7 : i32
        %shift_right_logical3A_403 = vector.broadcast %shift_right_logical3A_402 : i32 to vector<16xi32>
        %shift_right_logical3A_404 = arith.shrui %get3A_401, %shift_right_logical3A_403 : vector<16xi32>
        %and3A_405 = arith.constant 255 : i32
        %and3A_406 = vector.broadcast %and3A_405 : i32 to vector<16xi32>
        %and3A_407 = arith.andi %shift_right_logical3A_404, %and3A_406 : vector<16xi32>
        %shift_right_logical3A_408 = arith.constant 15 : i32
        %shift_right_logical3A_409 = vector.broadcast %shift_right_logical3A_408 : i32 to vector<16xi32>
        %shift_right_logical3A_410 = arith.shrui %get3A_401, %shift_right_logical3A_409 : vector<16xi32>
        %eq3A_411 = vector.broadcast %or3A_97 : i32 to vector<16xi32>
        %eq3A_412 = arith.cmpi eq, %shift_right_logical3A_410, %eq3A_411 : vector<16xi32>
        tpu.vector_store_idx %arg5[%and3A_407], %broadcast_in_dim3A_126 masked %eq3A_412 {add = true} : memref<256xi32, #tpu.memory_space<vmem>>[vector<16xi32>], vector<16xi32>, vector<16xi1>
        %eq3A_413 = vector.broadcast %or3A_110 : i32 to vector<16xi32>
        %eq3A_414 = arith.cmpi eq, %shift_right_logical3A_410, %eq3A_413 : vector<16xi32>
        tpu.vector_store_idx %arg6[%and3A_407], %broadcast_in_dim3A_126 masked %eq3A_414 {add = true} : memref<256xi32, #tpu.memory_space<vmem>>[vector<16xi32>], vector<16xi32>, vector<16xi1>
        %eq3A_415 = vector.broadcast %or3A_123 : i32 to vector<16xi32>
        %eq3A_416 = arith.cmpi eq, %shift_right_logical3A_410, %eq3A_415 : vector<16xi32>
        tpu.vector_store_idx %arg7[%and3A_407], %broadcast_in_dim3A_126 masked %eq3A_416 {add = true} : memref<256xi32, #tpu.memory_space<vmem>>[vector<16xi32>], vector<16xi32>, vector<16xi1>
      }
      %scan3A_140 = arith.constant 256 : i32
      %scan3A_141 = arith.constant 0 : i32
      %scan3A_142 = arith.constant 0 : i32
      %scan3A_143 = arith.constant 0 : i32
      %scan3A_144 = arith.constant 0 : i32
      %scan3A_145 = arith.constant 16 : i32
      %scan3A_146 = arith.addi %scan3A_144, %scan3A_145 : i32
      %scan3A_147 = arith.constant 4 : i32
      %scan3A_148:3 = scf.for %scan3A_253 = %scan3A_144 to %scan3A_146 step %scan3A_147 iter_args(%scan3A_254 = %scan3A_141, %scan3A_255 = %scan3A_142, %scan3A_256 = %scan3A_143) -> (i32, i32, i32)  : i32 {
        %mul3A_257 = arith.constant 16 : i32
        %mul3A_258 = arith.muli %scan3A_253, %mul3A_257 : i32
        %get3A = arith.index_cast %mul3A_258 : i32 to index
        %get3A_259 = tpu.vector_load %arg5[%get3A] {strides = array<i32>} : memref<256xi32, #tpu.memory_space<vmem>>, vector<16xi32>,
        %broadcast_in_dim3A_260 = arith.constant true
        %broadcast_in_dim3A_261 = vector.broadcast %broadcast_in_dim3A_260 : i1 to vector<16xi1>
        %masked_cumsum3A = tpu.scan <sum>, %get3A_259 masked %broadcast_in_dim3A_261 : vector<16xi32>, vector<16xi1> -> vector<16xi32>
        %add3A_262 = vector.broadcast %scan3A_254 : i32 to vector<16xi32>
        %add3A_263 = arith.addi %masked_cumsum3A, %add3A_262 : vector<16xi32>
        %lt3A = vector.broadcast %sub3A_98 : i32 to vector<16xi32>
        %lt3A_264 = arith.cmpi slt, %add3A_263, %lt3A : vector<16xi32>
        %jit3A = arith.constant 1 : i32
        %jit3A_265 = arith.constant 0 : i32
        %broadcast_in_dim3A_266 = vector.broadcast %jit3A : i32 to vector<16xi32>
        %broadcast_in_dim3A_267 = vector.broadcast %jit3A_265 : i32 to vector<16xi32>
        %select_n3A_268 = arith.select %lt3A_264, %broadcast_in_dim3A_266, %broadcast_in_dim3A_267 : vector<16xi1>, vector<16xi32>
        %reduce_sum3A = arith.constant true
        %reduce_sum3A_269 = vector.broadcast %reduce_sum3A : i1 to vector<16xi1>
        %reduce_sum3A_270 = tpu.scan <sum>, %select_n3A_268 masked %reduce_sum3A_269 : vector<16xi32>, vector<16xi1> -> vector<16xi32>
        %reduce_sum3A_271 = vector.extract %reduce_sum3A_270[15] : i32 from vector<16xi32>
        %add3A_272 = arith.addi %scan3A_255, %reduce_sum3A_271 : i32
        %jit3A_273 = arith.constant 0 : i32
        %broadcast_in_dim3A_274 = vector.broadcast %jit3A_273 : i32 to vector<16xi32>
        %select_n3A_275 = arith.select %lt3A_264, %add3A_263, %broadcast_in_dim3A_274 : vector<16xi1>, vector<16xi32>
        %reduce_max3A = arith.constant true
        %reduce_max3A_276 = vector.broadcast %reduce_max3A : i1 to vector<16xi1>
        %reduce_max3A_277 = arith.constant -2147483648 : i32
        %reduce_max3A_278 = vector.broadcast %reduce_max3A_277 : i32 to vector<16xi32>
        %reduce_max3A_279 = arith.xori %select_n3A_275, %reduce_max3A_278 : vector<16xi32>
        %reduce_max3A_280 = tpu.scan <max>, %reduce_max3A_279 masked %reduce_max3A_276 : vector<16xi32>, vector<16xi1> -> vector<16xi32>
        %reduce_max3A_281 = arith.xori %reduce_max3A_280, %reduce_max3A_278 : vector<16xi32>
        %reduce_max3A_282 = vector.extract %reduce_max3A_281[15] : i32 from vector<16xi32>
        %max3A = arith.maxsi %scan3A_256, %reduce_max3A_282 : i32
        %reduce_sum3A_283 = arith.constant true
        %reduce_sum3A_284 = vector.broadcast %reduce_sum3A_283 : i1 to vector<16xi1>
        %reduce_sum3A_285 = tpu.scan <sum>, %get3A_259 masked %reduce_sum3A_284 : vector<16xi32>, vector<16xi1> -> vector<16xi32>
        %reduce_sum3A_286 = vector.extract %reduce_sum3A_285[15] : i32 from vector<16xi32>
        %add3A_287 = arith.addi %scan3A_254, %reduce_sum3A_286 : i32
        %scan3A_288 = arith.constant 1 : i32
        %scan3A_289 = arith.addi %scan3A_253, %scan3A_288 : i32
        %mul3A_290 = arith.constant 16 : i32
        %mul3A_291 = arith.muli %scan3A_289, %mul3A_290 : i32
        %get3A_292 = arith.index_cast %mul3A_291 : i32 to index
        %get3A_293 = tpu.vector_load %arg5[%get3A_292] {strides = array<i32>} : memref<256xi32, #tpu.memory_space<vmem>>, vector<16xi32>,
        %broadcast_in_dim3A_294 = arith.constant true
        %broadcast_in_dim3A_295 = vector.broadcast %broadcast_in_dim3A_294 : i1 to vector<16xi1>
        %masked_cumsum3A_296 = tpu.scan <sum>, %get3A_293 masked %broadcast_in_dim3A_295 : vector<16xi32>, vector<16xi1> -> vector<16xi32>
        %add3A_297 = vector.broadcast %add3A_287 : i32 to vector<16xi32>
        %add3A_298 = arith.addi %masked_cumsum3A_296, %add3A_297 : vector<16xi32>
        %lt3A_299 = vector.broadcast %sub3A_98 : i32 to vector<16xi32>
        %lt3A_300 = arith.cmpi slt, %add3A_298, %lt3A_299 : vector<16xi32>
        %jit3A_301 = arith.constant 1 : i32
        %jit3A_302 = arith.constant 0 : i32
        %broadcast_in_dim3A_303 = vector.broadcast %jit3A_301 : i32 to vector<16xi32>
        %broadcast_in_dim3A_304 = vector.broadcast %jit3A_302 : i32 to vector<16xi32>
        %select_n3A_305 = arith.select %lt3A_300, %broadcast_in_dim3A_303, %broadcast_in_dim3A_304 : vector<16xi1>, vector<16xi32>
        %reduce_sum3A_306 = arith.constant true
        %reduce_sum3A_307 = vector.broadcast %reduce_sum3A_306 : i1 to vector<16xi1>
        %reduce_sum3A_308 = tpu.scan <sum>, %select_n3A_305 masked %reduce_sum3A_307 : vector<16xi32>, vector<16xi1> -> vector<16xi32>
        %reduce_sum3A_309 = vector.extract %reduce_sum3A_308[15] : i32 from vector<16xi32>
        %add3A_310 = arith.addi %add3A_272, %reduce_sum3A_309 : i32
        %jit3A_311 = arith.constant 0 : i32
        %broadcast_in_dim3A_312 = vector.broadcast %jit3A_311 : i32 to vector<16xi32>
        %select_n3A_313 = arith.select %lt3A_300, %add3A_298, %broadcast_in_dim3A_312 : vector<16xi1>, vector<16xi32>
        %reduce_max3A_314 = arith.constant true
        %reduce_max3A_315 = vector.broadcast %reduce_max3A_314 : i1 to vector<16xi1>
        %reduce_max3A_316 = arith.constant -2147483648 : i32
        %reduce_max3A_317 = vector.broadcast %reduce_max3A_316 : i32 to vector<16xi32>
        %reduce_max3A_318 = arith.xori %select_n3A_313, %reduce_max3A_317 : vector<16xi32>
        %reduce_max3A_319 = tpu.scan <max>, %reduce_max3A_318 masked %reduce_max3A_315 : vector<16xi32>, vector<16xi1> -> vector<16xi32>
        %reduce_max3A_320 = arith.xori %reduce_max3A_319, %reduce_max3A_317 : vector<16xi32>
        %reduce_max3A_321 = vector.extract %reduce_max3A_320[15] : i32 from vector<16xi32>
        %max3A_322 = arith.maxsi %max3A, %reduce_max3A_321 : i32
        %reduce_sum3A_323 = arith.constant true
        %reduce_sum3A_324 = vector.broadcast %reduce_sum3A_323 : i1 to vector<16xi1>
        %reduce_sum3A_325 = tpu.scan <sum>, %get3A_293 masked %reduce_sum3A_324 : vector<16xi32>, vector<16xi1> -> vector<16xi32>
        %reduce_sum3A_326 = vector.extract %reduce_sum3A_325[15] : i32 from vector<16xi32>
        %add3A_327 = arith.addi %add3A_287, %reduce_sum3A_326 : i32
        %scan3A_328 = arith.constant 2 : i32
        %scan3A_329 = arith.addi %scan3A_253, %scan3A_328 : i32
        %mul3A_330 = arith.constant 16 : i32
        %mul3A_331 = arith.muli %scan3A_329, %mul3A_330 : i32
        %get3A_332 = arith.index_cast %mul3A_331 : i32 to index
        %get3A_333 = tpu.vector_load %arg5[%get3A_332] {strides = array<i32>} : memref<256xi32, #tpu.memory_space<vmem>>, vector<16xi32>,
        %broadcast_in_dim3A_334 = arith.constant true
        %broadcast_in_dim3A_335 = vector.broadcast %broadcast_in_dim3A_334 : i1 to vector<16xi1>
        %masked_cumsum3A_336 = tpu.scan <sum>, %get3A_333 masked %broadcast_in_dim3A_335 : vector<16xi32>, vector<16xi1> -> vector<16xi32>
        %add3A_337 = vector.broadcast %add3A_327 : i32 to vector<16xi32>
        %add3A_338 = arith.addi %masked_cumsum3A_336, %add3A_337 : vector<16xi32>
        %lt3A_339 = vector.broadcast %sub3A_98 : i32 to vector<16xi32>
        %lt3A_340 = arith.cmpi slt, %add3A_338, %lt3A_339 : vector<16xi32>
        %jit3A_341 = arith.constant 1 : i32
        %jit3A_342 = arith.constant 0 : i32
        %broadcast_in_dim3A_343 = vector.broadcast %jit3A_341 : i32 to vector<16xi32>
        %broadcast_in_dim3A_344 = vector.broadcast %jit3A_342 : i32 to vector<16xi32>
        %select_n3A_345 = arith.select %lt3A_340, %broadcast_in_dim3A_343, %broadcast_in_dim3A_344 : vector<16xi1>, vector<16xi32>
        %reduce_sum3A_346 = arith.constant true
        %reduce_sum3A_347 = vector.broadcast %reduce_sum3A_346 : i1 to vector<16xi1>
        %reduce_sum3A_348 = tpu.scan <sum>, %select_n3A_345 masked %reduce_sum3A_347 : vector<16xi32>, vector<16xi1> -> vector<16xi32>
        %reduce_sum3A_349 = vector.extract %reduce_sum3A_348[15] : i32 from vector<16xi32>
        %add3A_350 = arith.addi %add3A_310, %reduce_sum3A_349 : i32
        %jit3A_351 = arith.constant 0 : i32
        %broadcast_in_dim3A_352 = vector.broadcast %jit3A_351 : i32 to vector<16xi32>
        %select_n3A_353 = arith.select %lt3A_340, %add3A_338, %broadcast_in_dim3A_352 : vector<16xi1>, vector<16xi32>
        %reduce_max3A_354 = arith.constant true
        %reduce_max3A_355 = vector.broadcast %reduce_max3A_354 : i1 to vector<16xi1>
        %reduce_max3A_356 = arith.constant -2147483648 : i32
        %reduce_max3A_357 = vector.broadcast %reduce_max3A_356 : i32 to vector<16xi32>
        %reduce_max3A_358 = arith.xori %select_n3A_353, %reduce_max3A_357 : vector<16xi32>
        %reduce_max3A_359 = tpu.scan <max>, %reduce_max3A_358 masked %reduce_max3A_355 : vector<16xi32>, vector<16xi1> -> vector<16xi32>
        %reduce_max3A_360 = arith.xori %reduce_max3A_359, %reduce_max3A_357 : vector<16xi32>
        %reduce_max3A_361 = vector.extract %reduce_max3A_360[15] : i32 from vector<16xi32>
        %max3A_362 = arith.maxsi %max3A_322, %reduce_max3A_361 : i32
        %reduce_sum3A_363 = arith.constant true
        %reduce_sum3A_364 = vector.broadcast %reduce_sum3A_363 : i1 to vector<16xi1>
        %reduce_sum3A_365 = tpu.scan <sum>, %get3A_333 masked %reduce_sum3A_364 : vector<16xi32>, vector<16xi1> -> vector<16xi32>
        %reduce_sum3A_366 = vector.extract %reduce_sum3A_365[15] : i32 from vector<16xi32>
        %add3A_367 = arith.addi %add3A_327, %reduce_sum3A_366 : i32
        %scan3A_368 = arith.constant 3 : i32
        %scan3A_369 = arith.addi %scan3A_253, %scan3A_368 : i32
        %mul3A_370 = arith.constant 16 : i32
        %mul3A_371 = arith.muli %scan3A_369, %mul3A_370 : i32
        %get3A_372 = arith.index_cast %mul3A_371 : i32 to index
        %get3A_373 = tpu.vector_load %arg5[%get3A_372] {strides = array<i32>} : memref<256xi32, #tpu.memory_space<vmem>>, vector<16xi32>,
        %broadcast_in_dim3A_374 = arith.constant true
        %broadcast_in_dim3A_375 = vector.broadcast %broadcast_in_dim3A_374 : i1 to vector<16xi1>
        %masked_cumsum3A_376 = tpu.scan <sum>, %get3A_373 masked %broadcast_in_dim3A_375 : vector<16xi32>, vector<16xi1> -> vector<16xi32>
        %add3A_377 = vector.broadcast %add3A_367 : i32 to vector<16xi32>
        %add3A_378 = arith.addi %masked_cumsum3A_376, %add3A_377 : vector<16xi32>
        %lt3A_379 = vector.broadcast %sub3A_98 : i32 to vector<16xi32>
        %lt3A_380 = arith.cmpi slt, %add3A_378, %lt3A_379 : vector<16xi32>
        %jit3A_381 = arith.constant 1 : i32
        %jit3A_382 = arith.constant 0 : i32
        %broadcast_in_dim3A_383 = vector.broadcast %jit3A_381 : i32 to vector<16xi32>
        %broadcast_in_dim3A_384 = vector.broadcast %jit3A_382 : i32 to vector<16xi32>
        %select_n3A_385 = arith.select %lt3A_380, %broadcast_in_dim3A_383, %broadcast_in_dim3A_384 : vector<16xi1>, vector<16xi32>
        %reduce_sum3A_386 = arith.constant true
        %reduce_sum3A_387 = vector.broadcast %reduce_sum3A_386 : i1 to vector<16xi1>
        %reduce_sum3A_388 = tpu.scan <sum>, %select_n3A_385 masked %reduce_sum3A_387 : vector<16xi32>, vector<16xi1> -> vector<16xi32>
        %reduce_sum3A_389 = vector.extract %reduce_sum3A_388[15] : i32 from vector<16xi32>
        %add3A_390 = arith.addi %add3A_350, %reduce_sum3A_389 : i32
        %jit3A_391 = arith.constant 0 : i32
        %broadcast_in_dim3A_392 = vector.broadcast %jit3A_391 : i32 to vector<16xi32>
        %select_n3A_393 = arith.select %lt3A_380, %add3A_378, %broadcast_in_dim3A_392 : vector<16xi1>, vector<16xi32>
        %reduce_max3A_394 = arith.constant true
        %reduce_max3A_395 = vector.broadcast %reduce_max3A_394 : i1 to vector<16xi1>
        %reduce_max3A_396 = arith.constant -2147483648 : i32
        %reduce_max3A_397 = vector.broadcast %reduce_max3A_396 : i32 to vector<16xi32>
        %reduce_max3A_398 = arith.xori %select_n3A_393, %reduce_max3A_397 : vector<16xi32>
        %reduce_max3A_399 = tpu.scan <max>, %reduce_max3A_398 masked %reduce_max3A_395 : vector<16xi32>, vector<16xi1> -> vector<16xi32>
        %reduce_max3A_400 = arith.xori %reduce_max3A_399, %reduce_max3A_397 : vector<16xi32>
        %reduce_max3A_401 = vector.extract %reduce_max3A_400[15] : i32 from vector<16xi32>
        %max3A_402 = arith.maxsi %max3A_362, %reduce_max3A_401 : i32
        %reduce_sum3A_403 = arith.constant true
        %reduce_sum3A_404 = vector.broadcast %reduce_sum3A_403 : i1 to vector<16xi1>
        %reduce_sum3A_405 = tpu.scan <sum>, %get3A_373 masked %reduce_sum3A_404 : vector<16xi32>, vector<16xi1> -> vector<16xi32>
        %reduce_sum3A_406 = vector.extract %reduce_sum3A_405[15] : i32 from vector<16xi32>
        %add3A_407 = arith.addi %add3A_367, %reduce_sum3A_406 : i32
        scf.yield %add3A_407, %add3A_390, %max3A_402 : i32, i32, i32
      }
      %scan3A_149 = arith.constant 16 : i32
      %shift_left3A_150 = arith.constant 8 : i32
      %shift_left3A_151 = arith.shli %or3A_97, %shift_left3A_150 : i32
      %or3A_152 = arith.ori %shift_left3A_151, %scan3A_148#1 : i32
      %sub3A_153 = arith.subi %sub3A_98, %scan3A_148#2 : i32
      %scan3A_154 = arith.constant 0 : i32
      %scan3A_155 = arith.constant 0 : i32
      %scan3A_156 = arith.constant 0 : i32
      %scan3A_157 = arith.constant 0 : i32
      %scan3A_158 = arith.constant 16 : i32
      %scan3A_159 = arith.addi %scan3A_157, %scan3A_158 : i32
      %scan3A_160 = arith.constant 4 : i32
      %scan3A_161:3 = scf.for %scan3A_253 = %scan3A_157 to %scan3A_159 step %scan3A_160 iter_args(%scan3A_254 = %scan3A_154, %scan3A_255 = %scan3A_155, %scan3A_256 = %scan3A_156) -> (i32, i32, i32)  : i32 {
        %mul3A_257 = arith.constant 16 : i32
        %mul3A_258 = arith.muli %scan3A_253, %mul3A_257 : i32
        %get3A = arith.index_cast %mul3A_258 : i32 to index
        %get3A_259 = tpu.vector_load %arg6[%get3A] {strides = array<i32>} : memref<256xi32, #tpu.memory_space<vmem>>, vector<16xi32>,
        %broadcast_in_dim3A_260 = arith.constant true
        %broadcast_in_dim3A_261 = vector.broadcast %broadcast_in_dim3A_260 : i1 to vector<16xi1>
        %masked_cumsum3A = tpu.scan <sum>, %get3A_259 masked %broadcast_in_dim3A_261 : vector<16xi32>, vector<16xi1> -> vector<16xi32>
        %add3A_262 = vector.broadcast %scan3A_254 : i32 to vector<16xi32>
        %add3A_263 = arith.addi %masked_cumsum3A, %add3A_262 : vector<16xi32>
        %lt3A = vector.broadcast %sub3A_111 : i32 to vector<16xi32>
        %lt3A_264 = arith.cmpi slt, %add3A_263, %lt3A : vector<16xi32>
        %jit3A = arith.constant 1 : i32
        %jit3A_265 = arith.constant 0 : i32
        %broadcast_in_dim3A_266 = vector.broadcast %jit3A : i32 to vector<16xi32>
        %broadcast_in_dim3A_267 = vector.broadcast %jit3A_265 : i32 to vector<16xi32>
        %select_n3A_268 = arith.select %lt3A_264, %broadcast_in_dim3A_266, %broadcast_in_dim3A_267 : vector<16xi1>, vector<16xi32>
        %reduce_sum3A = arith.constant true
        %reduce_sum3A_269 = vector.broadcast %reduce_sum3A : i1 to vector<16xi1>
        %reduce_sum3A_270 = tpu.scan <sum>, %select_n3A_268 masked %reduce_sum3A_269 : vector<16xi32>, vector<16xi1> -> vector<16xi32>
        %reduce_sum3A_271 = vector.extract %reduce_sum3A_270[15] : i32 from vector<16xi32>
        %add3A_272 = arith.addi %scan3A_255, %reduce_sum3A_271 : i32
        %jit3A_273 = arith.constant 0 : i32
        %broadcast_in_dim3A_274 = vector.broadcast %jit3A_273 : i32 to vector<16xi32>
        %select_n3A_275 = arith.select %lt3A_264, %add3A_263, %broadcast_in_dim3A_274 : vector<16xi1>, vector<16xi32>
        %reduce_max3A = arith.constant true
        %reduce_max3A_276 = vector.broadcast %reduce_max3A : i1 to vector<16xi1>
        %reduce_max3A_277 = arith.constant -2147483648 : i32
        %reduce_max3A_278 = vector.broadcast %reduce_max3A_277 : i32 to vector<16xi32>
        %reduce_max3A_279 = arith.xori %select_n3A_275, %reduce_max3A_278 : vector<16xi32>
        %reduce_max3A_280 = tpu.scan <max>, %reduce_max3A_279 masked %reduce_max3A_276 : vector<16xi32>, vector<16xi1> -> vector<16xi32>
        %reduce_max3A_281 = arith.xori %reduce_max3A_280, %reduce_max3A_278 : vector<16xi32>
        %reduce_max3A_282 = vector.extract %reduce_max3A_281[15] : i32 from vector<16xi32>
        %max3A = arith.maxsi %scan3A_256, %reduce_max3A_282 : i32
        %reduce_sum3A_283 = arith.constant true
        %reduce_sum3A_284 = vector.broadcast %reduce_sum3A_283 : i1 to vector<16xi1>
        %reduce_sum3A_285 = tpu.scan <sum>, %get3A_259 masked %reduce_sum3A_284 : vector<16xi32>, vector<16xi1> -> vector<16xi32>
        %reduce_sum3A_286 = vector.extract %reduce_sum3A_285[15] : i32 from vector<16xi32>
        %add3A_287 = arith.addi %scan3A_254, %reduce_sum3A_286 : i32
        %scan3A_288 = arith.constant 1 : i32
        %scan3A_289 = arith.addi %scan3A_253, %scan3A_288 : i32
        %mul3A_290 = arith.constant 16 : i32
        %mul3A_291 = arith.muli %scan3A_289, %mul3A_290 : i32
        %get3A_292 = arith.index_cast %mul3A_291 : i32 to index
        %get3A_293 = tpu.vector_load %arg6[%get3A_292] {strides = array<i32>} : memref<256xi32, #tpu.memory_space<vmem>>, vector<16xi32>,
        %broadcast_in_dim3A_294 = arith.constant true
        %broadcast_in_dim3A_295 = vector.broadcast %broadcast_in_dim3A_294 : i1 to vector<16xi1>
        %masked_cumsum3A_296 = tpu.scan <sum>, %get3A_293 masked %broadcast_in_dim3A_295 : vector<16xi32>, vector<16xi1> -> vector<16xi32>
        %add3A_297 = vector.broadcast %add3A_287 : i32 to vector<16xi32>
        %add3A_298 = arith.addi %masked_cumsum3A_296, %add3A_297 : vector<16xi32>
        %lt3A_299 = vector.broadcast %sub3A_111 : i32 to vector<16xi32>
        %lt3A_300 = arith.cmpi slt, %add3A_298, %lt3A_299 : vector<16xi32>
        %jit3A_301 = arith.constant 1 : i32
        %jit3A_302 = arith.constant 0 : i32
        %broadcast_in_dim3A_303 = vector.broadcast %jit3A_301 : i32 to vector<16xi32>
        %broadcast_in_dim3A_304 = vector.broadcast %jit3A_302 : i32 to vector<16xi32>
        %select_n3A_305 = arith.select %lt3A_300, %broadcast_in_dim3A_303, %broadcast_in_dim3A_304 : vector<16xi1>, vector<16xi32>
        %reduce_sum3A_306 = arith.constant true
        %reduce_sum3A_307 = vector.broadcast %reduce_sum3A_306 : i1 to vector<16xi1>
        %reduce_sum3A_308 = tpu.scan <sum>, %select_n3A_305 masked %reduce_sum3A_307 : vector<16xi32>, vector<16xi1> -> vector<16xi32>
        %reduce_sum3A_309 = vector.extract %reduce_sum3A_308[15] : i32 from vector<16xi32>
        %add3A_310 = arith.addi %add3A_272, %reduce_sum3A_309 : i32
        %jit3A_311 = arith.constant 0 : i32
        %broadcast_in_dim3A_312 = vector.broadcast %jit3A_311 : i32 to vector<16xi32>
        %select_n3A_313 = arith.select %lt3A_300, %add3A_298, %broadcast_in_dim3A_312 : vector<16xi1>, vector<16xi32>
        %reduce_max3A_314 = arith.constant true
        %reduce_max3A_315 = vector.broadcast %reduce_max3A_314 : i1 to vector<16xi1>
        %reduce_max3A_316 = arith.constant -2147483648 : i32
        %reduce_max3A_317 = vector.broadcast %reduce_max3A_316 : i32 to vector<16xi32>
        %reduce_max3A_318 = arith.xori %select_n3A_313, %reduce_max3A_317 : vector<16xi32>
        %reduce_max3A_319 = tpu.scan <max>, %reduce_max3A_318 masked %reduce_max3A_315 : vector<16xi32>, vector<16xi1> -> vector<16xi32>
        %reduce_max3A_320 = arith.xori %reduce_max3A_319, %reduce_max3A_317 : vector<16xi32>
        %reduce_max3A_321 = vector.extract %reduce_max3A_320[15] : i32 from vector<16xi32>
        %max3A_322 = arith.maxsi %max3A, %reduce_max3A_321 : i32
        %reduce_sum3A_323 = arith.constant true
        %reduce_sum3A_324 = vector.broadcast %reduce_sum3A_323 : i1 to vector<16xi1>
        %reduce_sum3A_325 = tpu.scan <sum>, %get3A_293 masked %reduce_sum3A_324 : vector<16xi32>, vector<16xi1> -> vector<16xi32>
        %reduce_sum3A_326 = vector.extract %reduce_sum3A_325[15] : i32 from vector<16xi32>
        %add3A_327 = arith.addi %add3A_287, %reduce_sum3A_326 : i32
        %scan3A_328 = arith.constant 2 : i32
        %scan3A_329 = arith.addi %scan3A_253, %scan3A_328 : i32
        %mul3A_330 = arith.constant 16 : i32
        %mul3A_331 = arith.muli %scan3A_329, %mul3A_330 : i32
        %get3A_332 = arith.index_cast %mul3A_331 : i32 to index
        %get3A_333 = tpu.vector_load %arg6[%get3A_332] {strides = array<i32>} : memref<256xi32, #tpu.memory_space<vmem>>, vector<16xi32>,
        %broadcast_in_dim3A_334 = arith.constant true
        %broadcast_in_dim3A_335 = vector.broadcast %broadcast_in_dim3A_334 : i1 to vector<16xi1>
        %masked_cumsum3A_336 = tpu.scan <sum>, %get3A_333 masked %broadcast_in_dim3A_335 : vector<16xi32>, vector<16xi1> -> vector<16xi32>
        %add3A_337 = vector.broadcast %add3A_327 : i32 to vector<16xi32>
        %add3A_338 = arith.addi %masked_cumsum3A_336, %add3A_337 : vector<16xi32>
        %lt3A_339 = vector.broadcast %sub3A_111 : i32 to vector<16xi32>
        %lt3A_340 = arith.cmpi slt, %add3A_338, %lt3A_339 : vector<16xi32>
        %jit3A_341 = arith.constant 1 : i32
        %jit3A_342 = arith.constant 0 : i32
        %broadcast_in_dim3A_343 = vector.broadcast %jit3A_341 : i32 to vector<16xi32>
        %broadcast_in_dim3A_344 = vector.broadcast %jit3A_342 : i32 to vector<16xi32>
        %select_n3A_345 = arith.select %lt3A_340, %broadcast_in_dim3A_343, %broadcast_in_dim3A_344 : vector<16xi1>, vector<16xi32>
        %reduce_sum3A_346 = arith.constant true
        %reduce_sum3A_347 = vector.broadcast %reduce_sum3A_346 : i1 to vector<16xi1>
        %reduce_sum3A_348 = tpu.scan <sum>, %select_n3A_345 masked %reduce_sum3A_347 : vector<16xi32>, vector<16xi1> -> vector<16xi32>
        %reduce_sum3A_349 = vector.extract %reduce_sum3A_348[15] : i32 from vector<16xi32>
        %add3A_350 = arith.addi %add3A_310, %reduce_sum3A_349 : i32
        %jit3A_351 = arith.constant 0 : i32
        %broadcast_in_dim3A_352 = vector.broadcast %jit3A_351 : i32 to vector<16xi32>
        %select_n3A_353 = arith.select %lt3A_340, %add3A_338, %broadcast_in_dim3A_352 : vector<16xi1>, vector<16xi32>
        %reduce_max3A_354 = arith.constant true
        %reduce_max3A_355 = vector.broadcast %reduce_max3A_354 : i1 to vector<16xi1>
        %reduce_max3A_356 = arith.constant -2147483648 : i32
        %reduce_max3A_357 = vector.broadcast %reduce_max3A_356 : i32 to vector<16xi32>
        %reduce_max3A_358 = arith.xori %select_n3A_353, %reduce_max3A_357 : vector<16xi32>
        %reduce_max3A_359 = tpu.scan <max>, %reduce_max3A_358 masked %reduce_max3A_355 : vector<16xi32>, vector<16xi1> -> vector<16xi32>
        %reduce_max3A_360 = arith.xori %reduce_max3A_359, %reduce_max3A_357 : vector<16xi32>
        %reduce_max3A_361 = vector.extract %reduce_max3A_360[15] : i32 from vector<16xi32>
        %max3A_362 = arith.maxsi %max3A_322, %reduce_max3A_361 : i32
        %reduce_sum3A_363 = arith.constant true
        %reduce_sum3A_364 = vector.broadcast %reduce_sum3A_363 : i1 to vector<16xi1>
        %reduce_sum3A_365 = tpu.scan <sum>, %get3A_333 masked %reduce_sum3A_364 : vector<16xi32>, vector<16xi1> -> vector<16xi32>
        %reduce_sum3A_366 = vector.extract %reduce_sum3A_365[15] : i32 from vector<16xi32>
        %add3A_367 = arith.addi %add3A_327, %reduce_sum3A_366 : i32
        %scan3A_368 = arith.constant 3 : i32
        %scan3A_369 = arith.addi %scan3A_253, %scan3A_368 : i32
        %mul3A_370 = arith.constant 16 : i32
        %mul3A_371 = arith.muli %scan3A_369, %mul3A_370 : i32
        %get3A_372 = arith.index_cast %mul3A_371 : i32 to index
        %get3A_373 = tpu.vector_load %arg6[%get3A_372] {strides = array<i32>} : memref<256xi32, #tpu.memory_space<vmem>>, vector<16xi32>,
        %broadcast_in_dim3A_374 = arith.constant true
        %broadcast_in_dim3A_375 = vector.broadcast %broadcast_in_dim3A_374 : i1 to vector<16xi1>
        %masked_cumsum3A_376 = tpu.scan <sum>, %get3A_373 masked %broadcast_in_dim3A_375 : vector<16xi32>, vector<16xi1> -> vector<16xi32>
        %add3A_377 = vector.broadcast %add3A_367 : i32 to vector<16xi32>
        %add3A_378 = arith.addi %masked_cumsum3A_376, %add3A_377 : vector<16xi32>
        %lt3A_379 = vector.broadcast %sub3A_111 : i32 to vector<16xi32>
        %lt3A_380 = arith.cmpi slt, %add3A_378, %lt3A_379 : vector<16xi32>
        %jit3A_381 = arith.constant 1 : i32
        %jit3A_382 = arith.constant 0 : i32
        %broadcast_in_dim3A_383 = vector.broadcast %jit3A_381 : i32 to vector<16xi32>
        %broadcast_in_dim3A_384 = vector.broadcast %jit3A_382 : i32 to vector<16xi32>
        %select_n3A_385 = arith.select %lt3A_380, %broadcast_in_dim3A_383, %broadcast_in_dim3A_384 : vector<16xi1>, vector<16xi32>
        %reduce_sum3A_386 = arith.constant true
        %reduce_sum3A_387 = vector.broadcast %reduce_sum3A_386 : i1 to vector<16xi1>
        %reduce_sum3A_388 = tpu.scan <sum>, %select_n3A_385 masked %reduce_sum3A_387 : vector<16xi32>, vector<16xi1> -> vector<16xi32>
        %reduce_sum3A_389 = vector.extract %reduce_sum3A_388[15] : i32 from vector<16xi32>
        %add3A_390 = arith.addi %add3A_350, %reduce_sum3A_389 : i32
        %jit3A_391 = arith.constant 0 : i32
        %broadcast_in_dim3A_392 = vector.broadcast %jit3A_391 : i32 to vector<16xi32>
        %select_n3A_393 = arith.select %lt3A_380, %add3A_378, %broadcast_in_dim3A_392 : vector<16xi1>, vector<16xi32>
        %reduce_max3A_394 = arith.constant true
        %reduce_max3A_395 = vector.broadcast %reduce_max3A_394 : i1 to vector<16xi1>
        %reduce_max3A_396 = arith.constant -2147483648 : i32
        %reduce_max3A_397 = vector.broadcast %reduce_max3A_396 : i32 to vector<16xi32>
        %reduce_max3A_398 = arith.xori %select_n3A_393, %reduce_max3A_397 : vector<16xi32>
        %reduce_max3A_399 = tpu.scan <max>, %reduce_max3A_398 masked %reduce_max3A_395 : vector<16xi32>, vector<16xi1> -> vector<16xi32>
        %reduce_max3A_400 = arith.xori %reduce_max3A_399, %reduce_max3A_397 : vector<16xi32>
        %reduce_max3A_401 = vector.extract %reduce_max3A_400[15] : i32 from vector<16xi32>
        %max3A_402 = arith.maxsi %max3A_362, %reduce_max3A_401 : i32
        %reduce_sum3A_403 = arith.constant true
        %reduce_sum3A_404 = vector.broadcast %reduce_sum3A_403 : i1 to vector<16xi1>
        %reduce_sum3A_405 = tpu.scan <sum>, %get3A_373 masked %reduce_sum3A_404 : vector<16xi32>, vector<16xi1> -> vector<16xi32>
        %reduce_sum3A_406 = vector.extract %reduce_sum3A_405[15] : i32 from vector<16xi32>
        %add3A_407 = arith.addi %add3A_367, %reduce_sum3A_406 : i32
        scf.yield %add3A_407, %add3A_390, %max3A_402 : i32, i32, i32
      }
      %scan3A_162 = arith.constant 16 : i32
      %shift_left3A_163 = arith.constant 8 : i32
      %shift_left3A_164 = arith.shli %or3A_110, %shift_left3A_163 : i32
      %or3A_165 = arith.ori %shift_left3A_164, %scan3A_161#1 : i32
      %sub3A_166 = arith.subi %sub3A_111, %scan3A_161#2 : i32
      %scan3A_167 = arith.constant 0 : i32
      %scan3A_168 = arith.constant 0 : i32
      %scan3A_169 = arith.constant 0 : i32
      %scan3A_170 = arith.constant 0 : i32
      %scan3A_171 = arith.constant 16 : i32
      %scan3A_172 = arith.addi %scan3A_170, %scan3A_171 : i32
      %scan3A_173 = arith.constant 4 : i32
      %scan3A_174:3 = scf.for %scan3A_253 = %scan3A_170 to %scan3A_172 step %scan3A_173 iter_args(%scan3A_254 = %scan3A_167, %scan3A_255 = %scan3A_168, %scan3A_256 = %scan3A_169) -> (i32, i32, i32)  : i32 {
        %mul3A_257 = arith.constant 16 : i32
        %mul3A_258 = arith.muli %scan3A_253, %mul3A_257 : i32
        %get3A = arith.index_cast %mul3A_258 : i32 to index
        %get3A_259 = tpu.vector_load %arg7[%get3A] {strides = array<i32>} : memref<256xi32, #tpu.memory_space<vmem>>, vector<16xi32>,
        %broadcast_in_dim3A_260 = arith.constant true
        %broadcast_in_dim3A_261 = vector.broadcast %broadcast_in_dim3A_260 : i1 to vector<16xi1>
        %masked_cumsum3A = tpu.scan <sum>, %get3A_259 masked %broadcast_in_dim3A_261 : vector<16xi32>, vector<16xi1> -> vector<16xi32>
        %add3A_262 = vector.broadcast %scan3A_254 : i32 to vector<16xi32>
        %add3A_263 = arith.addi %masked_cumsum3A, %add3A_262 : vector<16xi32>
        %lt3A = vector.broadcast %sub3A_124 : i32 to vector<16xi32>
        %lt3A_264 = arith.cmpi slt, %add3A_263, %lt3A : vector<16xi32>
        %jit3A = arith.constant 1 : i32
        %jit3A_265 = arith.constant 0 : i32
        %broadcast_in_dim3A_266 = vector.broadcast %jit3A : i32 to vector<16xi32>
        %broadcast_in_dim3A_267 = vector.broadcast %jit3A_265 : i32 to vector<16xi32>
        %select_n3A_268 = arith.select %lt3A_264, %broadcast_in_dim3A_266, %broadcast_in_dim3A_267 : vector<16xi1>, vector<16xi32>
        %reduce_sum3A = arith.constant true
        %reduce_sum3A_269 = vector.broadcast %reduce_sum3A : i1 to vector<16xi1>
        %reduce_sum3A_270 = tpu.scan <sum>, %select_n3A_268 masked %reduce_sum3A_269 : vector<16xi32>, vector<16xi1> -> vector<16xi32>
        %reduce_sum3A_271 = vector.extract %reduce_sum3A_270[15] : i32 from vector<16xi32>
        %add3A_272 = arith.addi %scan3A_255, %reduce_sum3A_271 : i32
        %jit3A_273 = arith.constant 0 : i32
        %broadcast_in_dim3A_274 = vector.broadcast %jit3A_273 : i32 to vector<16xi32>
        %select_n3A_275 = arith.select %lt3A_264, %add3A_263, %broadcast_in_dim3A_274 : vector<16xi1>, vector<16xi32>
        %reduce_max3A = arith.constant true
        %reduce_max3A_276 = vector.broadcast %reduce_max3A : i1 to vector<16xi1>
        %reduce_max3A_277 = arith.constant -2147483648 : i32
        %reduce_max3A_278 = vector.broadcast %reduce_max3A_277 : i32 to vector<16xi32>
        %reduce_max3A_279 = arith.xori %select_n3A_275, %reduce_max3A_278 : vector<16xi32>
        %reduce_max3A_280 = tpu.scan <max>, %reduce_max3A_279 masked %reduce_max3A_276 : vector<16xi32>, vector<16xi1> -> vector<16xi32>
        %reduce_max3A_281 = arith.xori %reduce_max3A_280, %reduce_max3A_278 : vector<16xi32>
        %reduce_max3A_282 = vector.extract %reduce_max3A_281[15] : i32 from vector<16xi32>
        %max3A = arith.maxsi %scan3A_256, %reduce_max3A_282 : i32
        %reduce_sum3A_283 = arith.constant true
        %reduce_sum3A_284 = vector.broadcast %reduce_sum3A_283 : i1 to vector<16xi1>
        %reduce_sum3A_285 = tpu.scan <sum>, %get3A_259 masked %reduce_sum3A_284 : vector<16xi32>, vector<16xi1> -> vector<16xi32>
        %reduce_sum3A_286 = vector.extract %reduce_sum3A_285[15] : i32 from vector<16xi32>
        %add3A_287 = arith.addi %scan3A_254, %reduce_sum3A_286 : i32
        %scan3A_288 = arith.constant 1 : i32
        %scan3A_289 = arith.addi %scan3A_253, %scan3A_288 : i32
        %mul3A_290 = arith.constant 16 : i32
        %mul3A_291 = arith.muli %scan3A_289, %mul3A_290 : i32
        %get3A_292 = arith.index_cast %mul3A_291 : i32 to index
        %get3A_293 = tpu.vector_load %arg7[%get3A_292] {strides = array<i32>} : memref<256xi32, #tpu.memory_space<vmem>>, vector<16xi32>,
        %broadcast_in_dim3A_294 = arith.constant true
        %broadcast_in_dim3A_295 = vector.broadcast %broadcast_in_dim3A_294 : i1 to vector<16xi1>
        %masked_cumsum3A_296 = tpu.scan <sum>, %get3A_293 masked %broadcast_in_dim3A_295 : vector<16xi32>, vector<16xi1> -> vector<16xi32>
        %add3A_297 = vector.broadcast %add3A_287 : i32 to vector<16xi32>
        %add3A_298 = arith.addi %masked_cumsum3A_296, %add3A_297 : vector<16xi32>
        %lt3A_299 = vector.broadcast %sub3A_124 : i32 to vector<16xi32>
        %lt3A_300 = arith.cmpi slt, %add3A_298, %lt3A_299 : vector<16xi32>
        %jit3A_301 = arith.constant 1 : i32
        %jit3A_302 = arith.constant 0 : i32
        %broadcast_in_dim3A_303 = vector.broadcast %jit3A_301 : i32 to vector<16xi32>
        %broadcast_in_dim3A_304 = vector.broadcast %jit3A_302 : i32 to vector<16xi32>
        %select_n3A_305 = arith.select %lt3A_300, %broadcast_in_dim3A_303, %broadcast_in_dim3A_304 : vector<16xi1>, vector<16xi32>
        %reduce_sum3A_306 = arith.constant true
        %reduce_sum3A_307 = vector.broadcast %reduce_sum3A_306 : i1 to vector<16xi1>
        %reduce_sum3A_308 = tpu.scan <sum>, %select_n3A_305 masked %reduce_sum3A_307 : vector<16xi32>, vector<16xi1> -> vector<16xi32>
        %reduce_sum3A_309 = vector.extract %reduce_sum3A_308[15] : i32 from vector<16xi32>
        %add3A_310 = arith.addi %add3A_272, %reduce_sum3A_309 : i32
        %jit3A_311 = arith.constant 0 : i32
        %broadcast_in_dim3A_312 = vector.broadcast %jit3A_311 : i32 to vector<16xi32>
        %select_n3A_313 = arith.select %lt3A_300, %add3A_298, %broadcast_in_dim3A_312 : vector<16xi1>, vector<16xi32>
        %reduce_max3A_314 = arith.constant true
        %reduce_max3A_315 = vector.broadcast %reduce_max3A_314 : i1 to vector<16xi1>
        %reduce_max3A_316 = arith.constant -2147483648 : i32
        %reduce_max3A_317 = vector.broadcast %reduce_max3A_316 : i32 to vector<16xi32>
        %reduce_max3A_318 = arith.xori %select_n3A_313, %reduce_max3A_317 : vector<16xi32>
        %reduce_max3A_319 = tpu.scan <max>, %reduce_max3A_318 masked %reduce_max3A_315 : vector<16xi32>, vector<16xi1> -> vector<16xi32>
        %reduce_max3A_320 = arith.xori %reduce_max3A_319, %reduce_max3A_317 : vector<16xi32>
        %reduce_max3A_321 = vector.extract %reduce_max3A_320[15] : i32 from vector<16xi32>
        %max3A_322 = arith.maxsi %max3A, %reduce_max3A_321 : i32
        %reduce_sum3A_323 = arith.constant true
        %reduce_sum3A_324 = vector.broadcast %reduce_sum3A_323 : i1 to vector<16xi1>
        %reduce_sum3A_325 = tpu.scan <sum>, %get3A_293 masked %reduce_sum3A_324 : vector<16xi32>, vector<16xi1> -> vector<16xi32>
        %reduce_sum3A_326 = vector.extract %reduce_sum3A_325[15] : i32 from vector<16xi32>
        %add3A_327 = arith.addi %add3A_287, %reduce_sum3A_326 : i32
        %scan3A_328 = arith.constant 2 : i32
        %scan3A_329 = arith.addi %scan3A_253, %scan3A_328 : i32
        %mul3A_330 = arith.constant 16 : i32
        %mul3A_331 = arith.muli %scan3A_329, %mul3A_330 : i32
        %get3A_332 = arith.index_cast %mul3A_331 : i32 to index
        %get3A_333 = tpu.vector_load %arg7[%get3A_332] {strides = array<i32>} : memref<256xi32, #tpu.memory_space<vmem>>, vector<16xi32>,
        %broadcast_in_dim3A_334 = arith.constant true
        %broadcast_in_dim3A_335 = vector.broadcast %broadcast_in_dim3A_334 : i1 to vector<16xi1>
        %masked_cumsum3A_336 = tpu.scan <sum>, %get3A_333 masked %broadcast_in_dim3A_335 : vector<16xi32>, vector<16xi1> -> vector<16xi32>
        %add3A_337 = vector.broadcast %add3A_327 : i32 to vector<16xi32>
        %add3A_338 = arith.addi %masked_cumsum3A_336, %add3A_337 : vector<16xi32>
        %lt3A_339 = vector.broadcast %sub3A_124 : i32 to vector<16xi32>
        %lt3A_340 = arith.cmpi slt, %add3A_338, %lt3A_339 : vector<16xi32>
        %jit3A_341 = arith.constant 1 : i32
        %jit3A_342 = arith.constant 0 : i32
        %broadcast_in_dim3A_343 = vector.broadcast %jit3A_341 : i32 to vector<16xi32>
        %broadcast_in_dim3A_344 = vector.broadcast %jit3A_342 : i32 to vector<16xi32>
        %select_n3A_345 = arith.select %lt3A_340, %broadcast_in_dim3A_343, %broadcast_in_dim3A_344 : vector<16xi1>, vector<16xi32>
        %reduce_sum3A_346 = arith.constant true
        %reduce_sum3A_347 = vector.broadcast %reduce_sum3A_346 : i1 to vector<16xi1>
        %reduce_sum3A_348 = tpu.scan <sum>, %select_n3A_345 masked %reduce_sum3A_347 : vector<16xi32>, vector<16xi1> -> vector<16xi32>
        %reduce_sum3A_349 = vector.extract %reduce_sum3A_348[15] : i32 from vector<16xi32>
        %add3A_350 = arith.addi %add3A_310, %reduce_sum3A_349 : i32
        %jit3A_351 = arith.constant 0 : i32
        %broadcast_in_dim3A_352 = vector.broadcast %jit3A_351 : i32 to vector<16xi32>
        %select_n3A_353 = arith.select %lt3A_340, %add3A_338, %broadcast_in_dim3A_352 : vector<16xi1>, vector<16xi32>
        %reduce_max3A_354 = arith.constant true
        %reduce_max3A_355 = vector.broadcast %reduce_max3A_354 : i1 to vector<16xi1>
        %reduce_max3A_356 = arith.constant -2147483648 : i32
        %reduce_max3A_357 = vector.broadcast %reduce_max3A_356 : i32 to vector<16xi32>
        %reduce_max3A_358 = arith.xori %select_n3A_353, %reduce_max3A_357 : vector<16xi32>
        %reduce_max3A_359 = tpu.scan <max>, %reduce_max3A_358 masked %reduce_max3A_355 : vector<16xi32>, vector<16xi1> -> vector<16xi32>
        %reduce_max3A_360 = arith.xori %reduce_max3A_359, %reduce_max3A_357 : vector<16xi32>
        %reduce_max3A_361 = vector.extract %reduce_max3A_360[15] : i32 from vector<16xi32>
        %max3A_362 = arith.maxsi %max3A_322, %reduce_max3A_361 : i32
        %reduce_sum3A_363 = arith.constant true
        %reduce_sum3A_364 = vector.broadcast %reduce_sum3A_363 : i1 to vector<16xi1>
        %reduce_sum3A_365 = tpu.scan <sum>, %get3A_333 masked %reduce_sum3A_364 : vector<16xi32>, vector<16xi1> -> vector<16xi32>
        %reduce_sum3A_366 = vector.extract %reduce_sum3A_365[15] : i32 from vector<16xi32>
        %add3A_367 = arith.addi %add3A_327, %reduce_sum3A_366 : i32
        %scan3A_368 = arith.constant 3 : i32
        %scan3A_369 = arith.addi %scan3A_253, %scan3A_368 : i32
        %mul3A_370 = arith.constant 16 : i32
        %mul3A_371 = arith.muli %scan3A_369, %mul3A_370 : i32
        %get3A_372 = arith.index_cast %mul3A_371 : i32 to index
        %get3A_373 = tpu.vector_load %arg7[%get3A_372] {strides = array<i32>} : memref<256xi32, #tpu.memory_space<vmem>>, vector<16xi32>,
        %broadcast_in_dim3A_374 = arith.constant true
        %broadcast_in_dim3A_375 = vector.broadcast %broadcast_in_dim3A_374 : i1 to vector<16xi1>
        %masked_cumsum3A_376 = tpu.scan <sum>, %get3A_373 masked %broadcast_in_dim3A_375 : vector<16xi32>, vector<16xi1> -> vector<16xi32>
        %add3A_377 = vector.broadcast %add3A_367 : i32 to vector<16xi32>
        %add3A_378 = arith.addi %masked_cumsum3A_376, %add3A_377 : vector<16xi32>
        %lt3A_379 = vector.broadcast %sub3A_124 : i32 to vector<16xi32>
        %lt3A_380 = arith.cmpi slt, %add3A_378, %lt3A_379 : vector<16xi32>
        %jit3A_381 = arith.constant 1 : i32
        %jit3A_382 = arith.constant 0 : i32
        %broadcast_in_dim3A_383 = vector.broadcast %jit3A_381 : i32 to vector<16xi32>
        %broadcast_in_dim3A_384 = vector.broadcast %jit3A_382 : i32 to vector<16xi32>
        %select_n3A_385 = arith.select %lt3A_380, %broadcast_in_dim3A_383, %broadcast_in_dim3A_384 : vector<16xi1>, vector<16xi32>
        %reduce_sum3A_386 = arith.constant true
        %reduce_sum3A_387 = vector.broadcast %reduce_sum3A_386 : i1 to vector<16xi1>
        %reduce_sum3A_388 = tpu.scan <sum>, %select_n3A_385 masked %reduce_sum3A_387 : vector<16xi32>, vector<16xi1> -> vector<16xi32>
        %reduce_sum3A_389 = vector.extract %reduce_sum3A_388[15] : i32 from vector<16xi32>
        %add3A_390 = arith.addi %add3A_350, %reduce_sum3A_389 : i32
        %jit3A_391 = arith.constant 0 : i32
        %broadcast_in_dim3A_392 = vector.broadcast %jit3A_391 : i32 to vector<16xi32>
        %select_n3A_393 = arith.select %lt3A_380, %add3A_378, %broadcast_in_dim3A_392 : vector<16xi1>, vector<16xi32>
        %reduce_max3A_394 = arith.constant true
        %reduce_max3A_395 = vector.broadcast %reduce_max3A_394 : i1 to vector<16xi1>
        %reduce_max3A_396 = arith.constant -2147483648 : i32
        %reduce_max3A_397 = vector.broadcast %reduce_max3A_396 : i32 to vector<16xi32>
        %reduce_max3A_398 = arith.xori %select_n3A_393, %reduce_max3A_397 : vector<16xi32>
        %reduce_max3A_399 = tpu.scan <max>, %reduce_max3A_398 masked %reduce_max3A_395 : vector<16xi32>, vector<16xi1> -> vector<16xi32>
        %reduce_max3A_400 = arith.xori %reduce_max3A_399, %reduce_max3A_397 : vector<16xi32>
        %reduce_max3A_401 = vector.extract %reduce_max3A_400[15] : i32 from vector<16xi32>
        %max3A_402 = arith.maxsi %max3A_362, %reduce_max3A_401 : i32
        %reduce_sum3A_403 = arith.constant true
        %reduce_sum3A_404 = vector.broadcast %reduce_sum3A_403 : i1 to vector<16xi1>
        %reduce_sum3A_405 = tpu.scan <sum>, %get3A_373 masked %reduce_sum3A_404 : vector<16xi32>, vector<16xi1> -> vector<16xi32>
        %reduce_sum3A_406 = vector.extract %reduce_sum3A_405[15] : i32 from vector<16xi32>
        %add3A_407 = arith.addi %add3A_367, %reduce_sum3A_406 : i32
        scf.yield %add3A_407, %add3A_390, %max3A_402 : i32, i32, i32
      }
      %scan3A_175 = arith.constant 16 : i32
      %shift_left3A_176 = arith.constant 8 : i32
      %shift_left3A_177 = arith.shli %or3A_123, %shift_left3A_176 : i32
      %or3A_178 = arith.ori %shift_left3A_177, %scan3A_174#1 : i32
      %sub3A_179 = arith.subi %sub3A_124, %scan3A_174#2 : i32
      %broadcast_in_dim3A_180 = arith.constant 1 : i32
      %broadcast_in_dim3A_181 = vector.broadcast %broadcast_in_dim3A_180 : i32 to vector<16xi32>
      %broadcast_in_dim3A_182 = arith.constant 0 : i32
      %broadcast_in_dim3A_183 = vector.broadcast %broadcast_in_dim3A_182 : i32 to vector<16xi32>
      %scan3A_184 = arith.constant 0 : i32
      %scan3A_185 = arith.constant 0 : i32
      %scan3A_186 = arith.constant 8 : i32
      %scan3A_187 = arith.addi %scan3A_185, %scan3A_186 : i32
      %scan3A_188 = arith.constant 1 : i32
      scf.for %scan3A_253 = %scan3A_185 to %scan3A_187 step %scan3A_188  : i32 {
        %mul3A_254 = arith.constant 16 : i32
        %mul3A_255 = arith.muli %scan3A_253, %mul3A_254 : i32
        %swap3A_256 = arith.index_cast %mul3A_255 : i32 to index
        %swap3A_257 = tpu.vector_load %arg5[%swap3A_256] {strides = array<i32>} : memref<256xi32, #tpu.memory_space<vmem>>, vector<16xi32>,
        tpu.vector_store %arg5[%swap3A_256], %broadcast_in_dim3A_183 {strides = array<i32>} : memref<256xi32, #tpu.memory_space<vmem>>, vector<16xi32>,
        %mul3A_258 = arith.constant 16 : i32
        %mul3A_259 = arith.muli %scan3A_253, %mul3A_258 : i32
        %swap3A_260 = arith.index_cast %mul3A_259 : i32 to index
        %swap3A_261 = tpu.vector_load %arg6[%swap3A_260] {strides = array<i32>} : memref<256xi32, #tpu.memory_space<vmem>>, vector<16xi32>,
        tpu.vector_store %arg6[%swap3A_260], %broadcast_in_dim3A_183 {strides = array<i32>} : memref<256xi32, #tpu.memory_space<vmem>>, vector<16xi32>,
        %mul3A_262 = arith.constant 16 : i32
        %mul3A_263 = arith.muli %scan3A_253, %mul3A_262 : i32
        %swap3A_264 = arith.index_cast %mul3A_263 : i32 to index
        %swap3A_265 = tpu.vector_load %arg7[%swap3A_264] {strides = array<i32>} : memref<256xi32, #tpu.memory_space<vmem>>, vector<16xi32>,
        tpu.vector_store %arg7[%swap3A_264], %broadcast_in_dim3A_183 {strides = array<i32>} : memref<256xi32, #tpu.memory_space<vmem>>, vector<16xi32>,
      }
      %scan3A_189 = arith.constant 8 : i32
      %scan3A_190 = arith.constant 0 : i32
      %scan3A_191 = arith.constant 0 : i32
      %scan3A_192 = arith.constant 256 : i32
      %scan3A_193 = arith.addi %scan3A_191, %scan3A_192 : i32
      %scan3A_194 = arith.constant 8 : i32
      scf.for %scan3A_253 = %scan3A_191 to %scan3A_193 step %scan3A_194  : i32 {
        %mul3A_254 = arith.constant 16 : i32
        %mul3A_255 = arith.muli %scan3A_253, %mul3A_254 : i32
        %get3A = arith.index_cast %mul3A_255 : i32 to index
        %get3A_256 = tpu.vector_load %arg4[%get3A] {strides = array<i32>} : memref<4096xi32, #tpu.memory_space<vmem>>, vector<16xi32>,
        %shift_right_logical3A = arith.constant 0 : i32
        %shift_right_logical3A_257 = vector.broadcast %shift_right_logical3A : i32 to vector<16xi32>
        %shift_right_logical3A_258 = arith.shrui %get3A_256, %shift_right_logical3A_257 : vector<16xi32>
        %and3A = arith.constant 127 : i32
        %and3A_259 = vector.broadcast %and3A : i32 to vector<16xi32>
        %and3A_260 = arith.andi %shift_right_logical3A_258, %and3A_259 : vector<16xi32>
        %shift_right_logical3A_261 = arith.constant 7 : i32
        %shift_right_logical3A_262 = vector.broadcast %shift_right_logical3A_261 : i32 to vector<16xi32>
        %shift_right_logical3A_263 = arith.shrui %get3A_256, %shift_right_logical3A_262 : vector<16xi32>
        %eq3A_264 = vector.broadcast %or3A_152 : i32 to vector<16xi32>
        %eq3A_265 = arith.cmpi eq, %shift_right_logical3A_263, %eq3A_264 : vector<16xi32>
        tpu.vector_store_idx %arg5[%and3A_260], %broadcast_in_dim3A_181 masked %eq3A_265 {add = true} : memref<256xi32, #tpu.memory_space<vmem>>[vector<16xi32>], vector<16xi32>, vector<16xi1>
        %eq3A_266 = vector.broadcast %or3A_165 : i32 to vector<16xi32>
        %eq3A_267 = arith.cmpi eq, %shift_right_logical3A_263, %eq3A_266 : vector<16xi32>
        tpu.vector_store_idx %arg6[%and3A_260], %broadcast_in_dim3A_181 masked %eq3A_267 {add = true} : memref<256xi32, #tpu.memory_space<vmem>>[vector<16xi32>], vector<16xi32>, vector<16xi1>
        %eq3A_268 = vector.broadcast %or3A_178 : i32 to vector<16xi32>
        %eq3A_269 = arith.cmpi eq, %shift_right_logical3A_263, %eq3A_268 : vector<16xi32>
        tpu.vector_store_idx %arg7[%and3A_260], %broadcast_in_dim3A_181 masked %eq3A_269 {add = true} : memref<256xi32, #tpu.memory_space<vmem>>[vector<16xi32>], vector<16xi32>, vector<16xi1>
        %scan3A_270 = arith.constant 1 : i32
        %scan3A_271 = arith.addi %scan3A_253, %scan3A_270 : i32
        %mul3A_272 = arith.constant 16 : i32
        %mul3A_273 = arith.muli %scan3A_271, %mul3A_272 : i32
        %get3A_274 = arith.index_cast %mul3A_273 : i32 to index
        %get3A_275 = tpu.vector_load %arg4[%get3A_274] {strides = array<i32>} : memref<4096xi32, #tpu.memory_space<vmem>>, vector<16xi32>,
        %shift_right_logical3A_276 = arith.constant 0 : i32
        %shift_right_logical3A_277 = vector.broadcast %shift_right_logical3A_276 : i32 to vector<16xi32>
        %shift_right_logical3A_278 = arith.shrui %get3A_275, %shift_right_logical3A_277 : vector<16xi32>
        %and3A_279 = arith.constant 127 : i32
        %and3A_280 = vector.broadcast %and3A_279 : i32 to vector<16xi32>
        %and3A_281 = arith.andi %shift_right_logical3A_278, %and3A_280 : vector<16xi32>
        %shift_right_logical3A_282 = arith.constant 7 : i32
        %shift_right_logical3A_283 = vector.broadcast %shift_right_logical3A_282 : i32 to vector<16xi32>
        %shift_right_logical3A_284 = arith.shrui %get3A_275, %shift_right_logical3A_283 : vector<16xi32>
        %eq3A_285 = vector.broadcast %or3A_152 : i32 to vector<16xi32>
        %eq3A_286 = arith.cmpi eq, %shift_right_logical3A_284, %eq3A_285 : vector<16xi32>
        tpu.vector_store_idx %arg5[%and3A_281], %broadcast_in_dim3A_181 masked %eq3A_286 {add = true} : memref<256xi32, #tpu.memory_space<vmem>>[vector<16xi32>], vector<16xi32>, vector<16xi1>
        %eq3A_287 = vector.broadcast %or3A_165 : i32 to vector<16xi32>
        %eq3A_288 = arith.cmpi eq, %shift_right_logical3A_284, %eq3A_287 : vector<16xi32>
        tpu.vector_store_idx %arg6[%and3A_281], %broadcast_in_dim3A_181 masked %eq3A_288 {add = true} : memref<256xi32, #tpu.memory_space<vmem>>[vector<16xi32>], vector<16xi32>, vector<16xi1>
        %eq3A_289 = vector.broadcast %or3A_178 : i32 to vector<16xi32>
        %eq3A_290 = arith.cmpi eq, %shift_right_logical3A_284, %eq3A_289 : vector<16xi32>
        tpu.vector_store_idx %arg7[%and3A_281], %broadcast_in_dim3A_181 masked %eq3A_290 {add = true} : memref<256xi32, #tpu.memory_space<vmem>>[vector<16xi32>], vector<16xi32>, vector<16xi1>
        %scan3A_291 = arith.constant 2 : i32
        %scan3A_292 = arith.addi %scan3A_253, %scan3A_291 : i32
        %mul3A_293 = arith.constant 16 : i32
        %mul3A_294 = arith.muli %scan3A_292, %mul3A_293 : i32
        %get3A_295 = arith.index_cast %mul3A_294 : i32 to index
        %get3A_296 = tpu.vector_load %arg4[%get3A_295] {strides = array<i32>} : memref<4096xi32, #tpu.memory_space<vmem>>, vector<16xi32>,
        %shift_right_logical3A_297 = arith.constant 0 : i32
        %shift_right_logical3A_298 = vector.broadcast %shift_right_logical3A_297 : i32 to vector<16xi32>
        %shift_right_logical3A_299 = arith.shrui %get3A_296, %shift_right_logical3A_298 : vector<16xi32>
        %and3A_300 = arith.constant 127 : i32
        %and3A_301 = vector.broadcast %and3A_300 : i32 to vector<16xi32>
        %and3A_302 = arith.andi %shift_right_logical3A_299, %and3A_301 : vector<16xi32>
        %shift_right_logical3A_303 = arith.constant 7 : i32
        %shift_right_logical3A_304 = vector.broadcast %shift_right_logical3A_303 : i32 to vector<16xi32>
        %shift_right_logical3A_305 = arith.shrui %get3A_296, %shift_right_logical3A_304 : vector<16xi32>
        %eq3A_306 = vector.broadcast %or3A_152 : i32 to vector<16xi32>
        %eq3A_307 = arith.cmpi eq, %shift_right_logical3A_305, %eq3A_306 : vector<16xi32>
        tpu.vector_store_idx %arg5[%and3A_302], %broadcast_in_dim3A_181 masked %eq3A_307 {add = true} : memref<256xi32, #tpu.memory_space<vmem>>[vector<16xi32>], vector<16xi32>, vector<16xi1>
        %eq3A_308 = vector.broadcast %or3A_165 : i32 to vector<16xi32>
        %eq3A_309 = arith.cmpi eq, %shift_right_logical3A_305, %eq3A_308 : vector<16xi32>
        tpu.vector_store_idx %arg6[%and3A_302], %broadcast_in_dim3A_181 masked %eq3A_309 {add = true} : memref<256xi32, #tpu.memory_space<vmem>>[vector<16xi32>], vector<16xi32>, vector<16xi1>
        %eq3A_310 = vector.broadcast %or3A_178 : i32 to vector<16xi32>
        %eq3A_311 = arith.cmpi eq, %shift_right_logical3A_305, %eq3A_310 : vector<16xi32>
        tpu.vector_store_idx %arg7[%and3A_302], %broadcast_in_dim3A_181 masked %eq3A_311 {add = true} : memref<256xi32, #tpu.memory_space<vmem>>[vector<16xi32>], vector<16xi32>, vector<16xi1>
        %scan3A_312 = arith.constant 3 : i32
        %scan3A_313 = arith.addi %scan3A_253, %scan3A_312 : i32
        %mul3A_314 = arith.constant 16 : i32
        %mul3A_315 = arith.muli %scan3A_313, %mul3A_314 : i32
        %get3A_316 = arith.index_cast %mul3A_315 : i32 to index
        %get3A_317 = tpu.vector_load %arg4[%get3A_316] {strides = array<i32>} : memref<4096xi32, #tpu.memory_space<vmem>>, vector<16xi32>,
        %shift_right_logical3A_318 = arith.constant 0 : i32
        %shift_right_logical3A_319 = vector.broadcast %shift_right_logical3A_318 : i32 to vector<16xi32>
        %shift_right_logical3A_320 = arith.shrui %get3A_317, %shift_right_logical3A_319 : vector<16xi32>
        %and3A_321 = arith.constant 127 : i32
        %and3A_322 = vector.broadcast %and3A_321 : i32 to vector<16xi32>
        %and3A_323 = arith.andi %shift_right_logical3A_320, %and3A_322 : vector<16xi32>
        %shift_right_logical3A_324 = arith.constant 7 : i32
        %shift_right_logical3A_325 = vector.broadcast %shift_right_logical3A_324 : i32 to vector<16xi32>
        %shift_right_logical3A_326 = arith.shrui %get3A_317, %shift_right_logical3A_325 : vector<16xi32>
        %eq3A_327 = vector.broadcast %or3A_152 : i32 to vector<16xi32>
        %eq3A_328 = arith.cmpi eq, %shift_right_logical3A_326, %eq3A_327 : vector<16xi32>
        tpu.vector_store_idx %arg5[%and3A_323], %broadcast_in_dim3A_181 masked %eq3A_328 {add = true} : memref<256xi32, #tpu.memory_space<vmem>>[vector<16xi32>], vector<16xi32>, vector<16xi1>
        %eq3A_329 = vector.broadcast %or3A_165 : i32 to vector<16xi32>
        %eq3A_330 = arith.cmpi eq, %shift_right_logical3A_326, %eq3A_329 : vector<16xi32>
        tpu.vector_store_idx %arg6[%and3A_323], %broadcast_in_dim3A_181 masked %eq3A_330 {add = true} : memref<256xi32, #tpu.memory_space<vmem>>[vector<16xi32>], vector<16xi32>, vector<16xi1>
        %eq3A_331 = vector.broadcast %or3A_178 : i32 to vector<16xi32>
        %eq3A_332 = arith.cmpi eq, %shift_right_logical3A_326, %eq3A_331 : vector<16xi32>
        tpu.vector_store_idx %arg7[%and3A_323], %broadcast_in_dim3A_181 masked %eq3A_332 {add = true} : memref<256xi32, #tpu.memory_space<vmem>>[vector<16xi32>], vector<16xi32>, vector<16xi1>
        %scan3A_333 = arith.constant 4 : i32
        %scan3A_334 = arith.addi %scan3A_253, %scan3A_333 : i32
        %mul3A_335 = arith.constant 16 : i32
        %mul3A_336 = arith.muli %scan3A_334, %mul3A_335 : i32
        %get3A_337 = arith.index_cast %mul3A_336 : i32 to index
        %get3A_338 = tpu.vector_load %arg4[%get3A_337] {strides = array<i32>} : memref<4096xi32, #tpu.memory_space<vmem>>, vector<16xi32>,
        %shift_right_logical3A_339 = arith.constant 0 : i32
        %shift_right_logical3A_340 = vector.broadcast %shift_right_logical3A_339 : i32 to vector<16xi32>
        %shift_right_logical3A_341 = arith.shrui %get3A_338, %shift_right_logical3A_340 : vector<16xi32>
        %and3A_342 = arith.constant 127 : i32
        %and3A_343 = vector.broadcast %and3A_342 : i32 to vector<16xi32>
        %and3A_344 = arith.andi %shift_right_logical3A_341, %and3A_343 : vector<16xi32>
        %shift_right_logical3A_345 = arith.constant 7 : i32
        %shift_right_logical3A_346 = vector.broadcast %shift_right_logical3A_345 : i32 to vector<16xi32>
        %shift_right_logical3A_347 = arith.shrui %get3A_338, %shift_right_logical3A_346 : vector<16xi32>
        %eq3A_348 = vector.broadcast %or3A_152 : i32 to vector<16xi32>
        %eq3A_349 = arith.cmpi eq, %shift_right_logical3A_347, %eq3A_348 : vector<16xi32>
        tpu.vector_store_idx %arg5[%and3A_344], %broadcast_in_dim3A_181 masked %eq3A_349 {add = true} : memref<256xi32, #tpu.memory_space<vmem>>[vector<16xi32>], vector<16xi32>, vector<16xi1>
        %eq3A_350 = vector.broadcast %or3A_165 : i32 to vector<16xi32>
        %eq3A_351 = arith.cmpi eq, %shift_right_logical3A_347, %eq3A_350 : vector<16xi32>
        tpu.vector_store_idx %arg6[%and3A_344], %broadcast_in_dim3A_181 masked %eq3A_351 {add = true} : memref<256xi32, #tpu.memory_space<vmem>>[vector<16xi32>], vector<16xi32>, vector<16xi1>
        %eq3A_352 = vector.broadcast %or3A_178 : i32 to vector<16xi32>
        %eq3A_353 = arith.cmpi eq, %shift_right_logical3A_347, %eq3A_352 : vector<16xi32>
        tpu.vector_store_idx %arg7[%and3A_344], %broadcast_in_dim3A_181 masked %eq3A_353 {add = true} : memref<256xi32, #tpu.memory_space<vmem>>[vector<16xi32>], vector<16xi32>, vector<16xi1>
        %scan3A_354 = arith.constant 5 : i32
        %scan3A_355 = arith.addi %scan3A_253, %scan3A_354 : i32
        %mul3A_356 = arith.constant 16 : i32
        %mul3A_357 = arith.muli %scan3A_355, %mul3A_356 : i32
        %get3A_358 = arith.index_cast %mul3A_357 : i32 to index
        %get3A_359 = tpu.vector_load %arg4[%get3A_358] {strides = array<i32>} : memref<4096xi32, #tpu.memory_space<vmem>>, vector<16xi32>,
        %shift_right_logical3A_360 = arith.constant 0 : i32
        %shift_right_logical3A_361 = vector.broadcast %shift_right_logical3A_360 : i32 to vector<16xi32>
        %shift_right_logical3A_362 = arith.shrui %get3A_359, %shift_right_logical3A_361 : vector<16xi32>
        %and3A_363 = arith.constant 127 : i32
        %and3A_364 = vector.broadcast %and3A_363 : i32 to vector<16xi32>
        %and3A_365 = arith.andi %shift_right_logical3A_362, %and3A_364 : vector<16xi32>
        %shift_right_logical3A_366 = arith.constant 7 : i32
        %shift_right_logical3A_367 = vector.broadcast %shift_right_logical3A_366 : i32 to vector<16xi32>
        %shift_right_logical3A_368 = arith.shrui %get3A_359, %shift_right_logical3A_367 : vector<16xi32>
        %eq3A_369 = vector.broadcast %or3A_152 : i32 to vector<16xi32>
        %eq3A_370 = arith.cmpi eq, %shift_right_logical3A_368, %eq3A_369 : vector<16xi32>
        tpu.vector_store_idx %arg5[%and3A_365], %broadcast_in_dim3A_181 masked %eq3A_370 {add = true} : memref<256xi32, #tpu.memory_space<vmem>>[vector<16xi32>], vector<16xi32>, vector<16xi1>
        %eq3A_371 = vector.broadcast %or3A_165 : i32 to vector<16xi32>
        %eq3A_372 = arith.cmpi eq, %shift_right_logical3A_368, %eq3A_371 : vector<16xi32>
        tpu.vector_store_idx %arg6[%and3A_365], %broadcast_in_dim3A_181 masked %eq3A_372 {add = true} : memref<256xi32, #tpu.memory_space<vmem>>[vector<16xi32>], vector<16xi32>, vector<16xi1>
        %eq3A_373 = vector.broadcast %or3A_178 : i32 to vector<16xi32>
        %eq3A_374 = arith.cmpi eq, %shift_right_logical3A_368, %eq3A_373 : vector<16xi32>
        tpu.vector_store_idx %arg7[%and3A_365], %broadcast_in_dim3A_181 masked %eq3A_374 {add = true} : memref<256xi32, #tpu.memory_space<vmem>>[vector<16xi32>], vector<16xi32>, vector<16xi1>
        %scan3A_375 = arith.constant 6 : i32
        %scan3A_376 = arith.addi %scan3A_253, %scan3A_375 : i32
        %mul3A_377 = arith.constant 16 : i32
        %mul3A_378 = arith.muli %scan3A_376, %mul3A_377 : i32
        %get3A_379 = arith.index_cast %mul3A_378 : i32 to index
        %get3A_380 = tpu.vector_load %arg4[%get3A_379] {strides = array<i32>} : memref<4096xi32, #tpu.memory_space<vmem>>, vector<16xi32>,
        %shift_right_logical3A_381 = arith.constant 0 : i32
        %shift_right_logical3A_382 = vector.broadcast %shift_right_logical3A_381 : i32 to vector<16xi32>
        %shift_right_logical3A_383 = arith.shrui %get3A_380, %shift_right_logical3A_382 : vector<16xi32>
        %and3A_384 = arith.constant 127 : i32
        %and3A_385 = vector.broadcast %and3A_384 : i32 to vector<16xi32>
        %and3A_386 = arith.andi %shift_right_logical3A_383, %and3A_385 : vector<16xi32>
        %shift_right_logical3A_387 = arith.constant 7 : i32
        %shift_right_logical3A_388 = vector.broadcast %shift_right_logical3A_387 : i32 to vector<16xi32>
        %shift_right_logical3A_389 = arith.shrui %get3A_380, %shift_right_logical3A_388 : vector<16xi32>
        %eq3A_390 = vector.broadcast %or3A_152 : i32 to vector<16xi32>
        %eq3A_391 = arith.cmpi eq, %shift_right_logical3A_389, %eq3A_390 : vector<16xi32>
        tpu.vector_store_idx %arg5[%and3A_386], %broadcast_in_dim3A_181 masked %eq3A_391 {add = true} : memref<256xi32, #tpu.memory_space<vmem>>[vector<16xi32>], vector<16xi32>, vector<16xi1>
        %eq3A_392 = vector.broadcast %or3A_165 : i32 to vector<16xi32>
        %eq3A_393 = arith.cmpi eq, %shift_right_logical3A_389, %eq3A_392 : vector<16xi32>
        tpu.vector_store_idx %arg6[%and3A_386], %broadcast_in_dim3A_181 masked %eq3A_393 {add = true} : memref<256xi32, #tpu.memory_space<vmem>>[vector<16xi32>], vector<16xi32>, vector<16xi1>
        %eq3A_394 = vector.broadcast %or3A_178 : i32 to vector<16xi32>
        %eq3A_395 = arith.cmpi eq, %shift_right_logical3A_389, %eq3A_394 : vector<16xi32>
        tpu.vector_store_idx %arg7[%and3A_386], %broadcast_in_dim3A_181 masked %eq3A_395 {add = true} : memref<256xi32, #tpu.memory_space<vmem>>[vector<16xi32>], vector<16xi32>, vector<16xi1>
        %scan3A_396 = arith.constant 7 : i32
        %scan3A_397 = arith.addi %scan3A_253, %scan3A_396 : i32
        %mul3A_398 = arith.constant 16 : i32
        %mul3A_399 = arith.muli %scan3A_397, %mul3A_398 : i32
        %get3A_400 = arith.index_cast %mul3A_399 : i32 to index
        %get3A_401 = tpu.vector_load %arg4[%get3A_400] {strides = array<i32>} : memref<4096xi32, #tpu.memory_space<vmem>>, vector<16xi32>,
        %shift_right_logical3A_402 = arith.constant 0 : i32
        %shift_right_logical3A_403 = vector.broadcast %shift_right_logical3A_402 : i32 to vector<16xi32>
        %shift_right_logical3A_404 = arith.shrui %get3A_401, %shift_right_logical3A_403 : vector<16xi32>
        %and3A_405 = arith.constant 127 : i32
        %and3A_406 = vector.broadcast %and3A_405 : i32 to vector<16xi32>
        %and3A_407 = arith.andi %shift_right_logical3A_404, %and3A_406 : vector<16xi32>
        %shift_right_logical3A_408 = arith.constant 7 : i32
        %shift_right_logical3A_409 = vector.broadcast %shift_right_logical3A_408 : i32 to vector<16xi32>
        %shift_right_logical3A_410 = arith.shrui %get3A_401, %shift_right_logical3A_409 : vector<16xi32>
        %eq3A_411 = vector.broadcast %or3A_152 : i32 to vector<16xi32>
        %eq3A_412 = arith.cmpi eq, %shift_right_logical3A_410, %eq3A_411 : vector<16xi32>
        tpu.vector_store_idx %arg5[%and3A_407], %broadcast_in_dim3A_181 masked %eq3A_412 {add = true} : memref<256xi32, #tpu.memory_space<vmem>>[vector<16xi32>], vector<16xi32>, vector<16xi1>
        %eq3A_413 = vector.broadcast %or3A_165 : i32 to vector<16xi32>
        %eq3A_414 = arith.cmpi eq, %shift_right_logical3A_410, %eq3A_413 : vector<16xi32>
        tpu.vector_store_idx %arg6[%and3A_407], %broadcast_in_dim3A_181 masked %eq3A_414 {add = true} : memref<256xi32, #tpu.memory_space<vmem>>[vector<16xi32>], vector<16xi32>, vector<16xi1>
        %eq3A_415 = vector.broadcast %or3A_178 : i32 to vector<16xi32>
        %eq3A_416 = arith.cmpi eq, %shift_right_logical3A_410, %eq3A_415 : vector<16xi32>
        tpu.vector_store_idx %arg7[%and3A_407], %broadcast_in_dim3A_181 masked %eq3A_416 {add = true} : memref<256xi32, #tpu.memory_space<vmem>>[vector<16xi32>], vector<16xi32>, vector<16xi1>
      }
      %scan3A_195 = arith.constant 256 : i32
      %scan3A_196 = arith.constant 0 : i32
      %scan3A_197 = arith.constant 0 : i32
      %scan3A_198 = arith.constant 0 : i32
      %scan3A_199 = arith.constant 0 : i32
      %scan3A_200 = arith.constant 8 : i32
      %scan3A_201 = arith.addi %scan3A_199, %scan3A_200 : i32
      %scan3A_202 = arith.constant 4 : i32
      %scan3A_203:3 = scf.for %scan3A_253 = %scan3A_199 to %scan3A_201 step %scan3A_202 iter_args(%scan3A_254 = %scan3A_196, %scan3A_255 = %scan3A_197, %scan3A_256 = %scan3A_198) -> (i32, i32, i32)  : i32 {
        %mul3A_257 = arith.constant 16 : i32
        %mul3A_258 = arith.muli %scan3A_253, %mul3A_257 : i32
        %get3A = arith.index_cast %mul3A_258 : i32 to index
        %get3A_259 = tpu.vector_load %arg5[%get3A] {strides = array<i32>} : memref<256xi32, #tpu.memory_space<vmem>>, vector<16xi32>,
        %broadcast_in_dim3A_260 = arith.constant true
        %broadcast_in_dim3A_261 = vector.broadcast %broadcast_in_dim3A_260 : i1 to vector<16xi1>
        %masked_cumsum3A = tpu.scan <sum>, %get3A_259 masked %broadcast_in_dim3A_261 : vector<16xi32>, vector<16xi1> -> vector<16xi32>
        %add3A_262 = vector.broadcast %scan3A_254 : i32 to vector<16xi32>
        %add3A_263 = arith.addi %masked_cumsum3A, %add3A_262 : vector<16xi32>
        %lt3A = vector.broadcast %sub3A_153 : i32 to vector<16xi32>
        %lt3A_264 = arith.cmpi slt, %add3A_263, %lt3A : vector<16xi32>
        %jit3A = arith.constant 1 : i32
        %jit3A_265 = arith.constant 0 : i32
        %broadcast_in_dim3A_266 = vector.broadcast %jit3A : i32 to vector<16xi32>
        %broadcast_in_dim3A_267 = vector.broadcast %jit3A_265 : i32 to vector<16xi32>
        %select_n3A_268 = arith.select %lt3A_264, %broadcast_in_dim3A_266, %broadcast_in_dim3A_267 : vector<16xi1>, vector<16xi32>
        %reduce_sum3A = arith.constant true
        %reduce_sum3A_269 = vector.broadcast %reduce_sum3A : i1 to vector<16xi1>
        %reduce_sum3A_270 = tpu.scan <sum>, %select_n3A_268 masked %reduce_sum3A_269 : vector<16xi32>, vector<16xi1> -> vector<16xi32>
        %reduce_sum3A_271 = vector.extract %reduce_sum3A_270[15] : i32 from vector<16xi32>
        %add3A_272 = arith.addi %scan3A_255, %reduce_sum3A_271 : i32
        %jit3A_273 = arith.constant 0 : i32
        %broadcast_in_dim3A_274 = vector.broadcast %jit3A_273 : i32 to vector<16xi32>
        %select_n3A_275 = arith.select %lt3A_264, %add3A_263, %broadcast_in_dim3A_274 : vector<16xi1>, vector<16xi32>
        %reduce_max3A = arith.constant true
        %reduce_max3A_276 = vector.broadcast %reduce_max3A : i1 to vector<16xi1>
        %reduce_max3A_277 = arith.constant -2147483648 : i32
        %reduce_max3A_278 = vector.broadcast %reduce_max3A_277 : i32 to vector<16xi32>
        %reduce_max3A_279 = arith.xori %select_n3A_275, %reduce_max3A_278 : vector<16xi32>
        %reduce_max3A_280 = tpu.scan <max>, %reduce_max3A_279 masked %reduce_max3A_276 : vector<16xi32>, vector<16xi1> -> vector<16xi32>
        %reduce_max3A_281 = arith.xori %reduce_max3A_280, %reduce_max3A_278 : vector<16xi32>
        %reduce_max3A_282 = vector.extract %reduce_max3A_281[15] : i32 from vector<16xi32>
        %max3A = arith.maxsi %scan3A_256, %reduce_max3A_282 : i32
        %reduce_sum3A_283 = arith.constant true
        %reduce_sum3A_284 = vector.broadcast %reduce_sum3A_283 : i1 to vector<16xi1>
        %reduce_sum3A_285 = tpu.scan <sum>, %get3A_259 masked %reduce_sum3A_284 : vector<16xi32>, vector<16xi1> -> vector<16xi32>
        %reduce_sum3A_286 = vector.extract %reduce_sum3A_285[15] : i32 from vector<16xi32>
        %add3A_287 = arith.addi %scan3A_254, %reduce_sum3A_286 : i32
        %scan3A_288 = arith.constant 1 : i32
        %scan3A_289 = arith.addi %scan3A_253, %scan3A_288 : i32
        %mul3A_290 = arith.constant 16 : i32
        %mul3A_291 = arith.muli %scan3A_289, %mul3A_290 : i32
        %get3A_292 = arith.index_cast %mul3A_291 : i32 to index
        %get3A_293 = tpu.vector_load %arg5[%get3A_292] {strides = array<i32>} : memref<256xi32, #tpu.memory_space<vmem>>, vector<16xi32>,
        %broadcast_in_dim3A_294 = arith.constant true
        %broadcast_in_dim3A_295 = vector.broadcast %broadcast_in_dim3A_294 : i1 to vector<16xi1>
        %masked_cumsum3A_296 = tpu.scan <sum>, %get3A_293 masked %broadcast_in_dim3A_295 : vector<16xi32>, vector<16xi1> -> vector<16xi32>
        %add3A_297 = vector.broadcast %add3A_287 : i32 to vector<16xi32>
        %add3A_298 = arith.addi %masked_cumsum3A_296, %add3A_297 : vector<16xi32>
        %lt3A_299 = vector.broadcast %sub3A_153 : i32 to vector<16xi32>
        %lt3A_300 = arith.cmpi slt, %add3A_298, %lt3A_299 : vector<16xi32>
        %jit3A_301 = arith.constant 1 : i32
        %jit3A_302 = arith.constant 0 : i32
        %broadcast_in_dim3A_303 = vector.broadcast %jit3A_301 : i32 to vector<16xi32>
        %broadcast_in_dim3A_304 = vector.broadcast %jit3A_302 : i32 to vector<16xi32>
        %select_n3A_305 = arith.select %lt3A_300, %broadcast_in_dim3A_303, %broadcast_in_dim3A_304 : vector<16xi1>, vector<16xi32>
        %reduce_sum3A_306 = arith.constant true
        %reduce_sum3A_307 = vector.broadcast %reduce_sum3A_306 : i1 to vector<16xi1>
        %reduce_sum3A_308 = tpu.scan <sum>, %select_n3A_305 masked %reduce_sum3A_307 : vector<16xi32>, vector<16xi1> -> vector<16xi32>
        %reduce_sum3A_309 = vector.extract %reduce_sum3A_308[15] : i32 from vector<16xi32>
        %add3A_310 = arith.addi %add3A_272, %reduce_sum3A_309 : i32
        %jit3A_311 = arith.constant 0 : i32
        %broadcast_in_dim3A_312 = vector.broadcast %jit3A_311 : i32 to vector<16xi32>
        %select_n3A_313 = arith.select %lt3A_300, %add3A_298, %broadcast_in_dim3A_312 : vector<16xi1>, vector<16xi32>
        %reduce_max3A_314 = arith.constant true
        %reduce_max3A_315 = vector.broadcast %reduce_max3A_314 : i1 to vector<16xi1>
        %reduce_max3A_316 = arith.constant -2147483648 : i32
        %reduce_max3A_317 = vector.broadcast %reduce_max3A_316 : i32 to vector<16xi32>
        %reduce_max3A_318 = arith.xori %select_n3A_313, %reduce_max3A_317 : vector<16xi32>
        %reduce_max3A_319 = tpu.scan <max>, %reduce_max3A_318 masked %reduce_max3A_315 : vector<16xi32>, vector<16xi1> -> vector<16xi32>
        %reduce_max3A_320 = arith.xori %reduce_max3A_319, %reduce_max3A_317 : vector<16xi32>
        %reduce_max3A_321 = vector.extract %reduce_max3A_320[15] : i32 from vector<16xi32>
        %max3A_322 = arith.maxsi %max3A, %reduce_max3A_321 : i32
        %reduce_sum3A_323 = arith.constant true
        %reduce_sum3A_324 = vector.broadcast %reduce_sum3A_323 : i1 to vector<16xi1>
        %reduce_sum3A_325 = tpu.scan <sum>, %get3A_293 masked %reduce_sum3A_324 : vector<16xi32>, vector<16xi1> -> vector<16xi32>
        %reduce_sum3A_326 = vector.extract %reduce_sum3A_325[15] : i32 from vector<16xi32>
        %add3A_327 = arith.addi %add3A_287, %reduce_sum3A_326 : i32
        %scan3A_328 = arith.constant 2 : i32
        %scan3A_329 = arith.addi %scan3A_253, %scan3A_328 : i32
        %mul3A_330 = arith.constant 16 : i32
        %mul3A_331 = arith.muli %scan3A_329, %mul3A_330 : i32
        %get3A_332 = arith.index_cast %mul3A_331 : i32 to index
        %get3A_333 = tpu.vector_load %arg5[%get3A_332] {strides = array<i32>} : memref<256xi32, #tpu.memory_space<vmem>>, vector<16xi32>,
        %broadcast_in_dim3A_334 = arith.constant true
        %broadcast_in_dim3A_335 = vector.broadcast %broadcast_in_dim3A_334 : i1 to vector<16xi1>
        %masked_cumsum3A_336 = tpu.scan <sum>, %get3A_333 masked %broadcast_in_dim3A_335 : vector<16xi32>, vector<16xi1> -> vector<16xi32>
        %add3A_337 = vector.broadcast %add3A_327 : i32 to vector<16xi32>
        %add3A_338 = arith.addi %masked_cumsum3A_336, %add3A_337 : vector<16xi32>
        %lt3A_339 = vector.broadcast %sub3A_153 : i32 to vector<16xi32>
        %lt3A_340 = arith.cmpi slt, %add3A_338, %lt3A_339 : vector<16xi32>
        %jit3A_341 = arith.constant 1 : i32
        %jit3A_342 = arith.constant 0 : i32
        %broadcast_in_dim3A_343 = vector.broadcast %jit3A_341 : i32 to vector<16xi32>
        %broadcast_in_dim3A_344 = vector.broadcast %jit3A_342 : i32 to vector<16xi32>
        %select_n3A_345 = arith.select %lt3A_340, %broadcast_in_dim3A_343, %broadcast_in_dim3A_344 : vector<16xi1>, vector<16xi32>
        %reduce_sum3A_346 = arith.constant true
        %reduce_sum3A_347 = vector.broadcast %reduce_sum3A_346 : i1 to vector<16xi1>
        %reduce_sum3A_348 = tpu.scan <sum>, %select_n3A_345 masked %reduce_sum3A_347 : vector<16xi32>, vector<16xi1> -> vector<16xi32>
        %reduce_sum3A_349 = vector.extract %reduce_sum3A_348[15] : i32 from vector<16xi32>
        %add3A_350 = arith.addi %add3A_310, %reduce_sum3A_349 : i32
        %jit3A_351 = arith.constant 0 : i32
        %broadcast_in_dim3A_352 = vector.broadcast %jit3A_351 : i32 to vector<16xi32>
        %select_n3A_353 = arith.select %lt3A_340, %add3A_338, %broadcast_in_dim3A_352 : vector<16xi1>, vector<16xi32>
        %reduce_max3A_354 = arith.constant true
        %reduce_max3A_355 = vector.broadcast %reduce_max3A_354 : i1 to vector<16xi1>
        %reduce_max3A_356 = arith.constant -2147483648 : i32
        %reduce_max3A_357 = vector.broadcast %reduce_max3A_356 : i32 to vector<16xi32>
        %reduce_max3A_358 = arith.xori %select_n3A_353, %reduce_max3A_357 : vector<16xi32>
        %reduce_max3A_359 = tpu.scan <max>, %reduce_max3A_358 masked %reduce_max3A_355 : vector<16xi32>, vector<16xi1> -> vector<16xi32>
        %reduce_max3A_360 = arith.xori %reduce_max3A_359, %reduce_max3A_357 : vector<16xi32>
        %reduce_max3A_361 = vector.extract %reduce_max3A_360[15] : i32 from vector<16xi32>
        %max3A_362 = arith.maxsi %max3A_322, %reduce_max3A_361 : i32
        %reduce_sum3A_363 = arith.constant true
        %reduce_sum3A_364 = vector.broadcast %reduce_sum3A_363 : i1 to vector<16xi1>
        %reduce_sum3A_365 = tpu.scan <sum>, %get3A_333 masked %reduce_sum3A_364 : vector<16xi32>, vector<16xi1> -> vector<16xi32>
        %reduce_sum3A_366 = vector.extract %reduce_sum3A_365[15] : i32 from vector<16xi32>
        %add3A_367 = arith.addi %add3A_327, %reduce_sum3A_366 : i32
        %scan3A_368 = arith.constant 3 : i32
        %scan3A_369 = arith.addi %scan3A_253, %scan3A_368 : i32
        %mul3A_370 = arith.constant 16 : i32
        %mul3A_371 = arith.muli %scan3A_369, %mul3A_370 : i32
        %get3A_372 = arith.index_cast %mul3A_371 : i32 to index
        %get3A_373 = tpu.vector_load %arg5[%get3A_372] {strides = array<i32>} : memref<256xi32, #tpu.memory_space<vmem>>, vector<16xi32>,
        %broadcast_in_dim3A_374 = arith.constant true
        %broadcast_in_dim3A_375 = vector.broadcast %broadcast_in_dim3A_374 : i1 to vector<16xi1>
        %masked_cumsum3A_376 = tpu.scan <sum>, %get3A_373 masked %broadcast_in_dim3A_375 : vector<16xi32>, vector<16xi1> -> vector<16xi32>
        %add3A_377 = vector.broadcast %add3A_367 : i32 to vector<16xi32>
        %add3A_378 = arith.addi %masked_cumsum3A_376, %add3A_377 : vector<16xi32>
        %lt3A_379 = vector.broadcast %sub3A_153 : i32 to vector<16xi32>
        %lt3A_380 = arith.cmpi slt, %add3A_378, %lt3A_379 : vector<16xi32>
        %jit3A_381 = arith.constant 1 : i32
        %jit3A_382 = arith.constant 0 : i32
        %broadcast_in_dim3A_383 = vector.broadcast %jit3A_381 : i32 to vector<16xi32>
        %broadcast_in_dim3A_384 = vector.broadcast %jit3A_382 : i32 to vector<16xi32>
        %select_n3A_385 = arith.select %lt3A_380, %broadcast_in_dim3A_383, %broadcast_in_dim3A_384 : vector<16xi1>, vector<16xi32>
        %reduce_sum3A_386 = arith.constant true
        %reduce_sum3A_387 = vector.broadcast %reduce_sum3A_386 : i1 to vector<16xi1>
        %reduce_sum3A_388 = tpu.scan <sum>, %select_n3A_385 masked %reduce_sum3A_387 : vector<16xi32>, vector<16xi1> -> vector<16xi32>
        %reduce_sum3A_389 = vector.extract %reduce_sum3A_388[15] : i32 from vector<16xi32>
        %add3A_390 = arith.addi %add3A_350, %reduce_sum3A_389 : i32
        %jit3A_391 = arith.constant 0 : i32
        %broadcast_in_dim3A_392 = vector.broadcast %jit3A_391 : i32 to vector<16xi32>
        %select_n3A_393 = arith.select %lt3A_380, %add3A_378, %broadcast_in_dim3A_392 : vector<16xi1>, vector<16xi32>
        %reduce_max3A_394 = arith.constant true
        %reduce_max3A_395 = vector.broadcast %reduce_max3A_394 : i1 to vector<16xi1>
        %reduce_max3A_396 = arith.constant -2147483648 : i32
        %reduce_max3A_397 = vector.broadcast %reduce_max3A_396 : i32 to vector<16xi32>
        %reduce_max3A_398 = arith.xori %select_n3A_393, %reduce_max3A_397 : vector<16xi32>
        %reduce_max3A_399 = tpu.scan <max>, %reduce_max3A_398 masked %reduce_max3A_395 : vector<16xi32>, vector<16xi1> -> vector<16xi32>
        %reduce_max3A_400 = arith.xori %reduce_max3A_399, %reduce_max3A_397 : vector<16xi32>
        %reduce_max3A_401 = vector.extract %reduce_max3A_400[15] : i32 from vector<16xi32>
        %max3A_402 = arith.maxsi %max3A_362, %reduce_max3A_401 : i32
        %reduce_sum3A_403 = arith.constant true
        %reduce_sum3A_404 = vector.broadcast %reduce_sum3A_403 : i1 to vector<16xi1>
        %reduce_sum3A_405 = tpu.scan <sum>, %get3A_373 masked %reduce_sum3A_404 : vector<16xi32>, vector<16xi1> -> vector<16xi32>
        %reduce_sum3A_406 = vector.extract %reduce_sum3A_405[15] : i32 from vector<16xi32>
        %add3A_407 = arith.addi %add3A_367, %reduce_sum3A_406 : i32
        scf.yield %add3A_407, %add3A_390, %max3A_402 : i32, i32, i32
      }
      %scan3A_204 = arith.constant 8 : i32
      %shift_left3A_205 = arith.constant 7 : i32
      %shift_left3A_206 = arith.shli %or3A_152, %shift_left3A_205 : i32
      %or3A_207 = arith.ori %shift_left3A_206, %scan3A_203#1 : i32
      %sub3A_208 = arith.subi %sub3A_153, %scan3A_203#2 : i32
      %scan3A_209 = arith.constant 0 : i32
      %scan3A_210 = arith.constant 0 : i32
      %scan3A_211 = arith.constant 0 : i32
      %scan3A_212 = arith.constant 0 : i32
      %scan3A_213 = arith.constant 8 : i32
      %scan3A_214 = arith.addi %scan3A_212, %scan3A_213 : i32
      %scan3A_215 = arith.constant 4 : i32
      %scan3A_216:3 = scf.for %scan3A_253 = %scan3A_212 to %scan3A_214 step %scan3A_215 iter_args(%scan3A_254 = %scan3A_209, %scan3A_255 = %scan3A_210, %scan3A_256 = %scan3A_211) -> (i32, i32, i32)  : i32 {
        %mul3A_257 = arith.constant 16 : i32
        %mul3A_258 = arith.muli %scan3A_253, %mul3A_257 : i32
        %get3A = arith.index_cast %mul3A_258 : i32 to index
        %get3A_259 = tpu.vector_load %arg6[%get3A] {strides = array<i32>} : memref<256xi32, #tpu.memory_space<vmem>>, vector<16xi32>,
        %broadcast_in_dim3A_260 = arith.constant true
        %broadcast_in_dim3A_261 = vector.broadcast %broadcast_in_dim3A_260 : i1 to vector<16xi1>
        %masked_cumsum3A = tpu.scan <sum>, %get3A_259 masked %broadcast_in_dim3A_261 : vector<16xi32>, vector<16xi1> -> vector<16xi32>
        %add3A_262 = vector.broadcast %scan3A_254 : i32 to vector<16xi32>
        %add3A_263 = arith.addi %masked_cumsum3A, %add3A_262 : vector<16xi32>
        %lt3A = vector.broadcast %sub3A_166 : i32 to vector<16xi32>
        %lt3A_264 = arith.cmpi slt, %add3A_263, %lt3A : vector<16xi32>
        %jit3A = arith.constant 1 : i32
        %jit3A_265 = arith.constant 0 : i32
        %broadcast_in_dim3A_266 = vector.broadcast %jit3A : i32 to vector<16xi32>
        %broadcast_in_dim3A_267 = vector.broadcast %jit3A_265 : i32 to vector<16xi32>
        %select_n3A_268 = arith.select %lt3A_264, %broadcast_in_dim3A_266, %broadcast_in_dim3A_267 : vector<16xi1>, vector<16xi32>
        %reduce_sum3A = arith.constant true
        %reduce_sum3A_269 = vector.broadcast %reduce_sum3A : i1 to vector<16xi1>
        %reduce_sum3A_270 = tpu.scan <sum>, %select_n3A_268 masked %reduce_sum3A_269 : vector<16xi32>, vector<16xi1> -> vector<16xi32>
        %reduce_sum3A_271 = vector.extract %reduce_sum3A_270[15] : i32 from vector<16xi32>
        %add3A_272 = arith.addi %scan3A_255, %reduce_sum3A_271 : i32
        %jit3A_273 = arith.constant 0 : i32
        %broadcast_in_dim3A_274 = vector.broadcast %jit3A_273 : i32 to vector<16xi32>
        %select_n3A_275 = arith.select %lt3A_264, %add3A_263, %broadcast_in_dim3A_274 : vector<16xi1>, vector<16xi32>
        %reduce_max3A = arith.constant true
        %reduce_max3A_276 = vector.broadcast %reduce_max3A : i1 to vector<16xi1>
        %reduce_max3A_277 = arith.constant -2147483648 : i32
        %reduce_max3A_278 = vector.broadcast %reduce_max3A_277 : i32 to vector<16xi32>
        %reduce_max3A_279 = arith.xori %select_n3A_275, %reduce_max3A_278 : vector<16xi32>
        %reduce_max3A_280 = tpu.scan <max>, %reduce_max3A_279 masked %reduce_max3A_276 : vector<16xi32>, vector<16xi1> -> vector<16xi32>
        %reduce_max3A_281 = arith.xori %reduce_max3A_280, %reduce_max3A_278 : vector<16xi32>
        %reduce_max3A_282 = vector.extract %reduce_max3A_281[15] : i32 from vector<16xi32>
        %max3A = arith.maxsi %scan3A_256, %reduce_max3A_282 : i32
        %reduce_sum3A_283 = arith.constant true
        %reduce_sum3A_284 = vector.broadcast %reduce_sum3A_283 : i1 to vector<16xi1>
        %reduce_sum3A_285 = tpu.scan <sum>, %get3A_259 masked %reduce_sum3A_284 : vector<16xi32>, vector<16xi1> -> vector<16xi32>
        %reduce_sum3A_286 = vector.extract %reduce_sum3A_285[15] : i32 from vector<16xi32>
        %add3A_287 = arith.addi %scan3A_254, %reduce_sum3A_286 : i32
        %scan3A_288 = arith.constant 1 : i32
        %scan3A_289 = arith.addi %scan3A_253, %scan3A_288 : i32
        %mul3A_290 = arith.constant 16 : i32
        %mul3A_291 = arith.muli %scan3A_289, %mul3A_290 : i32
        %get3A_292 = arith.index_cast %mul3A_291 : i32 to index
        %get3A_293 = tpu.vector_load %arg6[%get3A_292] {strides = array<i32>} : memref<256xi32, #tpu.memory_space<vmem>>, vector<16xi32>,
        %broadcast_in_dim3A_294 = arith.constant true
        %broadcast_in_dim3A_295 = vector.broadcast %broadcast_in_dim3A_294 : i1 to vector<16xi1>
        %masked_cumsum3A_296 = tpu.scan <sum>, %get3A_293 masked %broadcast_in_dim3A_295 : vector<16xi32>, vector<16xi1> -> vector<16xi32>
        %add3A_297 = vector.broadcast %add3A_287 : i32 to vector<16xi32>
        %add3A_298 = arith.addi %masked_cumsum3A_296, %add3A_297 : vector<16xi32>
        %lt3A_299 = vector.broadcast %sub3A_166 : i32 to vector<16xi32>
        %lt3A_300 = arith.cmpi slt, %add3A_298, %lt3A_299 : vector<16xi32>
        %jit3A_301 = arith.constant 1 : i32
        %jit3A_302 = arith.constant 0 : i32
        %broadcast_in_dim3A_303 = vector.broadcast %jit3A_301 : i32 to vector<16xi32>
        %broadcast_in_dim3A_304 = vector.broadcast %jit3A_302 : i32 to vector<16xi32>
        %select_n3A_305 = arith.select %lt3A_300, %broadcast_in_dim3A_303, %broadcast_in_dim3A_304 : vector<16xi1>, vector<16xi32>
        %reduce_sum3A_306 = arith.constant true
        %reduce_sum3A_307 = vector.broadcast %reduce_sum3A_306 : i1 to vector<16xi1>
        %reduce_sum3A_308 = tpu.scan <sum>, %select_n3A_305 masked %reduce_sum3A_307 : vector<16xi32>, vector<16xi1> -> vector<16xi32>
        %reduce_sum3A_309 = vector.extract %reduce_sum3A_308[15] : i32 from vector<16xi32>
        %add3A_310 = arith.addi %add3A_272, %reduce_sum3A_309 : i32
        %jit3A_311 = arith.constant 0 : i32
        %broadcast_in_dim3A_312 = vector.broadcast %jit3A_311 : i32 to vector<16xi32>
        %select_n3A_313 = arith.select %lt3A_300, %add3A_298, %broadcast_in_dim3A_312 : vector<16xi1>, vector<16xi32>
        %reduce_max3A_314 = arith.constant true
        %reduce_max3A_315 = vector.broadcast %reduce_max3A_314 : i1 to vector<16xi1>
        %reduce_max3A_316 = arith.constant -2147483648 : i32
        %reduce_max3A_317 = vector.broadcast %reduce_max3A_316 : i32 to vector<16xi32>
        %reduce_max3A_318 = arith.xori %select_n3A_313, %reduce_max3A_317 : vector<16xi32>
        %reduce_max3A_319 = tpu.scan <max>, %reduce_max3A_318 masked %reduce_max3A_315 : vector<16xi32>, vector<16xi1> -> vector<16xi32>
        %reduce_max3A_320 = arith.xori %reduce_max3A_319, %reduce_max3A_317 : vector<16xi32>
        %reduce_max3A_321 = vector.extract %reduce_max3A_320[15] : i32 from vector<16xi32>
        %max3A_322 = arith.maxsi %max3A, %reduce_max3A_321 : i32
        %reduce_sum3A_323 = arith.constant true
        %reduce_sum3A_324 = vector.broadcast %reduce_sum3A_323 : i1 to vector<16xi1>
        %reduce_sum3A_325 = tpu.scan <sum>, %get3A_293 masked %reduce_sum3A_324 : vector<16xi32>, vector<16xi1> -> vector<16xi32>
        %reduce_sum3A_326 = vector.extract %reduce_sum3A_325[15] : i32 from vector<16xi32>
        %add3A_327 = arith.addi %add3A_287, %reduce_sum3A_326 : i32
        %scan3A_328 = arith.constant 2 : i32
        %scan3A_329 = arith.addi %scan3A_253, %scan3A_328 : i32
        %mul3A_330 = arith.constant 16 : i32
        %mul3A_331 = arith.muli %scan3A_329, %mul3A_330 : i32
        %get3A_332 = arith.index_cast %mul3A_331 : i32 to index
        %get3A_333 = tpu.vector_load %arg6[%get3A_332] {strides = array<i32>} : memref<256xi32, #tpu.memory_space<vmem>>, vector<16xi32>,
        %broadcast_in_dim3A_334 = arith.constant true
        %broadcast_in_dim3A_335 = vector.broadcast %broadcast_in_dim3A_334 : i1 to vector<16xi1>
        %masked_cumsum3A_336 = tpu.scan <sum>, %get3A_333 masked %broadcast_in_dim3A_335 : vector<16xi32>, vector<16xi1> -> vector<16xi32>
        %add3A_337 = vector.broadcast %add3A_327 : i32 to vector<16xi32>
        %add3A_338 = arith.addi %masked_cumsum3A_336, %add3A_337 : vector<16xi32>
        %lt3A_339 = vector.broadcast %sub3A_166 : i32 to vector<16xi32>
        %lt3A_340 = arith.cmpi slt, %add3A_338, %lt3A_339 : vector<16xi32>
        %jit3A_341 = arith.constant 1 : i32
        %jit3A_342 = arith.constant 0 : i32
        %broadcast_in_dim3A_343 = vector.broadcast %jit3A_341 : i32 to vector<16xi32>
        %broadcast_in_dim3A_344 = vector.broadcast %jit3A_342 : i32 to vector<16xi32>
        %select_n3A_345 = arith.select %lt3A_340, %broadcast_in_dim3A_343, %broadcast_in_dim3A_344 : vector<16xi1>, vector<16xi32>
        %reduce_sum3A_346 = arith.constant true
        %reduce_sum3A_347 = vector.broadcast %reduce_sum3A_346 : i1 to vector<16xi1>
        %reduce_sum3A_348 = tpu.scan <sum>, %select_n3A_345 masked %reduce_sum3A_347 : vector<16xi32>, vector<16xi1> -> vector<16xi32>
        %reduce_sum3A_349 = vector.extract %reduce_sum3A_348[15] : i32 from vector<16xi32>
        %add3A_350 = arith.addi %add3A_310, %reduce_sum3A_349 : i32
        %jit3A_351 = arith.constant 0 : i32
        %broadcast_in_dim3A_352 = vector.broadcast %jit3A_351 : i32 to vector<16xi32>
        %select_n3A_353 = arith.select %lt3A_340, %add3A_338, %broadcast_in_dim3A_352 : vector<16xi1>, vector<16xi32>
        %reduce_max3A_354 = arith.constant true
        %reduce_max3A_355 = vector.broadcast %reduce_max3A_354 : i1 to vector<16xi1>
        %reduce_max3A_356 = arith.constant -2147483648 : i32
        %reduce_max3A_357 = vector.broadcast %reduce_max3A_356 : i32 to vector<16xi32>
        %reduce_max3A_358 = arith.xori %select_n3A_353, %reduce_max3A_357 : vector<16xi32>
        %reduce_max3A_359 = tpu.scan <max>, %reduce_max3A_358 masked %reduce_max3A_355 : vector<16xi32>, vector<16xi1> -> vector<16xi32>
        %reduce_max3A_360 = arith.xori %reduce_max3A_359, %reduce_max3A_357 : vector<16xi32>
        %reduce_max3A_361 = vector.extract %reduce_max3A_360[15] : i32 from vector<16xi32>
        %max3A_362 = arith.maxsi %max3A_322, %reduce_max3A_361 : i32
        %reduce_sum3A_363 = arith.constant true
        %reduce_sum3A_364 = vector.broadcast %reduce_sum3A_363 : i1 to vector<16xi1>
        %reduce_sum3A_365 = tpu.scan <sum>, %get3A_333 masked %reduce_sum3A_364 : vector<16xi32>, vector<16xi1> -> vector<16xi32>
        %reduce_sum3A_366 = vector.extract %reduce_sum3A_365[15] : i32 from vector<16xi32>
        %add3A_367 = arith.addi %add3A_327, %reduce_sum3A_366 : i32
        %scan3A_368 = arith.constant 3 : i32
        %scan3A_369 = arith.addi %scan3A_253, %scan3A_368 : i32
        %mul3A_370 = arith.constant 16 : i32
        %mul3A_371 = arith.muli %scan3A_369, %mul3A_370 : i32
        %get3A_372 = arith.index_cast %mul3A_371 : i32 to index
        %get3A_373 = tpu.vector_load %arg6[%get3A_372] {strides = array<i32>} : memref<256xi32, #tpu.memory_space<vmem>>, vector<16xi32>,
        %broadcast_in_dim3A_374 = arith.constant true
        %broadcast_in_dim3A_375 = vector.broadcast %broadcast_in_dim3A_374 : i1 to vector<16xi1>
        %masked_cumsum3A_376 = tpu.scan <sum>, %get3A_373 masked %broadcast_in_dim3A_375 : vector<16xi32>, vector<16xi1> -> vector<16xi32>
        %add3A_377 = vector.broadcast %add3A_367 : i32 to vector<16xi32>
        %add3A_378 = arith.addi %masked_cumsum3A_376, %add3A_377 : vector<16xi32>
        %lt3A_379 = vector.broadcast %sub3A_166 : i32 to vector<16xi32>
        %lt3A_380 = arith.cmpi slt, %add3A_378, %lt3A_379 : vector<16xi32>
        %jit3A_381 = arith.constant 1 : i32
        %jit3A_382 = arith.constant 0 : i32
        %broadcast_in_dim3A_383 = vector.broadcast %jit3A_381 : i32 to vector<16xi32>
        %broadcast_in_dim3A_384 = vector.broadcast %jit3A_382 : i32 to vector<16xi32>
        %select_n3A_385 = arith.select %lt3A_380, %broadcast_in_dim3A_383, %broadcast_in_dim3A_384 : vector<16xi1>, vector<16xi32>
        %reduce_sum3A_386 = arith.constant true
        %reduce_sum3A_387 = vector.broadcast %reduce_sum3A_386 : i1 to vector<16xi1>
        %reduce_sum3A_388 = tpu.scan <sum>, %select_n3A_385 masked %reduce_sum3A_387 : vector<16xi32>, vector<16xi1> -> vector<16xi32>
        %reduce_sum3A_389 = vector.extract %reduce_sum3A_388[15] : i32 from vector<16xi32>
        %add3A_390 = arith.addi %add3A_350, %reduce_sum3A_389 : i32
        %jit3A_391 = arith.constant 0 : i32
        %broadcast_in_dim3A_392 = vector.broadcast %jit3A_391 : i32 to vector<16xi32>
        %select_n3A_393 = arith.select %lt3A_380, %add3A_378, %broadcast_in_dim3A_392 : vector<16xi1>, vector<16xi32>
        %reduce_max3A_394 = arith.constant true
        %reduce_max3A_395 = vector.broadcast %reduce_max3A_394 : i1 to vector<16xi1>
        %reduce_max3A_396 = arith.constant -2147483648 : i32
        %reduce_max3A_397 = vector.broadcast %reduce_max3A_396 : i32 to vector<16xi32>
        %reduce_max3A_398 = arith.xori %select_n3A_393, %reduce_max3A_397 : vector<16xi32>
        %reduce_max3A_399 = tpu.scan <max>, %reduce_max3A_398 masked %reduce_max3A_395 : vector<16xi32>, vector<16xi1> -> vector<16xi32>
        %reduce_max3A_400 = arith.xori %reduce_max3A_399, %reduce_max3A_397 : vector<16xi32>
        %reduce_max3A_401 = vector.extract %reduce_max3A_400[15] : i32 from vector<16xi32>
        %max3A_402 = arith.maxsi %max3A_362, %reduce_max3A_401 : i32
        %reduce_sum3A_403 = arith.constant true
        %reduce_sum3A_404 = vector.broadcast %reduce_sum3A_403 : i1 to vector<16xi1>
        %reduce_sum3A_405 = tpu.scan <sum>, %get3A_373 masked %reduce_sum3A_404 : vector<16xi32>, vector<16xi1> -> vector<16xi32>
        %reduce_sum3A_406 = vector.extract %reduce_sum3A_405[15] : i32 from vector<16xi32>
        %add3A_407 = arith.addi %add3A_367, %reduce_sum3A_406 : i32
        scf.yield %add3A_407, %add3A_390, %max3A_402 : i32, i32, i32
      }
      %scan3A_217 = arith.constant 8 : i32
      %shift_left3A_218 = arith.constant 7 : i32
      %shift_left3A_219 = arith.shli %or3A_165, %shift_left3A_218 : i32
      %or3A_220 = arith.ori %shift_left3A_219, %scan3A_216#1 : i32
      %sub3A_221 = arith.subi %sub3A_166, %scan3A_216#2 : i32
      %scan3A_222 = arith.constant 0 : i32
      %scan3A_223 = arith.constant 0 : i32
      %scan3A_224 = arith.constant 0 : i32
      %scan3A_225 = arith.constant 0 : i32
      %scan3A_226 = arith.constant 8 : i32
      %scan3A_227 = arith.addi %scan3A_225, %scan3A_226 : i32
      %scan3A_228 = arith.constant 4 : i32
      %scan3A_229:3 = scf.for %scan3A_253 = %scan3A_225 to %scan3A_227 step %scan3A_228 iter_args(%scan3A_254 = %scan3A_222, %scan3A_255 = %scan3A_223, %scan3A_256 = %scan3A_224) -> (i32, i32, i32)  : i32 {
        %mul3A_257 = arith.constant 16 : i32
        %mul3A_258 = arith.muli %scan3A_253, %mul3A_257 : i32
        %get3A = arith.index_cast %mul3A_258 : i32 to index
        %get3A_259 = tpu.vector_load %arg7[%get3A] {strides = array<i32>} : memref<256xi32, #tpu.memory_space<vmem>>, vector<16xi32>,
        %broadcast_in_dim3A_260 = arith.constant true
        %broadcast_in_dim3A_261 = vector.broadcast %broadcast_in_dim3A_260 : i1 to vector<16xi1>
        %masked_cumsum3A = tpu.scan <sum>, %get3A_259 masked %broadcast_in_dim3A_261 : vector<16xi32>, vector<16xi1> -> vector<16xi32>
        %add3A_262 = vector.broadcast %scan3A_254 : i32 to vector<16xi32>
        %add3A_263 = arith.addi %masked_cumsum3A, %add3A_262 : vector<16xi32>
        %lt3A = vector.broadcast %sub3A_179 : i32 to vector<16xi32>
        %lt3A_264 = arith.cmpi slt, %add3A_263, %lt3A : vector<16xi32>
        %jit3A = arith.constant 1 : i32
        %jit3A_265 = arith.constant 0 : i32
        %broadcast_in_dim3A_266 = vector.broadcast %jit3A : i32 to vector<16xi32>
        %broadcast_in_dim3A_267 = vector.broadcast %jit3A_265 : i32 to vector<16xi32>
        %select_n3A_268 = arith.select %lt3A_264, %broadcast_in_dim3A_266, %broadcast_in_dim3A_267 : vector<16xi1>, vector<16xi32>
        %reduce_sum3A = arith.constant true
        %reduce_sum3A_269 = vector.broadcast %reduce_sum3A : i1 to vector<16xi1>
        %reduce_sum3A_270 = tpu.scan <sum>, %select_n3A_268 masked %reduce_sum3A_269 : vector<16xi32>, vector<16xi1> -> vector<16xi32>
        %reduce_sum3A_271 = vector.extract %reduce_sum3A_270[15] : i32 from vector<16xi32>
        %add3A_272 = arith.addi %scan3A_255, %reduce_sum3A_271 : i32
        %jit3A_273 = arith.constant 0 : i32
        %broadcast_in_dim3A_274 = vector.broadcast %jit3A_273 : i32 to vector<16xi32>
        %select_n3A_275 = arith.select %lt3A_264, %add3A_263, %broadcast_in_dim3A_274 : vector<16xi1>, vector<16xi32>
        %reduce_max3A = arith.constant true
        %reduce_max3A_276 = vector.broadcast %reduce_max3A : i1 to vector<16xi1>
        %reduce_max3A_277 = arith.constant -2147483648 : i32
        %reduce_max3A_278 = vector.broadcast %reduce_max3A_277 : i32 to vector<16xi32>
        %reduce_max3A_279 = arith.xori %select_n3A_275, %reduce_max3A_278 : vector<16xi32>
        %reduce_max3A_280 = tpu.scan <max>, %reduce_max3A_279 masked %reduce_max3A_276 : vector<16xi32>, vector<16xi1> -> vector<16xi32>
        %reduce_max3A_281 = arith.xori %reduce_max3A_280, %reduce_max3A_278 : vector<16xi32>
        %reduce_max3A_282 = vector.extract %reduce_max3A_281[15] : i32 from vector<16xi32>
        %max3A = arith.maxsi %scan3A_256, %reduce_max3A_282 : i32
        %reduce_sum3A_283 = arith.constant true
        %reduce_sum3A_284 = vector.broadcast %reduce_sum3A_283 : i1 to vector<16xi1>
        %reduce_sum3A_285 = tpu.scan <sum>, %get3A_259 masked %reduce_sum3A_284 : vector<16xi32>, vector<16xi1> -> vector<16xi32>
        %reduce_sum3A_286 = vector.extract %reduce_sum3A_285[15] : i32 from vector<16xi32>
        %add3A_287 = arith.addi %scan3A_254, %reduce_sum3A_286 : i32
        %scan3A_288 = arith.constant 1 : i32
        %scan3A_289 = arith.addi %scan3A_253, %scan3A_288 : i32
        %mul3A_290 = arith.constant 16 : i32
        %mul3A_291 = arith.muli %scan3A_289, %mul3A_290 : i32
        %get3A_292 = arith.index_cast %mul3A_291 : i32 to index
        %get3A_293 = tpu.vector_load %arg7[%get3A_292] {strides = array<i32>} : memref<256xi32, #tpu.memory_space<vmem>>, vector<16xi32>,
        %broadcast_in_dim3A_294 = arith.constant true
        %broadcast_in_dim3A_295 = vector.broadcast %broadcast_in_dim3A_294 : i1 to vector<16xi1>
        %masked_cumsum3A_296 = tpu.scan <sum>, %get3A_293 masked %broadcast_in_dim3A_295 : vector<16xi32>, vector<16xi1> -> vector<16xi32>
        %add3A_297 = vector.broadcast %add3A_287 : i32 to vector<16xi32>
        %add3A_298 = arith.addi %masked_cumsum3A_296, %add3A_297 : vector<16xi32>
        %lt3A_299 = vector.broadcast %sub3A_179 : i32 to vector<16xi32>
        %lt3A_300 = arith.cmpi slt, %add3A_298, %lt3A_299 : vector<16xi32>
        %jit3A_301 = arith.constant 1 : i32
        %jit3A_302 = arith.constant 0 : i32
        %broadcast_in_dim3A_303 = vector.broadcast %jit3A_301 : i32 to vector<16xi32>
        %broadcast_in_dim3A_304 = vector.broadcast %jit3A_302 : i32 to vector<16xi32>
        %select_n3A_305 = arith.select %lt3A_300, %broadcast_in_dim3A_303, %broadcast_in_dim3A_304 : vector<16xi1>, vector<16xi32>
        %reduce_sum3A_306 = arith.constant true
        %reduce_sum3A_307 = vector.broadcast %reduce_sum3A_306 : i1 to vector<16xi1>
        %reduce_sum3A_308 = tpu.scan <sum>, %select_n3A_305 masked %reduce_sum3A_307 : vector<16xi32>, vector<16xi1> -> vector<16xi32>
        %reduce_sum3A_309 = vector.extract %reduce_sum3A_308[15] : i32 from vector<16xi32>
        %add3A_310 = arith.addi %add3A_272, %reduce_sum3A_309 : i32
        %jit3A_311 = arith.constant 0 : i32
        %broadcast_in_dim3A_312 = vector.broadcast %jit3A_311 : i32 to vector<16xi32>
        %select_n3A_313 = arith.select %lt3A_300, %add3A_298, %broadcast_in_dim3A_312 : vector<16xi1>, vector<16xi32>
        %reduce_max3A_314 = arith.constant true
        %reduce_max3A_315 = vector.broadcast %reduce_max3A_314 : i1 to vector<16xi1>
        %reduce_max3A_316 = arith.constant -2147483648 : i32
        %reduce_max3A_317 = vector.broadcast %reduce_max3A_316 : i32 to vector<16xi32>
        %reduce_max3A_318 = arith.xori %select_n3A_313, %reduce_max3A_317 : vector<16xi32>
        %reduce_max3A_319 = tpu.scan <max>, %reduce_max3A_318 masked %reduce_max3A_315 : vector<16xi32>, vector<16xi1> -> vector<16xi32>
        %reduce_max3A_320 = arith.xori %reduce_max3A_319, %reduce_max3A_317 : vector<16xi32>
        %reduce_max3A_321 = vector.extract %reduce_max3A_320[15] : i32 from vector<16xi32>
        %max3A_322 = arith.maxsi %max3A, %reduce_max3A_321 : i32
        %reduce_sum3A_323 = arith.constant true
        %reduce_sum3A_324 = vector.broadcast %reduce_sum3A_323 : i1 to vector<16xi1>
        %reduce_sum3A_325 = tpu.scan <sum>, %get3A_293 masked %reduce_sum3A_324 : vector<16xi32>, vector<16xi1> -> vector<16xi32>
        %reduce_sum3A_326 = vector.extract %reduce_sum3A_325[15] : i32 from vector<16xi32>
        %add3A_327 = arith.addi %add3A_287, %reduce_sum3A_326 : i32
        %scan3A_328 = arith.constant 2 : i32
        %scan3A_329 = arith.addi %scan3A_253, %scan3A_328 : i32
        %mul3A_330 = arith.constant 16 : i32
        %mul3A_331 = arith.muli %scan3A_329, %mul3A_330 : i32
        %get3A_332 = arith.index_cast %mul3A_331 : i32 to index
        %get3A_333 = tpu.vector_load %arg7[%get3A_332] {strides = array<i32>} : memref<256xi32, #tpu.memory_space<vmem>>, vector<16xi32>,
        %broadcast_in_dim3A_334 = arith.constant true
        %broadcast_in_dim3A_335 = vector.broadcast %broadcast_in_dim3A_334 : i1 to vector<16xi1>
        %masked_cumsum3A_336 = tpu.scan <sum>, %get3A_333 masked %broadcast_in_dim3A_335 : vector<16xi32>, vector<16xi1> -> vector<16xi32>
        %add3A_337 = vector.broadcast %add3A_327 : i32 to vector<16xi32>
        %add3A_338 = arith.addi %masked_cumsum3A_336, %add3A_337 : vector<16xi32>
        %lt3A_339 = vector.broadcast %sub3A_179 : i32 to vector<16xi32>
        %lt3A_340 = arith.cmpi slt, %add3A_338, %lt3A_339 : vector<16xi32>
        %jit3A_341 = arith.constant 1 : i32
        %jit3A_342 = arith.constant 0 : i32
        %broadcast_in_dim3A_343 = vector.broadcast %jit3A_341 : i32 to vector<16xi32>
        %broadcast_in_dim3A_344 = vector.broadcast %jit3A_342 : i32 to vector<16xi32>
        %select_n3A_345 = arith.select %lt3A_340, %broadcast_in_dim3A_343, %broadcast_in_dim3A_344 : vector<16xi1>, vector<16xi32>
        %reduce_sum3A_346 = arith.constant true
        %reduce_sum3A_347 = vector.broadcast %reduce_sum3A_346 : i1 to vector<16xi1>
        %reduce_sum3A_348 = tpu.scan <sum>, %select_n3A_345 masked %reduce_sum3A_347 : vector<16xi32>, vector<16xi1> -> vector<16xi32>
        %reduce_sum3A_349 = vector.extract %reduce_sum3A_348[15] : i32 from vector<16xi32>
        %add3A_350 = arith.addi %add3A_310, %reduce_sum3A_349 : i32
        %jit3A_351 = arith.constant 0 : i32
        %broadcast_in_dim3A_352 = vector.broadcast %jit3A_351 : i32 to vector<16xi32>
        %select_n3A_353 = arith.select %lt3A_340, %add3A_338, %broadcast_in_dim3A_352 : vector<16xi1>, vector<16xi32>
        %reduce_max3A_354 = arith.constant true
        %reduce_max3A_355 = vector.broadcast %reduce_max3A_354 : i1 to vector<16xi1>
        %reduce_max3A_356 = arith.constant -2147483648 : i32
        %reduce_max3A_357 = vector.broadcast %reduce_max3A_356 : i32 to vector<16xi32>
        %reduce_max3A_358 = arith.xori %select_n3A_353, %reduce_max3A_357 : vector<16xi32>
        %reduce_max3A_359 = tpu.scan <max>, %reduce_max3A_358 masked %reduce_max3A_355 : vector<16xi32>, vector<16xi1> -> vector<16xi32>
        %reduce_max3A_360 = arith.xori %reduce_max3A_359, %reduce_max3A_357 : vector<16xi32>
        %reduce_max3A_361 = vector.extract %reduce_max3A_360[15] : i32 from vector<16xi32>
        %max3A_362 = arith.maxsi %max3A_322, %reduce_max3A_361 : i32
        %reduce_sum3A_363 = arith.constant true
        %reduce_sum3A_364 = vector.broadcast %reduce_sum3A_363 : i1 to vector<16xi1>
        %reduce_sum3A_365 = tpu.scan <sum>, %get3A_333 masked %reduce_sum3A_364 : vector<16xi32>, vector<16xi1> -> vector<16xi32>
        %reduce_sum3A_366 = vector.extract %reduce_sum3A_365[15] : i32 from vector<16xi32>
        %add3A_367 = arith.addi %add3A_327, %reduce_sum3A_366 : i32
        %scan3A_368 = arith.constant 3 : i32
        %scan3A_369 = arith.addi %scan3A_253, %scan3A_368 : i32
        %mul3A_370 = arith.constant 16 : i32
        %mul3A_371 = arith.muli %scan3A_369, %mul3A_370 : i32
        %get3A_372 = arith.index_cast %mul3A_371 : i32 to index
        %get3A_373 = tpu.vector_load %arg7[%get3A_372] {strides = array<i32>} : memref<256xi32, #tpu.memory_space<vmem>>, vector<16xi32>,
        %broadcast_in_dim3A_374 = arith.constant true
        %broadcast_in_dim3A_375 = vector.broadcast %broadcast_in_dim3A_374 : i1 to vector<16xi1>
        %masked_cumsum3A_376 = tpu.scan <sum>, %get3A_373 masked %broadcast_in_dim3A_375 : vector<16xi32>, vector<16xi1> -> vector<16xi32>
        %add3A_377 = vector.broadcast %add3A_367 : i32 to vector<16xi32>
        %add3A_378 = arith.addi %masked_cumsum3A_376, %add3A_377 : vector<16xi32>
        %lt3A_379 = vector.broadcast %sub3A_179 : i32 to vector<16xi32>
        %lt3A_380 = arith.cmpi slt, %add3A_378, %lt3A_379 : vector<16xi32>
        %jit3A_381 = arith.constant 1 : i32
        %jit3A_382 = arith.constant 0 : i32
        %broadcast_in_dim3A_383 = vector.broadcast %jit3A_381 : i32 to vector<16xi32>
        %broadcast_in_dim3A_384 = vector.broadcast %jit3A_382 : i32 to vector<16xi32>
        %select_n3A_385 = arith.select %lt3A_380, %broadcast_in_dim3A_383, %broadcast_in_dim3A_384 : vector<16xi1>, vector<16xi32>
        %reduce_sum3A_386 = arith.constant true
        %reduce_sum3A_387 = vector.broadcast %reduce_sum3A_386 : i1 to vector<16xi1>
        %reduce_sum3A_388 = tpu.scan <sum>, %select_n3A_385 masked %reduce_sum3A_387 : vector<16xi32>, vector<16xi1> -> vector<16xi32>
        %reduce_sum3A_389 = vector.extract %reduce_sum3A_388[15] : i32 from vector<16xi32>
        %add3A_390 = arith.addi %add3A_350, %reduce_sum3A_389 : i32
        %jit3A_391 = arith.constant 0 : i32
        %broadcast_in_dim3A_392 = vector.broadcast %jit3A_391 : i32 to vector<16xi32>
        %select_n3A_393 = arith.select %lt3A_380, %add3A_378, %broadcast_in_dim3A_392 : vector<16xi1>, vector<16xi32>
        %reduce_max3A_394 = arith.constant true
        %reduce_max3A_395 = vector.broadcast %reduce_max3A_394 : i1 to vector<16xi1>
        %reduce_max3A_396 = arith.constant -2147483648 : i32
        %reduce_max3A_397 = vector.broadcast %reduce_max3A_396 : i32 to vector<16xi32>
        %reduce_max3A_398 = arith.xori %select_n3A_393, %reduce_max3A_397 : vector<16xi32>
        %reduce_max3A_399 = tpu.scan <max>, %reduce_max3A_398 masked %reduce_max3A_395 : vector<16xi32>, vector<16xi1> -> vector<16xi32>
        %reduce_max3A_400 = arith.xori %reduce_max3A_399, %reduce_max3A_397 : vector<16xi32>
        %reduce_max3A_401 = vector.extract %reduce_max3A_400[15] : i32 from vector<16xi32>
        %max3A_402 = arith.maxsi %max3A_362, %reduce_max3A_401 : i32
        %reduce_sum3A_403 = arith.constant true
        %reduce_sum3A_404 = vector.broadcast %reduce_sum3A_403 : i1 to vector<16xi1>
        %reduce_sum3A_405 = tpu.scan <sum>, %get3A_373 masked %reduce_sum3A_404 : vector<16xi32>, vector<16xi1> -> vector<16xi32>
        %reduce_sum3A_406 = vector.extract %reduce_sum3A_405[15] : i32 from vector<16xi32>
        %add3A_407 = arith.addi %add3A_367, %reduce_sum3A_406 : i32
        scf.yield %add3A_407, %add3A_390, %max3A_402 : i32, i32, i32
      }
      %scan3A_230 = arith.constant 8 : i32
      %shift_left3A_231 = arith.constant 7 : i32
      %shift_left3A_232 = arith.shli %or3A_178, %shift_left3A_231 : i32
      %or3A_233 = arith.ori %shift_left3A_232, %scan3A_229#1 : i32
      %sub3A_234 = arith.subi %sub3A_179, %scan3A_229#2 : i32
      %iota3A = tpu.iota {dimensions = array<i32: 0>} : vector<16xi32>
      %broadcast_in_dim3A_235 = arith.constant 0 : i32
      %broadcast_in_dim3A_236 = vector.broadcast %broadcast_in_dim3A_235 : i32 to vector<16xi32>
      %eq3A = arith.constant 0 : i32
      %eq3A_237 = vector.broadcast %eq3A : i32 to vector<16xi32>
      %eq3A_238 = arith.cmpi eq, %iota3A, %eq3A_237 : vector<16xi32>
      %broadcast_in_dim3A_239 = vector.broadcast %or3A_207 : i32 to vector<16xi32>
      %select_n3A = arith.select %eq3A_238, %broadcast_in_dim3A_239, %broadcast_in_dim3A_236 : vector<16xi1>, vector<16xi32>
      %eq3A_240 = arith.constant 1 : i32
      %eq3A_241 = vector.broadcast %eq3A_240 : i32 to vector<16xi32>
      %eq3A_242 = arith.cmpi eq, %iota3A, %eq3A_241 : vector<16xi32>
      %broadcast_in_dim3A_243 = vector.broadcast %or3A_220 : i32 to vector<16xi32>
      %select_n3A_244 = arith.select %eq3A_242, %broadcast_in_dim3A_243, %select_n3A : vector<16xi1>, vector<16xi32>
      %eq3A_245 = arith.constant 2 : i32
      %eq3A_246 = vector.broadcast %eq3A_245 : i32 to vector<16xi32>
      %eq3A_247 = arith.cmpi eq, %iota3A, %eq3A_246 : vector<16xi32>
      %broadcast_in_dim3A_248 = vector.broadcast %or3A_233 : i32 to vector<16xi32>
      %select_n3A_249 = arith.select %eq3A_247, %broadcast_in_dim3A_248, %select_n3A_244 : vector<16xi1>, vector<16xi32>
      %mul3A_250 = arith.constant 16 : i32
      %mul3A_251 = arith.muli %scan3A_8, %mul3A_250 : i32
      %swap3A = arith.index_cast %mul3A_251 : i32 to index
      %swap3A_252 = tpu.vector_load %arg8[%swap3A] {strides = array<i32>} : memref<768xi32, #tpu.memory_space<vmem>>, vector<16xi32>,
      tpu.vector_store %arg8[%swap3A], %select_n3A_249 {strides = array<i32>} : memref<768xi32, #tpu.memory_space<vmem>>, vector<16xi32>,
    }
    %scan3A_7 = arith.constant 48 : i32
    "tpu.region"() ({
      %run_scoped3A = tpu.sem_alloc : memref<!tpu.dma_semaphore, #tpu.memory_space<semaphore_mem>>
      %dma_start3A = arith.constant 0 : i32
      %dma_start3A_8 = tpu.memref_slice %arg3[%add3A, %dma_start3A] : memref<32x768xi32, #tpu.memory_space<hbm>> -> memref<1x768xi32, #tpu.memory_space<hbm>>
      %dma_start3A_9 = tpu.memref_squeeze %dma_start3A_8 : memref<1x768xi32, #tpu.memory_space<hbm>> -> memref<768xi32, #tpu.memory_space<hbm>>
      %dma_start3A_10 = arith.constant 0 : i32
      %dma_start3A_11 = tpu.memref_slice %arg3[%add3A, %dma_start3A_10] : memref<32x768xi32, #tpu.memory_space<hbm>> -> memref<1x768xi32, #tpu.memory_space<hbm>>
      %dma_start3A_12 = tpu.memref_squeeze %dma_start3A_11 : memref<1x768xi32, #tpu.memory_space<hbm>> -> memref<768xi32, #tpu.memory_space<hbm>>
      tpu.enqueue_dma source(%arg8 : memref<768xi32, #tpu.memory_space<vmem>>) target(%dma_start3A_12 : memref<768xi32, #tpu.memory_space<hbm>>) target_semaphore(%run_scoped3A : memref<!tpu.dma_semaphore, #tpu.memory_space<semaphore_mem>>)
      %dma_wait3A = arith.constant 0 : i32
      %dma_wait3A_13 = tpu.memref_slice %arg3[%add3A, %dma_wait3A] : memref<32x768xi32, #tpu.memory_space<hbm>> -> memref<1x768xi32, #tpu.memory_space<hbm>>
      %dma_wait3A_14 = tpu.memref_squeeze %dma_wait3A_13 : memref<1x768xi32, #tpu.memory_space<hbm>> -> memref<768xi32, #tpu.memory_space<hbm>>
      %dma_wait3A_15 = arith.constant 0 : i32
      %dma_wait3A_16 = tpu.memref_slice %arg3[%add3A, %dma_wait3A_15] : memref<32x768xi32, #tpu.memory_space<hbm>> -> memref<1x768xi32, #tpu.memory_space<hbm>>
      %dma_wait3A_17 = tpu.memref_squeeze %dma_wait3A_16 : memref<1x768xi32, #tpu.memory_space<hbm>> -> memref<768xi32, #tpu.memory_space<hbm>>
      tpu.wait_dma2 semaphore(%run_scoped3A : memref<!tpu.dma_semaphore, #tpu.memory_space<semaphore_mem>>) src(%arg8 : memref<768xi32, #tpu.memory_space<vmem>>) dst(%dma_wait3A_17 : memref<768xi32, #tpu.memory_space<hbm>>)
      tpu.yield
    }) : () -> ()
    return
  }
}

module attributes {stable_mosaic.version = 14 : i64} {
  func.func @_prep_body(%arg0: i32, %arg1: memref<4096x64xf32, #tpu.memory_space<vmem>>, %arg2: memref<256x64xf32, #tpu.memory_space<vmem>>, %arg3: memref<256x4096xi32, #tpu.memory_space<vmem>>) attributes {dimension_semantics = [#tpu.dimension_semantics<arbitrary>], iteration_bounds = array<i64: 6>, scalar_prefetch = 0 : i64, scratch_operands = 0 : i64, tpu.core_type = #tpu.core_type<tc>, window_params = [{pipeline_mode = #tpu.pipeline_mode<synchronous>, transform_indices = @transform_0, window_bounds = array<i64: 4096, 64>}, {transform_indices = @transform_1, window_bounds = array<i64: 256, 64>}, {transform_indices = @transform_2, window_bounds = array<i64: 256, 4096>}]} {
    %get3A = arith.constant 0 : index
    %get3A_0 = arith.constant 0 : index
    %get3A_1 = vector.load %arg1[%get3A, %get3A_0] : memref<4096x64xf32, #tpu.memory_space<vmem>>, vector<4096x64xf32>
    %get3A_2 = arith.constant 0 : index
    %get3A_3 = arith.constant 0 : index
    %get3A_4 = vector.load %arg2[%get3A_2, %get3A_3] : memref<256x64xf32, #tpu.memory_space<vmem>>, vector<256x64xf32>
    %mul3A = arith.mulf %get3A_1, %get3A_1 : vector<4096x64xf32>
    %reduce_sum3A = arith.constant dense<0.000000e+00> : vector<4096xf32>
    %reduce_sum3A_5 = vector.multi_reduction <add>, %mul3A, %reduce_sum3A [1] : vector<4096x64xf32> to vector<4096xf32>
    %mul3A_6 = arith.mulf %get3A_4, %get3A_4 : vector<256x64xf32>
    %reduce_sum3A_7 = arith.constant dense<0.000000e+00> : vector<256xf32>
    %reduce_sum3A_8 = vector.multi_reduction <add>, %mul3A_6, %reduce_sum3A_7 [1] : vector<256x64xf32> to vector<256xf32>
    %dot_general3A = arith.constant dense<0.000000e+00> : vector<256x4096xf32>
    %dot_general3A_9 = tpu.matmul %get3A_4, %get3A_1, %dot_general3A {dimension_numbers = #tpu.dot_dimension_numbers<[1], [1], [0], [0], [0, 0, 1, 0], [], []>, transpose_lhs_hint = false} : vector<256x64xf32>, vector<4096x64xf32>, vector<256x4096xf32> -> vector<256x4096xf32>
    %broadcast_in_dim3A = vector.shape_cast %reduce_sum3A_8 : vector<256xf32> to vector<256x1xf32>
    %broadcast_in_dim3A_10 = vector.shape_cast %reduce_sum3A_5 : vector<4096xf32> to vector<1x4096xf32>
    %add3A = vector.broadcast %broadcast_in_dim3A : vector<256x1xf32> to vector<256x4096xf32>
    %add3A_11 = vector.broadcast %broadcast_in_dim3A_10 : vector<1x4096xf32> to vector<256x4096xf32>
    %add3A_12 = arith.addf %add3A, %add3A_11 : vector<256x4096xf32>
    %mul3A_13 = arith.constant 2.000000e+00 : f32
    %mul3A_14 = vector.broadcast %mul3A_13 : f32 to vector<256x4096xf32>
    %mul3A_15 = arith.mulf %mul3A_14, %dot_general3A_9 : vector<256x4096xf32>
    %sub3A = arith.subf %add3A_12, %mul3A_15 : vector<256x4096xf32>
    %max3A = arith.constant 9.99999996E-13 : f32
    %max3A_16 = vector.broadcast %max3A : f32 to vector<256x4096xf32>
    %max3A_17 = arith.maximumf %sub3A, %max3A_16 : vector<256x4096xf32>
    %bitcast_convert_type3A = tpu.bitcast %max3A_17 : vector<256x4096xf32> -> vector<256x4096xi32>
    %swap3A = arith.constant 0 : index
    %swap3A_18 = arith.constant 0 : index
    %swap3A_19 = vector.load %arg3[%swap3A, %swap3A_18] : memref<256x4096xi32, #tpu.memory_space<vmem>>, vector<256x4096xi32>
    tpu.vector_store %arg3[%swap3A, %swap3A_18], %bitcast_convert_type3A {strides = array<i32>} : memref<256x4096xi32, #tpu.memory_space<vmem>>, vector<256x4096xi32>,
    return
  }
  func.func @transform_0(%arg0: i32) -> (i32, i32) {
    %c0_i32 = arith.constant 0 : i32
    %c0_i32_0 = arith.constant 0 : i32
    %c0_i32_1 = arith.constant 0 : i32
    return %c0_i32, %c0_i32_0 : i32, i32
  }
  func.func @transform_1(%arg0: i32) -> (i32, i32) {
    %add3A = arith.constant 10 : i32
    %add3A_0 = arith.addi %arg0, %add3A : i32
    %c0_i32 = arith.constant 0 : i32
    %c0_i32_1 = arith.constant 0 : i32
    return %add3A_0, %c0_i32 : i32, i32
  }
  func.func @transform_2(%arg0: i32) -> (i32, i32) {
    %c0_i32 = arith.constant 0 : i32
    %c0_i32_0 = arith.constant 0 : i32
    return %arg0, %c0_i32 : i32, i32
  }
}

module attributes {stable_mosaic.version = 14 : i64} {
  func.func @_main_body(%arg0: i32, %arg1: memref<4096x64xf32, #tpu.memory_space<vmem>>, %arg2: memref<256x64xf32, #tpu.memory_space<vmem>>, %arg3: memref<1x1xf32, #tpu.memory_space<vmem>>, %arg4: memref<256x1xf32, #tpu.memory_space<vmem>>, %arg5: memref<256x1xf32, #tpu.memory_space<vmem>>) attributes {dimension_semantics = [#tpu.dimension_semantics<arbitrary>], iteration_bounds = array<i64: 10>, scalar_prefetch = 0 : i64, scratch_operands = 0 : i64, tpu.core_type = #tpu.core_type<tc>, window_params = [{pipeline_mode = #tpu.pipeline_mode<synchronous>, transform_indices = @transform_0, window_bounds = array<i64: 4096, 64>}, {transform_indices = @transform_1, window_bounds = array<i64: 256, 64>}, {pipeline_mode = #tpu.pipeline_mode<synchronous>, transform_indices = @transform_2, window_bounds = array<i64: 1, 1>}, {transform_indices = @transform_3, window_bounds = array<i64: 256, 1>}, {transform_indices = @transform_4, window_bounds = array<i64: 256, 1>}]} {
    %get3A = arith.constant 0 : index
    %get3A_0 = arith.constant 0 : index
    %get3A_1 = vector.load %arg1[%get3A, %get3A_0] : memref<4096x64xf32, #tpu.memory_space<vmem>>, vector<4096x64xf32>
    %get3A_2 = arith.constant 0 : index
    %get3A_3 = arith.constant 0 : index
    %get3A_4 = vector.load %arg2[%get3A_2, %get3A_3] : memref<256x64xf32, #tpu.memory_space<vmem>>, vector<256x64xf32>
    %mul3A = arith.mulf %get3A_1, %get3A_1 : vector<4096x64xf32>
    %reduce_sum3A = arith.constant dense<0.000000e+00> : vector<4096xf32>
    %reduce_sum3A_5 = vector.multi_reduction <add>, %mul3A, %reduce_sum3A [1] : vector<4096x64xf32> to vector<4096xf32>
    %mul3A_6 = arith.mulf %get3A_4, %get3A_4 : vector<256x64xf32>
    %reduce_sum3A_7 = arith.constant dense<0.000000e+00> : vector<256xf32>
    %reduce_sum3A_8 = vector.multi_reduction <add>, %mul3A_6, %reduce_sum3A_7 [1] : vector<256x64xf32> to vector<256xf32>
    %dot_general3A = arith.constant dense<0.000000e+00> : vector<256x4096xf32>
    %dot_general3A_9 = tpu.matmul %get3A_4, %get3A_1, %dot_general3A {dimension_numbers = #tpu.dot_dimension_numbers<[1], [1], [0], [0], [0, 0, 1, 0], [], []>, transpose_lhs_hint = false} : vector<256x64xf32>, vector<4096x64xf32>, vector<256x4096xf32> -> vector<256x4096xf32>
    %broadcast_in_dim3A = vector.shape_cast %reduce_sum3A_8 : vector<256xf32> to vector<256x1xf32>
    %broadcast_in_dim3A_10 = vector.shape_cast %reduce_sum3A_5 : vector<4096xf32> to vector<1x4096xf32>
    %add3A = vector.broadcast %broadcast_in_dim3A : vector<256x1xf32> to vector<256x4096xf32>
    %add3A_11 = vector.broadcast %broadcast_in_dim3A_10 : vector<1x4096xf32> to vector<256x4096xf32>
    %add3A_12 = arith.addf %add3A, %add3A_11 : vector<256x4096xf32>
    %mul3A_13 = arith.constant 2.000000e+00 : f32
    %mul3A_14 = vector.broadcast %mul3A_13 : f32 to vector<256x4096xf32>
    %mul3A_15 = arith.mulf %mul3A_14, %dot_general3A_9 : vector<256x4096xf32>
    %sub3A = arith.subf %add3A_12, %mul3A_15 : vector<256x4096xf32>
    %max3A = arith.constant 9.99999996E-13 : f32
    %max3A_16 = vector.broadcast %max3A : f32 to vector<256x4096xf32>
    %max3A_17 = arith.maximumf %sub3A, %max3A_16 : vector<256x4096xf32>
    %bitcast_convert_type3A = tpu.bitcast %max3A_17 : vector<256x4096xf32> -> vector<256x4096xi32>
    %broadcast_in_dim3A_18 = arith.constant 0 : i32
    %broadcast_in_dim3A_19 = vector.broadcast %broadcast_in_dim3A_18 : i32 to vector<256x1xi32>
    %broadcast_in_dim3A_20 = arith.constant 0 : i32
    %broadcast_in_dim3A_21 = vector.broadcast %broadcast_in_dim3A_20 : i32 to vector<256x1xi32>
    %broadcast_in_dim3A_22 = arith.constant 0 : i32
    %broadcast_in_dim3A_23 = vector.broadcast %broadcast_in_dim3A_22 : i32 to vector<256x1xi32>
    %broadcast_in_dim3A_24 = arith.constant 2139095040 : i32
    %broadcast_in_dim3A_25 = vector.broadcast %broadcast_in_dim3A_24 : i32 to vector<256x1xi32>
    %broadcast_in_dim3A_26 = arith.constant 2139095040 : i32
    %broadcast_in_dim3A_27 = vector.broadcast %broadcast_in_dim3A_26 : i32 to vector<256x1xi32>
    %broadcast_in_dim3A_28 = arith.constant 2139095040 : i32
    %broadcast_in_dim3A_29 = vector.broadcast %broadcast_in_dim3A_28 : i32 to vector<256x1xi32>
    %scan3A = arith.constant 0 : i32
    %scan3A_30 = arith.constant 31 : i32
    %scan3A_31 = arith.addi %scan3A, %scan3A_30 : i32
    %scan3A_32 = arith.constant 1 : i32
    %scan3A_33:6 = scf.for %scan3A_147 = %scan3A to %scan3A_31 step %scan3A_32 iter_args(%scan3A_148 = %broadcast_in_dim3A_19, %scan3A_149 = %broadcast_in_dim3A_21, %scan3A_150 = %broadcast_in_dim3A_23, %scan3A_151 = %broadcast_in_dim3A_25, %scan3A_152 = %broadcast_in_dim3A_27, %scan3A_153 = %broadcast_in_dim3A_29) -> (vector<256x1xi32>, vector<256x1xi32>, vector<256x1xi32>, vector<256x1xi32>, vector<256x1xi32>, vector<256x1xi32>)  : i32 {
      %sub3A_154 = arith.subi %scan3A_151, %scan3A_148 : vector<256x1xi32>
      %jit3A_155 = arith.constant 2 : i32
      %div3A_156 = vector.broadcast %jit3A_155 : i32 to vector<256x1xi32>
      %div3A_157 = arith.divsi %sub3A_154, %div3A_156 : vector<256x1xi32>
      %sign3A = arith.constant 0 : i32
      %sign3A_158 = vector.broadcast %sign3A : i32 to vector<256x1xi32>
      %sign3A_159 = arith.cmpi sgt, %sub3A_154, %sign3A_158 : vector<256x1xi32>
      %sign3A_160 = arith.extui %sign3A_159 : vector<256x1xi1> to vector<256x1xi32>
      %sign3A_161 = arith.constant 0 : i32
      %sign3A_162 = vector.broadcast %sign3A_161 : i32 to vector<256x1xi32>
      %sign3A_163 = arith.cmpi slt, %sub3A_154, %sign3A_162 : vector<256x1xi32>
      %sign3A_164 = arith.extui %sign3A_163 : vector<256x1xi1> to vector<256x1xi32>
      %sign3A_165 = arith.subi %sign3A_160, %sign3A_164 : vector<256x1xi32>
      %sign3A_166 = arith.constant 0 : i32
      %sign3A_167 = arith.cmpi sgt, %jit3A_155, %sign3A_166 : i32
      %sign3A_168 = arith.extui %sign3A_167 : i1 to i32
      %sign3A_169 = arith.constant 0 : i32
      %sign3A_170 = arith.cmpi slt, %jit3A_155, %sign3A_169 : i32
      %sign3A_171 = arith.extui %sign3A_170 : i1 to i32
      %sign3A_172 = arith.subi %sign3A_168, %sign3A_171 : i32
      %ne3A = vector.broadcast %sign3A_172 : i32 to vector<256x1xi32>
      %ne3A_173 = arith.cmpi ne, %sign3A_165, %ne3A : vector<256x1xi32>
      %rem3A = vector.broadcast %jit3A_155 : i32 to vector<256x1xi32>
      %rem3A_174 = arith.remsi %sub3A_154, %rem3A : vector<256x1xi32>
      %ne3A_175 = arith.constant 0 : i32
      %ne3A_176 = vector.broadcast %ne3A_175 : i32 to vector<256x1xi32>
      %ne3A_177 = arith.cmpi ne, %rem3A_174, %ne3A_176 : vector<256x1xi32>
      %and3A = arith.andi %ne3A_173, %ne3A_177 : vector<256x1xi1>
      %sub3A_178 = arith.constant 1 : i32
      %sub3A_179 = vector.broadcast %sub3A_178 : i32 to vector<256x1xi32>
      %sub3A_180 = arith.subi %div3A_157, %sub3A_179 : vector<256x1xi32>
      %select_n3A_181 = arith.select %and3A, %sub3A_180, %div3A_157 : vector<256x1xi1>, vector<256x1xi32>
      %add3A_182 = arith.addi %scan3A_148, %select_n3A_181 : vector<256x1xi32>
      %le3A = vector.broadcast %add3A_182 : vector<256x1xi32> to vector<256x4096xi32>
      %le3A_183 = arith.cmpi sle, %bitcast_convert_type3A, %le3A : vector<256x4096xi32>
      %convert_element_type3A_184 = arith.extui %le3A_183 : vector<256x4096xi1> to vector<256x4096xi32>
      %reduce_sum3A_185 = arith.constant dense<0> : vector<256xi32>
      %reduce_sum3A_186 = vector.multi_reduction <add>, %convert_element_type3A_184, %reduce_sum3A_185 [1] : vector<256x4096xi32> to vector<256xi32>
      %broadcast_in_dim3A_187 = vector.shape_cast %reduce_sum3A_186 : vector<256xi32> to vector<256x1xi32>
      %ge3A = arith.constant 21 : i32
      %ge3A_188 = vector.broadcast %ge3A : i32 to vector<256x1xi32>
      %ge3A_189 = arith.cmpi sge, %broadcast_in_dim3A_187, %ge3A_188 : vector<256x1xi32>
      %add3A_190 = arith.constant 1 : i32
      %add3A_191 = vector.broadcast %add3A_190 : i32 to vector<256x1xi32>
      %add3A_192 = arith.addi %add3A_182, %add3A_191 : vector<256x1xi32>
      %select_n3A_193 = arith.select %ge3A_189, %scan3A_148, %add3A_192 : vector<256x1xi1>, vector<256x1xi32>
      %select_n3A_194 = arith.select %ge3A_189, %add3A_182, %scan3A_151 : vector<256x1xi1>, vector<256x1xi32>
      %sub3A_195 = arith.subi %scan3A_152, %scan3A_149 : vector<256x1xi32>
      %jit3A_196 = arith.constant 2 : i32
      %div3A_197 = vector.broadcast %jit3A_196 : i32 to vector<256x1xi32>
      %div3A_198 = arith.divsi %sub3A_195, %div3A_197 : vector<256x1xi32>
      %sign3A_199 = arith.constant 0 : i32
      %sign3A_200 = vector.broadcast %sign3A_199 : i32 to vector<256x1xi32>
      %sign3A_201 = arith.cmpi sgt, %sub3A_195, %sign3A_200 : vector<256x1xi32>
      %sign3A_202 = arith.extui %sign3A_201 : vector<256x1xi1> to vector<256x1xi32>
      %sign3A_203 = arith.constant 0 : i32
      %sign3A_204 = vector.broadcast %sign3A_203 : i32 to vector<256x1xi32>
      %sign3A_205 = arith.cmpi slt, %sub3A_195, %sign3A_204 : vector<256x1xi32>
      %sign3A_206 = arith.extui %sign3A_205 : vector<256x1xi1> to vector<256x1xi32>
      %sign3A_207 = arith.subi %sign3A_202, %sign3A_206 : vector<256x1xi32>
      %sign3A_208 = arith.constant 0 : i32
      %sign3A_209 = arith.cmpi sgt, %jit3A_196, %sign3A_208 : i32
      %sign3A_210 = arith.extui %sign3A_209 : i1 to i32
      %sign3A_211 = arith.constant 0 : i32
      %sign3A_212 = arith.cmpi slt, %jit3A_196, %sign3A_211 : i32
      %sign3A_213 = arith.extui %sign3A_212 : i1 to i32
      %sign3A_214 = arith.subi %sign3A_210, %sign3A_213 : i32
      %ne3A_215 = vector.broadcast %sign3A_214 : i32 to vector<256x1xi32>
      %ne3A_216 = arith.cmpi ne, %sign3A_207, %ne3A_215 : vector<256x1xi32>
      %rem3A_217 = vector.broadcast %jit3A_196 : i32 to vector<256x1xi32>
      %rem3A_218 = arith.remsi %sub3A_195, %rem3A_217 : vector<256x1xi32>
      %ne3A_219 = arith.constant 0 : i32
      %ne3A_220 = vector.broadcast %ne3A_219 : i32 to vector<256x1xi32>
      %ne3A_221 = arith.cmpi ne, %rem3A_218, %ne3A_220 : vector<256x1xi32>
      %and3A_222 = arith.andi %ne3A_216, %ne3A_221 : vector<256x1xi1>
      %sub3A_223 = arith.constant 1 : i32
      %sub3A_224 = vector.broadcast %sub3A_223 : i32 to vector<256x1xi32>
      %sub3A_225 = arith.subi %div3A_198, %sub3A_224 : vector<256x1xi32>
      %select_n3A_226 = arith.select %and3A_222, %sub3A_225, %div3A_198 : vector<256x1xi1>, vector<256x1xi32>
      %add3A_227 = arith.addi %scan3A_149, %select_n3A_226 : vector<256x1xi32>
      %le3A_228 = vector.broadcast %add3A_227 : vector<256x1xi32> to vector<256x4096xi32>
      %le3A_229 = arith.cmpi sle, %bitcast_convert_type3A, %le3A_228 : vector<256x4096xi32>
      %convert_element_type3A_230 = arith.extui %le3A_229 : vector<256x4096xi1> to vector<256x4096xi32>
      %reduce_sum3A_231 = arith.constant dense<0> : vector<256xi32>
      %reduce_sum3A_232 = vector.multi_reduction <add>, %convert_element_type3A_230, %reduce_sum3A_231 [1] : vector<256x4096xi32> to vector<256xi32>
      %broadcast_in_dim3A_233 = vector.shape_cast %reduce_sum3A_232 : vector<256xi32> to vector<256x1xi32>
      %ge3A_234 = arith.constant 33 : i32
      %ge3A_235 = vector.broadcast %ge3A_234 : i32 to vector<256x1xi32>
      %ge3A_236 = arith.cmpi sge, %broadcast_in_dim3A_233, %ge3A_235 : vector<256x1xi32>
      %add3A_237 = arith.constant 1 : i32
      %add3A_238 = vector.broadcast %add3A_237 : i32 to vector<256x1xi32>
      %add3A_239 = arith.addi %add3A_227, %add3A_238 : vector<256x1xi32>
      %select_n3A_240 = arith.select %ge3A_236, %scan3A_149, %add3A_239 : vector<256x1xi1>, vector<256x1xi32>
      %select_n3A_241 = arith.select %ge3A_236, %add3A_227, %scan3A_152 : vector<256x1xi1>, vector<256x1xi32>
      %sub3A_242 = arith.subi %scan3A_153, %scan3A_150 : vector<256x1xi32>
      %jit3A_243 = arith.constant 2 : i32
      %div3A_244 = vector.broadcast %jit3A_243 : i32 to vector<256x1xi32>
      %div3A_245 = arith.divsi %sub3A_242, %div3A_244 : vector<256x1xi32>
      %sign3A_246 = arith.constant 0 : i32
      %sign3A_247 = vector.broadcast %sign3A_246 : i32 to vector<256x1xi32>
      %sign3A_248 = arith.cmpi sgt, %sub3A_242, %sign3A_247 : vector<256x1xi32>
      %sign3A_249 = arith.extui %sign3A_248 : vector<256x1xi1> to vector<256x1xi32>
      %sign3A_250 = arith.constant 0 : i32
      %sign3A_251 = vector.broadcast %sign3A_250 : i32 to vector<256x1xi32>
      %sign3A_252 = arith.cmpi slt, %sub3A_242, %sign3A_251 : vector<256x1xi32>
      %sign3A_253 = arith.extui %sign3A_252 : vector<256x1xi1> to vector<256x1xi32>
      %sign3A_254 = arith.subi %sign3A_249, %sign3A_253 : vector<256x1xi32>
      %sign3A_255 = arith.constant 0 : i32
      %sign3A_256 = arith.cmpi sgt, %jit3A_243, %sign3A_255 : i32
      %sign3A_257 = arith.extui %sign3A_256 : i1 to i32
      %sign3A_258 = arith.constant 0 : i32
      %sign3A_259 = arith.cmpi slt, %jit3A_243, %sign3A_258 : i32
      %sign3A_260 = arith.extui %sign3A_259 : i1 to i32
      %sign3A_261 = arith.subi %sign3A_257, %sign3A_260 : i32
      %ne3A_262 = vector.broadcast %sign3A_261 : i32 to vector<256x1xi32>
      %ne3A_263 = arith.cmpi ne, %sign3A_254, %ne3A_262 : vector<256x1xi32>
      %rem3A_264 = vector.broadcast %jit3A_243 : i32 to vector<256x1xi32>
      %rem3A_265 = arith.remsi %sub3A_242, %rem3A_264 : vector<256x1xi32>
      %ne3A_266 = arith.constant 0 : i32
      %ne3A_267 = vector.broadcast %ne3A_266 : i32 to vector<256x1xi32>
      %ne3A_268 = arith.cmpi ne, %rem3A_265, %ne3A_267 : vector<256x1xi32>
      %and3A_269 = arith.andi %ne3A_263, %ne3A_268 : vector<256x1xi1>
      %sub3A_270 = arith.constant 1 : i32
      %sub3A_271 = vector.broadcast %sub3A_270 : i32 to vector<256x1xi32>
      %sub3A_272 = arith.subi %div3A_245, %sub3A_271 : vector<256x1xi32>
      %select_n3A_273 = arith.select %and3A_269, %sub3A_272, %div3A_245 : vector<256x1xi1>, vector<256x1xi32>
      %add3A_274 = arith.addi %scan3A_150, %select_n3A_273 : vector<256x1xi32>
      %le3A_275 = vector.broadcast %add3A_274 : vector<256x1xi32> to vector<256x4096xi32>
      %le3A_276 = arith.cmpi sle, %bitcast_convert_type3A, %le3A_275 : vector<256x4096xi32>
      %convert_element_type3A_277 = arith.extui %le3A_276 : vector<256x4096xi1> to vector<256x4096xi32>
      %reduce_sum3A_278 = arith.constant dense<0> : vector<256xi32>
      %reduce_sum3A_279 = vector.multi_reduction <add>, %convert_element_type3A_277, %reduce_sum3A_278 [1] : vector<256x4096xi32> to vector<256xi32>
      %broadcast_in_dim3A_280 = vector.shape_cast %reduce_sum3A_279 : vector<256xi32> to vector<256x1xi32>
      %ge3A_281 = arith.constant 513 : i32
      %ge3A_282 = vector.broadcast %ge3A_281 : i32 to vector<256x1xi32>
      %ge3A_283 = arith.cmpi sge, %broadcast_in_dim3A_280, %ge3A_282 : vector<256x1xi32>
      %add3A_284 = arith.constant 1 : i32
      %add3A_285 = vector.broadcast %add3A_284 : i32 to vector<256x1xi32>
      %add3A_286 = arith.addi %add3A_274, %add3A_285 : vector<256x1xi32>
      %select_n3A_287 = arith.select %ge3A_283, %scan3A_150, %add3A_286 : vector<256x1xi1>, vector<256x1xi32>
      %select_n3A_288 = arith.select %ge3A_283, %add3A_274, %scan3A_153 : vector<256x1xi1>, vector<256x1xi32>
      scf.yield %select_n3A_193, %select_n3A_240, %select_n3A_287, %select_n3A_194, %select_n3A_241, %select_n3A_288 : vector<256x1xi32>, vector<256x1xi32>, vector<256x1xi32>, vector<256x1xi32>, vector<256x1xi32>, vector<256x1xi32>
    }
    %bitcast_convert_type3A_34 = tpu.bitcast %scan3A_33#0 : vector<256x1xi32> -> vector<256x1xf32>
    %bitcast_convert_type3A_35 = tpu.bitcast %scan3A_33#1 : vector<256x1xi32> -> vector<256x1xf32>
    %bitcast_convert_type3A_36 = tpu.bitcast %scan3A_33#2 : vector<256x1xi32> -> vector<256x1xf32>
    %sqrt3A = math.sqrt %max3A_17 : vector<256x4096xf32>
    %log3A = math.log %max3A_17 : vector<256x4096xf32>
    %mul3A_37 = arith.constant 5.000000e-01 : f32
    %mul3A_38 = vector.broadcast %mul3A_37 : f32 to vector<256x4096xf32>
    %mul3A_39 = arith.mulf %mul3A_38, %log3A : vector<256x4096xf32>
    %lt3A = vector.broadcast %bitcast_convert_type3A_34 : vector<256x1xf32> to vector<256x4096xf32>
    %lt3A_40 = arith.cmpf olt, %max3A_17, %lt3A : vector<256x4096xf32>
    %lt3A_41 = vector.broadcast %bitcast_convert_type3A_35 : vector<256x1xf32> to vector<256x4096xf32>
    %lt3A_42 = arith.cmpf olt, %max3A_17, %lt3A_41 : vector<256x4096xf32>
    %lt3A_43 = vector.broadcast %bitcast_convert_type3A_36 : vector<256x1xf32> to vector<256x4096xf32>
    %lt3A_44 = arith.cmpf olt, %max3A_17, %lt3A_43 : vector<256x4096xf32>
    %convert_element_type3A = arith.extui %lt3A_40 : vector<256x4096xi1> to vector<256x4096xi32>
    %convert_element_type3A_45 = arith.sitofp %convert_element_type3A : vector<256x4096xi32> to vector<256x4096xf32>
    %reduce_sum3A_46 = arith.constant dense<0.000000e+00> : vector<256xf32>
    %reduce_sum3A_47 = vector.multi_reduction <add>, %convert_element_type3A_45, %reduce_sum3A_46 [1] : vector<256x4096xf32> to vector<256xf32>
    %broadcast_in_dim3A_48 = vector.shape_cast %reduce_sum3A_47 : vector<256xf32> to vector<256x1xf32>
    %convert_element_type3A_49 = arith.extui %lt3A_42 : vector<256x4096xi1> to vector<256x4096xi32>
    %convert_element_type3A_50 = arith.sitofp %convert_element_type3A_49 : vector<256x4096xi32> to vector<256x4096xf32>
    %reduce_sum3A_51 = arith.constant dense<0.000000e+00> : vector<256xf32>
    %reduce_sum3A_52 = vector.multi_reduction <add>, %convert_element_type3A_50, %reduce_sum3A_51 [1] : vector<256x4096xf32> to vector<256xf32>
    %broadcast_in_dim3A_53 = vector.shape_cast %reduce_sum3A_52 : vector<256xf32> to vector<256x1xf32>
    %convert_element_type3A_54 = arith.extui %lt3A_44 : vector<256x4096xi1> to vector<256x4096xi32>
    %convert_element_type3A_55 = arith.sitofp %convert_element_type3A_54 : vector<256x4096xi32> to vector<256x4096xf32>
    %reduce_sum3A_56 = arith.constant dense<0.000000e+00> : vector<256xf32>
    %reduce_sum3A_57 = vector.multi_reduction <add>, %convert_element_type3A_55, %reduce_sum3A_56 [1] : vector<256x4096xf32> to vector<256xf32>
    %broadcast_in_dim3A_58 = vector.shape_cast %reduce_sum3A_57 : vector<256xf32> to vector<256x1xf32>
    %jit3A = arith.constant 0.000000e+00 : f32
    %broadcast_in_dim3A_59 = vector.broadcast %jit3A : f32 to vector<256x4096xf32>
    %select_n3A = arith.select %lt3A_40, %sqrt3A, %broadcast_in_dim3A_59 : vector<256x4096xi1>, vector<256x4096xf32>
    %reduce_sum3A_60 = arith.constant dense<0.000000e+00> : vector<256xf32>
    %reduce_sum3A_61 = vector.multi_reduction <add>, %select_n3A, %reduce_sum3A_60 [1] : vector<256x4096xf32> to vector<256xf32>
    %broadcast_in_dim3A_62 = vector.shape_cast %reduce_sum3A_61 : vector<256xf32> to vector<256x1xf32>
    %jit3A_63 = arith.constant 0.000000e+00 : f32
    %broadcast_in_dim3A_64 = vector.broadcast %jit3A_63 : f32 to vector<256x4096xf32>
    %select_n3A_65 = arith.select %lt3A_42, %mul3A_39, %broadcast_in_dim3A_64 : vector<256x4096xi1>, vector<256x4096xf32>
    %reduce_sum3A_66 = arith.constant dense<0.000000e+00> : vector<256xf32>
    %reduce_sum3A_67 = vector.multi_reduction <add>, %select_n3A_65, %reduce_sum3A_66 [1] : vector<256x4096xf32> to vector<256xf32>
    %broadcast_in_dim3A_68 = vector.shape_cast %reduce_sum3A_67 : vector<256xf32> to vector<256x1xf32>
    %jit3A_69 = arith.constant 0.000000e+00 : f32
    %broadcast_in_dim3A_70 = vector.broadcast %jit3A_69 : f32 to vector<256x4096xf32>
    %select_n3A_71 = arith.select %lt3A_44, %mul3A_39, %broadcast_in_dim3A_70 : vector<256x4096xi1>, vector<256x4096xf32>
    %reduce_sum3A_72 = arith.constant dense<0.000000e+00> : vector<256xf32>
    %reduce_sum3A_73 = vector.multi_reduction <add>, %select_n3A_71, %reduce_sum3A_72 [1] : vector<256x4096xf32> to vector<256xf32>
    %broadcast_in_dim3A_74 = vector.shape_cast %reduce_sum3A_73 : vector<256xf32> to vector<256x1xf32>
    %reduce_min3A = arith.constant dense<0x7F800000> : vector<256xf32>
    %reduce_min3A_75 = vector.multi_reduction <minimumf>, %sqrt3A, %reduce_min3A [1] : vector<256x4096xf32> to vector<256xf32>
    %broadcast_in_dim3A_76 = vector.shape_cast %reduce_min3A_75 : vector<256xf32> to vector<256x1xf32>
    %log3A_77 = math.log %broadcast_in_dim3A_76 : vector<256x1xf32>
    %sqrt3A_78 = math.sqrt %bitcast_convert_type3A_34 : vector<256x1xf32>
    %log3A_79 = math.log %bitcast_convert_type3A_35 : vector<256x1xf32>
    %mul3A_80 = arith.constant 5.000000e-01 : f32
    %mul3A_81 = vector.broadcast %mul3A_80 : f32 to vector<256x1xf32>
    %mul3A_82 = arith.mulf %mul3A_81, %log3A_79 : vector<256x1xf32>
    %log3A_83 = math.log %bitcast_convert_type3A_36 : vector<256x1xf32>
    %mul3A_84 = arith.constant 5.000000e-01 : f32
    %mul3A_85 = vector.broadcast %mul3A_84 : f32 to vector<256x1xf32>
    %mul3A_86 = arith.mulf %mul3A_85, %log3A_83 : vector<256x1xf32>
    %sub3A_87 = arith.constant 2.000000e+01 : f32
    %sub3A_88 = vector.broadcast %sub3A_87 : f32 to vector<256x1xf32>
    %sub3A_89 = arith.subf %sub3A_88, %broadcast_in_dim3A_48 : vector<256x1xf32>
    %mul3A_90 = arith.mulf %sub3A_89, %sqrt3A_78 : vector<256x1xf32>
    %add3A_91 = arith.addf %broadcast_in_dim3A_62, %mul3A_90 : vector<256x1xf32>
    %sub3A_92 = arith.subf %add3A_91, %broadcast_in_dim3A_76 : vector<256x1xf32>
    %div3A = arith.constant 1.900000e+01 : f32
    %div3A_93 = vector.broadcast %div3A : f32 to vector<256x1xf32>
    %div3A_94 = arith.divf %sub3A_92, %div3A_93 : vector<256x1xf32>
    %sub3A_95 = arith.subf %sqrt3A_78, %div3A_94 : vector<256x1xf32>
    %div3A_96 = arith.divf %div3A_94, %sub3A_95 : vector<256x1xf32>
    %log3A_97 = math.log %div3A_96 : vector<256x1xf32>
    %abs3A = math.absf %log3A_97 : vector<256x1xf32>
    %neg3A = arith.constant 0.000000e+00 : f32
    %neg3A_98 = vector.broadcast %neg3A : f32 to vector<256x1xf32>
    %neg3A_99 = arith.subf %neg3A_98, %abs3A : vector<256x1xf32>
    %sub3A_100 = arith.constant 3.200000e+01 : f32
    %sub3A_101 = vector.broadcast %sub3A_100 : f32 to vector<256x1xf32>
    %sub3A_102 = arith.subf %sub3A_101, %broadcast_in_dim3A_53 : vector<256x1xf32>
    %mul3A_103 = arith.mulf %sub3A_102, %mul3A_82 : vector<256x1xf32>
    %add3A_104 = arith.addf %broadcast_in_dim3A_68, %mul3A_103 : vector<256x1xf32>
    %sub3A_105 = arith.subf %add3A_104, %log3A_77 : vector<256x1xf32>
    %mul3A_106 = arith.constant 3.100000e+01 : f32
    %mul3A_107 = vector.broadcast %mul3A_106 : f32 to vector<256x1xf32>
    %mul3A_108 = arith.mulf %mul3A_107, %mul3A_82 : vector<256x1xf32>
    %sub3A_109 = arith.subf %sub3A_105, %mul3A_108 : vector<256x1xf32>
    %div3A_110 = arith.constant -3.200000e+01 : f32
    %div3A_111 = vector.broadcast %div3A_110 : f32 to vector<256x1xf32>
    %div3A_112 = arith.divf %div3A_111, %sub3A_109 : vector<256x1xf32>
    %sub3A_113 = arith.constant 5.120000e+02 : f32
    %sub3A_114 = vector.broadcast %sub3A_113 : f32 to vector<256x1xf32>
    %sub3A_115 = arith.subf %sub3A_114, %broadcast_in_dim3A_58 : vector<256x1xf32>
    %mul3A_116 = arith.mulf %sub3A_115, %mul3A_86 : vector<256x1xf32>
    %add3A_117 = arith.addf %broadcast_in_dim3A_74, %mul3A_116 : vector<256x1xf32>
    %sub3A_118 = arith.subf %add3A_117, %log3A_77 : vector<256x1xf32>
    %mul3A_119 = arith.constant 5.110000e+02 : f32
    %mul3A_120 = vector.broadcast %mul3A_119 : f32 to vector<256x1xf32>
    %mul3A_121 = arith.mulf %mul3A_120, %mul3A_86 : vector<256x1xf32>
    %sub3A_122 = arith.subf %sub3A_118, %mul3A_121 : vector<256x1xf32>
    %div3A_123 = arith.constant -5.120000e+02 : f32
    %div3A_124 = vector.broadcast %div3A_123 : f32 to vector<256x1xf32>
    %div3A_125 = arith.divf %div3A_124, %sub3A_122 : vector<256x1xf32>
    %swap3A = arith.constant 0 : index
    %swap3A_126 = arith.constant 0 : index
    %swap3A_127 = vector.load %arg4[%swap3A, %swap3A_126] : memref<256x1xf32, #tpu.memory_space<vmem>>, vector<256x1xf32>
    tpu.vector_store %arg4[%swap3A, %swap3A_126], %div3A_112 {strides = array<i32>} : memref<256x1xf32, #tpu.memory_space<vmem>>, vector<256x1xf32>,
    %swap3A_128 = arith.constant 0 : index
    %swap3A_129 = arith.constant 0 : index
    %swap3A_130 = vector.load %arg5[%swap3A_128, %swap3A_129] : memref<256x1xf32, #tpu.memory_space<vmem>>, vector<256x1xf32>
    tpu.vector_store %arg5[%swap3A_128, %swap3A_129], %div3A_125 {strides = array<i32>} : memref<256x1xf32, #tpu.memory_space<vmem>>, vector<256x1xf32>,
    %eq3A = arith.constant 0 : i32
    %eq3A_131 = arith.cmpi eq, %arg0, %eq3A : i32
    %convert_element_type3A_132 = arith.extui %eq3A_131 : i1 to i32
    %cond3A = arith.constant 0 : i32
    %cond3A_133 = arith.cmpi ne, %convert_element_type3A_132, %cond3A : i32
    scf.if %cond3A_133 {
      %broadcast_in_dim3A_147 = arith.constant 0.000000e+00 : f32
      %broadcast_in_dim3A_148 = vector.broadcast %broadcast_in_dim3A_147 : f32 to vector<1x1xf32>
      %swap3A_149 = arith.constant 0 : index
      %swap3A_150 = arith.constant 0 : index
      %swap3A_151 = vector.load %arg3[%swap3A_149, %swap3A_150] : memref<1x1xf32, #tpu.memory_space<vmem>>, vector<1x1xf32>
      tpu.vector_store %arg3[%swap3A_149, %swap3A_150], %broadcast_in_dim3A_148 {strides = array<i32>} : memref<1x1xf32, #tpu.memory_space<vmem>>, vector<1x1xf32>,
    } else {
    }
    %get3A_134 = arith.constant 0 : index
    %get3A_135 = arith.constant 0 : index
    %get3A_136 = vector.load %arg3[%get3A_134, %get3A_135] : memref<1x1xf32, #tpu.memory_space<vmem>>, vector<1x1xf32>
    %reduce_sum3A_137 = vector.shape_cast %neg3A_99 : vector<256x1xf32> to vector<1x256x1xf32>
    %reduce_sum3A_138 = arith.constant dense<0.000000e+00> : vector<1xf32>
    %reduce_sum3A_139 = vector.multi_reduction <add>, %reduce_sum3A_137, %reduce_sum3A_138 [1, 2] : vector<1x256x1xf32> to vector<1xf32>
    %reduce_sum3A_140 = vector.shape_cast %reduce_sum3A_139 : vector<1xf32> to vector<1x1x1xf32>
    %reduce_sum3A_141 = vector.extract %reduce_sum3A_140[0, 0, 0] : f32 from vector<1x1x1xf32>
    %broadcast_in_dim3A_142 = vector.broadcast %reduce_sum3A_141 : f32 to vector<1x1xf32>
    %add3A_143 = arith.addf %get3A_136, %broadcast_in_dim3A_142 : vector<1x1xf32>
    %swap3A_144 = arith.constant 0 : index
    %swap3A_145 = arith.constant 0 : index
    %swap3A_146 = vector.load %arg3[%swap3A_144, %swap3A_145] : memref<1x1xf32, #tpu.memory_space<vmem>>, vector<1x1xf32>
    tpu.vector_store %arg3[%swap3A_144, %swap3A_145], %add3A_143 {strides = array<i32>} : memref<1x1xf32, #tpu.memory_space<vmem>>, vector<1x1xf32>,
    return
  }
  func.func @transform_0(%arg0: i32) -> (i32, i32) {
    %c0_i32 = arith.constant 0 : i32
    %c0_i32_0 = arith.constant 0 : i32
    %c0_i32_1 = arith.constant 0 : i32
    return %c0_i32, %c0_i32_0 : i32, i32
  }
  func.func @transform_1(%arg0: i32) -> (i32, i32) {
    %c0_i32 = arith.constant 0 : i32
    %c0_i32_0 = arith.constant 0 : i32
    return %arg0, %c0_i32 : i32, i32
  }
  func.func @transform_2(%arg0: i32) -> (i32, i32) {
    %c0_i32 = arith.constant 0 : i32
    %c0_i32_0 = arith.constant 0 : i32
    %c0_i32_1 = arith.constant 0 : i32
    return %c0_i32, %c0_i32_0 : i32, i32
  }
  func.func @transform_3(%arg0: i32) -> (i32, i32) {
    %c0_i32 = arith.constant 0 : i32
    %c0_i32_0 = arith.constant 0 : i32
    return %arg0, %c0_i32 : i32, i32
  }
  func.func @transform_4(%arg0: i32) -> (i32, i32) {
    %c0_i32 = arith.constant 0 : i32
    %c0_i32_0 = arith.constant 0 : i32
    return %arg0, %c0_i32 : i32, i32
  }
}

module attributes {stable_mosaic.version = 14 : i64} {
  func.func @_tail_body(%arg0: i32, %arg1: memref<256x4096xi32, #tpu.memory_space<vmem>>, %arg2: memref<256x16xi32, #tpu.memory_space<vmem>>, %arg3: memref<1x1xf32, #tpu.memory_space<vmem>>, %arg4: memref<256x1xf32, #tpu.memory_space<vmem>>, %arg5: memref<256x1xf32, #tpu.memory_space<vmem>>) attributes {dimension_semantics = [#tpu.dimension_semantics<arbitrary>], iteration_bounds = array<i64: 6>, scalar_prefetch = 0 : i64, scratch_operands = 0 : i64, tpu.core_type = #tpu.core_type<tc>, window_params = [{transform_indices = @transform_0, window_bounds = array<i64: 256, 4096>}, {transform_indices = @transform_1, window_bounds = array<i64: 256, 16>}, {pipeline_mode = #tpu.pipeline_mode<synchronous>, transform_indices = @transform_2, window_bounds = array<i64: 1, 1>}, {transform_indices = @transform_3, window_bounds = array<i64: 256, 1>}, {transform_indices = @transform_4, window_bounds = array<i64: 256, 1>}]} {
    %get3A = arith.constant 0 : index
    %get3A_0 = arith.constant 0 : index
    %get3A_1 = vector.load %arg1[%get3A, %get3A_0] : memref<256x4096xi32, #tpu.memory_space<vmem>>, vector<256x4096xi32>
    %bitcast_convert_type3A = tpu.bitcast %get3A_1 : vector<256x4096xi32> -> vector<256x4096xf32>
    %get3A_2 = arith.constant 0 : index
    %get3A_3 = arith.constant 0 : index
    %get3A_4 = vector.load %arg2[%get3A_2, %get3A_3] : memref<256x16xi32, #tpu.memory_space<vmem>>, vector<256x16xi32>
    %slice3A = vector.extract_strided_slice %get3A_4 {offsets = [0, 0], sizes = [256, 1], strides = [1, 1]} : vector<256x16xi32> to vector<256x1xi32>
    %bitcast_convert_type3A_5 = tpu.bitcast %slice3A : vector<256x1xi32> -> vector<256x1xf32>
    %slice3A_6 = vector.extract_strided_slice %get3A_4 {offsets = [0, 1], sizes = [256, 1], strides = [1, 1]} : vector<256x16xi32> to vector<256x1xi32>
    %bitcast_convert_type3A_7 = tpu.bitcast %slice3A_6 : vector<256x1xi32> -> vector<256x1xf32>
    %slice3A_8 = vector.extract_strided_slice %get3A_4 {offsets = [0, 2], sizes = [256, 1], strides = [1, 1]} : vector<256x16xi32> to vector<256x1xi32>
    %bitcast_convert_type3A_9 = tpu.bitcast %slice3A_8 : vector<256x1xi32> -> vector<256x1xf32>
    %sqrt3A = math.sqrt %bitcast_convert_type3A : vector<256x4096xf32>
    %log3A = math.log %bitcast_convert_type3A : vector<256x4096xf32>
    %mul3A = arith.constant 5.000000e-01 : f32
    %mul3A_10 = vector.broadcast %mul3A : f32 to vector<256x4096xf32>
    %mul3A_11 = arith.mulf %mul3A_10, %log3A : vector<256x4096xf32>
    %lt3A = vector.broadcast %bitcast_convert_type3A_5 : vector<256x1xf32> to vector<256x4096xf32>
    %lt3A_12 = arith.cmpf olt, %bitcast_convert_type3A, %lt3A : vector<256x4096xf32>
    %lt3A_13 = vector.broadcast %bitcast_convert_type3A_7 : vector<256x1xf32> to vector<256x4096xf32>
    %lt3A_14 = arith.cmpf olt, %bitcast_convert_type3A, %lt3A_13 : vector<256x4096xf32>
    %lt3A_15 = vector.broadcast %bitcast_convert_type3A_9 : vector<256x1xf32> to vector<256x4096xf32>
    %lt3A_16 = arith.cmpf olt, %bitcast_convert_type3A, %lt3A_15 : vector<256x4096xf32>
    %convert_element_type3A = arith.extui %lt3A_12 : vector<256x4096xi1> to vector<256x4096xi32>
    %convert_element_type3A_17 = arith.sitofp %convert_element_type3A : vector<256x4096xi32> to vector<256x4096xf32>
    %reduce_sum3A = arith.constant dense<0.000000e+00> : vector<256xf32>
    %reduce_sum3A_18 = vector.multi_reduction <add>, %convert_element_type3A_17, %reduce_sum3A [1] : vector<256x4096xf32> to vector<256xf32>
    %broadcast_in_dim3A = vector.shape_cast %reduce_sum3A_18 : vector<256xf32> to vector<256x1xf32>
    %convert_element_type3A_19 = arith.extui %lt3A_14 : vector<256x4096xi1> to vector<256x4096xi32>
    %convert_element_type3A_20 = arith.sitofp %convert_element_type3A_19 : vector<256x4096xi32> to vector<256x4096xf32>
    %reduce_sum3A_21 = arith.constant dense<0.000000e+00> : vector<256xf32>
    %reduce_sum3A_22 = vector.multi_reduction <add>, %convert_element_type3A_20, %reduce_sum3A_21 [1] : vector<256x4096xf32> to vector<256xf32>
    %broadcast_in_dim3A_23 = vector.shape_cast %reduce_sum3A_22 : vector<256xf32> to vector<256x1xf32>
    %convert_element_type3A_24 = arith.extui %lt3A_16 : vector<256x4096xi1> to vector<256x4096xi32>
    %convert_element_type3A_25 = arith.sitofp %convert_element_type3A_24 : vector<256x4096xi32> to vector<256x4096xf32>
    %reduce_sum3A_26 = arith.constant dense<0.000000e+00> : vector<256xf32>
    %reduce_sum3A_27 = vector.multi_reduction <add>, %convert_element_type3A_25, %reduce_sum3A_26 [1] : vector<256x4096xf32> to vector<256xf32>
    %broadcast_in_dim3A_28 = vector.shape_cast %reduce_sum3A_27 : vector<256xf32> to vector<256x1xf32>
    %jit3A = arith.constant 0.000000e+00 : f32
    %broadcast_in_dim3A_29 = vector.broadcast %jit3A : f32 to vector<256x4096xf32>
    %select_n3A = arith.select %lt3A_12, %sqrt3A, %broadcast_in_dim3A_29 : vector<256x4096xi1>, vector<256x4096xf32>
    %reduce_sum3A_30 = arith.constant dense<0.000000e+00> : vector<256xf32>
    %reduce_sum3A_31 = vector.multi_reduction <add>, %select_n3A, %reduce_sum3A_30 [1] : vector<256x4096xf32> to vector<256xf32>
    %broadcast_in_dim3A_32 = vector.shape_cast %reduce_sum3A_31 : vector<256xf32> to vector<256x1xf32>
    %jit3A_33 = arith.constant 0.000000e+00 : f32
    %broadcast_in_dim3A_34 = vector.broadcast %jit3A_33 : f32 to vector<256x4096xf32>
    %select_n3A_35 = arith.select %lt3A_14, %mul3A_11, %broadcast_in_dim3A_34 : vector<256x4096xi1>, vector<256x4096xf32>
    %reduce_sum3A_36 = arith.constant dense<0.000000e+00> : vector<256xf32>
    %reduce_sum3A_37 = vector.multi_reduction <add>, %select_n3A_35, %reduce_sum3A_36 [1] : vector<256x4096xf32> to vector<256xf32>
    %broadcast_in_dim3A_38 = vector.shape_cast %reduce_sum3A_37 : vector<256xf32> to vector<256x1xf32>
    %jit3A_39 = arith.constant 0.000000e+00 : f32
    %broadcast_in_dim3A_40 = vector.broadcast %jit3A_39 : f32 to vector<256x4096xf32>
    %select_n3A_41 = arith.select %lt3A_16, %mul3A_11, %broadcast_in_dim3A_40 : vector<256x4096xi1>, vector<256x4096xf32>
    %reduce_sum3A_42 = arith.constant dense<0.000000e+00> : vector<256xf32>
    %reduce_sum3A_43 = vector.multi_reduction <add>, %select_n3A_41, %reduce_sum3A_42 [1] : vector<256x4096xf32> to vector<256xf32>
    %broadcast_in_dim3A_44 = vector.shape_cast %reduce_sum3A_43 : vector<256xf32> to vector<256x1xf32>
    %reduce_min3A = arith.constant dense<0x7F800000> : vector<256xf32>
    %reduce_min3A_45 = vector.multi_reduction <minimumf>, %sqrt3A, %reduce_min3A [1] : vector<256x4096xf32> to vector<256xf32>
    %broadcast_in_dim3A_46 = vector.shape_cast %reduce_min3A_45 : vector<256xf32> to vector<256x1xf32>
    %log3A_47 = math.log %broadcast_in_dim3A_46 : vector<256x1xf32>
    %sqrt3A_48 = math.sqrt %bitcast_convert_type3A_5 : vector<256x1xf32>
    %log3A_49 = math.log %bitcast_convert_type3A_7 : vector<256x1xf32>
    %mul3A_50 = arith.constant 5.000000e-01 : f32
    %mul3A_51 = vector.broadcast %mul3A_50 : f32 to vector<256x1xf32>
    %mul3A_52 = arith.mulf %mul3A_51, %log3A_49 : vector<256x1xf32>
    %log3A_53 = math.log %bitcast_convert_type3A_9 : vector<256x1xf32>
    %mul3A_54 = arith.constant 5.000000e-01 : f32
    %mul3A_55 = vector.broadcast %mul3A_54 : f32 to vector<256x1xf32>
    %mul3A_56 = arith.mulf %mul3A_55, %log3A_53 : vector<256x1xf32>
    %sub3A = arith.constant 2.000000e+01 : f32
    %sub3A_57 = vector.broadcast %sub3A : f32 to vector<256x1xf32>
    %sub3A_58 = arith.subf %sub3A_57, %broadcast_in_dim3A : vector<256x1xf32>
    %mul3A_59 = arith.mulf %sub3A_58, %sqrt3A_48 : vector<256x1xf32>
    %add3A = arith.addf %broadcast_in_dim3A_32, %mul3A_59 : vector<256x1xf32>
    %sub3A_60 = arith.subf %add3A, %broadcast_in_dim3A_46 : vector<256x1xf32>
    %div3A = arith.constant 1.900000e+01 : f32
    %div3A_61 = vector.broadcast %div3A : f32 to vector<256x1xf32>
    %div3A_62 = arith.divf %sub3A_60, %div3A_61 : vector<256x1xf32>
    %sub3A_63 = arith.subf %sqrt3A_48, %div3A_62 : vector<256x1xf32>
    %div3A_64 = arith.divf %div3A_62, %sub3A_63 : vector<256x1xf32>
    %log3A_65 = math.log %div3A_64 : vector<256x1xf32>
    %abs3A = math.absf %log3A_65 : vector<256x1xf32>
    %neg3A = arith.constant 0.000000e+00 : f32
    %neg3A_66 = vector.broadcast %neg3A : f32 to vector<256x1xf32>
    %neg3A_67 = arith.subf %neg3A_66, %abs3A : vector<256x1xf32>
    %sub3A_68 = arith.constant 3.200000e+01 : f32
    %sub3A_69 = vector.broadcast %sub3A_68 : f32 to vector<256x1xf32>
    %sub3A_70 = arith.subf %sub3A_69, %broadcast_in_dim3A_23 : vector<256x1xf32>
    %mul3A_71 = arith.mulf %sub3A_70, %mul3A_52 : vector<256x1xf32>
    %add3A_72 = arith.addf %broadcast_in_dim3A_38, %mul3A_71 : vector<256x1xf32>
    %sub3A_73 = arith.subf %add3A_72, %log3A_47 : vector<256x1xf32>
    %mul3A_74 = arith.constant 3.100000e+01 : f32
    %mul3A_75 = vector.broadcast %mul3A_74 : f32 to vector<256x1xf32>
    %mul3A_76 = arith.mulf %mul3A_75, %mul3A_52 : vector<256x1xf32>
    %sub3A_77 = arith.subf %sub3A_73, %mul3A_76 : vector<256x1xf32>
    %div3A_78 = arith.constant -3.200000e+01 : f32
    %div3A_79 = vector.broadcast %div3A_78 : f32 to vector<256x1xf32>
    %div3A_80 = arith.divf %div3A_79, %sub3A_77 : vector<256x1xf32>
    %sub3A_81 = arith.constant 5.120000e+02 : f32
    %sub3A_82 = vector.broadcast %sub3A_81 : f32 to vector<256x1xf32>
    %sub3A_83 = arith.subf %sub3A_82, %broadcast_in_dim3A_28 : vector<256x1xf32>
    %mul3A_84 = arith.mulf %sub3A_83, %mul3A_56 : vector<256x1xf32>
    %add3A_85 = arith.addf %broadcast_in_dim3A_44, %mul3A_84 : vector<256x1xf32>
    %sub3A_86 = arith.subf %add3A_85, %log3A_47 : vector<256x1xf32>
    %mul3A_87 = arith.constant 5.110000e+02 : f32
    %mul3A_88 = vector.broadcast %mul3A_87 : f32 to vector<256x1xf32>
    %mul3A_89 = arith.mulf %mul3A_88, %mul3A_56 : vector<256x1xf32>
    %sub3A_90 = arith.subf %sub3A_86, %mul3A_89 : vector<256x1xf32>
    %div3A_91 = arith.constant -5.120000e+02 : f32
    %div3A_92 = vector.broadcast %div3A_91 : f32 to vector<256x1xf32>
    %div3A_93 = arith.divf %div3A_92, %sub3A_90 : vector<256x1xf32>
    %swap3A = arith.constant 0 : index
    %swap3A_94 = arith.constant 0 : index
    %swap3A_95 = vector.load %arg4[%swap3A, %swap3A_94] : memref<256x1xf32, #tpu.memory_space<vmem>>, vector<256x1xf32>
    tpu.vector_store %arg4[%swap3A, %swap3A_94], %div3A_80 {strides = array<i32>} : memref<256x1xf32, #tpu.memory_space<vmem>>, vector<256x1xf32>,
    %swap3A_96 = arith.constant 0 : index
    %swap3A_97 = arith.constant 0 : index
    %swap3A_98 = vector.load %arg5[%swap3A_96, %swap3A_97] : memref<256x1xf32, #tpu.memory_space<vmem>>, vector<256x1xf32>
    tpu.vector_store %arg5[%swap3A_96, %swap3A_97], %div3A_93 {strides = array<i32>} : memref<256x1xf32, #tpu.memory_space<vmem>>, vector<256x1xf32>,
    %eq3A = arith.constant 0 : i32
    %eq3A_99 = arith.cmpi eq, %arg0, %eq3A : i32
    %convert_element_type3A_100 = arith.extui %eq3A_99 : i1 to i32
    %cond3A = arith.constant 0 : i32
    %cond3A_101 = arith.cmpi ne, %convert_element_type3A_100, %cond3A : i32
    scf.if %cond3A_101 {
      %broadcast_in_dim3A_115 = arith.constant 0.000000e+00 : f32
      %broadcast_in_dim3A_116 = vector.broadcast %broadcast_in_dim3A_115 : f32 to vector<1x1xf32>
      %swap3A_117 = arith.constant 0 : index
      %swap3A_118 = arith.constant 0 : index
      %swap3A_119 = vector.load %arg3[%swap3A_117, %swap3A_118] : memref<1x1xf32, #tpu.memory_space<vmem>>, vector<1x1xf32>
      tpu.vector_store %arg3[%swap3A_117, %swap3A_118], %broadcast_in_dim3A_116 {strides = array<i32>} : memref<1x1xf32, #tpu.memory_space<vmem>>, vector<1x1xf32>,
    } else {
    }
    %get3A_102 = arith.constant 0 : index
    %get3A_103 = arith.constant 0 : index
    %get3A_104 = vector.load %arg3[%get3A_102, %get3A_103] : memref<1x1xf32, #tpu.memory_space<vmem>>, vector<1x1xf32>
    %reduce_sum3A_105 = vector.shape_cast %neg3A_67 : vector<256x1xf32> to vector<1x256x1xf32>
    %reduce_sum3A_106 = arith.constant dense<0.000000e+00> : vector<1xf32>
    %reduce_sum3A_107 = vector.multi_reduction <add>, %reduce_sum3A_105, %reduce_sum3A_106 [1, 2] : vector<1x256x1xf32> to vector<1xf32>
    %reduce_sum3A_108 = vector.shape_cast %reduce_sum3A_107 : vector<1xf32> to vector<1x1x1xf32>
    %reduce_sum3A_109 = vector.extract %reduce_sum3A_108[0, 0, 0] : f32 from vector<1x1x1xf32>
    %broadcast_in_dim3A_110 = vector.broadcast %reduce_sum3A_109 : f32 to vector<1x1xf32>
    %add3A_111 = arith.addf %get3A_104, %broadcast_in_dim3A_110 : vector<1x1xf32>
    %swap3A_112 = arith.constant 0 : index
    %swap3A_113 = arith.constant 0 : index
    %swap3A_114 = vector.load %arg3[%swap3A_112, %swap3A_113] : memref<1x1xf32, #tpu.memory_space<vmem>>, vector<1x1xf32>
    tpu.vector_store %arg3[%swap3A_112, %swap3A_113], %add3A_111 {strides = array<i32>} : memref<1x1xf32, #tpu.memory_space<vmem>>, vector<1x1xf32>,
    return
  }
  func.func @transform_0(%arg0: i32) -> (i32, i32) {
    %c0_i32 = arith.constant 0 : i32
    %c0_i32_0 = arith.constant 0 : i32
    return %arg0, %c0_i32 : i32, i32
  }
  func.func @transform_1(%arg0: i32) -> (i32, i32) {
    %c0_i32 = arith.constant 0 : i32
    %c0_i32_0 = arith.constant 0 : i32
    return %arg0, %c0_i32 : i32, i32
  }
  func.func @transform_2(%arg0: i32) -> (i32, i32) {
    %c0_i32 = arith.constant 0 : i32
    %c0_i32_0 = arith.constant 0 : i32
    %c0_i32_1 = arith.constant 0 : i32
    return %c0_i32, %c0_i32_0 : i32, i32
  }
  func.func @transform_3(%arg0: i32) -> (i32, i32) {
    %c0_i32 = arith.constant 0 : i32
    %c0_i32_0 = arith.constant 0 : i32
    return %arg0, %c0_i32 : i32, i32
  }
  func.func @transform_4(%arg0: i32) -> (i32, i32) {
    %c0_i32 = arith.constant 0 : i32
    %c0_i32_0 = arith.constant 0 : i32
    return %arg0, %c0_i32 : i32, i32
  }
}

</mosaic_0001>

<sc_bundles>
// kernel: kernel.6.cloned.1.call-start
scs
__scs_entry_jumppad:
0x0: {  	(pc) =	sbr.rel $0x88, $3  }
0x1: {  	(tag) =	ssettag $0x0;
	lr =	simm.s32 $0x1  }
0x2: {  	[smem:$0x3FA0] =	sst lr;
	_ =	strace $0xD0000000  }
0x3: {  	_ = 	snop  }
0x4: {  	_ = 	snop  }
0x5: {  	_ = 	snop  }
0x6: {  	_ = 	snop  }
0x7: {  	_ = 	snop  }
__scs_overlays_trampoline_lowered:
0x8: {  	[smem:$0x3FAF] =	sst s0  }
0x9: {  	[smem:$0x3FB0] =	sst s1  }
0xa: {  	[smem:$0x3FB1] =	sst s2  }
0xb: {  	[smem:$0x3FB2] =	sst s3  }
0xc: {  	[smem:$0x3FB3] =	sst s4  }
0xd: {  	[smem:$0x3FB4] =	sst s5  }
0xe: {  	[smem:$0x3FB5] =	sst s6  }
0xf: {  	[smem:$0x3FB6] =	sst s7  }
0x10: {  	[smem:$0x3FB7] =	sst s8  }
0x11: {  	[smem:$0x3FB8] =	sst s9;
	s0 =	simm.s32 @!p0 $0x0  }
0x12: {  	s1 =	sld [smem:$0x3F9E];
	s0 =	simm.s32 @p0 $0x1  }
0x13: {  	[smem:$0x3FB9] =	sst s0;
	s0 =	simm.s32 @!p1 $0x0  }
0x14: {  	s2 =	sld [smem:$0x3F9D];
	s0 =	simm.s32 @p1 $0x1  }
0x15: {  	[smem:$0x3FBA] =	sst s0;
	s0 =	simm.s32 @!p2 $0x0  }
0x16: {  	s3 =	sld [smem:$0x3FDB];
	s0 =	simm.s32 @p2 $0x1  }
0x17: {  	s4 =	simm.s32 $0x1BF5;
	[smem:$0x3FBC] =	sst s0  }
0x18: {  	s0 =	sld [smem:$0x3F9F];
	_ =	swait.ge [sflag:s4], $0x0  }
0x19: {  	s7 =	sld [smem:$0x3FA0]  }
0x1a: {  	s8 =	sadd.s32 $0xFFFFE003, lr  }
0x1b: {  	s9 =	sadd.s32 $0xFFFFFEF7, lr;
	s5 =	simm.s32 $0xFFFFFFFF;
	p2 =	slt.u32 s8, $0xFFFFF086  }
0x1c: {  	p1 =	slt.u32 s9, $0xF7A;
	s5 =	simm.s32 @!p2 $0x0  }
0x1d: {  	s5 =	simm.s32 @p1 $0x1;
	p0 =	seq.s32 s7, s2  }
0x1e: {  	s7 =	smul.u32 @!p0 $0xF7A, s2;
	p2 =	seq.s32 @!p0 s5, $0x0  }
0x1f: {  	s9 =	smul.u32 $0xF7A, s1;
	s8 =	simm.s32 @!p0 $0x1BF5;
	p2 =	por !p2, p0  }
0x20: {  	[sflag:s8] =	ssyncset.s32 @!p0 $0xFFFFF086;
	s6 =	sadd.s32 @!p0 s3, s7;
	s7 =	simm.s32 @!p0 $0x108  }
0x21: {  	s3 =	sadd.s32 s3, s9;
	s6 =	sadd.s32 @!p0 $0x88, s6;
	s7 =	simm.s32 @p2 $0x1082  }
0x22: {  	[simem:s7], [sflag:s8] =	dma.local @!p0 [hbm:s6], $0xF7A  }
0x23: {  	s9 =	sor.u32 $0xD0000000, s2;
	s6 =	simm.s32 $0x108;
	_ =	swait.ge @!p0 [sflag:s8], $0x0  }
0x24: {  	s3 =	sadd.s32 $0x88, s3;
	s6 =	simm.s32 @!p1 $0x1082;
	[sflag:s4] =	ssyncset.s32 $0xFFFFF086  }
0x25: {  	[simem:s6], [sflag:s4] =	dma.local [hbm:s3], $0xF7A  }
0x26: {  	[smem:$0x3FA0] =	sst s1;
	(tag) =	ssettag s2;
	_ =	strace s9  }
0x27: {  	s1 =	sld [smem:$0x3FB0]  }
0x28: {  	s2 =	sld [smem:$0x3FB1]  }
0x29: {  	s4 =	sld [smem:$0x3FB3]  }
0x2a: {  	p0 =	seq.s32 s5, $0x0;
	s5 =	sld [smem:$0x3FB4]  }
0x2b: {  	s6 =	sld [smem:$0x3FB5]  }
0x2c: {  	s7 =	sld [smem:$0x3FB6]  }
0x2d: {  	s3 =	simm.s32 $0x108;
	s8 =	sld [smem:$0x3FB7]  }
0x2e: {  	s3 =	simm.s32 @!p0 $0x1082;
	s9 =	sld [smem:$0x3FB8]  }
0x2f: {  	lr =	sadd.s32 s0, s3;
	s0 =	sld [smem:$0x3FAF]  }
0x30: {  	s3 =	sld [smem:$0x3FB2]  }
0x31: {  	[smem:$0x3FBB] =	sst s10  }
0x32: {  	s10 =	sld [smem:$0x3FB9];
	_ =	sdelay $0x3  }
0x33: {  	p0 =	seq.s32 s10, $0x1;
	s10 =	sld [smem:$0x3FBB];
	_ =	sdelay $0x3  }
0x34: {  	[smem:$0x3FBB] =	sst s10  }
0x35: {  	s10 =	sld [smem:$0x3FBA];
	_ =	sdelay $0x3  }
0x36: {  	p1 =	seq.s32 s10, $0x1;
	s10 =	sld [smem:$0x3FBB];
	_ =	sdelay $0x3  }
0x37: {  	[smem:$0x3FBB] =	sst s10  }
0x38: {  	s10 =	sld [smem:$0x3FBC]  }
0x39: {  	_ = 	snop;
	(pc) =	sbr.ind lr, $3  }
0x3a: {  	_ = 	snop  }
0x3b: {  	_ = 	snop  }
0x3c: {  	p2 =	seq.s32 s10, $0x1;
	s10 =	sld [smem:$0x3FBB]  }
0x3d: {  	_ =	shalt  }
0x3e: {  	_ =	shalt  }
0x3f: {  	_ =	shalt  }
0x40: {  	_ =	shalt  }
0x41: {  	_ =	shalt  }
0x42: {  	_ =	shalt  }
0x43: {  	_ =	shalt  }
0x44: {  	_ =	shalt  }
0x45: {  	_ =	shalt  }
0x46: {  	_ =	shalt  }
0x47: {  	_ =	shalt  }
0x48: {  	_ =	shalt  }
0x49: {  	_ =	shalt  }
0x4a: {  	_ =	shalt  }
0x4b: {  	_ =	shalt  }
0x4c: {  	_ =	shalt  }
0x4d: {  	_ =	shalt  }
0x4e: {  	_ =	shalt  }
0x4f: {  	_ =	shalt  }
0x50: {  	_ =	shalt  }
0x51: {  	_ =	shalt  }
0x52: {  	_ =	shalt  }
0x53: {  	_ =	shalt  }
0x54: {  	_ =	shalt  }
0x55: {  	_ =	shalt  }
0x56: {  	_ =	shalt  }
0x57: {  	_ =	shalt  }
0x58: {  	_ =	shalt  }
0x59: {  	_ =	shalt  }
0x5a: {  	_ =	shalt  }
0x5b: {  	_ =	shalt  }
0x5c: {  	_ =	shalt  }
0x5d: {  	_ =	shalt  }
0x5e: {  	_ =	shalt  }
0x5f: {  	_ =	shalt  }
0x60: {  	_ =	shalt  }
0x61: {  	_ =	shalt  }
0x62: {  	_ =	shalt  }
0x63: {  	_ =	shalt  }
0x64: {  	_ =	shalt  }
0x65: {  	_ =	shalt  }
0x66: {  	_ =	shalt  }
0x67: {  	_ =	shalt  }
0x68: {  	_ =	shalt  }
0x69: {  	_ =	shalt  }
0x6a: {  	_ =	shalt  }
0x6b: {  	_ =	shalt  }
0x6c: {  	_ =	shalt  }
0x6d: {  	_ =	shalt  }
0x6e: {  	_ =	shalt  }
0x6f: {  	_ =	shalt  }
0x70: {  	_ =	shalt  }
0x71: {  	_ =	shalt  }
0x72: {  	_ =	shalt  }
0x73: {  	_ =	shalt  }
0x74: {  	_ =	shalt  }
0x75: {  	_ =	shalt  }
0x76: {  	_ =	shalt  }
0x77: {  	_ =	shalt  }
0x78: {  	_ =	shalt  }
0x79: {  	_ =	shalt  }
0x7a: {  	_ =	shalt  }
0x7b: {  	_ =	shalt  }
0x7c: {  	_ =	shalt  }
0x7d: {  	_ =	shalt  }
0x7e: {  	_ =	shalt  }
0x7f: {  	_ =	shalt  }
0x80: {  	_ =	shalt  }
0x81: {  	_ =	shalt  }
0x82: {  	_ =	shalt  }
0x83: {  	_ =	shalt  }
0x84: {  	_ =	shalt  }
0x85: {  	_ =	shalt  }
0x86: {  	_ =	shalt  }
0x87: {  	_ =	shalt  }
.Lfunc_end0:
.L_simem_size_0:
called_computation_lowered:
.L_overlay_start_0:
0x88: {  	s2 =	sld [smem:$0x3FD9]  }
0x89: {  	s3 =	sld [smem:$0x3FFE];
	_ =	sdelay $0x1  }
0x8a: {  	s1 =	srdreg.scid  }
0x8b: {  	s0 =	sand.u32 $0x1, s1  }
0x8c: {  	s16 =	sshll.u32 s0, $0xA;
	s2 =	sadd.s32 s3, s2  }
0x8d: {  	s2 =	sadd.s32 s2, s16  }
0x8e: {  	[smem:$0x3FC7] =	sst s2  }
0x8f: {  	_ = 	snop  }
0x90: {  	(tm) =	ssettm $0x1  }
0x91: {  	s17 =	sld [smem:$0x3FFB];
	_ =	sdelay $0x3  }
0x92: {  	_ =	strace s17  }
0x93: {  	s2 =	sld [smem:$0x3FFC];
	_ =	sdelay $0x3  }
0x94: {  	_ =	strace s2  }
0x95: {  	s2 =	sld [smem:$0x3FFD];
	_ =	sdelay $0x3  }
0x96: {  	_ =	strace s2  }
0x97: {  	_ =	strace $0x8FFFFFFF  }
0x98: {  	s18 =	sld [smem:$0x3FDB];
	_ =	sdelay $0x1  }
0x99: {  	s19 =	simm.s32 $_scs_section_size  }
0x9a: {  	s4 =	simm.s32 $_size__tile_overlayer_lowered;
	s5 =	simm.s32 $_tile_overlayer_lowered  }
0x9b: {  	s22 =	simm.s32 $0x1BFF;
	s21 =	sshll.u32 s5, $0x1;
	s2 =	sadd.s32 s19, s18  }
0x9c: {  	s6 =	simm.s32 $0x0;
	s20 =	sshll.u32 s4, $0x1;
	s4 =	sadd.s32 s21, s2  }
0x9d: {  	[timem:s6], [sflag:s22] =	dma.local [hbm:s4], s20  }
0x9e: {  	_ =	swait.ge [sflag:s22], s20  }
0x9f: {  	s3 =	ssub.s32 $0x0, s20;
	[sflag:s22] =	ssyncset.done $0x0  }
0xa0: {  	[sflag:s22] =	ssyncadd.s32 s3;
	_ =	sdelay $0x1  }
0xa1: {  	s23 =	simm.s32 $0x1B8B  }
0xa2: {  	_ =	swait.ge [sflag:s23], $0x1  }
0xa3: {  	[sflag:s23] =	ssyncset.done $0x0  }
0xa4: {  	s25 =	simm.s32 $0x1B8E;
	s24 =	sld [smem:$0x3FFE];
	[sflag:s23] =	ssyncadd.s32 $0xFFFFFFFF  }
0xa5: {  	s26 =	simm.s32 $execute0_lowered;
	[smem:$0x3FD2] =	sst s25  }
0xa6: {  	s4 =	sshll.u32 s26, $0x1;
	_ =	strace $0x80000046;
	[dreg:$0x1] =	wrdreg $0xFFFFFFFF  }
0xa7: {  	s28 =	simm.s32 $_size_execute0_lowered;
	s2 =	sadd.s32 s2, s4;
	[dreg:$0x0] =	wrdreg $0x0  }
0xa8: {  	s4 =	sshll.u32 s28, $0x1;
	[dreg:$0x2] =	wrdreg s2  }
0xa9: {  	[dreg:$0x3] =	wrdreg s4  }
0xaa: {  	[dreg:$0x4] =	wrdreg $0xC0  }
0xab: {  	_ =	task [dreg:s6], $0x5FFFF  }
0xac: {  	[dreg:$0x1] =	wrdreg $0xFFFFFFFF  }
0xad: {  	[dreg:$0x0] =	wrdreg $0x60  }
0xae: {  	[dreg:$0x2] =	wrdreg s24  }
0xaf: {  	[dreg:$0x3] =	wrdreg $0x9  }
0xb0: {  	_ =	task.clear_ibuf [dreg:s6], $0x4FFFF;
	_ =	strace $0x90000046  }
0xb1: {  	s29 =	simm.s32 $0x9;
	_ =	strace $0x80000048  }
0xb2: {  	_ =	swait.ge [sflag:s29], $0x1  }
0xb3: {  	[sflag:s29] =	ssyncadd.s32 $0xFFFFFFFF  }
0xb4: {  	_ =	strace $0x90000048  }
0xb5: {  	_ =	sfence  }
0xb6: {  	s30 =	sld [smem:$0x0];
	_ =	sdelay $0x2  }
0xb7: {  	s31 =	sshll.u32 s1, $0xD;
	s1 =	sshrl.u32 s1, $0x2  }
0xb8: {  	s3 =	sand.u32 $0x4000, s31;
	s1 =	sadd.s32 s1, s30  }
0xb9: {  	s0 =	sor.u32 s3, s0;
	s1 =	sshll.u32 s1, $0x11  }
0xba: {  	s0 =	sor.u32 s1, s0  }
0xbb: {  	s0 =	sadd.s32 $0x8F2B, s0  }
0xbc: {  	[sflag:s0] =	ssyncadd.remote.s32 $0x1  }
0xbd: {  	_ =	sfence.sel $0xFFFF  }
0xbe: {  	[dreg:$0x0] =	wrdreg $0xFFFFFFFF;
	(pc) =	sbr.abs _section_cstart, $3  }
0xbf: {  	[dreg:$0x1] =	wrdreg $0xFFFFFFFF  }
0xc0: {  	_ =	task.clear_ibuf [dreg:s6], $0x2FFFF;
	_ =	strace $0x9FFFFFFF  }
0xc1: {  	(tm) =	ssettm $0x7FFFFFFF  }
tec
execute0_lowered:
.L_overlay_start_1:
0x0: {  	(tag) =	ssettag $0x1  }
0x1: {  	s0 =	srdreg.scid  }
0x2: {  	s2 =	stileid.u32;
	s4 =	rddreg [dreg:$0x0]  }
0x3: {  	s5 =	simm.s32 $0x0;
	s0 =	sand.u32 $0x1, s0;
	s1 =	sshll.u32 s2, $0x1  }
0x4: {  	s10 =	simm.s32 $0x1000;
	s2 =	sshrl.u32 s2, $0x2;
	s1 =	sor.u32 s0, s1  }
0x5: {  	[smem:$0x7FF] =	sst s5;
	s2 =	smul.u32 $0x1800, s2;
	s3 =	sshll.u32 s1, $0x7  }
0x6: {  	s0 =	ssub.s32 $0x2, s0;
	s1 =	smul.u32 $0x30, s1;
	s3 =	sand.u32 $0x380, s3  }
.Ltmp0:
0x7: {  	s30 =	sshrl.u32 s0, $0x1;
	s2 =	sor.u32 s2, s3;
	(pc) =	sbr.rel .LBB2_1-.Ltmp0, $4  }
0x8: {  	_ =	strace $0x80000047;
	s0 =	ssub.s32 s0, s30;
	s2 =	sshrl.u32 s2, $0x3  }
0x9: {  	[dreg:$0x2] =	wrdreg s1;
	s0 =	smax.u32 s0, $0x1;
	s2 =	sadd.s32 s2, s4  }
0xa: {  	v0 =	vimm.s32 $0x0;
	v1 =	vimm.s32 $0x1;
	s11 =	simm.s32 $0x1100;
	[dreg:$0x4] =	wrdreg s0;
	s31 =	sadd.s32 $0xC0000, s2  }
0xb: {  	s12 =	simm.s32 $0x1200;
	vm0 =	vcmask $0x300;
	vm1 =	vcmask $0x704;
	vm2 =	vcmask $0xB08;
	s2 =	simm.s32 $0x0;
	[dreg:$0x3] =	wrdreg s31  }
.LBB2_45:
0xc: {  	s0 =	rddreg [dreg:$0x3];
	s1 =	simm.s32 $0x80  }
0xd: {  	s2 =	simm.s32 $0x400;
	s3 =	simm.s32 $0x1300;
	s29 =	simm.s32 $0x1  }
0xe: {  	[hbm4b:s0+s1] =	stream.strided.scatter [tilespmem:s3], [sflag:$0x1], $0x300, s2, s1, $0x38;
	[tilespmem:$0x1600] =	vst v63  }
0xf: {  	_ =	swait.ge [sflag:s29], $0x300  }
0x10: {  	s30 =	rddreg [dreg:$0x5]  }
0x11: {  	s31 =	rddreg [dreg:$0x4];
	s2 =	sadd.s32 $0x1, s30  }
0x12: {  	p0 =	sne.s32 s2, s31  }
.Ltmp1:
0x13: {  	_ = 	snop;
	(pc) =	sbr.rel @!p0 .LBB2_46-.Ltmp1, $3  }
0x14: {  	_ =	sdelay $0x1  }
0x15: {  	[sflag:s29] =	ssyncset.done $0x0  }
0x16: {  	[sflag:s29] =	ssyncadd.s32 $0xFFFFFD00  }
.LBB2_1:
0x17: {  	[dreg:$0x5] =	wrdreg s2;
	s25 =	simm.s32 $0x0  }
.LBB2_2:
0x18: {  	s0 =	rddreg [dreg:$0x2]  }
0x19: {  	s26 =	sshll.u32 s25, $0x4;
	s2 =	rddreg [dreg:$0x0];
	s0 =	sadd.s32 s0, s25  }
0x1a: {  	s29 =	simm.s32 $0x0;
	s1 =	sand.u32 $0x70, s26;
	s0 =	sshll.u32 s0, $0x9  }
0x1b: {  	s30 =	simm.s32 $0x80;
	s1 =	sadd.s32 s2, s1;
	s0 =	sand.u32 $0xFFFF000, s0  }
0x1c: {  	s3 =	simm.s32 $0x400;
	s31 =	simm.s32 $0x1;
	s0 =	sadd.s32 s0, s1  }
0x1d: {  	[tilespmem:s29], [sflag:$0x1] =	stream.strided.gather [hbm4b:s0+s30], $0x1000, s3, s30, $0x38;
	[tilespmem:$0x1600] =	vst v63  }
0x1e: {  	_ =	swait.ge [sflag:s31], $0x1000  }
0x1f: {  	[sflag:s31] =	ssyncset.done $0x0  }
0x20: {  	[sflag:s31] =	ssyncadd.s32 $0xFFFFF000  }
0x21: {  	[tilespmem:$0x1000] =	vst v0  }
0x22: {  	[tilespmem:$0x1010] =	vst v0  }
0x23: {  	[tilespmem:$0x1020] =	vst v0  }
0x24: {  	[tilespmem:$0x1030] =	vst v0  }
0x25: {  	[tilespmem:$0x1040] =	vst v0  }
0x26: {  	[tilespmem:$0x1050] =	vst v0  }
0x27: {  	[tilespmem:$0x1060] =	vst v0  }
0x28: {  	[tilespmem:$0x1070] =	vst v0  }
0x29: {  	[tilespmem:$0x1080] =	vst v0  }
0x2a: {  	[tilespmem:$0x1090] =	vst v0  }
0x2b: {  	[tilespmem:$0x10A0] =	vst v0  }
0x2c: {  	[tilespmem:$0x10B0] =	vst v0  }
0x2d: {  	[tilespmem:$0x10C0] =	vst v0  }
0x2e: {  	[tilespmem:$0x10D0] =	vst v0  }
0x2f: {  	[tilespmem:$0x10E0] =	vst v0  }
0x30: {  	s2 =	simm.s32 $0x40;
	s1 =	simm.s32 $0xFFFFFFF8;
	[tilespmem:$0x10F0] =	vst v0  }
.LBB2_3:
0x31: {  	v2 =	vld [tilespmem:s2+$0xFFFFFFC0];
	_ =	sdelay $0x4  }
0x32: {  	v2 =	vshrl.u32 v2, $0x17  }
0x33: {  	v2 =	vand.u32 $0xFF, v2;
	_ =	sdelay $0x4  }
0x34: {  	[tilespmem:v2+s10+$0x0] =	vst.idx.add.s32.msk $0xffff, v1  }
0x35: {  	v2 =	vld [tilespmem:s2+$0xFFFFFFD0];
	_ =	sdelay $0x4  }
0x36: {  	v2 =	vshrl.u32 v2, $0x17  }
0x37: {  	v2 =	vand.u32 $0xFF, v2;
	_ =	sdelay $0x4  }
0x38: {  	[tilespmem:v2+s10+$0x0] =	vst.idx.add.s32.msk $0xffff, v1  }
0x39: {  	v2 =	vld [tilespmem:s2+$0xFFFFFFE0];
	_ =	sdelay $0x4  }
0x3a: {  	v2 =	vshrl.u32 v2, $0x17  }
0x3b: {  	v2 =	vand.u32 $0xFF, v2;
	_ =	sdelay $0x4  }
0x3c: {  	[tilespmem:v2+s10+$0x0] =	vst.idx.add.s32.msk $0xffff, v1  }
0x3d: {  	v2 =	vld [tilespmem:s2+$0xFFFFFFF0];
	_ =	sdelay $0x4  }
0x3e: {  	v2 =	vshrl.u32 v2, $0x17  }
0x3f: {  	v2 =	vand.u32 $0xFF, v2;
	_ =	sdelay $0x4  }
0x40: {  	[tilespmem:v2+s10+$0x0] =	vst.idx.add.s32.msk $0xffff, v1  }
0x41: {  	v2 =	vld [tilespmem:s2+$0x0];
	_ =	sdelay $0x4  }
0x42: {  	v2 =	vshrl.u32 v2, $0x17  }
0x43: {  	v2 =	vand.u32 $0xFF, v2;
	_ =	sdelay $0x4  }
0x44: {  	[tilespmem:v2+s10+$0x0] =	vst.idx.add.s32.msk $0xffff, v1  }
0x45: {  	v2 =	vld [tilespmem:s2+$0x10];
	_ =	sdelay $0x4  }
0x46: {  	v2 =	vshrl.u32 v2, $0x17  }
0x47: {  	v2 =	vand.u32 $0xFF, v2;
	_ =	sdelay $0x4  }
0x48: {  	[tilespmem:v2+s10+$0x0] =	vst.idx.add.s32.msk $0xffff, v1  }
0x49: {  	v2 =	vld [tilespmem:s2+$0x20];
	_ =	sdelay $0x4  }
0x4a: {  	v2 =	vshrl.u32 v2, $0x17  }
0x4b: {  	v2 =	vand.u32 $0xFF, v2;
	_ =	sdelay $0x4  }
0x4c: {  	[tilespmem:v2+s10+$0x0] =	vst.idx.add.s32.msk $0xffff, v1  }
0x4d: {  	v2 =	vld [tilespmem:s2+$0x30];
	_ =	sdelay $0x4  }
0x4e: {  	s1 =	sadd.s32 $0x8, s1;
	v2 =	vshrl.u32 v2, $0x17  }
0x4f: {  	p0 =	slt.u32 s1, $0xF8;
	v2 =	vand.u32 $0xFF, v2  }
.Ltmp2:
0x50: {  	_ = 	snop;
	(pc) =	sbr.rel @p0 .LBB2_3-.Ltmp2, $3  }
0x51: {  	_ =	sdelay $0x1  }
0x52: {  	s18 =	simm.s32 $0x0  }
0x53: {  	s0 =	simm.s32 $0xFFFFFFFC;
	s17 =	simm.s32 $0x1020;
	s2 =	sadd.s32 $0x80, s2;
	[tilespmem:v2+s10+$0x0] =	vst.idx.add.s32.msk $0xffff, v1  }
0x54: {  	v2 =	vld [tilespmem:s17+$0xFFFFFFE0]  }
0x55: {  	v3 =	vld [tilespmem:s17+$0xFFFFFFF0];
	_ =	sdelay $0x1  }
0x56: {  	v4 =	vld [tilespmem:s17+$0x0]  }
0x57: {  	v5 =	vld [tilespmem:s17+$0x10]  }
0x58: {  	(xrf0) =	vadd.scan.msk.s32 $0xffff, v2  }
0x59: {  	(xrf0) =	vadd.scan.msk.s32 $0xffff, v3;
	_ =	sdelay $0x1  }
0x5a: {  	(xrf0) =	vadd.scan.msk.s32 $0xffff, v4  }
0x5b: {  	(xrf0) =	vadd.scan.msk.s32 $0xffff, v5;
	_ =	sdelay $0x1  }
0x5c: {  	v2, _, _ =	vpop (xrf0)  }
0x5d: {  	(v2sf) =	vpush v2, $0xF;
	v3, _, _ =	vpop (xrf0)  }
0x5e: {  	(v2sf) =	vpush v3, $0xF  }
0x5f: {  	v4, _, _ =	vpop (xrf0)  }
0x60: {  	(v2sf) =	vpush v4, $0xF;
	v5, _, _ =	vpop (xrf0)  }
0x61: {  	(v2sf) =	vpush v5, $0xF;
	_ =	sdelay $0x3  }
0x62: {  	s1 =	sadd.s32 $0x40, s17  }
0x63: {  	v6 =	vld [tilespmem:s1+$0xFFFFFFE0];
	v2 =	vadd.s32 s18, v2  }
0x64: {  	v7 =	vxor.u32 $0x80000000, v2;
	vm3 =	vlt.s32 v2, $0x15;
	v2 =	vld [tilespmem:s1+$0xFFFFFFF0]  }
0x65: {  	v7 =	vnsel vm3, $0x80000000, v7  }
0x66: {  	v8 =	vsel vm3, $0x1, v0;
	(xrf0) =	vmax.scan.msk.u32 $0xffff, v7  }
0x67: {  	v7 =	vld [tilespmem:s1+$0x0];
	(xrf0) =	vadd.scan.msk.s32 $0xffff, v8  }
0x68: {  	v60 =	vld [tilespmem:s1+$0x10];
	(xrf0) =	vadd.scan.msk.s32 $0xffff, v6  }
0x69: {  	(xrf0) =	vadd.scan.msk.s32 $0xffff, v2;
	s2 =	spop (v2sf)  }
0x6a: {  	s2 =	sadd.s32 s18, s2;
	s3 =	spop (v2sf)  }
0x6b: {  	v2 =	vadd.s32 s2, v3;
	s2 =	sadd.s32 s3, s2  }
0x6c: {  	(xrf0) =	vadd.scan.msk.s32 $0xffff, v7;
	v3, _, _ =	vpop (xrf0);
	s7 =	spop (v2sf);
	vm3 =	vlt.s32 v2, $0x15;
	v4 =	vadd.s32 s2, v4  }
0x6d: {  	(xrf0) =	vadd.scan.msk.s32 $0xffff, v60;
	v2 =	vxor.u32 $0x80000000, v2;
	v6, _, _ =	vpop (xrf0);
	s2 =	sadd.s32 s7, s2;
	s8 =	spop (v2sf);
	vm4 =	vlt.s32 v4, $0x15;
	v4 =	vxor.u32 $0x80000000, v4  }
0x6e: {  	(v2sf) =	vpush v3, $0xF;
	v2 =	vnsel vm3, $0x80000000, v2;
	s3 =	sadd.s32 s8, s2;
	v3, _, _ =	vpop (xrf0);
	v4 =	vnsel vm4, $0x80000000, v4  }
0x6f: {  	(xrf0) =	vmax.scan.msk.u32 $0xffff, v2;
	v2 =	vadd.s32 s2, v5;
	v5 =	vadd.s32 s3, v3;
	(v2sf) =	vpush v3, $0xF;
	v3, _, _ =	vpop (xrf0)  }
0x70: {  	(xrf0) =	vmax.scan.msk.u32 $0xffff, v4;
	v4 =	vsel vm4, $0x1, v0;
	(v2sf) =	vpush v3, $0xF  }
0x71: {  	v7 =	vsel vm3, $0x1, v0  }
0x72: {  	vm3 =	vlt.s32 v2, $0x15;
	v61, _, _ =	vpop (xrf0);
	vm13 =	vlt.s32 v5, $0x15;
	v2 =	vxor.u32 $0x80000000, v2;
	(xrf0) =	vadd.scan.msk.s32 $0xffff, v7  }
0x73: {  	v7 =	vxor.u32 $0x80000000, v5;
	v5 =	vsel vm3, $0x1, v0;
	(v2sf) =	vpush v61, $0xF;
	(xrf0) =	vadd.scan.msk.s32 $0xffff, v4;
	v4, _, _ =	vpop (xrf0)  }
0x74: {  	v2 =	vnsel vm3, $0x80000000, v2;
	v7 =	vnsel vm13, $0x80000000, v7;
	(xrf0) =	vadd.scan.msk.s32 $0xffff, v5;
	(v2sf) =	vpush v4, $0xF  }
0x75: {  	(xrf0) =	vmax.scan.msk.u32 $0xffff, v7  }
0x76: {  	(v2sf) =	vpush v6, $0xF;
	v5, _, _ =	vpop (xrf0);
	(xrf0) =	vmax.scan.msk.u32 $0xffff, v2  }
0x77: {  	(v2sf) =	vpush v5, $0xF;
	v2, _, _ =	vpop (xrf0)  }
0x78: {  	s20 =	sadd.s32 $0x40, s1;
	v5, _, _ =	vpop (xrf0);
	(v2sf) =	vpush v2, $0xF  }
0x79: {  	(v2sf) =	vpush v5, $0xF;
	v2, _, _ =	vpop (xrf0);
	v5 =	vld [tilespmem:s20+$0xFFFFFFE0]  }
0x7a: {  	(v2sf) =	vpush v2, $0xF;
	v2, _, _ =	vpop (xrf0)  }
0x7b: {  	v6, _, _ =	vpop (xrf0);
	(v2sf) =	vpush v2, $0xF;
	v2 =	vld [tilespmem:s20+$0xFFFFFFF0]  }
0x7c: {  	v9 =	vld [tilespmem:s20+$0x0];
	v7 =	vsel vm13, $0x1, v0;
	(v2sf) =	vpush v6, $0xF;
	v6, _, _ =	vpop (xrf0)  }
0x7d: {  	(xrf0) =	vadd.scan.msk.s32 $0xffff, v7;
	(v2sf) =	vpush v6, $0xF;
	v6 =	vld [tilespmem:s20+$0x10];
	s9 =	spop (v2sf)  }
0x7e: {  	(xrf0) =	vadd.scan.msk.s32 $0xffff, v5;
	s13 =	spop (v2sf)  }
0x7f: {  	s2 =	sadd.s32 s3, s13;
	s14 =	spop (v2sf)  }
0x80: {  	(xrf0) =	vadd.scan.msk.s32 $0xffff, v2;
	v2 =	vadd.s32 s2, v3;
	s2 =	sadd.s32 s14, s2  }
0x81: {  	(xrf0) =	vadd.scan.msk.s32 $0xffff, v9;
	v3 =	vadd.s32 s2, v61  }
0x82: {  	s15 =	spop (v2sf);
	(xrf0) =	vadd.scan.msk.s32 $0xffff, v6;
	vm14 =	vlt.s32 v3, $0x15;
	v3 =	vxor.u32 $0x80000000, v3  }
0x83: {  	s0 =	sadd.s32 $0x4, s0;
	v5, _, _ =	vpop (xrf0);
	vm3 =	vlt.s32 v2, $0x15;
	v2 =	vxor.u32 $0x80000000, v2;
	s2 =	sadd.s32 s15, s2;
	s16 =	spop (v2sf);
	v3 =	vnsel vm14, $0x80000000, v3  }
0x84: {  	s0 =	sadd.s32 $0x4, s0;
	v2 =	vnsel vm3, $0x80000000, v2;
	v6, _, _ =	vpop (xrf0);
	s23 =	sadd.s32 s16, s2  }
0x85: {  	s22 =	sadd.s32 $0x4, s0;
	s0 =	sxor.u32 $0x80000000, s9;
	v62 =	vadd.s32 s2, v4;
	(xrf0) =	vmax.scan.msk.u32 $0xffff, v2;
	s19 =	spop (v2sf);
	v2 =	vadd.s32 s23, v6  }
0x86: {  	p0 =	sgt.s32 s18, s0;
	v7 =	vsel vm3, $0x1, v0;
	vm3 =	vlt.s32 v62, $0x15;
	(v2sf) =	vpush v6, $0xF;
	(xrf0) =	vmax.scan.msk.u32 $0xffff, v3;
	s21 =	spop (v2sf);
	v3, _, _ =	vpop (xrf0)  }
0x87: {  	s0 =	smov.u32 @p0 s18;
	v6 =	vsel vm14, $0x1, v0;
	(xrf0) =	vadd.scan.msk.s32 $0xffff, v7;
	v7 =	vsel vm3, $0x1, v0;
	s28 =	spop (v2sf);
	(v2sf) =	vpush v3, $0xF;
	v4, _, _ =	vpop (xrf0)  }
0x88: {  	s24 =	sadd.s32 s18, s19;
	v63 =	vxor.u32 $0x80000000, v2;
	s4 =	sxor.u32 $0x80000000, s21;
	vm15 =	vlt.s32 v2, $0x15;
	(xrf0) =	vadd.scan.msk.s32 $0xffff, v6;
	s29 =	spop (v2sf);
	(v2sf) =	vpush v4, $0xF;
	v2, _, _ =	vpop (xrf0)  }
0x89: {  	v8 =	vxor.u32 $0x80000000, v62;
	p0 =	sgt.s32 s0, s4;
	s21 =	sxor.u32 $0x80000000, s28;
	v6 =	vnsel vm15, $0x80000000, v63;
	(xrf0) =	vadd.scan.msk.s32 $0xffff, v7;
	s30 =	spop (v2sf);
	(v2sf) =	vpush v2, $0xF  }
0x8a: {  	s2 =	sadd.s32 s29, s24;
	s4 =	smov.u32 @p0 s0;
	(xrf0) =	vmax.scan.msk.u32 $0xffff, v6;
	v6 =	vnsel vm3, $0x80000000, v8;
	s31 =	spop (v2sf)  }
0x8b: {  	v7 =	vsel vm15, $0x1, v0;
	p0 =	sgt.s32 s4, s21;
	s2 =	sadd.s32 s30, s2;
	(v2sf) =	vpush v5, $0xF;
	s1 =	spop (v2sf);
	v5, _, _ =	vpop (xrf0);
	(xrf0) =	vmax.scan.msk.u32 $0xffff, v6  }
0x8c: {  	s21 =	smov.u32 @p0 s4;
	s19 =	sadd.s32 s31, s2;
	(xrf0) =	vadd.scan.msk.s32 $0xffff, v7;
	(v2sf) =	vpush v5, $0xF;
	v5, _, _ =	vpop (xrf0);
	s0 =	spop (v2sf)  }
.LBB2_5:
0x8d: {  	s22 =	sadd.s32 $0x4, s22;
	s1 =	sxor.u32 $0x80000000, s1;
	v6, _, _ =	vpop (xrf0);
	(v2sf) =	vpush v5, $0xF;
	s0 =	sxor.u32 $0x80000000, s0  }
0x8e: {  	s20 =	sadd.s32 $0x40, s20;
	p0 =	slt.u32 s22, $0xC;
	(v2sf) =	vpush v6, $0xF;
	v5, _, _ =	vpop (xrf0);
	p1 =	sgt.s32 s21, s0  }
0x8f: {  	v6 =	vld [tilespmem:s20+$0xFFFFFFE0];
	(v2sf) =	vpush v5, $0xF;
	v5, _, _ =	vpop (xrf0);
	s0 =	smov.u32 @p1 s21  }
0x90: {  	v7 =	vld [tilespmem:s20+$0xFFFFFFF0];
	v8, _, _ =	vpop (xrf0);
	p1 =	sgt.s32 s0, s1;
	(v2sf) =	vpush v5, $0xF  }
0x91: {  	v5 =	vld [tilespmem:s20+$0x0];
	(v2sf) =	vpush v8, $0xF;
	v8, _, _ =	vpop (xrf0)  }
0x92: {  	v9 =	vld [tilespmem:s20+$0x10];
	v10, _, _ =	vpop (xrf0);
	(v2sf) =	vpush v8, $0xF;
	_ =	sdelay $0x1  }
0x93: {  	(xrf0) =	vadd.scan.msk.s32 $0xffff, v6  }
0x94: {  	(xrf0) =	vadd.scan.msk.s32 $0xffff, v7;
	s2 =	spop (v2sf)  }
0x95: {  	(xrf0) =	vadd.scan.msk.s32 $0xffff, v5;
	s2 =	sadd.s32 s23, s2;
	s3 =	spop (v2sf)  }
0x96: {  	(xrf0) =	vadd.scan.msk.s32 $0xffff, v9;
	v3 =	vadd.s32 s2, v3;
	s2 =	sadd.s32 s3, s2;
	s3 =	spop (v2sf)  }
0x97: {  	vm3 =	vlt.s32 v3, $0x15;
	v3 =	vxor.u32 $0x80000000, v3;
	v4 =	vadd.s32 s2, v4;
	s2 =	sadd.s32 s3, s2;
	s3 =	spop (v2sf)  }
0x98: {  	v8 =	vnsel vm3, $0x80000000, v3;
	vm4 =	vlt.s32 v4, $0x15;
	v4 =	vxor.u32 $0x80000000, v4;
	s23 =	sadd.s32 s3, s2  }
0x99: {  	v6 =	vsel vm3, $0x1, v0;
	v7 =	vadd.s32 s2, v2;
	v5, _, _ =	vpop (xrf0);
	v9 =	vnsel vm4, $0x80000000, v4;
	(xrf0) =	vmax.scan.msk.u32 $0xffff, v8;
	s2 =	spop (v2sf)  }
0x9a: {  	s3 =	spop (v2sf)  }
0x9b: {  	s1 =	smov.u32 @p1 s0;
	v11 =	vadd.s32 s23, v5;
	(v2sf) =	vpush v5, $0xF;
	v3, _, _ =	vpop (xrf0);
	v5 =	vsel vm4, $0x1, v0;
	(xrf0) =	vmax.scan.msk.u32 $0xffff, v9;
	s2 =	sadd.s32 s19, s2;
	s0 =	sxor.u32 $0x80000000, s3  }
0x9c: {  	vm3 =	vlt.s32 v7, $0x15;
	v8 =	vxor.u32 $0x80000000, v11;
	(v2sf) =	vpush v3, $0xF;
	v4, _, _ =	vpop (xrf0);
	(xrf0) =	vadd.scan.msk.s32 $0xffff, v6;
	s3 =	spop (v2sf);
	p1 =	sgt.s32 s1, s0  }
.Ltmp3:
0x9d: {  	vm4 =	vlt.s32 v11, $0x15;
	v6 =	vsel vm3, $0x1, v0;
	(v2sf) =	vpush v4, $0xF;
	v2, _, _ =	vpop (xrf0);
	(xrf0) =	vadd.scan.msk.s32 $0xffff, v5;
	s21 =	sxor.u32 $0x80000000, s3;
	s3 =	spop (v2sf);
	(pc) =	sbr.rel @p0 .LBB2_5-.Ltmp3, $4  }
0x9e: {  	v5 =	vnsel vm4, $0x80000000, v8;
	v8 =	vxor.u32 $0x80000000, v7;
	(v2sf) =	vpush v2, $0xF;
	(xrf0) =	vadd.scan.msk.s32 $0xffff, v6;
	s2 =	sadd.s32 s3, s2;
	s0 =	smov.u32 @p1 s1;
	s3 =	spop (v2sf)  }
0x9f: {  	v6 =	vsel vm4, $0x1, v0;
	v8 =	vnsel vm3, $0x80000000, v8;
	(xrf0) =	vmax.scan.msk.u32 $0xffff, v5;
	p1 =	sgt.s32 s0, s21;
	s4 =	spop (v2sf)  }
0xa0: {  	s2 =	sadd.s32 s3, s2;
	(v2sf) =	vpush v10, $0xF;
	s1 =	spop (v2sf);
	v7, _, _ =	vpop (xrf0);
	(xrf0) =	vmax.scan.msk.u32 $0xffff, v8;
	s21 =	smov.u32 @p1 s0  }
0xa1: {  	s19 =	sadd.s32 s4, s2;
	(xrf0) =	vadd.scan.msk.s32 $0xffff, v6;
	(v2sf) =	vpush v7, $0xF;
	v5, _, _ =	vpop (xrf0);
	s0 =	spop (v2sf)  }
0xa2: {  	_ =	sdelay $0x7  }
0xa3: {  	s2 =	spop (v2sf)  }
0xa4: {  	s2 =	sadd.s32 s23, s2  }
0xa5: {  	s3 =	spop (v2sf);
	v3 =	vadd.s32 s2, v3  }
0xa6: {  	s2 =	sadd.s32 s3, s2;
	vm3 =	vlt.s32 v3, $0x15;
	v3 =	vxor.u32 $0x80000000, v3  }
0xa7: {  	v4 =	vadd.s32 s2, v4;
	v3 =	vnsel vm3, $0x80000000, v3  }
0xa8: {  	s20 =	spop (v2sf);
	vm4 =	vlt.s32 v4, $0x15;
	v4 =	vxor.u32 $0x80000000, v4  }
0xa9: {  	v6, _, _ =	vpop (xrf0);
	(v2sf) =	vpush v5, $0xF;
	s2 =	sadd.s32 s20, s2;
	v5 =	vsel vm3, $0x1, v0;
	v4 =	vnsel vm4, $0x80000000, v4;
	(xrf0) =	vmax.scan.msk.u32 $0xffff, v3  }
0xaa: {  	(v2sf) =	vpush v6, $0xF;
	v2 =	vadd.s32 s2, v2;
	v6 =	vsel vm4, $0x1, v0;
	v3, _, _ =	vpop (xrf0);
	(xrf0) =	vmax.scan.msk.u32 $0xffff, v4;
	v4 =	vld [tilespmem:s17+$0xFFFFFFE0]  }
0xab: {  	vm3 =	vlt.s32 v2, $0x15;
	v2 =	vxor.u32 $0x80000000, v2;
	(v2sf) =	vpush v3, $0xF;
	v3, _, _ =	vpop (xrf0);
	(xrf0) =	vadd.scan.msk.s32 $0xffff, v5  }
0xac: {  	v2 =	vnsel vm3, $0x80000000, v2;
	v5, _, _ =	vpop (xrf0);
	(v2sf) =	vpush v3, $0xF;
	v3 =	vsel vm3, $0x1, v0;
	(xrf0) =	vadd.scan.msk.s32 $0xffff, v6;
	v6 =	vld [tilespmem:s17+$0xFFFFFFF0]  }
0xad: {  	(v2sf) =	vpush v5, $0xF;
	v5, _, _ =	vpop (xrf0);
	(xrf0) =	vadd.scan.msk.s32 $0xffff, v3  }
0xae: {  	v3 =	vld [tilespmem:s17+$0x0];
	v7, _, _ =	vpop (xrf0);
	(v2sf) =	vpush v5, $0xF;
	(xrf0) =	vmax.scan.msk.u32 $0xffff, v2  }
0xaf: {  	v5 =	vld [tilespmem:s17+$0x10];
	(v2sf) =	vpush v7, $0xF;
	v2, _, _ =	vpop (xrf0);
	(xrf0) =	vadd.scan.msk.s32 $0xffff, v4  }
0xb0: {  	(v2sf) =	vpush v2, $0xF;
	v2, _, _ =	vpop (xrf0)  }
0xb1: {  	v4, _, _ =	vpop (xrf0);
	(v2sf) =	vpush v2, $0xF;
	(xrf0) =	vadd.scan.msk.s32 $0xffff, v6  }
0xb2: {  	(v2sf) =	vpush v4, $0xF;
	v2, _, _ =	vpop (xrf0)  }
0xb3: {  	(xrf0) =	vadd.scan.msk.s32 $0xffff, v3;
	(v2sf) =	vpush v2, $0xF;
	v2, _, _ =	vpop (xrf0)  }
0xb4: {  	(xrf0) =	vadd.scan.msk.s32 $0xffff, v5;
	(v2sf) =	vpush v2, $0xF;
	v2, _, _ =	vpop (xrf0)  }
0xb5: {  	s22 =	spop (v2sf);
	(v2sf) =	vpush v2, $0xF;
	v2, _, _ =	vpop (xrf0)  }
0xb6: {  	s2 =	spop (v2sf);
	(v2sf) =	vpush v2, $0xF  }
0xb7: {  	s14 =	spop (v2sf);
	v3, _, _ =	vpop (xrf0)  }
0xb8: {  	s8 =	spop (v2sf);
	(v2sf) =	vpush v3, $0xF  }
0xb9: {  	s23 =	spop (v2sf);
	v4, _, _ =	vpop (xrf0)  }
0xba: {  	(v2sf) =	vpush v4, $0xF;
	v5, _, _ =	vpop (xrf0);
	s6 =	spop (v2sf)  }
0xbb: {  	s24 =	spop (v2sf);
	(v2sf) =	vpush v5, $0xF  }
0xbc: {  	s4 =	spop (v2sf)  }
0xbd: {  	s9 =	spop (v2sf)  }
0xbe: {  	s17 =	spop (v2sf)  }
0xbf: {  	s15 =	simm.s32 $0x1060;
	v2 =	vadd.s32 s18, v2;
	s7 =	spop (v2sf)  }
0xc0: {  	v6 =	vld [tilespmem:s15+$0xFFFFFFE0];
	v7 =	vxor.u32 $0x80000000, v2;
	vm3 =	vlt.s32 v2, $0x21;
	s5 =	spop (v2sf)  }
0xc1: {  	v7 =	vnsel vm3, $0x80000000, v7;
	s13 =	spop (v2sf)  }
0xc2: {  	v2 =	vld [tilespmem:s15+$0xFFFFFFF0];
	(xrf0) =	vmax.scan.msk.u32 $0xffff, v7;
	s22 =	spop (v2sf)  }
0xc3: {  	v8 =	vsel vm3, $0x1, v0;
	v7 =	vld [tilespmem:s15+$0x0];
	s28 =	spop (v2sf)  }
0xc4: {  	(xrf0) =	vadd.scan.msk.s32 $0xffff, v8;
	v8 =	vld [tilespmem:s15+$0x10];
	s20 =	spop (v2sf)  }
0xc5: {  	(xrf0) =	vadd.scan.msk.s32 $0xffff, v6;
	s29 =	spop (v2sf)  }
0xc6: {  	s15 =	sadd.s32 $0x0, s29  }
0xc7: {  	(xrf0) =	vadd.scan.msk.s32 $0xffff, v2;
	s16 =	spop (v2sf);
	v2 =	vadd.s32 s15, v3  }
0xc8: {  	(xrf0) =	vadd.scan.msk.s32 $0xffff, v7;
	v3, _, _ =	vpop (xrf0);
	s15 =	sadd.s32 s16, s15;
	vm3 =	vlt.s32 v2, $0x21  }
0xc9: {  	(xrf0) =	vadd.scan.msk.s32 $0xffff, v8;
	s30 =	spop (v2sf);
	v2 =	vxor.u32 $0x80000000, v2;
	(v2sf) =	vpush v3, $0xF;
	v4 =	vadd.s32 s15, v4  }
0xca: {  	v3, _, _ =	vpop (xrf0);
	s15 =	sadd.s32 s30, s15;
	v2 =	vnsel vm3, $0x80000000, v2;
	s31 =	spop (v2sf);
	vm5 =	vlt.s32 v4, $0x21;
	v4 =	vxor.u32 $0x80000000, v4  }
0xcb: {  	v6, _, _ =	vpop (xrf0);
	v5 =	vadd.s32 s15, v5;
	(xrf0) =	vmax.scan.msk.u32 $0xffff, v2;
	s15 =	sadd.s32 s31, s15;
	v4 =	vnsel vm5, $0x80000000, v4  }
0xcc: {  	v7 =	vsel vm3, $0x1, v0;
	(v2sf) =	vpush v6, $0xF;
	v6 =	vadd.s32 s15, v6;
	(xrf0) =	vmax.scan.msk.u32 $0xffff, v4  }
0xcd: {  	v2, _, _ =	vpop (xrf0);
	v4 =	vxor.u32 $0x80000000, v6;
	(xrf0) =	vadd.scan.msk.s32 $0xffff, v7;
	vm13 =	vlt.s32 v6, $0x21;
	v6 =	vsel vm5, $0x1, v0  }
0xce: {  	(v2sf) =	vpush v2, $0xF;
	v8, _, _ =	vpop (xrf0);
	(xrf0) =	vadd.scan.msk.s32 $0xffff, v6  }
0xcf: {  	(v2sf) =	vpush v8, $0xF;
	v7, _, _ =	vpop (xrf0)  }
0xd0: {  	v4 =	vnsel vm13, $0x80000000, v4;
	(v2sf) =	vpush v7, $0xF  }
0xd1: {  	s0 =	sxor.u32 $0x80000000, s0;
	(v2sf) =	vpush v3, $0xF;
	v3, _, _ =	vpop (xrf0)  }
0xd2: {  	p0 =	sgt.s32 s21, s0;
	(v2sf) =	vpush v3, $0xF;
	v3, _, _ =	vpop (xrf0)  }
0xd3: {  	s1 =	sxor.u32 $0x80000000, s1;
	s0 =	smov.u32 @p0 s21;
	vm3 =	vlt.s32 v5, $0x21;
	v5 =	vxor.u32 $0x80000000, v5;
	(xrf0) =	vmax.scan.msk.u32 $0xffff, v4;
	v4, _, _ =	vpop (xrf0);
	(v2sf) =	vpush v3, $0xF  }
0xd4: {  	p0 =	sgt.s32 s0, s1;
	v5 =	vnsel vm3, $0x80000000, v5;
	(v2sf) =	vpush v4, $0xF;
	v4, _, _ =	vpop (xrf0)  }
0xd5: {  	s1 =	smov.u32 @p0 s0;
	s0 =	sxor.u32 $0x80000000, s14;
	(xrf0) =	vmax.scan.msk.u32 $0xffff, v5;
	(v2sf) =	vpush v4, $0xF;
	v4 =	vsel vm3, $0x1, v0  }
0xd6: {  	s21 =	simm.s32 $0x10A0;
	p0 =	sgt.s32 s1, s0;
	(xrf0) =	vadd.scan.msk.s32 $0xffff, v4  }
0xd7: {  	s0 =	smov.u32 @p0 s1;
	s8 =	sxor.u32 $0x80000000, s8;
	v3 =	vld [tilespmem:s21+$0xFFFFFFE0]  }
0xd8: {  	p0 =	sgt.s32 s0, s8  }
0xd9: {  	s8 =	smov.u32 @p0 s0;
	s0 =	sxor.u32 $0x80000000, s9;
	s9 =	sadd.s32 s19, s2  }
0xda: {  	p0 =	sgt.s32 s8, s0;
	s1 =	sadd.s32 s23, s9;
	v6 =	vld [tilespmem:s21+$0xFFFFFFF0];
	v9 =	vsel vm13, $0x1, v0;
	v5, _, _ =	vpop (xrf0)  }
0xdb: {  	s2 =	sxor.u32 $0x80000000, s4;
	s0 =	smov.u32 @p0 s8;
	s1 =	sadd.s32 s6, s1;
	(v2sf) =	vpush v5, $0xF;
	v5, _, _ =	vpop (xrf0);
	v4 =	vld [tilespmem:s21+$0x0];
	(xrf0) =	vadd.scan.msk.s32 $0xffff, v9  }
0xdc: {  	p0 =	sgt.s32 s0, s2;
	s1 =	sadd.s32 s24, s1;
	(v2sf) =	vpush v5, $0xF;
	v5 =	vld [tilespmem:s21+$0x10];
	(xrf0) =	vadd.scan.msk.s32 $0xffff, v3;
	v3, _, _ =	vpop (xrf0)  }
0xdd: {  	s2 =	smov.u32 @p0 s0;
	s0 =	sxor.u32 $0x80000000, s7;
	s14 =	spop (v2sf);
	(v2sf) =	vpush v3, $0xF  }
0xde: {  	s1 =	sadd.s32 s1, s17;
	p0 =	sgt.s32 s2, s0;
	s16 =	spop (v2sf)  }
0xdf: {  	s0 =	smov.u32 @p0 s2;
	(xrf0) =	vadd.scan.msk.s32 $0xffff, v6;
	s2 =	sadd.s32 s15, s16;
	s19 =	spop (v2sf)  }
0xe0: {  	s4 =	sxor.u32 $0x80000000, s5;
	s1 =	sadd.s32 s13, s1;
	v2 =	vadd.s32 s2, v2;
	(xrf0) =	vadd.scan.msk.s32 $0xffff, v4;
	s2 =	sadd.s32 s19, s2  }
0xe1: {  	s1 =	sadd.s32 s22, s1;
	p0 =	sgt.s32 s0, s4;
	(xrf0) =	vadd.scan.msk.s32 $0xffff, v5;
	vm3 =	vlt.s32 v2, $0x21;
	v4 =	vadd.s32 s2, v8  }
0xe2: {  	s20 =	sxor.u32 $0x80000000, s20;
	s4 =	smov.u32 @p0 s0;
	v2 =	vxor.u32 $0x80000000, v2;
	s22 =	spop (v2sf);
	v5, _, _ =	vpop (xrf0);
	vm14 =	vlt.s32 v4, $0x21;
	v4 =	vxor.u32 $0x80000000, v4  }
0xe3: {  	p0 =	sgt.s32 s4, s20;
	v2 =	vnsel vm3, $0x80000000, v2;
	s0 =	sadd.s32 s22, s2;
	s23 =	spop (v2sf);
	v3, _, _ =	vpop (xrf0);
	v4 =	vnsel vm14, $0x80000000, v4  }
0xe4: {  	s20 =	smov.u32 @p0 s4;
	(xrf0) =	vmax.scan.msk.u32 $0xffff, v2;
	v2 =	vsel vm3, $0x1, v0;
	s19 =	sadd.s32 s23, s0;
	v6 =	vadd.s32 s0, v7;
	(v2sf) =	vpush v3, $0xF  }
0xe5: {  	s15 =	sadd.s32 s28, s1;
	s2 =	sxor.u32 $0x80000000, s14;
	s24 =	spop (v2sf);
	v7 =	vadd.s32 s19, v3;
	v3, _, _ =	vpop (xrf0);
	vm3 =	vlt.s32 v6, $0x21;
	v6 =	vxor.u32 $0x80000000, v6;
	(xrf0) =	vmax.scan.msk.u32 $0xffff, v4  }
0xe6: {  	s1 =	simm.s32 $0x8;
	p0 =	slt.s32 s2, $0x0;
	s28 =	spop (v2sf);
	v8 =	vxor.u32 $0x80000000, v7;
	(v2sf) =	vpush v3, $0xF;
	vm15 =	vlt.s32 v7, $0x21;
	(xrf0) =	vadd.scan.msk.s32 $0xffff, v2;
	v4, _, _ =	vpop (xrf0)  }
0xe7: {  	s2 =	smov.u32 @p0 s18;
	s4 =	sxor.u32 $0x80000000, s28;
	v7 =	vsel vm14, $0x1, v0;
	s29 =	spop (v2sf);
	v8 =	vnsel vm15, $0x80000000, v8;
	(v2sf) =	vpush v4, $0xF;
	v2, _, _ =	vpop (xrf0)  }
0xe8: {  	s3 =	sadd.s32 $0x0, s24;
	v6 =	vnsel vm3, $0x80000000, v6;
	p0 =	sgt.s32 s2, s4;
	s30 =	spop (v2sf);
	(xrf0) =	vadd.scan.msk.s32 $0xffff, v7;
	(v2sf) =	vpush v2, $0xF  }
0xe9: {  	s0 =	sxor.u32 $0x80000000, s29;
	s4 =	smov.u32 @p0 s2;
	(xrf0) =	vmax.scan.msk.u32 $0xffff, v8;
	s31 =	spop (v2sf)  }
0xea: {  	v7 =	vsel vm3, $0x1, v0;
	s3 =	sadd.s32 s30, s3;
	p0 =	sgt.s32 s4, s0;
	s2 =	spop (v2sf);
	v8, _, _ =	vpop (xrf0);
	(xrf0) =	vmax.scan.msk.u32 $0xffff, v6;
	(v2sf) =	vpush v5, $0xF  }
0xeb: {  	s3 =	sadd.s32 s31, s3;
	s0 =	smov.u32 @p0 s4;
	v5 =	vsel vm15, $0x1, v0;
	s4 =	spop (v2sf);
	(v2sf) =	vpush v8, $0xF;
	v6, _, _ =	vpop (xrf0);
	(xrf0) =	vadd.scan.msk.s32 $0xffff, v7  }
.LBB2_7:
0xec: {  	(xrf0) =	vadd.scan.msk.s32 $0xffff, v5;
	s2 =	sxor.u32 $0x80000000, s2;
	v5, _, _ =	vpop (xrf0);
	(v2sf) =	vpush v6, $0xF;
	s4 =	sxor.u32 $0x80000000, s4;
	s5 =	spop (v2sf)  }
0xed: {  	s21 =	sadd.s32 $0x40, s21;
	(v2sf) =	vpush v5, $0xF;
	s3 =	sadd.s32 s5, s3;
	p0 =	sgt.s32 s0, s4  }
0xee: {  	s1 =	sadd.s32 $0x4, s1;
	v5 =	vld [tilespmem:s21+$0xFFFFFFE0];
	v6, _, _ =	vpop (xrf0);
	s4 =	smov.u32 @p0 s0  }
0xef: {  	p0 =	slt.u32 s1, $0xC;
	v7 =	vld [tilespmem:s21+$0xFFFFFFF0];
	v8, _, _ =	vpop (xrf0);
	p1 =	sgt.s32 s4, s2;
	(v2sf) =	vpush v6, $0xF  }
0xf0: {  	v6 =	vld [tilespmem:s21+$0x0];
	(v2sf) =	vpush v8, $0xF;
	v8, _, _ =	vpop (xrf0)  }
0xf1: {  	v9 =	vld [tilespmem:s21+$0x10];
	v10, _, _ =	vpop (xrf0);
	(v2sf) =	vpush v8, $0xF  }
0xf2: {  	v8, _, _ =	vpop (xrf0);
	(v2sf) =	vpush v10, $0xF  }
0xf3: {  	(xrf0) =	vadd.scan.msk.s32 $0xffff, v5  }
0xf4: {  	(xrf0) =	vadd.scan.msk.s32 $0xffff, v7;
	s0 =	spop (v2sf)  }
0xf5: {  	(xrf0) =	vadd.scan.msk.s32 $0xffff, v6;
	s0 =	sadd.s32 s19, s0;
	s5 =	spop (v2sf)  }
0xf6: {  	(xrf0) =	vadd.scan.msk.s32 $0xffff, v9;
	v3 =	vadd.s32 s0, v3;
	s0 =	sadd.s32 s5, s0;
	s5 =	spop (v2sf)  }
0xf7: {  	vm3 =	vlt.s32 v3, $0x21;
	v3 =	vxor.u32 $0x80000000, v3;
	v4 =	vadd.s32 s0, v4;
	s0 =	sadd.s32 s5, s0;
	s5 =	spop (v2sf)  }
0xf8: {  	v9 =	vnsel vm3, $0x80000000, v3;
	vm4 =	vlt.s32 v4, $0x21;
	v4 =	vxor.u32 $0x80000000, v4;
	s19 =	sadd.s32 s5, s0  }
0xf9: {  	v6 =	vsel vm3, $0x1, v0;
	v2 =	vadd.s32 s0, v2;
	v5, _, _ =	vpop (xrf0);
	v10 =	vnsel vm4, $0x80000000, v4;
	(xrf0) =	vmax.scan.msk.u32 $0xffff, v9;
	s5 =	spop (v2sf)  }
0xfa: {  	s0 =	spop (v2sf)  }
0xfb: {  	s2 =	smov.u32 @p1 s4;
	vm3 =	vlt.s32 v2, $0x21;
	v7 =	vadd.s32 s19, v5;
	(v2sf) =	vpush v5, $0xF;
	v3, _, _ =	vpop (xrf0);
	(xrf0) =	vmax.scan.msk.u32 $0xffff, v10;
	s4 =	sxor.u32 $0x80000000, s0  }
0xfc: {  	v9 =	vxor.u32 $0x80000000, v2;
	v5 =	vxor.u32 $0x80000000, v7;
	(v2sf) =	vpush v3, $0xF;
	v4, _, _ =	vpop (xrf0);
	(xrf0) =	vadd.scan.msk.s32 $0xffff, v6;
	s0 =	spop (v2sf);
	p1 =	sgt.s32 s2, s4  }
.Ltmp4:
0xfd: {  	vm5 =	vlt.s32 v7, $0x21;
	v6 =	vsel vm4, $0x1, v0;
	(v2sf) =	vpush v4, $0xF;
	v2, _, _ =	vpop (xrf0);
	s0 =	sxor.u32 $0x80000000, s0;
	s6 =	spop (v2sf);
	(pc) =	sbr.rel @p0 .LBB2_7-.Ltmp4, $4  }
0xfe: {  	v9 =	vnsel vm3, $0x80000000, v9;
	s3 =	sadd.s32 s3, s5;
	v7 =	vnsel vm5, $0x80000000, v5;
	(v2sf) =	vpush v2, $0xF;
	(xrf0) =	vadd.scan.msk.s32 $0xffff, v6;
	s4 =	smov.u32 @p1 s2  }
0xff: {  	v5 =	vsel vm5, $0x1, v0;
	s3 =	sadd.s32 s6, s3;
	(xrf0) =	vmax.scan.msk.u32 $0xffff, v7;
	v7 =	vsel vm3, $0x1, v0;
	p1 =	sgt.s32 s4, s0;
	s5 =	spop (v2sf)  }
0x100: {  	(v2sf) =	vpush v8, $0xF;
	s2 =	spop (v2sf);
	v6, _, _ =	vpop (xrf0);
	(xrf0) =	vmax.scan.msk.u32 $0xffff, v9;
	s3 =	sadd.s32 s5, s3;
	s0 =	smov.u32 @p1 s4  }
0x101: {  	(v2sf) =	vpush v6, $0xF;
	v6, _, _ =	vpop (xrf0);
	(xrf0) =	vadd.scan.msk.s32 $0xffff, v7;
	s4 =	spop (v2sf)  }
0x102: {  	_ =	sdelay $0x6  }
0x103: {  	s1 =	spop (v2sf)  }
0x104: {  	s5 =	spop (v2sf)  }
0x105: {  	(v2sf) =	vpush v6, $0xF;
	v59, _, _ =	vpop (xrf0);
	s5 =	sadd.s32 s19, s5;
	s6 =	spop (v2sf)  }
0x106: {  	(v2sf) =	vpush v59, $0xF;
	v3 =	vadd.s32 s5, v3;
	s5 =	sadd.s32 s6, s5  }
0x107: {  	vm3 =	vlt.s32 v3, $0x21;
	v3 =	vxor.u32 $0x80000000, v3;
	v4 =	vadd.s32 s5, v4  }
0x108: {  	(xrf0) =	vadd.scan.msk.s32 $0xffff, v5;
	v60, _, _ =	vpop (xrf0);
	s8 =	spop (v2sf);
	v3 =	vnsel vm3, $0x80000000, v3;
	vm4 =	vlt.s32 v4, $0x21;
	v4 =	vxor.u32 $0x80000000, v4  }
0x109: {  	v61, _, _ =	vpop (xrf0);
	(v2sf) =	vpush v60, $0xF;
	s5 =	sadd.s32 s8, s5;
	v4 =	vnsel vm4, $0x80000000, v4;
	(xrf0) =	vmax.scan.msk.u32 $0xffff, v3  }
0x10a: {  	(v2sf) =	vpush v61, $0xF;
	v2 =	vadd.s32 s5, v2;
	v3 =	vsel vm3, $0x1, v0;
	(xrf0) =	vmax.scan.msk.u32 $0xffff, v4  }
0x10b: {  	v62, _, _ =	vpop (xrf0);
	vm3 =	vlt.s32 v2, $0x21;
	v2 =	vxor.u32 $0x80000000, v2;
	(xrf0) =	vadd.scan.msk.s32 $0xffff, v3;
	v3 =	vsel vm4, $0x1, v0  }
0x10c: {  	(v2sf) =	vpush v62, $0xF;
	v2 =	vnsel vm3, $0x80000000, v2  }
0x10d: {  	(xrf0) =	vadd.scan.msk.s32 $0xffff, v3  }
0x10e: {  	v3, _, _ =	vpop (xrf0);
	(xrf0) =	vmax.scan.msk.u32 $0xffff, v2  }
0x10f: {  	v2, _, _ =	vpop (xrf0);
	(v2sf) =	vpush v3, $0xF;
	v3 =	vsel vm3, $0x1, v0  }
0x110: {  	(v2sf) =	vpush v2, $0xF;
	v2, _, _ =	vpop (xrf0);
	(xrf0) =	vadd.scan.msk.s32 $0xffff, v3  }
0x111: {  	(v2sf) =	vpush v2, $0xF;
	v2, _, _ =	vpop (xrf0)  }
0x112: {  	v3, _, _ =	vpop (xrf0);
	(v2sf) =	vpush v2, $0xF  }
0x113: {  	s4 =	sxor.u32 $0x80000000, s4;
	s2 =	sxor.u32 $0x80000000, s2;
	p4 =	por $0x1, $0x1;
	(v2sf) =	vpush v3, $0xF;
	v2, _, _ =	vpop (xrf0)  }
0x114: {  	p1 =	por $0x0, $0x0;
	p2 =	por $0x0, $0x0;
	s9 =	spop (v2sf);
	(v2sf) =	vpush v2, $0xF;
	v2, _, _ =	vpop (xrf0)  }
0x115: {  	p3 =	por $0x0, $0x0;
	p0 =	sgt.s32 s0, s4;
	s5 =	spop (v2sf);
	(v2sf) =	vpush v2, $0xF  }
0x116: {  	[dreg:$0x6] =	wrdreg s25;
	s4 =	smov.u32 @p0 s0;
	s13 =	spop (v2sf);
	v2, _, _ =	vpop (xrf0)  }
0x117: {  	s1 =	sadd.s32 s1, s3;
	p0 =	sgt.s32 s4, s2;
	s14 =	spop (v2sf);
	(v2sf) =	vpush v2, $0xF  }
0x118: {  	s2 =	smov.u32 @p0 s4;
	s0 =	sxor.u32 $0x80000000, s13;
	s16 =	spop (v2sf)  }
0x119: {  	s8 =	simm.s32 $0x1020;
	p0 =	sgt.s32 s2, s0;
	s17 =	spop (v2sf)  }
0x11a: {  	s6 =	sxor.u32 $0x80000000, s14;
	s0 =	smov.u32 @p0 s2;
	s18 =	spop (v2sf)  }
0x11b: {  	s1 =	sadd.s32 s1, s5;
	p0 =	sgt.s32 s0, s6;
	s7 =	spop (v2sf);
	v2 =	vld [tilespmem:s8+$0xFFFFFFE0]  }
0x11c: {  	s6 =	smov.u32 @p0 s0;
	s1 =	sadd.s32 s16, s1;
	s0 =	sxor.u32 $0x80000000, s7  }
0x11d: {  	[dreg:$0x7] =	wrdreg s26;
	s1 =	sadd.s32 s17, s1;
	p0 =	sgt.s32 s6, s0  }
0x11e: {  	s2 =	sxor.u32 $0x80000000, s18;
	s0 =	smov.u32 @p0 s6;
	s19 =	spop (v2sf)  }
0x11f: {  	p0 =	sgt.s32 s0, s2;
	s21 =	spop (v2sf);
	s1 =	sadd.s32 s19, s1  }
0x120: {  	v3 =	vld [tilespmem:s8+$0xFFFFFFF0];
	s2 =	smov.u32 @p0 s0;
	(xrf0) =	vadd.scan.msk.s32 $0xffff, v2;
	s22 =	spop (v2sf);
	s1 =	sadd.s32 s1, s21  }
0x121: {  	v2 =	vld [tilespmem:s8+$0x10];
	s21 =	simm.s32 $0x0;
	s0 =	sxor.u32 $0x80000000, s22;
	s23 =	spop (v2sf)  }
0x122: {  	v63 =	vld [tilespmem:s8+$0x0];
	p0 =	sgt.s32 s2, s0;
	s24 =	spop (v2sf);
	s3 =	sxor.u32 $0x80000000, s23  }
.Ltmp5:
0x123: {  	s0 =	smov.u32 @p0 s2;
	s28 =	spop (v2sf);
	(pc) =	sbr.rel @!p4 .LBB2_9-.Ltmp5, $4  }
0x124: {  	s1 =	sadd.s32 s24, s1;
	p0 =	sgt.s32 s0, s3;
	s29 =	spop (v2sf)  }
0x125: {  	(xrf0) =	vadd.scan.msk.s32 $0xffff, v3;
	s30 =	sadd.s32 s28, s1;
	s3 =	smov.u32 @p0 s0;
	s19 =	sxor.u32 $0x80000000, s29  }
0x126: {  	(xrf0) =	vadd.scan.msk.s32 $0xffff, v2;
	v2, _, _ =	vpop (xrf0);
	s0 =	simm.s32 $0x1060;
	s31 =	spop (v2sf);
	p0 =	sgt.s32 s3, s19  }
0x127: {  	(xrf0) =	vadd.scan.msk.s32 $0xffff, v63;
	(v2sf) =	vpush v2, $0xF;
	s16 =	sadd.s32 s31, s30;
	s19 =	smov.u32 @p0 s3;
	p0 =	por $0x0, $0x0  }
0x128: {  	v3 =	vld [tilespmem:s0+$0xFFFFFFE0];
	_ =	sdelay $0x4  }
0x129: {  	v4 =	vld [tilespmem:s0+$0xFFFFFFF0];
	(xrf0) =	vadd.scan.msk.s32 $0xffff, v3  }
0x12a: {  	v3 =	vld [tilespmem:s0+$0x10]  }
0x12b: {  	v5 =	vld [tilespmem:s0+$0x0];
	p4 =	por $0x1, $0x1  }
.Ltmp6:
0x12c: {  	v10, _, _ =	vpop (xrf0);
	(pc) =	sbr.rel @!p4 .LBB2_11-.Ltmp6, $4  }
0x12d: {  	(v2sf) =	vpush v10, $0xF;
	v7, _, _ =	vpop (xrf0)  }
0x12e: {  	v11, _, _ =	vpop (xrf0);
	(v2sf) =	vpush v7, $0xF;
	(xrf0) =	vadd.scan.msk.s32 $0xffff, v4  }
0x12f: {  	v2 =	vadd.s32 s21, v2;
	(v2sf) =	vpush v11, $0xF;
	(xrf0) =	vadd.scan.msk.s32 $0xffff, v3;
	v3, _, _ =	vpop (xrf0)  }
0x130: {  	p0 =	por $0x1, $0x1;
	vm5 =	vlt.s32 v2, $0x201;
	v8 =	vxor.u32 $0x80000000, v2;
	s0 =	simm.s32 $0x10A0;
	(xrf0) =	vadd.scan.msk.s32 $0xffff, v5;
	(v2sf) =	vpush v3, $0xF  }
0x131: {  	_ =	sdelay $0x7  }
0x132: {  	v2 =	vld [tilespmem:s0+$0xFFFFFFE0]  }
0x133: {  	s1 =	spop (v2sf)  }
0x134: {  	v5 =	vld [tilespmem:s0+$0xFFFFFFF0];
	vm4 =	vmmov vm5;
	s1 =	sadd.s32 $0x0, s1  }
0x135: {  	v4 =	vnsel vm4, $0x80000000, v8;
	v6 =	vadd.s32 s1, v10;
	s2 =	spop (v2sf)  }
0x136: {  	v8 =	vld [tilespmem:s0+$0x10];
	(xrf0) =	vmax.scan.msk.u32 $0xffff, v4;
	vm3 =	vlt.s32 v6, $0x201;
	v6 =	vxor.u32 $0x80000000, v6;
	s1 =	sadd.s32 s2, s1;
	s30 =	spop (v2sf)  }
0x137: {  	v10 =	vld [tilespmem:s0+$0x0];
	(xrf0) =	vadd.scan.msk.s32 $0xffff, v2;
	v2 =	vnsel vm3, $0x80000000, v6;
	v4 =	vadd.s32 s1, v11;
	s31 =	spop (v2sf)  }
0x138: {  	(xrf0) =	vmax.scan.msk.u32 $0xffff, v2;
	vm5 =	vlt.s32 v4, $0x201;
	v6 =	vxor.u32 $0x80000000, v4;
	s1 =	sadd.s32 s31, s1  }
0x139: {  	p4 =	por $0x1, $0x1;
	v11, _, _ =	vpop (xrf0);
	(xrf0) =	vadd.scan.msk.s32 $0xffff, v5;
	v2 =	vnsel vm5, $0x80000000, v6;
	v7 =	vadd.s32 s1, v7  }
.Ltmp7:
0x13a: {  	(v2sf) =	vpush v11, $0xF;
	v4, _, _ =	vpop (xrf0);
	(xrf0) =	vmax.scan.msk.u32 $0xffff, v2;
	v2 =	vxor.u32 $0x80000000, v7;
	(pc) =	sbr.rel @!p4 .LBB2_13-.Ltmp7, $4  }
0x13b: {  	v6 =	vsel vm3, $0x1, v0;
	vm3 =	vlt.s32 v7, $0x201;
	(v2sf) =	vpush v4, $0xF;
	v5, _, _ =	vpop (xrf0);
	(xrf0) =	vadd.scan.msk.s32 $0xffff, v8  }
0x13c: {  	v9 =	vsel vm5, $0x1, v0;
	s22 =	sadd.s32 s30, s1;
	v7 =	vnsel vm3, $0x80000000, v2;
	(v2sf) =	vpush v5, $0xF;
	(xrf0) =	vadd.scan.msk.s32 $0xffff, v10;
	v8, _, _ =	vpop (xrf0)  }
0x13d: {  	v3 =	vadd.s32 s22, v3;
	v10 =	vsel vm3, $0x1, v0;
	v2, _, _ =	vpop (xrf0);
	(v2sf) =	vpush v8, $0xF;
	(xrf0) =	vmax.scan.msk.u32 $0xffff, v7  }
0x13e: {  	p1 =	por $0x1, $0x1;
	s0 =	simm.s32 $0x10E0;
	vm5 =	vlt.s32 v3, $0x201;
	v8 =	vxor.u32 $0x80000000, v3;
	(v2sf) =	vpush v2, $0xF;
	v13, _, _ =	vpop (xrf0);
	(xrf0) =	vadd.scan.msk.s32 $0xffff, v10  }
0x13f: {  	_ =	sdelay $0x8  }
0x140: {  	v3 =	vld [tilespmem:s0+$0xFFFFFFE0];
	v10, _, _ =	vpop (xrf0);
	(v2sf) =	vpush v13, $0xF;
	s1 =	spop (v2sf);
	v7 =	vsel vm4, $0x1, v0  }
0x141: {  	(xrf0) =	vadd.scan.msk.s32 $0xffff, v9;
	vm3 =	vmmov vm5;
	(v2sf) =	vpush v10, $0xF;
	v12, _, _ =	vpop (xrf0);
	s1 =	sadd.s32 s22, s1;
	s2 =	spop (v2sf)  }
0x142: {  	v9 =	vld [tilespmem:s0+$0xFFFFFFF0];
	(xrf0) =	vadd.scan.msk.s32 $0xffff, v7;
	v8 =	vnsel vm3, $0x80000000, v8;
	(v2sf) =	vpush v12, $0xF;
	v61 =	vadd.s32 s1, v11;
	s1 =	sadd.s32 s2, s1  }
0x143: {  	(xrf0) =	vadd.scan.msk.s32 $0xffff, v6;
	v7, _, _ =	vpop (xrf0);
	vm4 =	vlt.s32 v61, $0x201;
	v12 =	vxor.u32 $0x80000000, v61;
	v5 =	vadd.s32 s1, v5  }
0x144: {  	v6 =	vld [tilespmem:s0+$0x10];
	(xrf0) =	vmax.scan.msk.u32 $0xffff, v8;
	v11, _, _ =	vpop (xrf0);
	(v2sf) =	vpush v7, $0xF;
	vm5 =	vlt.s32 v5, $0x201;
	v5 =	vxor.u32 $0x80000000, v5  }
0x145: {  	v8, _, _ =	vpop (xrf0);
	(xrf0) =	vadd.scan.msk.s32 $0xffff, v3;
	v3 =	vnsel vm4, $0x80000000, v12;
	(v2sf) =	vpush v11, $0xF;
	v5 =	vnsel vm5, $0x80000000, v5  }
0x146: {  	v63, _, _ =	vpop (xrf0);
	(xrf0) =	vmax.scan.msk.u32 $0xffff, v3;
	(v2sf) =	vpush v8, $0xF  }
0x147: {  	v8, _, _ =	vpop (xrf0);
	(xrf0) =	vadd.scan.msk.s32 $0xffff, v9;
	(v2sf) =	vpush v63, $0xF  }
0x148: {  	(v2sf) =	vpush v8, $0xF;
	(xrf0) =	vmax.scan.msk.u32 $0xffff, v5;
	v5, _, _ =	vpop (xrf0)  }
0x149: {  	s30 =	spop (v2sf);
	(xrf0) =	vadd.scan.msk.s32 $0xffff, v6;
	(v2sf) =	vpush v5, $0xF;
	v6, _, _ =	vpop (xrf0)  }
0x14a: {  	s31 =	spop (v2sf);
	v8, _, _ =	vpop (xrf0);
	(v2sf) =	vpush v6, $0xF  }
0x14b: {  	v16, _, _ =	vpop (xrf0);
	(v2sf) =	vpush v8, $0xF  }
0x14c: {  	(v2sf) =	vpush v16, $0xF;
	_ =	sdelay $0x5  }
0x14d: {  	v62 =	vld [tilespmem:s0+$0x0]  }
0x14e: {  	s1 =	sadd.s32 s31, s1  }
0x14f: {  	p4 =	por $0x0, $0x0;
	v4 =	vadd.s32 s1, v4  }
.Ltmp8:
0x150: {  	v3 =	vsel vm4, $0x1, v0;
	vm4 =	vlt.s32 v4, $0x201;
	v4 =	vxor.u32 $0x80000000, v4;
	(pc) =	sbr.rel @!p4 .LBB2_15-.Ltmp8, $4  }
0x151: {  	v4 =	vnsel vm4, $0x80000000, v4  }
0x152: {  	s22 =	sadd.s32 s30, s1;
	(xrf0) =	vadd.scan.msk.s32 $0xffff, v62  }
0x153: {  	v2 =	vadd.s32 s22, v2;
	v6 =	vsel vm4, $0x1, v0;
	(xrf0) =	vmax.scan.msk.u32 $0xffff, v4  }
0x154: {  	p2 =	por $0x1, $0x1;
	s0 =	simm.s32 $0x1120;
	v5 =	vsel vm5, $0x1, v0;
	vm5 =	vlt.s32 v2, $0x201;
	v8 =	vxor.u32 $0x80000000, v2;
	v4, _, _ =	vpop (xrf0);
	(xrf0) =	vadd.scan.msk.s32 $0xffff, v6  }
0x155: {  	v2 =	vld [tilespmem:s0+$0xFFFFFFE0];
	s1 =	spop (v2sf)  }
0x156: {  	v14, _, _ =	vpop (xrf0);
	(xrf0) =	vadd.scan.msk.s32 $0xffff, v5;
	v6 =	vsel vm3, $0x1, v0;
	vm4 =	vmmov vm5;
	s2 =	spop (v2sf)  }
0x157: {  	v13, _, _ =	vpop (xrf0);
	(xrf0) =	vadd.scan.msk.s32 $0xffff, v6;
	v6 =	vnsel vm4, $0x80000000, v8;
	s3 =	sadd.s32 s22, s2;
	s9 =	spop (v2sf)  }
0x158: {  	(v2sf) =	vpush v4, $0xF;
	v12, _, _ =	vpop (xrf0);
	(xrf0) =	vadd.scan.msk.s32 $0xffff, v3;
	v8 =	vadd.s32 s3, v10;
	s4 =	spop (v2sf)  }
0x159: {  	v9 =	vld [tilespmem:s0+$0xFFFFFFF0];
	(v2sf) =	vpush v14, $0xF;
	v15, _, _ =	vpop (xrf0);
	(xrf0) =	vmax.scan.msk.u32 $0xffff, v6;
	vm5 =	vlt.s32 v8, $0x201;
	v8 =	vxor.u32 $0x80000000, v8;
	s3 =	sadd.s32 s4, s3;
	s13 =	spop (v2sf)  }
0x15a: {  	(v2sf) =	vpush v13, $0xF;
	v6, _, _ =	vpop (xrf0);
	(xrf0) =	vadd.scan.msk.s32 $0xffff, v2;
	v2 =	vnsel vm5, $0x80000000, v8;
	v8 =	vadd.s32 s3, v11;
	s14 =	spop (v2sf)  }
0x15b: {  	(v2sf) =	vpush v12, $0xF;
	vm6 =	vlt.s32 v8, $0x201;
	v8 =	vxor.u32 $0x80000000, v8;
	s5 =	spop (v2sf)  }
0x15c: {  	v10 =	vld [tilespmem:s0+$0x10];
	(v2sf) =	vpush v15, $0xF;
	v8 =	vnsel vm6, $0x80000000, v8;
	s3 =	sadd.s32 s5, s3  }
0x15d: {  	v11, _, _ =	vpop (xrf0);
	(v2sf) =	vpush v6, $0xF;
	(xrf0) =	vmax.scan.msk.u32 $0xffff, v2;
	v7 =	vadd.s32 s3, v7  }
0x15e: {  	v13 =	vld [tilespmem:s0+$0x0];
	(v2sf) =	vpush v11, $0xF;
	v2, _, _ =	vpop (xrf0);
	(xrf0) =	vadd.scan.msk.s32 $0xffff, v9  }
0x15f: {  	(xrf0) =	vmax.scan.msk.u32 $0xffff, v8;
	(v2sf) =	vpush v2, $0xF;
	v2 =	vxor.u32 $0x80000000, v7;
	v8, _, _ =	vpop (xrf0)  }
0x160: {  	p4 =	por $0x0, $0x0;
	s23 =	sxor.u32 $0x80000000, s1;
	s1 =	simm.s32 $0x10;
	v6 =	vsel vm5, $0x1, v0;
	vm5 =	vlt.s32 v7, $0x201;
	(v2sf) =	vpush v8, $0xF;
	v7, _, _ =	vpop (xrf0)  }
.Ltmp9:
0x161: {  	p3 =	slt.s32 s23, $0x0;
	s17 =	spop (v2sf);
	(xrf0) =	vadd.scan.msk.s32 $0xffff, v10;
	v10, _, _ =	vpop (xrf0);
	(v2sf) =	vpush v7, $0xF;
	(pc) =	sbr.rel @!p4 .LBB2_17-.Ltmp9, $4  }
0x162: {  	s23 =	smov.u32 @p3 s21;
	s0 =	simm.s32 $0x1160;
	s24 =	spop (v2sf);
	v8 =	vnsel vm5, $0x80000000, v2;
	v2, _, _ =	vpop (xrf0);
	(v2sf) =	vpush v10, $0xF  }
0x163: {  	s29 =	sxor.u32 $0x80000000, s9;
	s22 =	sadd.s32 s14, s3;
	s28 =	spop (v2sf);
	(xrf0) =	vadd.scan.msk.s32 $0xffff, v13;
	(v2sf) =	vpush v2, $0xF  }
0x164: {  	p3 =	por $0x1, $0x1;
	s26 =	sxor.u32 $0x80000000, s13;
	v11 =	vadd.s32 s22, v16;
	s18 =	spop (v2sf);
	v7 =	vsel vm5, $0x1, v0;
	(xrf0) =	vmax.scan.msk.u32 $0xffff, v8  }
0x165: {  	v9 =	vsel vm6, $0x1, v0;
	s25 =	sxor.u32 $0x80000000, s17;
	s30 =	sadd.s32 $0x0, s18;
	s31 =	spop (v2sf);
	vm5 =	vlt.s32 v11, $0x201;
	v8 =	vxor.u32 $0x80000000, v11;
	v13, _, _ =	vpop (xrf0);
	(xrf0) =	vadd.scan.msk.s32 $0xffff, v7  }
.LBB2_18:
0x166: {  	v7 =	vld [tilespmem:s0+$0xFFFFFFE0];
	v10, _, _ =	vpop (xrf0);
	(v2sf) =	vpush v13, $0xF;
	(xrf0) =	vadd.scan.msk.s32 $0xffff, v9;
	s4 =	spop (v2sf);
	s2 =	sadd.s32 s31, s30;
	p4 =	sgt.s32 s23, s29  }
0x167: {  	v17 =	vsel vm4, $0x1, v0;
	vm4 =	vmmov vm5;
	v9 =	vld [tilespmem:s0+$0xFFFFFFF0];
	(v2sf) =	vpush v10, $0xF;
	s3 =	spop (v2sf);
	v13, _, _ =	vpop (xrf0);
	s29 =	smov.u32 @p4 s23;
	s5 =	sadd.s32 s28, s2  }
0x168: {  	v16, _, _ =	vpop (xrf0);
	s6 =	sadd.s32 s22, s3;
	(xrf0) =	vadd.scan.msk.s32 $0xffff, v17;
	(v2sf) =	vpush v13, $0xF;
	s2 =	spop (v2sf);
	p4 =	sgt.s32 s29, s26  }
0x169: {  	v18 =	vnsel vm4, $0x80000000, v8;
	s3 =	sadd.s32 s24, s5;
	v11, _, _ =	vpop (xrf0);
	(v2sf) =	vpush v16, $0xF;
	v13 =	vadd.s32 s6, v14;
	s7 =	spop (v2sf);
	(xrf0) =	vadd.scan.msk.s32 $0xffff, v6;
	s26 =	smov.u32 @p4 s29  }
0x16a: {  	v17 =	vld [tilespmem:s0+$0x10];
	(v2sf) =	vpush v11, $0xF;
	vm5 =	vlt.s32 v13, $0x201;
	v13 =	vxor.u32 $0x80000000, v13;
	s5 =	sadd.s32 s7, s6;
	(xrf0) =	vmax.scan.msk.u32 $0xffff, v18;
	v8, _, _ =	vpop (xrf0);
	s6 =	spop (v2sf);
	p4 =	sgt.s32 s26, s25  }
0x16b: {  	s23 =	sxor.u32 $0x80000000, s4;
	v18 =	vld [tilespmem:s0+$0x0];
	(xrf0) =	vadd.scan.msk.s32 $0xffff, v7;
	v6 =	vsel vm5, $0x1, v0;
	v19 =	vnsel vm5, $0x80000000, v13;
	v13 =	vadd.s32 s5, v15;
	s7 =	spop (v2sf);
	v14, _, _ =	vpop (xrf0);
	s25 =	smov.u32 @p4 s26  }
0x16c: {  	s1 =	sadd.s32 $0x4, s1;
	vm5 =	vlt.s32 v13, $0x201;
	v13 =	vxor.u32 $0x80000000, v13;
	(xrf0) =	vmax.scan.msk.u32 $0xffff, v19;
	s4 =	spop (v2sf);
	v7, _, _ =	vpop (xrf0);
	(v2sf) =	vpush v8, $0xF;
	p5 =	sgt.s32 s25, s23  }
0x16d: {  	p4 =	slt.u32 s1, $0xC;
	(xrf0) =	vadd.scan.msk.s32 $0xffff, v9;
	v9 =	vsel vm5, $0x1, v0;
	v13 =	vnsel vm5, $0x80000000, v13;
	s4 =	sadd.s32 s4, s5;
	(v2sf) =	vpush v14, $0xF;
	s23 =	smov.u32 @p5 s25;
	v14 =	vmovc v10  }
.Ltmp10:
0x16e: {  	v10 =	vadd.s32 s4, v12;
	s22 =	sadd.s32 s7, s4;
	(xrf0) =	vmax.scan.msk.u32 $0xffff, v13;
	v8, _, _ =	vpop (xrf0);
	(v2sf) =	vpush v7, $0xF;
	s4 =	spop (v2sf);
	v12 =	vmov v16;
	(pc) =	sbr.rel @p4 .LBB2_18-.Ltmp10, $4  }
0x16f: {  	(xrf0) =	vadd.scan.msk.s32 $0xffff, v17;
	vm5 =	vlt.s32 v10, $0x201;
	v7 =	vxor.u32 $0x80000000, v10;
	(v2sf) =	vpush v8, $0xF;
	v8, _, _ =	vpop (xrf0);
	s24 =	spop (v2sf)  }
0x170: {  	s0 =	sadd.s32 $0x40, s0;
	(xrf0) =	vadd.scan.msk.s32 $0xffff, v18;
	v10 =	vsel vm5, $0x1, v0;
	v7 =	vnsel vm5, $0x80000000, v7;
	v13, _, _ =	vpop (xrf0);
	(v2sf) =	vpush v8, $0xF;
	s28 =	spop (v2sf)  }
0x171: {  	s26 =	sxor.u32 $0x80000000, s6;
	v15 =	vmov v11;
	s25 =	sxor.u32 $0x80000000, s4;
	v8 =	vadd.s32 s22, v2;
	v2, _, _ =	vpop (xrf0);
	(v2sf) =	vpush v13, $0xF;
	(xrf0) =	vmax.scan.msk.u32 $0xffff, v7;
	s4 =	spop (v2sf)  }
0x172: {  	s29 =	sxor.u32 $0x80000000, s2;
	vm5 =	vlt.s32 v8, $0x201;
	v8 =	vxor.u32 $0x80000000, v8;
	(v2sf) =	vpush v2, $0xF;
	v13, _, _ =	vpop (xrf0);
	(xrf0) =	vadd.scan.msk.s32 $0xffff, v10;
	s30 =	sadd.s32 s3, s4;
	s31 =	spop (v2sf)  }
0x173: {  	v10 =	vmov v14;
	v11 =	vmov v15;
	v7 =	vmov v12  }
.LBB2_20:
0x174: {  	p4 =	sgt.s32 @p3 s23, s29  }
0x175: {  	s0 =	spop @p2 (v2sf);
	p4 =	por !p4, !p3  }
0x176: {  	s1 =	sadd.s32 @p3 s31, s30;
	s6 =	simm.s32 $0x0;
	s23 =	smov.u32 @p4 s29  }
0x177: {  	s2 =	spop @p0 (v2sf);
	s1 =	sadd.s32 @p3 s28, s1;
	p4 =	sgt.s32 @p3 s23, s26  }
0x178: {  	s0 =	sxor.u32 @p2 $0x80000000, s0;
	s3 =	spop @p2 (v2sf);
	p4 =	por !p4, !p3  }
0x179: {  	v12, _, _ =	vpop (xrf0);
	(v2sf) =	vpush @p1 v13, $0xF;
	(xrf0) =	vadd.scan.msk.s32 @p1 $0xffff, v9;
	s2 =	sadd.s32 @p0 s22, s2;
	s4 =	spop @p0 (v2sf);
	s23 =	smov.u32 @p4 s26  }
0x17a: {  	v14 =	vsel @p1 vm4, $0x1, v0;
	[tilespmem:$0x1000] =	vst v0;
	v13, _, _ =	vpop @p1 (xrf0);
	(v2sf) =	vpush v12, $0xF;
	s8 =	sadd.s32 @p3 s24, s1;
	s5 =	spop @p2 (v2sf);
	p4 =	sgt.s32 @p3 s23, s25  }
0x17b: {  	vm4 =	vmmov @p0 vm5;
	[tilespmem:$0x1100] =	vst v0;
	v62, _, _ =	vpop (xrf0);
	(v2sf) =	vpush @p1 v13, $0xF;
	s3 =	sxor.u32 @p2 $0x80000000, s3;
	s7 =	spop @p0 (v2sf);
	p4 =	por !p4, !p3  }
0x17c: {  	v8 =	vnsel @p0 vm4, $0x80000000, v8;
	(xrf0) =	vadd.scan.msk.s32 @p1 $0xffff, v14;
	v63, _, _ =	vpop (xrf0);
	v10 =	vadd.s32 @p0 s2, v10;
	(v2sf) =	vpush v62, $0xF;
	s4 =	sadd.s32 @p0 s4, s2;
	s1 =	spop @p0 (v2sf);
	s23 =	smov.u32 @p4 s25  }
0x17d: {  	(xrf0) =	vadd.scan.msk.s32 @p1 $0xffff, v6;
	v14, _, _ =	vpop @p1 (xrf0);
	vm5 =	vlt.s32 @p0 v10, $0x201;
	v10 =	vxor.u32 @p0 $0x80000000, v10;
	s3 =	smov.u32 @p2 s3;
	(v2sf) =	vpush v63, $0xF;
	s9 =	spop @p2 (v2sf);
	s6 =	smov.u32 @p3 s23  }
0x17e: {  	(xrf0) =	vmax.scan.msk.u32 @p0 $0xffff, v8;
	v6 =	vadd.s32 @p0 s4, v11;
	v8 =	vnsel @p0 vm5, $0x80000000, v10;
	(v2sf) =	vpush @p1 v14, $0xF;
	v14, _, _ =	vpop @p1 (xrf0);
	s13 =	sadd.s32 @p0 s1, s4;
	s1 =	simm.s32 $0x0;
	p4 =	sgt.s32 @p2 s6, s0  }
0x17f: {  	vm6 =	vlt.s32 @p0 v6, $0x201;
	v6 =	vxor.u32 @p0 $0x80000000, v6;
	v11, _, _ =	vpop @p1 (xrf0);
	s4 =	sxor.u32 @p2 $0x80000000, s5;
	(xrf0) =	vmax.scan.msk.u32 @p0 $0xffff, v8;
	s14 =	spop @p2 (v2sf);
	v7 =	vadd.s32 @p0 s13, v7;
	p4 =	por !p4, !p2  }
0x180: {  	[tilespmem:$0x1200] =	vst v0;
	v6 =	vnsel @p0 vm6, $0x80000000, v6;
	s4 =	smov.u32 @p2 s4;
	vm7 =	vlt.s32 @p0 v7, $0x201;
	v7 =	vxor.u32 @p0 $0x80000000, v7;
	s6 =	smov.u32 @p4 s0;
	s0 =	sadd.s32 @p0 s7, s13  }
0x181: {  	(v2sf) =	vpush @p1 v14, $0xF;
	(xrf0) =	vmax.scan.msk.u32 @p0 $0xffff, v6;
	s2 =	spop @p2 (v2sf);
	v6 =	vnsel @p0 vm7, $0x80000000, v7;
	v7 =	vsel @p0 vm6, $0x1, v0;
	s1 =	smov.u32 @p0 s0;
	s0 =	simm.s32 $0x0  }
0x182: {  	[tilespmem:$0x1010] =	vst v0;
	(v2sf) =	vpush @p1 v11, $0xF;
	v8, _, _ =	vpop @p1 (xrf0);
	s5 =	spop @p2 (v2sf);
	v5 =	vpsel p0, v7, v5;
	s7 =	smov.u32 @p2 s2;
	s0 =	smov.u32 @p3 s8  }
0x183: {  	[tilespmem:$0x1110] =	vst v0;
	(v2sf) =	vpush @p1 v8, $0xF;
	v8, _, _ =	vpop @p1 (xrf0);
	v10 =	vsel @p0 vm7, $0x1, v0;
	(xrf0) =	vmax.scan.msk.u32 @p0 $0xffff, v6;
	s2 =	smov.u32 @p2 s14;
	s5 =	sadd.s32 @p2 s0, s5;
	s0 =	smov.u32 @p2 s6  }
0x184: {  	[tilespmem:$0x1210] =	vst v0;
	(xrf0) =	vadd.scan.msk.s32 @p0 $0xffff, v10;
	v7, _, _ =	vpop @p0 (xrf0);
	s8 =	sxor.u32 @p2 $0x80000000, s9;
	s6 =	spop @p2 (v2sf);
	p3 =	sgt.s32 @p2 s0, s3  }
0x185: {  	[tilespmem:$0x1020] =	vst v0;
	(xrf0) =	vadd.scan.msk.s32 @p0 $0xffff, v5;
	v5, _, _ =	vpop @p0 (xrf0);
	s8 =	smov.u32 @p2 s8;
	s5 =	smov.u32 @p2 s5;
	p3 =	por !p3, !p2  }
0x186: {  	[tilespmem:$0x1120] =	vst v0;
	vm3 =	vmmov @p0 vm4;
	v6 =	vsel @p0 vm5, $0x1, v0;
	v4 =	vpsel p0, v5, v4;
	s6 =	smov.u32 @p2 s6;
	s0 =	smov.u32 @p3 s3;
	s3 =	spop @p1 (v2sf)  }
0x187: {  	[tilespmem:$0x1220] =	vst v0;
	(v2sf) =	vpush @p1 v8, $0xF;
	v3 =	vpsel p0, v6, v3;
	v2 =	vadd.s32 s1, v2;
	s5 =	sadd.s32 @p2 s6, s5;
	p3 =	sgt.s32 @p2 s0, s4;
	s14 =	spop (v2sf)  }
0x188: {  	[tilespmem:$0x1030] =	vst v0;
	vm12 =	vlt.s32 v2, $0x201;
	v5 =	vsel @p0 vm3, $0x1, v0;
	(v2sf) =	vpush @p0 v7, $0xF;
	p3 =	por !p3, !p2;
	s6 =	spop @p1 (v2sf);
	s1 =	sadd.s32 s1, s14  }
0x189: {  	v2 =	vxor.u32 $0x80000000, v2;
	vm3 =	vmmov vm12;
	(xrf0) =	vadd.scan.msk.s32 @p0 $0xffff, v5;
	(v2sf) =	vpush @p0 v4, $0xF;
	v4, _, _ =	vpop @p0 (xrf0);
	s0 =	smov.u32 @p3 s4;
	s4 =	sadd.s32 @p2 s7, s5;
	s17 =	spop (v2sf)  }
0x18a: {  	v2 =	vnsel vm3, $0x80000000, v2;
	(v2sf) =	vpush @p0 v4, $0xF;
	v4, _, _ =	vpop @p0 (xrf0);
	(xrf0) =	vadd.scan.msk.s32 @p0 $0xffff, v3;
	v5 =	vadd.s32 s1, v12;
	p3 =	sgt.s32 @p2 s0, s8;
	s7 =	spop @p1 (v2sf);
	s22 =	sadd.s32 s17, s1  }
0x18b: {  	[tilespmem:$0x1130] =	vst v0;
	v3, _, _ =	vpop @p0 (xrf0);
	(xrf0) =	vmax.scan.msk.u32 $0xffff, v2;
	vm13 =	vlt.s32 v5, $0x201;
	p3 =	por !p3, !p2;
	s18 =	spop (v2sf);
	v2 =	vadd.s32 s22, v63  }
0x18c: {  	[tilespmem:$0x1230] =	vst v0;
	s0 =	smov.u32 @p3 s8;
	s8 =	simm.s32 $0x0;
	s9 =	spop (v2sf);
	(v2sf) =	vpush @p0 v4, $0xF;
	v4 =	vxor.u32 $0x80000000, v5;
	vm14 =	vlt.s32 v2, $0x201  }
0x18d: {  	[tilespmem:$0x1040] =	vst v0;
	s3 =	sxor.u32 @p1 $0x80000000, s3;
	v5, _, _ =	vpop @p0 (xrf0);
	v2 =	vxor.u32 $0x80000000, v2;
	s8 =	smov.u32 @p2 s0;
	(v2sf) =	vpush @p0 v3, $0xF;
	s0 =	sadd.s32 s9, s22;
	v3 =	vnsel vm13, $0x80000000, v4  }
0x18e: {  	s1 =	spop @p1 (v2sf);
	v2 =	vnsel vm14, $0x80000000, v2;
	p3 =	sgt.s32 @p1 s8, s3;
	(v2sf) =	vpush @p0 v5, $0xF;
	(xrf0) =	vmax.scan.msk.u32 $0xffff, v3;
	v3 =	vadd.s32 s0, v62  }
0x18f: {  	[tilespmem:$0x1140] =	vst v0;
	s6 =	sxor.u32 @p1 $0x80000000, s6;
	p3 =	por !p3, !p1;
	vm15 =	vlt.s32 v3, $0x201;
	v3 =	vxor.u32 $0x80000000, v3  }
0x190: {  	[tilespmem:$0x1240] =	vst v0;
	s2 =	sadd.s32 @p2 s2, s4;
	s4 =	smov.u32 @p1 s6;
	v4, _, _ =	vpop @p0 (xrf0);
	(xrf0) =	vmax.scan.msk.u32 $0xffff, v2;
	s8 =	smov.u32 @p3 s3;
	v3 =	vnsel vm15, $0x80000000, v3  }
0x191: {  	[tilespmem:$0x1050] =	vst v0;
	s6 =	sxor.u32 @p1 $0x80000000, s7;
	s5 =	spop @p1 (v2sf);
	(v2sf) =	vpush @p0 v4, $0xF;
	v2, _, _ =	vpop @p0 (xrf0);
	v4 =	vsel vm15, $0x1, v0;
	s0 =	smov.u32 @p1 s8;
	(xrf0) =	vmax.scan.msk.u32 $0xffff, v3  }
0x192: {  	[tilespmem:$0x1150] =	vst v0;
	s7 =	simm.s32 $0x0;
	s3 =	spop @p1 (v2sf);
	(v2sf) =	vpush @p0 v2, $0xF;
	v2 =	vsel vm14, $0x1, v0;
	p3 =	sgt.s32 @p1 s0, s4;
	(xrf0) =	vadd.scan.msk.s32 $0xffff, v4  }
0x193: {  	[tilespmem:$0x1250] =	vst v0;
	s7 =	smov.u32 @p2 s2;
	s1 =	sxor.u32 @p1 $0x80000000, s1;
	p2 =	por !p3, !p1;
	(xrf0) =	vadd.scan.msk.s32 $0xffff, v2;
	v2 =	vsel vm3, $0x1, v0  }
0x194: {  	[tilespmem:$0x1060] =	vst v0;
	s2 =	smov.u32 @p1 s6;
	s1 =	smov.u32 @p1 s1;
	s0 =	smov.u32 @p2 s4  }
0x195: {  	[tilespmem:$0x1160] =	vst v0;
	s5 =	smov.u32 @p1 s5;
	s8 =	spop @p1 (v2sf);
	v4, _, _ =	vpop (xrf0);
	p2 =	sgt.s32 @p1 s0, s2  }
0x196: {  	[tilespmem:$0x1260] =	vst v0;
	v3 =	vsel vm13, $0x1, v0;
	s3 =	smov.u32 @p1 s3;
	s4 =	sadd.s32 @p1 s7, s8;
	(xrf0) =	vadd.scan.msk.s32 $0xffff, v2;
	(v2sf) =	vpush v4, $0xF;
	p2 =	por !p2, !p1;
	v2, _, _ =	vpop (xrf0)  }
0x197: {  	[tilespmem:$0x1070] =	vst v0;
	s6 =	spop @p1 (v2sf);
	s4 =	smov.u32 @p1 s4;
	(xrf0) =	vadd.scan.msk.s32 $0xffff, v3;
	s0 =	smov.u32 @p2 s2;
	(v2sf) =	vpush v2, $0xF;
	v2, _, _ =	vpop (xrf0)  }
0x198: {  	[tilespmem:$0x1170] =	vst v0;
	s2 =	smov.u32 @p1 s6;
	s6 =	spop @p0 (v2sf);
	p2 =	sgt.s32 @p1 s0, s1;
	(v2sf) =	vpush v2, $0xF  }
0x199: {  	[tilespmem:$0x1270] =	vst v0;
	s7 =	spop @p0 (v2sf);
	v2, _, _ =	vpop (xrf0);
	s6 =	sxor.u32 @p0 $0x80000000, s6;
	p2 =	por !p2, !p1  }
0x19a: {  	[tilespmem:$0x1080] =	vst v0;
	s8 =	spop @p0 (v2sf);
	v3, _, _ =	vpop (xrf0);
	(v2sf) =	vpush v2, $0xF;
	s0 =	smov.u32 @p2 s1;
	s1 =	simm.s32 $0x0  }
0x19b: {  	[tilespmem:$0x1180] =	vst v0;
	v2, _, _ =	vpop (xrf0);
	(v2sf) =	vpush v3, $0xF;
	s1 =	smov.u32 @p1 s0;
	s0 =	sadd.s32 @p1 s2, s4;
	s2 =	spop @p0 (v2sf)  }
0x19c: {  	[tilespmem:$0x1280] =	vst v0;
	v3, _, _ =	vpop (xrf0);
	(v2sf) =	vpush v2, $0xF;
	p2 =	sgt.s32 @p0 s1, s6;
	s0 =	sadd.s32 @p1 s3, s0;
	s3 =	spop @p0 (v2sf)  }
0x19d: {  	[tilespmem:$0x1090] =	vst v0;
	(v2sf) =	vpush v3, $0xF;
	v2, _, _ =	vpop (xrf0);
	p2 =	por !p2, !p0;
	s4 =	spop @p0 (v2sf);
	s0 =	sadd.s32 @p1 s5, s0  }
0x19e: {  	[tilespmem:$0x1190] =	vst v0;
	(v2sf) =	vpush v2, $0xF;
	s3 =	smov.u32 @p0 s3;
	s1 =	smov.u32 @p2 s6;
	s6 =	sxor.u32 @p0 $0x80000000, s7  }
0x19f: {  	[tilespmem:$0x1290] =	vst v0;
	s7 =	simm.s32 $0x0;
	s1 =	smov.u32 @p0 s1;
	s5 =	smov.u32 @p0 s6  }
0x1a0: {  	[tilespmem:$0x10A0] =	vst v0;
	s6 =	sxor.u32 @p0 $0x80000000, s8;
	s8 =	spop @p0 (v2sf);
	p2 =	sgt.s32 @p0 s1, s5  }
0x1a1: {  	[tilespmem:$0x11A0] =	vst v0;
	s7 =	smov.u32 @p1 s0;
	s0 =	sxor.u32 @p0 $0x80000000, s2;
	p1 =	por !p2, !p0  }
0x1a2: {  	[tilespmem:$0x12A0] =	vst v0;
	s2 =	smov.u32 @p0 s6;
	s6 =	spop @p0 (v2sf);
	s1 =	smov.u32 @p1 s5  }
0x1a3: {  	[tilespmem:$0x10B0] =	vst v0;
	s0 =	smov.u32 @p0 s0;
	s5 =	sadd.s32 @p0 s7, s8;
	p1 =	sgt.s32 @p0 s1, s2  }
0x1a4: {  	[tilespmem:$0x11B0] =	vst v0;
	s6 =	smov.u32 @p0 s6;
	s5 =	smov.u32 @p0 s5;
	p1 =	por !p1, !p0  }
0x1a5: {  	[tilespmem:$0x12B0] =	vst v0;
	s23 =	spop (v2sf);
	s5 =	sadd.s32 @p0 s6, s5;
	s1 =	smov.u32 @p1 s2  }
0x1a6: {  	[tilespmem:$0x10C0] =	vst v0;
	s2 =	smov.u32 @p0 s4;
	p1 =	sgt.s32 @p0 s1, s0;
	s24 =	spop (v2sf)  }
0x1a7: {  	[tilespmem:$0x11C0] =	vst v0;
	s4 =	sxor.u32 $0x80000000, s23;
	p1 =	por !p1, !p0;
	s25 =	spop (v2sf)  }
0x1a8: {  	[tilespmem:$0x12C0] =	vst v0;
	s6 =	sxor.u32 $0x80000000, s24;
	s1 =	smov.u32 @p1 s0;
	s0 =	simm.s32 $0x0  }
0x1a9: {  	[tilespmem:$0x10D0] =	vst v0;
	s26 =	spop (v2sf);
	s0 =	smov.u32 @p0 s1;
	s1 =	sadd.s32 @p0 s2, s5  }
0x1aa: {  	[tilespmem:$0x11D0] =	vst v0;
	s28 =	spop (v2sf);
	s5 =	sxor.u32 $0x80000000, s25;
	p1 =	sgt.s32 s0, s4  }
0x1ab: {  	[tilespmem:$0x12D0] =	vst v0;
	s1 =	sadd.s32 @p0 s3, s1;
	s29 =	spop (v2sf);
	s4 =	smov.u32 @p1 s0  }
0x1ac: {  	[tilespmem:$0x10E0] =	vst v0;
	s30 =	spop (v2sf);
	s21 =	smov.u32 @p0 s1;
	p0 =	sgt.s32 s4, s6  }
0x1ad: {  	[tilespmem:$0x11E0] =	vst v0;
	s1 =	sadd.s32 s21, s30;
	s31 =	spop (v2sf);
	s6 =	smov.u32 @p0 s4  }
0x1ae: {  	[tilespmem:$0x12E0] =	vst v0;
	s1 =	sadd.s32 s31, s1;
	p0 =	sgt.s32 s6, s5  }
0x1af: {  	[tilespmem:$0x10F0] =	vst v0;
	s21 =	sxor.u32 $0x80000000, s26;
	s1 =	sadd.s32 s29, s1;
	s5 =	smov.u32 @p0 s6  }
0x1b0: {  	[tilespmem:$0x11F0] =	vst v0;
	s22 =	sadd.s32 s28, s1;
	p0 =	sgt.s32 s5, s21  }
0x1b1: {  	[tilespmem:$0x12F0] =	vst v0;
	v3 =	vmov s16;
	v2 =	vmov s15;
	s0 =	simm.s32 $0xFFFFFFF8;
	s1 =	simm.s32 $0x40;
	v4 =	vmov s22;
	s21 =	smov.u32 @p0 s5  }
.LBB2_21:
0x1b2: {  	v5 =	vld [tilespmem:s1+$0xFFFFFFC0];
	_ =	sdelay $0x4  }
0x1b3: {  	v6 =	vshrl.u32 v5, $0x17  }
0x1b4: {  	v5 =	vshrl.u32 v5, $0xF;
	vm3 =	veq.s32 v6, v2  }
0x1b5: {  	v5 =	vand.u32 $0xFF, v5;
	vm4 =	veq.s32 v6, v3  }
0x1b6: {  	vm5 =	veq.s32 v6, v4;
	_ =	sdelay $0x3  }
0x1b7: {  	[tilespmem:v5+s10+$0x0] =	vst.idx.add.s32.msk vm3, v1  }
0x1b8: {  	[tilespmem:v5+s11+$0x0] =	vst.idx.add.s32.msk vm4, v1  }
0x1b9: {  	[tilespmem:v5+s12+$0x0] =	vst.idx.add.s32.msk vm5, v1  }
0x1ba: {  	v5 =	vld [tilespmem:s1+$0xFFFFFFD0];
	_ =	sdelay $0x4  }
0x1bb: {  	v6 =	vshrl.u32 v5, $0x17  }
0x1bc: {  	v5 =	vshrl.u32 v5, $0xF;
	vm3 =	veq.s32 v6, v2  }
0x1bd: {  	v5 =	vand.u32 $0xFF, v5;
	vm10 =	veq.s32 v6, v3  }
0x1be: {  	vm11 =	veq.s32 v6, v4;
	_ =	sdelay $0x3  }
0x1bf: {  	[tilespmem:v5+s10+$0x0] =	vst.idx.add.s32.msk vm3, v1  }
0x1c0: {  	[tilespmem:v5+s11+$0x0] =	vst.idx.add.s32.msk vm10, v1  }
0x1c1: {  	[tilespmem:v5+s12+$0x0] =	vst.idx.add.s32.msk vm11, v1  }
0x1c2: {  	v5 =	vld [tilespmem:s1+$0xFFFFFFE0];
	_ =	sdelay $0x4  }
0x1c3: {  	v6 =	vshrl.u32 v5, $0x17  }
0x1c4: {  	v5 =	vshrl.u32 v5, $0xF;
	vm3 =	veq.s32 v6, v2  }
0x1c5: {  	v5 =	vand.u32 $0xFF, v5;
	vm12 =	veq.s32 v6, v3  }
0x1c6: {  	vm13 =	veq.s32 v6, v4;
	_ =	sdelay $0x3  }
0x1c7: {  	[tilespmem:v5+s10+$0x0] =	vst.idx.add.s32.msk vm3, v1  }
0x1c8: {  	[tilespmem:v5+s11+$0x0] =	vst.idx.add.s32.msk vm12, v1  }
0x1c9: {  	[tilespmem:v5+s12+$0x0] =	vst.idx.add.s32.msk vm13, v1  }
0x1ca: {  	v5 =	vld [tilespmem:s1+$0xFFFFFFF0];
	_ =	sdelay $0x4  }
0x1cb: {  	v6 =	vshrl.u32 v5, $0x17  }
0x1cc: {  	v5 =	vshrl.u32 v5, $0xF;
	vm3 =	veq.s32 v6, v2  }
0x1cd: {  	v5 =	vand.u32 $0xFF, v5;
	vm14 =	veq.s32 v6, v3  }
0x1ce: {  	vm15 =	veq.s32 v6, v4;
	_ =	sdelay $0x3  }
0x1cf: {  	[tilespmem:v5+s10+$0x0] =	vst.idx.add.s32.msk vm3, v1  }
0x1d0: {  	[tilespmem:v5+s11+$0x0] =	vst.idx.add.s32.msk vm14, v1  }
0x1d1: {  	[tilespmem:v5+s12+$0x0] =	vst.idx.add.s32.msk vm15, v1  }
0x1d2: {  	v5 =	vld [tilespmem:s1+$0x0];
	_ =	sdelay $0x4  }
0x1d3: {  	v6 =	vshrl.u32 v5, $0x17  }
0x1d4: {  	v5 =	vshrl.u32 v5, $0xF;
	vm3 =	veq.s32 v6, v2  }
0x1d5: {  	v5 =	vand.u32 $0xFF, v5;
	vm8 =	veq.s32 v6, v3  }
0x1d6: {  	vm9 =	veq.s32 v6, v4;
	_ =	sdelay $0x3  }
0x1d7: {  	[tilespmem:v5+s10+$0x0] =	vst.idx.add.s32.msk vm3, v1  }
0x1d8: {  	[tilespmem:v5+s11+$0x0] =	vst.idx.add.s32.msk vm8, v1  }
0x1d9: {  	[tilespmem:v5+s12+$0x0] =	vst.idx.add.s32.msk vm9, v1  }
0x1da: {  	v5 =	vld [tilespmem:s1+$0x10];
	_ =	sdelay $0x4  }
0x1db: {  	v6 =	vshrl.u32 v5, $0x17  }
0x1dc: {  	v5 =	vshrl.u32 v5, $0xF;
	vm3 =	veq.s32 v6, v2  }
0x1dd: {  	v5 =	vand.u32 $0xFF, v5;
	vm10 =	veq.s32 v6, v3  }
0x1de: {  	vm11 =	veq.s32 v6, v4;
	_ =	sdelay $0x3  }
0x1df: {  	[tilespmem:v5+s10+$0x0] =	vst.idx.add.s32.msk vm3, v1  }
0x1e0: {  	[tilespmem:v5+s11+$0x0] =	vst.idx.add.s32.msk vm10, v1  }
0x1e1: {  	[tilespmem:v5+s12+$0x0] =	vst.idx.add.s32.msk vm11, v1  }
0x1e2: {  	v5 =	vld [tilespmem:s1+$0x20];
	_ =	sdelay $0x4  }
0x1e3: {  	v6 =	vshrl.u32 v5, $0x17  }
0x1e4: {  	v5 =	vshrl.u32 v5, $0xF;
	vm3 =	veq.s32 v6, v2  }
0x1e5: {  	v5 =	vand.u32 $0xFF, v5;
	vm12 =	veq.s32 v6, v3  }
0x1e6: {  	vm13 =	veq.s32 v6, v4;
	_ =	sdelay $0x3  }
0x1e7: {  	[tilespmem:v5+s10+$0x0] =	vst.idx.add.s32.msk vm3, v1  }
0x1e8: {  	[tilespmem:v5+s11+$0x0] =	vst.idx.add.s32.msk vm12, v1  }
0x1e9: {  	[tilespmem:v5+s12+$0x0] =	vst.idx.add.s32.msk vm13, v1  }
0x1ea: {  	v5 =	vld [tilespmem:s1+$0x30];
	_ =	sdelay $0x4  }
0x1eb: {  	v6 =	vshrl.u32 v5, $0x17  }
0x1ec: {  	v5 =	vshrl.u32 v5, $0xF;
	vm3 =	veq.s32 v6, v2  }
0x1ed: {  	v5 =	vand.u32 $0xFF, v5;
	vm14 =	veq.s32 v6, v3  }
0x1ee: {  	s0 =	sadd.s32 $0x8, s0;
	vm15 =	veq.s32 v6, v4  }
0x1ef: {  	p0 =	slt.u32 s0, $0xF8  }
.Ltmp11:
0x1f0: {  	_ = 	snop;
	(pc) =	sbr.rel @p0 .LBB2_21-.Ltmp11, $4  }
0x1f1: {  	_ = 	snop  }
0x1f2: {  	[tilespmem:v5+s10+$0x0] =	vst.idx.add.s32.msk vm3, v1  }
0x1f3: {  	[tilespmem:v5+s11+$0x0] =	vst.idx.add.s32.msk vm14, v1  }
0x1f4: {  	s1 =	sadd.s32 $0x80, s1;
	[tilespmem:v5+s12+$0x0] =	vst.idx.add.s32.msk vm15, v1  }
0x1f5: {  	s1 =	simm.s32 $0x1020  }
0x1f6: {  	v3 =	vld [tilespmem:s1+$0xFFFFFFE0]  }
0x1f7: {  	v4 =	vld [tilespmem:s1+$0xFFFFFFF0];
	_ =	sdelay $0x1  }
0x1f8: {  	v5 =	vld [tilespmem:s1+$0x0]  }
0x1f9: {  	v6 =	vld [tilespmem:s1+$0x10]  }
0x1fa: {  	(xrf0) =	vadd.scan.msk.s32 $0xffff, v3  }
0x1fb: {  	(xrf0) =	vadd.scan.msk.s32 $0xffff, v4;
	_ =	sdelay $0x1  }
0x1fc: {  	(xrf0) =	vadd.scan.msk.s32 $0xffff, v5  }
0x1fd: {  	(xrf0) =	vadd.scan.msk.s32 $0xffff, v6;
	_ =	sdelay $0x1  }
0x1fe: {  	v3, _, _ =	vpop (xrf0)  }
0x1ff: {  	(v2sf) =	vpush v3, $0xF;
	v4, _, _ =	vpop (xrf0)  }
0x200: {  	(v2sf) =	vpush v4, $0xF  }
0x201: {  	v5, _, _ =	vpop (xrf0)  }
0x202: {  	(v2sf) =	vpush v5, $0xF;
	v6, _, _ =	vpop (xrf0)  }
0x203: {  	(v2sf) =	vpush v6, $0xF;
	_ =	sdelay $0x3  }
0x204: {  	s20 =	ssub.s32 $0x15, s20;
	s0 =	simm.s32 $0x0;
	s9 =	simm.s32 $0x1060  }
0x205: {  	v2 =	vmov s20;
	v7 =	vld [tilespmem:s9+$0xFFFFFFE0];
	v3 =	vadd.s32 s0, v3  }
0x206: {  	v8 =	vxor.u32 $0x80000000, v3;
	vm3 =	vlt.s32 v3, v2;
	v3 =	vld [tilespmem:s9+$0xFFFFFFF0]  }
0x207: {  	v8 =	vnsel vm3, $0x80000000, v8  }
0x208: {  	v9 =	vsel vm3, $0x1, v0;
	(xrf0) =	vmax.scan.msk.u32 $0xffff, v8  }
0x209: {  	v8 =	vld [tilespmem:s9+$0x0];
	(xrf0) =	vadd.scan.msk.s32 $0xffff, v9  }
0x20a: {  	v60 =	vld [tilespmem:s9+$0x10];
	(xrf0) =	vadd.scan.msk.s32 $0xffff, v7  }
0x20b: {  	(xrf0) =	vadd.scan.msk.s32 $0xffff, v3;
	s13 =	spop (v2sf)  }
0x20c: {  	s1 =	sadd.s32 $0x0, s13;
	s2 =	spop (v2sf)  }
0x20d: {  	v3 =	vadd.s32 s1, v4;
	s1 =	sadd.s32 s2, s1  }
0x20e: {  	(xrf0) =	vadd.scan.msk.s32 $0xffff, v8;
	v4, _, _ =	vpop (xrf0);
	s14 =	spop (v2sf);
	vm3 =	vlt.s32 v3, v2;
	v5 =	vadd.s32 s1, v5  }
0x20f: {  	s18 =	smov.u32 s15;
	(xrf0) =	vadd.scan.msk.s32 $0xffff, v60;
	v3 =	vxor.u32 $0x80000000, v3;
	v7, _, _ =	vpop (xrf0);
	s1 =	sadd.s32 s14, s1;
	s15 =	spop (v2sf);
	vm4 =	vlt.s32 v5, v2;
	v5 =	vxor.u32 $0x80000000, v5  }
0x210: {  	(v2sf) =	vpush v4, $0xF;
	v3 =	vnsel vm3, $0x80000000, v3;
	s2 =	sadd.s32 s15, s1;
	v4, _, _ =	vpop (xrf0);
	v5 =	vnsel vm4, $0x80000000, v5  }
0x211: {  	(xrf0) =	vmax.scan.msk.u32 $0xffff, v3;
	v3 =	vadd.s32 s1, v6;
	v6 =	vadd.s32 s2, v4;
	(v2sf) =	vpush v4, $0xF;
	v4, _, _ =	vpop (xrf0)  }
0x212: {  	(xrf0) =	vmax.scan.msk.u32 $0xffff, v5;
	v5 =	vsel vm4, $0x1, v0;
	(v2sf) =	vpush v4, $0xF  }
0x213: {  	v8 =	vsel vm3, $0x1, v0  }
0x214: {  	vm3 =	vlt.s32 v3, v2;
	v61, _, _ =	vpop (xrf0);
	vm13 =	vlt.s32 v6, v2;
	v3 =	vxor.u32 $0x80000000, v3;
	(xrf0) =	vadd.scan.msk.s32 $0xffff, v8  }
0x215: {  	v8 =	vxor.u32 $0x80000000, v6;
	v6 =	vsel vm3, $0x1, v0;
	(v2sf) =	vpush v61, $0xF;
	(xrf0) =	vadd.scan.msk.s32 $0xffff, v5;
	v5, _, _ =	vpop (xrf0)  }
0x216: {  	v3 =	vnsel vm3, $0x80000000, v3;
	v8 =	vnsel vm13, $0x80000000, v8;
	(xrf0) =	vadd.scan.msk.s32 $0xffff, v6;
	(v2sf) =	vpush v5, $0xF  }
0x217: {  	(xrf0) =	vmax.scan.msk.u32 $0xffff, v8  }
0x218: {  	(v2sf) =	vpush v7, $0xF;
	v6, _, _ =	vpop (xrf0);
	(xrf0) =	vmax.scan.msk.u32 $0xffff, v3  }
0x219: {  	(v2sf) =	vpush v6, $0xF;
	v3, _, _ =	vpop (xrf0)  }
0x21a: {  	s25 =	simm.s32 $0x10A0;
	v6, _, _ =	vpop (xrf0);
	(v2sf) =	vpush v3, $0xF  }
0x21b: {  	(v2sf) =	vpush v6, $0xF;
	v3, _, _ =	vpop (xrf0);
	v6 =	vld [tilespmem:s25+$0xFFFFFFE0]  }
0x21c: {  	(v2sf) =	vpush v3, $0xF;
	v3, _, _ =	vpop (xrf0)  }
0x21d: {  	v7, _, _ =	vpop (xrf0);
	(v2sf) =	vpush v3, $0xF;
	v3 =	vld [tilespmem:s25+$0xFFFFFFF0]  }
0x21e: {  	v10 =	vld [tilespmem:s25+$0x0];
	v8 =	vsel vm13, $0x1, v0;
	(v2sf) =	vpush v7, $0xF;
	v7, _, _ =	vpop (xrf0)  }
0x21f: {  	(xrf0) =	vadd.scan.msk.s32 $0xffff, v8;
	(v2sf) =	vpush v7, $0xF;
	v7 =	vld [tilespmem:s25+$0x10];
	s3 =	spop (v2sf)  }
0x220: {  	[dreg:$0x8] =	wrdreg s16;
	(xrf0) =	vadd.scan.msk.s32 $0xffff, v6;
	s16 =	spop (v2sf)  }
0x221: {  	s1 =	sadd.s32 s2, s16;
	s17 =	spop (v2sf)  }
0x222: {  	(xrf0) =	vadd.scan.msk.s32 $0xffff, v3;
	v3 =	vadd.s32 s1, v4;
	s1 =	sadd.s32 s17, s1  }
0x223: {  	(xrf0) =	vadd.scan.msk.s32 $0xffff, v10;
	v4 =	vadd.s32 s1, v61  }
0x224: {  	s23 =	spop (v2sf);
	(xrf0) =	vadd.scan.msk.s32 $0xffff, v7;
	vm14 =	vlt.s32 v4, v2;
	v4 =	vxor.u32 $0x80000000, v4  }
0x225: {  	v6, _, _ =	vpop (xrf0);
	vm3 =	vlt.s32 v3, v2;
	v3 =	vxor.u32 $0x80000000, v3;
	s2 =	sadd.s32 s23, s1;
	s24 =	spop (v2sf);
	v4 =	vnsel vm14, $0x80000000, v4  }
0x226: {  	v3 =	vnsel vm3, $0x80000000, v3;
	v7, _, _ =	vpop (xrf0);
	s1 =	sadd.s32 s24, s2  }
0x227: {  	s3 =	sxor.u32 $0x80000000, s3;
	v62 =	vadd.s32 s2, v5;
	(xrf0) =	vmax.scan.msk.u32 $0xffff, v3;
	s4 =	spop (v2sf);
	v3 =	vadd.s32 s1, v7  }
0x228: {  	p0 =	slt.s32 s3, $0x0;
	v8 =	vsel vm3, $0x1, v0;
	vm3 =	vlt.s32 v62, v2;
	(v2sf) =	vpush v7, $0xF;
	(xrf0) =	vmax.scan.msk.u32 $0xffff, v4;
	s26 =	spop (v2sf);
	v4, _, _ =	vpop (xrf0)  }
0x229: {  	s28 =	simm.s32 $0x8;
	s3 =	smov.u32 @p0 s0;
	v7 =	vsel vm14, $0x1, v0;
	(xrf0) =	vadd.scan.msk.s32 $0xffff, v8;
	v8 =	vsel vm3, $0x1, v0;
	s5 =	spop (v2sf);
	(v2sf) =	vpush v4, $0xF;
	v5, _, _ =	vpop (xrf0)  }
0x22a: {  	s4 =	sadd.s32 $0x0, s4;
	v63 =	vxor.u32 $0x80000000, v3;
	s0 =	sxor.u32 $0x80000000, s26;
	vm15 =	vlt.s32 v3, v2;
	(xrf0) =	vadd.scan.msk.s32 $0xffff, v7;
	s29 =	spop (v2sf);
	(v2sf) =	vpush v5, $0xF;
	v3, _, _ =	vpop (xrf0)  }
0x22b: {  	v9 =	vxor.u32 $0x80000000, v62;
	p0 =	sgt.s32 s3, s0;
	s24 =	sxor.u32 $0x80000000, s5;
	v7 =	vnsel vm15, $0x80000000, v63;
	(xrf0) =	vadd.scan.msk.s32 $0xffff, v8;
	s30 =	spop (v2sf);
	(v2sf) =	vpush v3, $0xF  }
0x22c: {  	s2 =	sadd.s32 s29, s4;
	s0 =	smov.u32 @p0 s3;
	(xrf0) =	vmax.scan.msk.u32 $0xffff, v7;
	v7 =	vnsel vm3, $0x80000000, v9;
	s31 =	spop (v2sf)  }
0x22d: {  	v8 =	vsel vm15, $0x1, v0;
	p0 =	sgt.s32 s0, s24;
	s2 =	sadd.s32 s30, s2;
	(v2sf) =	vpush v6, $0xF;
	s26 =	spop (v2sf);
	v6, _, _ =	vpop (xrf0);
	(xrf0) =	vmax.scan.msk.u32 $0xffff, v7  }
0x22e: {  	s24 =	smov.u32 @p0 s0;
	s23 =	sadd.s32 s31, s2;
	(xrf0) =	vadd.scan.msk.s32 $0xffff, v8;
	(v2sf) =	vpush v6, $0xF;
	v6, _, _ =	vpop (xrf0);
	s0 =	spop (v2sf)  }
.LBB2_23:
0x22f: {  	s28 =	sadd.s32 $0x4, s28;
	s2 =	sxor.u32 $0x80000000, s26;
	v7, _, _ =	vpop (xrf0);
	(v2sf) =	vpush v6, $0xF;
	s0 =	sxor.u32 $0x80000000, s0  }
0x230: {  	s25 =	sadd.s32 $0x40, s25;
	p0 =	slt.u32 s28, $0xC;
	(v2sf) =	vpush v7, $0xF;
	v6, _, _ =	vpop (xrf0);
	p1 =	sgt.s32 s24, s0  }
0x231: {  	v7 =	vld [tilespmem:s25+$0xFFFFFFE0];
	(v2sf) =	vpush v6, $0xF;
	v6, _, _ =	vpop (xrf0);
	s0 =	smov.u32 @p1 s24  }
0x232: {  	v8 =	vld [tilespmem:s25+$0xFFFFFFF0];
	v9, _, _ =	vpop (xrf0);
	p1 =	sgt.s32 s0, s2;
	(v2sf) =	vpush v6, $0xF  }
0x233: {  	v6 =	vld [tilespmem:s25+$0x0];
	(v2sf) =	vpush v9, $0xF;
	v9, _, _ =	vpop (xrf0)  }
0x234: {  	v10 =	vld [tilespmem:s25+$0x10];
	v11, _, _ =	vpop (xrf0);
	(v2sf) =	vpush v9, $0xF;
	_ =	sdelay $0x1  }
0x235: {  	(xrf0) =	vadd.scan.msk.s32 $0xffff, v7  }
0x236: {  	(xrf0) =	vadd.scan.msk.s32 $0xffff, v8;
	s3 =	spop (v2sf)  }
0x237: {  	(xrf0) =	vadd.scan.msk.s32 $0xffff, v6;
	s1 =	sadd.s32 s1, s3;
	s3 =	spop (v2sf)  }
0x238: {  	(xrf0) =	vadd.scan.msk.s32 $0xffff, v10;
	v4 =	vadd.s32 s1, v4;
	s1 =	sadd.s32 s3, s1;
	s3 =	spop (v2sf)  }
0x239: {  	vm3 =	vlt.s32 v4, v2;
	v4 =	vxor.u32 $0x80000000, v4;
	v5 =	vadd.s32 s1, v5;
	s3 =	sadd.s32 s3, s1;
	s1 =	spop (v2sf)  }
0x23a: {  	v9 =	vnsel vm3, $0x80000000, v4;
	vm4 =	vlt.s32 v5, v2;
	v5 =	vxor.u32 $0x80000000, v5;
	s1 =	sadd.s32 s1, s3  }
0x23b: {  	v7 =	vsel vm3, $0x1, v0;
	v8 =	vadd.s32 s3, v3;
	v6, _, _ =	vpop (xrf0);
	v10 =	vnsel vm4, $0x80000000, v5;
	(xrf0) =	vmax.scan.msk.u32 $0xffff, v9;
	s3 =	spop (v2sf)  }
0x23c: {  	s4 =	spop (v2sf)  }
0x23d: {  	s2 =	smov.u32 @p1 s0;
	v12 =	vadd.s32 s1, v6;
	(v2sf) =	vpush v6, $0xF;
	v4, _, _ =	vpop (xrf0);
	v6 =	vsel vm4, $0x1, v0;
	(xrf0) =	vmax.scan.msk.u32 $0xffff, v10;
	s3 =	sadd.s32 s23, s3;
	s0 =	sxor.u32 $0x80000000, s4  }
0x23e: {  	vm3 =	vlt.s32 v8, v2;
	v9 =	vxor.u32 $0x80000000, v12;
	(v2sf) =	vpush v4, $0xF;
	v5, _, _ =	vpop (xrf0);
	(xrf0) =	vadd.scan.msk.s32 $0xffff, v7;
	s4 =	spop (v2sf);
	p1 =	sgt.s32 s2, s0  }
.Ltmp12:
0x23f: {  	vm4 =	vlt.s32 v12, v2;
	v7 =	vsel vm3, $0x1, v0;
	(v2sf) =	vpush v5, $0xF;
	v3, _, _ =	vpop (xrf0);
	(xrf0) =	vadd.scan.msk.s32 $0xffff, v6;
	s24 =	sxor.u32 $0x80000000, s4;
	s4 =	spop (v2sf);
	(pc) =	sbr.rel @p0 .LBB2_23-.Ltmp12, $4  }
0x240: {  	v6 =	vnsel vm4, $0x80000000, v9;
	v9 =	vxor.u32 $0x80000000, v8;
	(v2sf) =	vpush v3, $0xF;
	(xrf0) =	vadd.scan.msk.s32 $0xffff, v7;
	s3 =	sadd.s32 s4, s3;
	s0 =	smov.u32 @p1 s2;
	s2 =	spop (v2sf)  }
0x241: {  	v7 =	vsel vm4, $0x1, v0;
	v9 =	vnsel vm3, $0x80000000, v9;
	(xrf0) =	vmax.scan.msk.u32 $0xffff, v6;
	p1 =	sgt.s32 s0, s24;
	s4 =	spop (v2sf)  }
0x242: {  	s2 =	sadd.s32 s2, s3;
	(v2sf) =	vpush v11, $0xF;
	s26 =	spop (v2sf);
	v8, _, _ =	vpop (xrf0);
	(xrf0) =	vmax.scan.msk.u32 $0xffff, v9;
	s24 =	smov.u32 @p1 s0  }
0x243: {  	s23 =	sadd.s32 s4, s2;
	(xrf0) =	vadd.scan.msk.s32 $0xffff, v7;
	(v2sf) =	vpush v8, $0xF;
	v6, _, _ =	vpop (xrf0);
	s0 =	spop (v2sf)  }
0x244: {  	_ =	sdelay $0x7  }
0x245: {  	s2 =	spop (v2sf)  }
0x246: {  	s1 =	sadd.s32 s1, s2  }
0x247: {  	s13 =	spop (v2sf);
	v4 =	vadd.s32 s1, v4  }
0x248: {  	s1 =	sadd.s32 s13, s1;
	vm3 =	vlt.s32 v4, v2;
	v4 =	vxor.u32 $0x80000000, v4  }
0x249: {  	(v2sf) =	vpush v6, $0xF;
	v6, _, _ =	vpop (xrf0);
	v5 =	vadd.s32 s1, v5;
	v4 =	vnsel vm3, $0x80000000, v4  }
0x24a: {  	(v2sf) =	vpush v6, $0xF;
	v6, _, _ =	vpop (xrf0);
	s14 =	spop (v2sf);
	vm4 =	vlt.s32 v5, v2;
	v5 =	vxor.u32 $0x80000000, v5  }
0x24b: {  	s15 =	simm.s32 $0x1120;
	(v2sf) =	vpush v6, $0xF;
	s1 =	sadd.s32 s14, s1;
	v6 =	vsel vm3, $0x1, v0;
	v5 =	vnsel vm4, $0x80000000, v5;
	(xrf0) =	vmax.scan.msk.u32 $0xffff, v4  }
0x24c: {  	v3 =	vadd.s32 s1, v3;
	v4, _, _ =	vpop (xrf0);
	(xrf0) =	vmax.scan.msk.u32 $0xffff, v5;
	v5 =	vld [tilespmem:s15+$0xFFFFFFE0]  }
0x24d: {  	vm3 =	vlt.s32 v3, v2;
	v7, _, _ =	vpop (xrf0);
	(v2sf) =	vpush v4, $0xF;
	v4 =	vsel vm4, $0x1, v0;
	(xrf0) =	vadd.scan.msk.s32 $0xffff, v6  }
0x24e: {  	v2 =	vld [tilespmem:s15+$0xFFFFFFF0];
	v3 =	vxor.u32 $0x80000000, v3;
	(v2sf) =	vpush v7, $0xF;
	v6, _, _ =	vpop (xrf0);
	v7 =	vsel vm3, $0x1, v0;
	(xrf0) =	vadd.scan.msk.s32 $0xffff, v4  }
0x24f: {  	v3 =	vnsel vm3, $0x80000000, v3;
	(v2sf) =	vpush v6, $0xF;
	(xrf0) =	vadd.scan.msk.s32 $0xffff, v7;
	v6 =	vld [tilespmem:s15+$0x0]  }
0x250: {  	v4, _, _ =	vpop (xrf0);
	(xrf0) =	vmax.scan.msk.u32 $0xffff, v3;
	v3 =	vld [tilespmem:s15+$0x10]  }
0x251: {  	(v2sf) =	vpush v4, $0xF;
	v4, _, _ =	vpop (xrf0);
	(xrf0) =	vadd.scan.msk.s32 $0xffff, v5  }
0x252: {  	(v2sf) =	vpush v4, $0xF;
	v4, _, _ =	vpop (xrf0)  }
0x253: {  	(xrf0) =	vadd.scan.msk.s32 $0xffff, v2;
	v2, _, _ =	vpop (xrf0);
	(v2sf) =	vpush v4, $0xF  }
0x254: {  	(v2sf) =	vpush v2, $0xF;
	v2, _, _ =	vpop (xrf0);
	(xrf0) =	vadd.scan.msk.s32 $0xffff, v6  }
0x255: {  	(v2sf) =	vpush v2, $0xF;
	v2, _, _ =	vpop (xrf0);
	(xrf0) =	vadd.scan.msk.s32 $0xffff, v3  }
0x256: {  	s16 =	spop (v2sf);
	(v2sf) =	vpush v2, $0xF;
	v2, _, _ =	vpop (xrf0)  }
0x257: {  	s2 =	spop (v2sf);
	(v2sf) =	vpush v2, $0xF;
	v3, _, _ =	vpop (xrf0)  }
0x258: {  	s15 =	spop (v2sf);
	(v2sf) =	vpush v3, $0xF  }
0x259: {  	s4 =	spop (v2sf);
	v4, _, _ =	vpop (xrf0)  }
0x25a: {  	s3 =	spop (v2sf);
	(v2sf) =	vpush v4, $0xF;
	v5, _, _ =	vpop (xrf0)  }
0x25b: {  	s14 =	spop (v2sf);
	(v2sf) =	vpush v5, $0xF;
	v6, _, _ =	vpop (xrf0)  }
0x25c: {  	s6 =	spop (v2sf);
	(v2sf) =	vpush v6, $0xF;
	_ =	sdelay $0x1  }
0x25d: {  	s8 =	spop (v2sf)  }
0x25e: {  	s19 =	ssub.s32 $0x21, s19;
	s9 =	spop (v2sf)  }
0x25f: {  	s28 =	simm.s32 $0x0;
	s16 =	simm.s32 $0x1160;
	s5 =	spop (v2sf)  }
0x260: {  	v7 =	vld [tilespmem:s16+$0xFFFFFFE0];
	v2 =	vmov s19;
	v3 =	vadd.s32 s28, v3;
	s13 =	spop (v2sf)  }
0x261: {  	v8 =	vxor.u32 $0x80000000, v3;
	vm3 =	vlt.s32 v3, v2;
	v3 =	vld [tilespmem:s16+$0xFFFFFFF0];
	s30 =	spop (v2sf)  }
0x262: {  	v8 =	vnsel vm3, $0x80000000, v8;
	s7 =	spop (v2sf)  }
0x263: {  	v9 =	vsel vm3, $0x1, v0;
	(xrf0) =	vmax.scan.msk.u32 $0xffff, v8;
	s29 =	spop (v2sf)  }
0x264: {  	v8 =	vld [tilespmem:s16+$0x0];
	(xrf0) =	vadd.scan.msk.s32 $0xffff, v9;
	s1 =	spop (v2sf)  }
0x265: {  	v60 =	vld [tilespmem:s16+$0x10];
	(xrf0) =	vadd.scan.msk.s32 $0xffff, v7;
	s31 =	spop (v2sf)  }
0x266: {  	(xrf0) =	vadd.scan.msk.s32 $0xffff, v3;
	s17 =	spop (v2sf)  }
0x267: {  	s16 =	sadd.s32 $0x0, s17  }
0x268: {  	s17 =	spop (v2sf);
	v3 =	vadd.s32 s16, v4  }
0x269: {  	(xrf0) =	vadd.scan.msk.s32 $0xffff, v8;
	s16 =	sadd.s32 s17, s16;
	v4, _, _ =	vpop (xrf0);
	s25 =	spop (v2sf);
	vm3 =	vlt.s32 v3, v2;
	v3 =	vxor.u32 $0x80000000, v3  }
0x26a: {  	(xrf0) =	vadd.scan.msk.s32 $0xffff, v60;
	v5 =	vadd.s32 s16, v5;
	v7, _, _ =	vpop (xrf0);
	(v2sf) =	vpush v4, $0xF;
	s17 =	sadd.s32 s25, s16;
	s25 =	spop (v2sf);
	v3 =	vnsel vm3, $0x80000000, v3  }
0x26b: {  	vm12 =	vlt.s32 v5, v2;
	v5 =	vxor.u32 $0x80000000, v5;
	v4, _, _ =	vpop (xrf0);
	s16 =	sadd.s32 s25, s17;
	v6 =	vadd.s32 s17, v6  }
0x26c: {  	v5 =	vnsel vm12, $0x80000000, v5;
	(xrf0) =	vmax.scan.msk.u32 $0xffff, v3;
	(v2sf) =	vpush v4, $0xF;
	v8 =	vadd.s32 s16, v4;
	v4, _, _ =	vpop (xrf0)  }
0x26d: {  	v3 =	vsel vm3, $0x1, v0;
	(xrf0) =	vmax.scan.msk.u32 $0xffff, v5;
	v5 =	vsel vm12, $0x1, v0;
	(v2sf) =	vpush v4, $0xF  }
0x26e: {  	s0 =	sxor.u32 $0x80000000, s0;
	vm13 =	vlt.s32 v6, v2;
	(xrf0) =	vadd.scan.msk.s32 $0xffff, v3  }
0x26f: {  	p0 =	sgt.s32 s24, s0;
	v3 =	vxor.u32 $0x80000000, v8;
	v61, _, _ =	vpop (xrf0);
	vm3 =	vlt.s32 v8, v2;
	v8 =	vsel vm13, $0x1, v0;
	(xrf0) =	vadd.scan.msk.s32 $0xffff, v5  }
0x270: {  	s0 =	smov.u32 @p0 s24;
	s17 =	sxor.u32 $0x80000000, s26;
	v6 =	vxor.u32 $0x80000000, v6;
	(v2sf) =	vpush v61, $0xF;
	v3 =	vnsel vm3, $0x80000000, v3;
	v5, _, _ =	vpop (xrf0);
	(xrf0) =	vadd.scan.msk.s32 $0xffff, v8  }
0x271: {  	p0 =	sgt.s32 s0, s17;
	(v2sf) =	vpush v5, $0xF;
	(xrf0) =	vmax.scan.msk.u32 $0xffff, v3;
	v3 =	vnsel vm13, $0x80000000, v6  }
0x272: {  	s17 =	smov.u32 @p0 s0;
	s0 =	sxor.u32 $0x80000000, s15  }
0x273: {  	p0 =	sgt.s32 s17, s0;
	(v2sf) =	vpush v7, $0xF;
	v6, _, _ =	vpop (xrf0);
	(xrf0) =	vmax.scan.msk.u32 $0xffff, v3  }
0x274: {  	s4 =	sxor.u32 $0x80000000, s4;
	s0 =	smov.u32 @p0 s17;
	(v2sf) =	vpush v6, $0xF;
	v3, _, _ =	vpop (xrf0)  }
0x275: {  	s2 =	sadd.s32 s23, s2;
	s25 =	simm.s32 $0x11A0;
	p0 =	sgt.s32 s0, s4;
	v6, _, _ =	vpop (xrf0);
	(v2sf) =	vpush v3, $0xF  }
0x276: {  	s2 =	sadd.s32 s3, s2;
	s4 =	smov.u32 @p0 s0;
	s0 =	sxor.u32 $0x80000000, s9;
	(v2sf) =	vpush v6, $0xF;
	v3, _, _ =	vpop (xrf0);
	v6 =	vld [tilespmem:s25+$0xFFFFFFE0]  }
0x277: {  	s2 =	sadd.s32 s14, s2;
	p0 =	sgt.s32 s4, s0;
	(v2sf) =	vpush v3, $0xF;
	v3, _, _ =	vpop (xrf0)  }
0x278: {  	s2 =	sadd.s32 s6, s2;
	s3 =	sxor.u32 $0x80000000, s8;
	s0 =	smov.u32 @p0 s4;
	v7, _, _ =	vpop (xrf0);
	(v2sf) =	vpush v3, $0xF;
	v3 =	vld [tilespmem:s25+$0xFFFFFFF0]  }
0x279: {  	s2 =	sadd.s32 s2, s5;
	v10 =	vld [tilespmem:s25+$0x0];
	v8 =	vsel vm3, $0x1, v0;
	p0 =	sgt.s32 s0, s3;
	(v2sf) =	vpush v7, $0xF;
	v7, _, _ =	vpop (xrf0)  }
0x27a: {  	s3 =	smov.u32 @p0 s0;
	s0 =	sxor.u32 $0x80000000, s13;
	(xrf0) =	vadd.scan.msk.s32 $0xffff, v8;
	s23 =	spop (v2sf);
	(v2sf) =	vpush v7, $0xF;
	v7 =	vld [tilespmem:s25+$0x10]  }
0x27b: {  	s2 =	sadd.s32 s7, s2;
	p0 =	sgt.s32 s3, s0;
	(xrf0) =	vadd.scan.msk.s32 $0xffff, v6;
	s6 =	spop (v2sf)  }
0x27c: {  	s0 =	smov.u32 @p0 s3;
	s3 =	sadd.s32 s16, s6;
	s7 =	spop (v2sf)  }
0x27d: {  	(xrf0) =	vadd.scan.msk.s32 $0xffff, v3;
	s8 =	sadd.s32 s7, s3  }
0x27e: {  	s5 =	sxor.u32 $0x80000000, s30;
	v3 =	vadd.s32 s3, v4;
	(xrf0) =	vadd.scan.msk.s32 $0xffff, v10;
	v4 =	vadd.s32 s8, v61  }
0x27f: {  	s2 =	sadd.s32 s29, s2;
	p0 =	sgt.s32 s0, s5;
	s9 =	spop (v2sf);
	(xrf0) =	vadd.scan.msk.s32 $0xffff, v7;
	vm14 =	vlt.s32 v4, v2;
	v4 =	vxor.u32 $0x80000000, v4  }
0x280: {  	s5 =	smov.u32 @p0 s0;
	vm3 =	vlt.s32 v3, v2;
	v3 =	vxor.u32 $0x80000000, v3;
	v6, _, _ =	vpop (xrf0);
	s0 =	sadd.s32 s9, s8;
	s13 =	spop (v2sf);
	v4 =	vnsel vm14, $0x80000000, v4  }
0x281: {  	s24 =	sxor.u32 $0x80000000, s31;
	s26 =	sadd.s32 s1, s2;
	v3 =	vnsel vm3, $0x80000000, v3;
	s1 =	sadd.s32 s13, s0;
	v7, _, _ =	vpop (xrf0)  }
0x282: {  	p0 =	sgt.s32 s5, s24;
	s3 =	sxor.u32 $0x80000000, s23;
	(xrf0) =	vmax.scan.msk.u32 $0xffff, v3;
	v62 =	vadd.s32 s0, v5;
	s14 =	spop (v2sf);
	v3 =	vadd.s32 s1, v7  }
0x283: {  	s24 =	smov.u32 @p0 s5;
	v8 =	vsel vm3, $0x1, v0;
	p0 =	slt.s32 s3, $0x0;
	vm3 =	vlt.s32 v62, v2;
	(v2sf) =	vpush v7, $0xF;
	(xrf0) =	vmax.scan.msk.u32 $0xffff, v4;
	s15 =	spop (v2sf);
	v4, _, _ =	vpop (xrf0)  }
0x284: {  	s30 =	simm.s32 $0x8;
	s3 =	smov.u32 @p0 s28;
	v7 =	vsel vm14, $0x1, v0;
	v63 =	vxor.u32 $0x80000000, v3;
	(xrf0) =	vadd.scan.msk.s32 $0xffff, v8;
	s16 =	spop (v2sf);
	(v2sf) =	vpush v4, $0xF;
	v5, _, _ =	vpop (xrf0)  }
0x285: {  	s2 =	sadd.s32 $0x0, s14;
	s0 =	sxor.u32 $0x80000000, s15;
	vm15 =	vlt.s32 v3, v2;
	v8 =	vsel vm3, $0x1, v0;
	(xrf0) =	vadd.scan.msk.s32 $0xffff, v7;
	s17 =	spop (v2sf);
	(v2sf) =	vpush v5, $0xF;
	v3, _, _ =	vpop (xrf0)  }
0x286: {  	v9 =	vxor.u32 $0x80000000, v62;
	p0 =	sgt.s32 s3, s0;
	s28 =	sxor.u32 $0x80000000, s16;
	v7 =	vnsel vm15, $0x80000000, v63;
	(xrf0) =	vadd.scan.msk.s32 $0xffff, v8;
	s23 =	spop (v2sf);
	(v2sf) =	vpush v3, $0xF  }
0x287: {  	s0 =	smov.u32 @p0 s3;
	s2 =	sadd.s32 s17, s2;
	(xrf0) =	vmax.scan.msk.u32 $0xffff, v7;
	v7 =	vnsel vm3, $0x80000000, v9;
	s31 =	spop (v2sf)  }
0x288: {  	v8 =	vsel vm15, $0x1, v0;
	p0 =	sgt.s32 s0, s28;
	s2 =	sadd.s32 s23, s2;
	(v2sf) =	vpush v6, $0xF;
	s29 =	spop (v2sf);
	v6, _, _ =	vpop (xrf0);
	(xrf0) =	vmax.scan.msk.u32 $0xffff, v7  }
0x289: {  	s28 =	smov.u32 @p0 s0;
	s23 =	sadd.s32 s31, s2;
	(xrf0) =	vadd.scan.msk.s32 $0xffff, v8;
	(v2sf) =	vpush v6, $0xF;
	v6, _, _ =	vpop (xrf0);
	s0 =	spop (v2sf)  }
.LBB2_25:
0x28a: {  	s30 =	sadd.s32 $0x4, s30;
	s2 =	sxor.u32 $0x80000000, s29;
	v7, _, _ =	vpop (xrf0);
	(v2sf) =	vpush v6, $0xF;
	s0 =	sxor.u32 $0x80000000, s0  }
0x28b: {  	s25 =	sadd.s32 $0x40, s25;
	p0 =	slt.u32 s30, $0xC;
	(v2sf) =	vpush v7, $0xF;
	v6, _, _ =	vpop (xrf0);
	p1 =	sgt.s32 s28, s0  }
0x28c: {  	v7 =	vld [tilespmem:s25+$0xFFFFFFE0];
	(v2sf) =	vpush v6, $0xF;
	v6, _, _ =	vpop (xrf0);
	s0 =	smov.u32 @p1 s28  }
0x28d: {  	v8 =	vld [tilespmem:s25+$0xFFFFFFF0];
	v9, _, _ =	vpop (xrf0);
	p1 =	sgt.s32 s0, s2;
	(v2sf) =	vpush v6, $0xF  }
0x28e: {  	v6 =	vld [tilespmem:s25+$0x0];
	(v2sf) =	vpush v9, $0xF;
	v9, _, _ =	vpop (xrf0)  }
0x28f: {  	v10 =	vld [tilespmem:s25+$0x10];
	v11, _, _ =	vpop (xrf0);
	(v2sf) =	vpush v9, $0xF;
	_ =	sdelay $0x1  }
0x290: {  	(xrf0) =	vadd.scan.msk.s32 $0xffff, v7  }
0x291: {  	(xrf0) =	vadd.scan.msk.s32 $0xffff, v8;
	s3 =	spop (v2sf)  }
0x292: {  	(xrf0) =	vadd.scan.msk.s32 $0xffff, v6;
	s1 =	sadd.s32 s1, s3;
	s3 =	spop (v2sf)  }
0x293: {  	(xrf0) =	vadd.scan.msk.s32 $0xffff, v10;
	v4 =	vadd.s32 s1, v4;
	s1 =	sadd.s32 s3, s1;
	s3 =	spop (v2sf)  }
0x294: {  	vm3 =	vlt.s32 v4, v2;
	v4 =	vxor.u32 $0x80000000, v4;
	v5 =	vadd.s32 s1, v5;
	s3 =	sadd.s32 s3, s1;
	s1 =	spop (v2sf)  }
0x295: {  	v9 =	vnsel vm3, $0x80000000, v4;
	vm4 =	vlt.s32 v5, v2;
	v5 =	vxor.u32 $0x80000000, v5;
	s1 =	sadd.s32 s1, s3  }
0x296: {  	v7 =	vsel vm3, $0x1, v0;
	v8 =	vadd.s32 s3, v3;
	v6, _, _ =	vpop (xrf0);
	v10 =	vnsel vm4, $0x80000000, v5;
	(xrf0) =	vmax.scan.msk.u32 $0xffff, v9;
	s3 =	spop (v2sf)  }
0x297: {  	s4 =	spop (v2sf)  }
0x298: {  	s2 =	smov.u32 @p1 s0;
	v12 =	vadd.s32 s1, v6;
	(v2sf) =	vpush v6, $0xF;
	v4, _, _ =	vpop (xrf0);
	v6 =	vsel vm4, $0x1, v0;
	(xrf0) =	vmax.scan.msk.u32 $0xffff, v10;
	s3 =	sadd.s32 s23, s3;
	s0 =	sxor.u32 $0x80000000, s4  }
0x299: {  	vm3 =	vlt.s32 v8, v2;
	v9 =	vxor.u32 $0x80000000, v12;
	(v2sf) =	vpush v4, $0xF;
	v5, _, _ =	vpop (xrf0);
	(xrf0) =	vadd.scan.msk.s32 $0xffff, v7;
	s4 =	spop (v2sf);
	p1 =	sgt.s32 s2, s0  }
.Ltmp13:
0x29a: {  	vm4 =	vlt.s32 v12, v2;
	v7 =	vsel vm3, $0x1, v0;
	(v2sf) =	vpush v5, $0xF;
	v3, _, _ =	vpop (xrf0);
	(xrf0) =	vadd.scan.msk.s32 $0xffff, v6;
	s28 =	sxor.u32 $0x80000000, s4;
	s4 =	spop (v2sf);
	(pc) =	sbr.rel @p0 .LBB2_25-.Ltmp13, $4  }
0x29b: {  	v6 =	vnsel vm4, $0x80000000, v9;
	v9 =	vxor.u32 $0x80000000, v8;
	(v2sf) =	vpush v3, $0xF;
	(xrf0) =	vadd.scan.msk.s32 $0xffff, v7;
	s3 =	sadd.s32 s4, s3;
	s0 =	smov.u32 @p1 s2;
	s2 =	spop (v2sf)  }
0x29c: {  	v7 =	vsel vm4, $0x1, v0;
	v9 =	vnsel vm3, $0x80000000, v9;
	(xrf0) =	vmax.scan.msk.u32 $0xffff, v6;
	p1 =	sgt.s32 s0, s28;
	s4 =	spop (v2sf)  }
0x29d: {  	s2 =	sadd.s32 s2, s3;
	(v2sf) =	vpush v11, $0xF;
	s29 =	spop (v2sf);
	v8, _, _ =	vpop (xrf0);
	(xrf0) =	vmax.scan.msk.u32 $0xffff, v9;
	s28 =	smov.u32 @p1 s0  }
0x29e: {  	s23 =	sadd.s32 s4, s2;
	(xrf0) =	vadd.scan.msk.s32 $0xffff, v7;
	(v2sf) =	vpush v8, $0xF;
	v6, _, _ =	vpop (xrf0);
	s0 =	spop (v2sf)  }
0x29f: {  	_ =	sdelay $0x7  }
0x2a0: {  	s2 =	spop (v2sf)  }
0x2a1: {  	s1 =	sadd.s32 s1, s2  }
0x2a2: {  	s14 =	spop (v2sf);
	v4 =	vadd.s32 s1, v4  }
0x2a3: {  	s1 =	sadd.s32 s14, s1;
	vm3 =	vlt.s32 v4, v2;
	v4 =	vxor.u32 $0x80000000, v4  }
0x2a4: {  	(v2sf) =	vpush v6, $0xF;
	v6, _, _ =	vpop (xrf0);
	v5 =	vadd.s32 s1, v5;
	v4 =	vnsel vm3, $0x80000000, v4  }
0x2a5: {  	(v2sf) =	vpush v6, $0xF;
	v6, _, _ =	vpop (xrf0);
	s15 =	spop (v2sf);
	vm4 =	vlt.s32 v5, v2;
	v5 =	vxor.u32 $0x80000000, v5  }
0x2a6: {  	s16 =	simm.s32 $0x1220;
	(v2sf) =	vpush v6, $0xF;
	s1 =	sadd.s32 s15, s1;
	v6 =	vsel vm3, $0x1, v0;
	v5 =	vnsel vm4, $0x80000000, v5;
	(xrf0) =	vmax.scan.msk.u32 $0xffff, v4  }
0x2a7: {  	v3 =	vadd.s32 s1, v3;
	v4, _, _ =	vpop (xrf0);
	(xrf0) =	vmax.scan.msk.u32 $0xffff, v5;
	v5 =	vld [tilespmem:s16+$0xFFFFFFE0]  }
0x2a8: {  	vm3 =	vlt.s32 v3, v2;
	v7, _, _ =	vpop (xrf0);
	(v2sf) =	vpush v4, $0xF;
	v4 =	vsel vm4, $0x1, v0;
	(xrf0) =	vadd.scan.msk.s32 $0xffff, v6  }
0x2a9: {  	v2 =	vld [tilespmem:s16+$0xFFFFFFF0];
	v3 =	vxor.u32 $0x80000000, v3;
	(v2sf) =	vpush v7, $0xF;
	v6, _, _ =	vpop (xrf0);
	v7 =	vsel vm3, $0x1, v0;
	(xrf0) =	vadd.scan.msk.s32 $0xffff, v4  }
0x2aa: {  	v3 =	vnsel vm3, $0x80000000, v3;
	(v2sf) =	vpush v6, $0xF;
	(xrf0) =	vadd.scan.msk.s32 $0xffff, v7;
	v6 =	vld [tilespmem:s16+$0x0]  }
0x2ab: {  	v4, _, _ =	vpop (xrf0);
	(xrf0) =	vmax.scan.msk.u32 $0xffff, v3;
	v3 =	vld [tilespmem:s16+$0x10]  }
0x2ac: {  	(v2sf) =	vpush v4, $0xF;
	v4, _, _ =	vpop (xrf0);
	(xrf0) =	vadd.scan.msk.s32 $0xffff, v5  }
0x2ad: {  	(v2sf) =	vpush v4, $0xF;
	v4, _, _ =	vpop (xrf0)  }
0x2ae: {  	(xrf0) =	vadd.scan.msk.s32 $0xffff, v2;
	v2, _, _ =	vpop (xrf0);
	(v2sf) =	vpush v4, $0xF  }
0x2af: {  	(v2sf) =	vpush v2, $0xF;
	v2, _, _ =	vpop (xrf0);
	(xrf0) =	vadd.scan.msk.s32 $0xffff, v6  }
0x2b0: {  	(v2sf) =	vpush v2, $0xF;
	v2, _, _ =	vpop (xrf0);
	(xrf0) =	vadd.scan.msk.s32 $0xffff, v3  }
0x2b1: {  	s17 =	spop (v2sf);
	(v2sf) =	vpush v2, $0xF;
	v2, _, _ =	vpop (xrf0)  }
0x2b2: {  	s2 =	spop (v2sf);
	(v2sf) =	vpush v2, $0xF;
	v3, _, _ =	vpop (xrf0)  }
0x2b3: {  	s15 =	spop (v2sf);
	(v2sf) =	vpush v3, $0xF  }
0x2b4: {  	s9 =	spop (v2sf);
	v4, _, _ =	vpop (xrf0)  }
0x2b5: {  	s7 =	spop (v2sf);
	(v2sf) =	vpush v4, $0xF;
	v5, _, _ =	vpop (xrf0)  }
0x2b6: {  	s3 =	spop (v2sf);
	(v2sf) =	vpush v5, $0xF;
	v6, _, _ =	vpop (xrf0)  }
0x2b7: {  	s6 =	spop (v2sf);
	(v2sf) =	vpush v6, $0xF;
	_ =	sdelay $0x1  }
0x2b8: {  	s4 =	spop (v2sf)  }
0x2b9: {  	s31 =	simm.s32 $0x0;
	s16 =	spop (v2sf)  }
0x2ba: {  	s13 =	simm.s32 $0x1260;
	s1 =	ssub.s32 $0x201, s21;
	s5 =	spop (v2sf)  }
0x2bb: {  	v7 =	vld [tilespmem:s13+$0xFFFFFFE0];
	v2 =	vmov s1;
	v3 =	vadd.s32 s31, v3;
	s14 =	spop (v2sf)  }
0x2bc: {  	v8 =	vxor.u32 $0x80000000, v3;
	vm3 =	vlt.s32 v3, v2;
	v3 =	vld [tilespmem:s13+$0xFFFFFFF0];
	s30 =	spop (v2sf)  }
0x2bd: {  	v8 =	vnsel vm3, $0x80000000, v8;
	s8 =	spop (v2sf)  }
0x2be: {  	v9 =	vsel vm3, $0x1, v0;
	(xrf0) =	vmax.scan.msk.u32 $0xffff, v8;
	s25 =	spop (v2sf)  }
0x2bf: {  	[dreg:$0x9] =	wrdreg s1;
	v8 =	vld [tilespmem:s13+$0x0];
	(xrf0) =	vadd.scan.msk.s32 $0xffff, v9;
	s1 =	spop (v2sf)  }
0x2c0: {  	v60 =	vld [tilespmem:s13+$0x10];
	(xrf0) =	vadd.scan.msk.s32 $0xffff, v7;
	s13 =	spop (v2sf)  }
0x2c1: {  	(xrf0) =	vadd.scan.msk.s32 $0xffff, v3;
	s17 =	spop (v2sf)  }
0x2c2: {  	s17 =	sadd.s32 $0x0, s17  }
0x2c3: {  	s21 =	spop (v2sf);
	v3 =	vadd.s32 s17, v4  }
0x2c4: {  	(xrf0) =	vadd.scan.msk.s32 $0xffff, v8;
	s17 =	sadd.s32 s21, s17;
	v4, _, _ =	vpop (xrf0);
	s21 =	spop (v2sf);
	vm3 =	vlt.s32 v3, v2;
	v3 =	vxor.u32 $0x80000000, v3  }
0x2c5: {  	(xrf0) =	vadd.scan.msk.s32 $0xffff, v60;
	v5 =	vadd.s32 s17, v5;
	v7, _, _ =	vpop (xrf0);
	(v2sf) =	vpush v4, $0xF;
	s21 =	sadd.s32 s21, s17;
	s17 =	spop (v2sf);
	v3 =	vnsel vm3, $0x80000000, v3  }
0x2c6: {  	vm12 =	vlt.s32 v5, v2;
	v5 =	vxor.u32 $0x80000000, v5;
	v4, _, _ =	vpop (xrf0);
	s17 =	sadd.s32 s17, s21;
	v6 =	vadd.s32 s21, v6  }
0x2c7: {  	v5 =	vnsel vm12, $0x80000000, v5;
	(xrf0) =	vmax.scan.msk.u32 $0xffff, v3;
	(v2sf) =	vpush v4, $0xF;
	v8 =	vadd.s32 s17, v4;
	v4, _, _ =	vpop (xrf0)  }
0x2c8: {  	v3 =	vsel vm3, $0x1, v0;
	(xrf0) =	vmax.scan.msk.u32 $0xffff, v5;
	v5 =	vsel vm12, $0x1, v0;
	(v2sf) =	vpush v4, $0xF  }
0x2c9: {  	s0 =	sxor.u32 $0x80000000, s0;
	vm13 =	vlt.s32 v6, v2;
	(xrf0) =	vadd.scan.msk.s32 $0xffff, v3  }
0x2ca: {  	p0 =	sgt.s32 s28, s0;
	v3 =	vxor.u32 $0x80000000, v8;
	v61, _, _ =	vpop (xrf0);
	vm3 =	vlt.s32 v8, v2;
	v8 =	vsel vm13, $0x1, v0;
	(xrf0) =	vadd.scan.msk.s32 $0xffff, v5  }
0x2cb: {  	s0 =	smov.u32 @p0 s28;
	s21 =	sxor.u32 $0x80000000, s29;
	v6 =	vxor.u32 $0x80000000, v6;
	(v2sf) =	vpush v61, $0xF;
	v3 =	vnsel vm3, $0x80000000, v3;
	v5, _, _ =	vpop (xrf0);
	(xrf0) =	vadd.scan.msk.s32 $0xffff, v8  }
0x2cc: {  	p0 =	sgt.s32 s0, s21;
	(v2sf) =	vpush v5, $0xF;
	(xrf0) =	vmax.scan.msk.u32 $0xffff, v3;
	v3 =	vnsel vm13, $0x80000000, v6  }
0x2cd: {  	s21 =	smov.u32 @p0 s0;
	s0 =	sxor.u32 $0x80000000, s15  }
0x2ce: {  	p0 =	sgt.s32 s21, s0;
	(v2sf) =	vpush v7, $0xF;
	v6, _, _ =	vpop (xrf0);
	(xrf0) =	vmax.scan.msk.u32 $0xffff, v3  }
0x2cf: {  	s9 =	sxor.u32 $0x80000000, s9;
	s0 =	smov.u32 @p0 s21;
	(v2sf) =	vpush v6, $0xF;
	v3, _, _ =	vpop (xrf0)  }
0x2d0: {  	s29 =	simm.s32 $0x12A0;
	p0 =	sgt.s32 s0, s9;
	v6, _, _ =	vpop (xrf0);
	(v2sf) =	vpush v3, $0xF  }
0x2d1: {  	s2 =	sadd.s32 s23, s2;
	s9 =	smov.u32 @p0 s0;
	s0 =	sxor.u32 $0x80000000, s16;
	(v2sf) =	vpush v6, $0xF;
	v3, _, _ =	vpop (xrf0);
	v6 =	vld [tilespmem:s29+$0xFFFFFFE0]  }
0x2d2: {  	s2 =	sadd.s32 s7, s2;
	p0 =	sgt.s32 s9, s0;
	(v2sf) =	vpush v3, $0xF;
	v3, _, _ =	vpop (xrf0)  }
0x2d3: {  	s2 =	sadd.s32 s3, s2;
	s3 =	sxor.u32 $0x80000000, s4;
	s0 =	smov.u32 @p0 s9;
	v7, _, _ =	vpop (xrf0);
	(v2sf) =	vpush v3, $0xF;
	v3 =	vld [tilespmem:s29+$0xFFFFFFF0]  }
0x2d4: {  	s2 =	sadd.s32 s6, s2;
	v10 =	vld [tilespmem:s29+$0x0];
	v8 =	vsel vm3, $0x1, v0;
	p0 =	sgt.s32 s0, s3;
	(v2sf) =	vpush v7, $0xF;
	v7, _, _ =	vpop (xrf0)  }
0x2d5: {  	s3 =	smov.u32 @p0 s0;
	s0 =	sxor.u32 $0x80000000, s14;
	(xrf0) =	vadd.scan.msk.s32 $0xffff, v8;
	s23 =	spop (v2sf);
	(v2sf) =	vpush v7, $0xF;
	v7 =	vld [tilespmem:s29+$0x10]  }
0x2d6: {  	s2 =	sadd.s32 s2, s5;
	p0 =	sgt.s32 s3, s0;
	(xrf0) =	vadd.scan.msk.s32 $0xffff, v6;
	s6 =	spop (v2sf)  }
0x2d7: {  	s0 =	smov.u32 @p0 s3;
	s3 =	sadd.s32 s17, s6;
	s7 =	spop (v2sf)  }
0x2d8: {  	s2 =	sadd.s32 s8, s2;
	(xrf0) =	vadd.scan.msk.s32 $0xffff, v3;
	s8 =	sadd.s32 s7, s3  }
0x2d9: {  	s5 =	sxor.u32 $0x80000000, s30;
	s2 =	sadd.s32 s25, s2;
	v3 =	vadd.s32 s3, v4;
	(xrf0) =	vadd.scan.msk.s32 $0xffff, v10;
	v4 =	vadd.s32 s8, v61  }
0x2da: {  	s25 =	sxor.u32 $0x80000000, s13;
	p0 =	sgt.s32 s0, s5;
	s9 =	spop (v2sf);
	(xrf0) =	vadd.scan.msk.s32 $0xffff, v7;
	vm14 =	vlt.s32 v4, v2;
	v4 =	vxor.u32 $0x80000000, v4  }
0x2db: {  	s5 =	smov.u32 @p0 s0;
	vm3 =	vlt.s32 v3, v2;
	v3 =	vxor.u32 $0x80000000, v3;
	v6, _, _ =	vpop (xrf0);
	s0 =	sadd.s32 s9, s8;
	s13 =	spop (v2sf);
	v4 =	vnsel vm14, $0x80000000, v4  }
0x2dc: {  	s28 =	sadd.s32 s1, s2;
	v3 =	vnsel vm3, $0x80000000, v3;
	s30 =	sadd.s32 s13, s0;
	v7, _, _ =	vpop (xrf0)  }
0x2dd: {  	p0 =	sgt.s32 s5, s25;
	s3 =	sxor.u32 $0x80000000, s23;
	(xrf0) =	vmax.scan.msk.u32 $0xffff, v3;
	v62 =	vadd.s32 s0, v5;
	s14 =	spop (v2sf);
	v3 =	vadd.s32 s30, v7  }
0x2de: {  	s25 =	smov.u32 @p0 s5;
	v8 =	vsel vm3, $0x1, v0;
	p0 =	slt.s32 s3, $0x0;
	vm3 =	vlt.s32 v62, v2;
	(v2sf) =	vpush v7, $0xF;
	(xrf0) =	vmax.scan.msk.u32 $0xffff, v4;
	s15 =	spop (v2sf);
	v4, _, _ =	vpop (xrf0)  }
0x2df: {  	s1 =	simm.s32 $0x8;
	s3 =	smov.u32 @p0 s31;
	v7 =	vsel vm14, $0x1, v0;
	v63 =	vxor.u32 $0x80000000, v3;
	(xrf0) =	vadd.scan.msk.s32 $0xffff, v8;
	s16 =	spop (v2sf);
	(v2sf) =	vpush v4, $0xF;
	v5, _, _ =	vpop (xrf0)  }
0x2e0: {  	s2 =	sadd.s32 $0x0, s14;
	s5 =	sxor.u32 $0x80000000, s15;
	vm15 =	vlt.s32 v3, v2;
	v8 =	vsel vm3, $0x1, v0;
	(xrf0) =	vadd.scan.msk.s32 $0xffff, v7;
	s17 =	spop (v2sf);
	(v2sf) =	vpush v5, $0xF;
	v3, _, _ =	vpop (xrf0)  }
0x2e1: {  	v9 =	vxor.u32 $0x80000000, v62;
	p0 =	sgt.s32 s3, s5;
	v7 =	vnsel vm15, $0x80000000, v63;
	s31 =	sxor.u32 $0x80000000, s16;
	(xrf0) =	vadd.scan.msk.s32 $0xffff, v8;
	s21 =	spop (v2sf);
	(v2sf) =	vpush v3, $0xF  }
0x2e2: {  	s5 =	smov.u32 @p0 s3;
	s2 =	sadd.s32 s17, s2;
	(xrf0) =	vmax.scan.msk.u32 $0xffff, v7;
	v7 =	vnsel vm3, $0x80000000, v9;
	s23 =	spop (v2sf)  }
0x2e3: {  	v8 =	vsel vm15, $0x1, v0;
	p0 =	sgt.s32 s5, s31;
	s2 =	sadd.s32 s21, s2;
	(v2sf) =	vpush v6, $0xF;
	s0 =	spop (v2sf);
	v6, _, _ =	vpop (xrf0);
	(xrf0) =	vmax.scan.msk.u32 $0xffff, v7  }
0x2e4: {  	s31 =	smov.u32 @p0 s5;
	s23 =	sadd.s32 s23, s2;
	(xrf0) =	vadd.scan.msk.s32 $0xffff, v8;
	(v2sf) =	vpush v6, $0xF;
	v6, _, _ =	vpop (xrf0);
	s2 =	spop (v2sf)  }
.LBB2_27:
0x2e5: {  	s1 =	sadd.s32 $0x4, s1;
	s0 =	sxor.u32 $0x80000000, s0;
	v7, _, _ =	vpop (xrf0);
	(v2sf) =	vpush v6, $0xF;
	s2 =	sxor.u32 $0x80000000, s2  }
0x2e6: {  	s29 =	sadd.s32 $0x40, s29;
	p0 =	slt.u32 s1, $0xC;
	(v2sf) =	vpush v7, $0xF;
	v6, _, _ =	vpop (xrf0);
	p1 =	sgt.s32 s31, s2  }
0x2e7: {  	v7 =	vld [tilespmem:s29+$0xFFFFFFE0];
	(v2sf) =	vpush v6, $0xF;
	v6, _, _ =	vpop (xrf0);
	s2 =	smov.u32 @p1 s31  }
0x2e8: {  	v8 =	vld [tilespmem:s29+$0xFFFFFFF0];
	v9, _, _ =	vpop (xrf0);
	p1 =	sgt.s32 s2, s0;
	(v2sf) =	vpush v6, $0xF  }
0x2e9: {  	v6 =	vld [tilespmem:s29+$0x0];
	(v2sf) =	vpush v9, $0xF;
	v9, _, _ =	vpop (xrf0)  }
0x2ea: {  	v10 =	vld [tilespmem:s29+$0x10];
	v11, _, _ =	vpop (xrf0);
	(v2sf) =	vpush v9, $0xF;
	_ =	sdelay $0x1  }
0x2eb: {  	(xrf0) =	vadd.scan.msk.s32 $0xffff, v7  }
0x2ec: {  	(xrf0) =	vadd.scan.msk.s32 $0xffff, v8;
	s3 =	spop (v2sf)  }
0x2ed: {  	(xrf0) =	vadd.scan.msk.s32 $0xffff, v6;
	s3 =	sadd.s32 s30, s3;
	s4 =	spop (v2sf)  }
0x2ee: {  	(xrf0) =	vadd.scan.msk.s32 $0xffff, v10;
	v4 =	vadd.s32 s3, v4;
	s3 =	sadd.s32 s4, s3;
	s4 =	spop (v2sf)  }
0x2ef: {  	vm3 =	vlt.s32 v4, v2;
	v4 =	vxor.u32 $0x80000000, v4;
	v5 =	vadd.s32 s3, v5;
	s3 =	sadd.s32 s4, s3;
	s4 =	spop (v2sf)  }
0x2f0: {  	v9 =	vnsel vm3, $0x80000000, v4;
	vm4 =	vlt.s32 v5, v2;
	v5 =	vxor.u32 $0x80000000, v5;
	s30 =	sadd.s32 s4, s3  }
0x2f1: {  	v7 =	vsel vm3, $0x1, v0;
	v8 =	vadd.s32 s3, v3;
	v6, _, _ =	vpop (xrf0);
	v10 =	vnsel vm4, $0x80000000, v5;
	(xrf0) =	vmax.scan.msk.u32 $0xffff, v9;
	s3 =	spop (v2sf)  }
0x2f2: {  	s4 =	spop (v2sf)  }
0x2f3: {  	s0 =	smov.u32 @p1 s2;
	v12 =	vadd.s32 s30, v6;
	(v2sf) =	vpush v6, $0xF;
	v4, _, _ =	vpop (xrf0);
	v6 =	vsel vm4, $0x1, v0;
	(xrf0) =	vmax.scan.msk.u32 $0xffff, v10;
	s3 =	sadd.s32 s23, s3;
	s2 =	sxor.u32 $0x80000000, s4  }
0x2f4: {  	vm3 =	vlt.s32 v8, v2;
	v9 =	vxor.u32 $0x80000000, v12;
	(v2sf) =	vpush v4, $0xF;
	v5, _, _ =	vpop (xrf0);
	(xrf0) =	vadd.scan.msk.s32 $0xffff, v7;
	s4 =	spop (v2sf);
	p1 =	sgt.s32 s0, s2  }
.Ltmp14:
0x2f5: {  	vm4 =	vlt.s32 v12, v2;
	v7 =	vsel vm3, $0x1, v0;
	(v2sf) =	vpush v5, $0xF;
	v3, _, _ =	vpop (xrf0);
	(xrf0) =	vadd.scan.msk.s32 $0xffff, v6;
	s31 =	sxor.u32 $0x80000000, s4;
	s4 =	spop (v2sf);
	(pc) =	sbr.rel @p0 .LBB2_27-.Ltmp14, $4  }
0x2f6: {  	v6 =	vnsel vm4, $0x80000000, v9;
	v9 =	vxor.u32 $0x80000000, v8;
	(v2sf) =	vpush v3, $0xF;
	(xrf0) =	vadd.scan.msk.s32 $0xffff, v7;
	s3 =	sadd.s32 s4, s3;
	s2 =	smov.u32 @p1 s0;
	s4 =	spop (v2sf)  }
0x2f7: {  	v7 =	vsel vm4, $0x1, v0;
	v9 =	vnsel vm3, $0x80000000, v9;
	(xrf0) =	vmax.scan.msk.u32 $0xffff, v6;
	p1 =	sgt.s32 s2, s31;
	s5 =	spop (v2sf)  }
0x2f8: {  	s3 =	sadd.s32 s4, s3;
	(v2sf) =	vpush v11, $0xF;
	s0 =	spop (v2sf);
	v8, _, _ =	vpop (xrf0);
	(xrf0) =	vmax.scan.msk.u32 $0xffff, v9;
	s31 =	smov.u32 @p1 s2  }
0x2f9: {  	s23 =	sadd.s32 s5, s3;
	(xrf0) =	vadd.scan.msk.s32 $0xffff, v7;
	(v2sf) =	vpush v8, $0xF;
	v6, _, _ =	vpop (xrf0);
	s2 =	spop (v2sf)  }
0x2fa: {  	[tilespmem:$0x1000] =	vst v0  }
0x2fb: {  	[tilespmem:$0x1100] =	vst v0  }
0x2fc: {  	[tilespmem:$0x1200] =	vst v0  }
0x2fd: {  	[tilespmem:$0x1010] =	vst v0  }
0x2fe: {  	[tilespmem:$0x1110] =	vst v0  }
0x2ff: {  	[tilespmem:$0x1210] =	vst v0  }
0x300: {  	[tilespmem:$0x1020] =	vst v0  }
0x301: {  	[tilespmem:$0x1120] =	vst v0  }
0x302: {  	[tilespmem:$0x1220] =	vst v0  }
0x303: {  	[tilespmem:$0x1030] =	vst v0  }
0x304: {  	[tilespmem:$0x1130] =	vst v0  }
0x305: {  	[tilespmem:$0x1230] =	vst v0  }
0x306: {  	[tilespmem:$0x1040] =	vst v0  }
0x307: {  	[tilespmem:$0x1140] =	vst v0  }
0x308: {  	v7, _, _ =	vpop (xrf0);
	(v2sf) =	vpush v6, $0xF;
	[tilespmem:$0x1240] =	vst v0;
	s1 =	spop (v2sf)  }
0x309: {  	[tilespmem:$0x1050] =	vst v0;
	(v2sf) =	vpush v7, $0xF;
	v6, _, _ =	vpop (xrf0);
	s1 =	sadd.s32 s30, s1;
	s3 =	spop (v2sf)  }
0x30a: {  	[tilespmem:$0x1150] =	vst v0;
	(v2sf) =	vpush v6, $0xF;
	v4 =	vadd.s32 s1, v4;
	s1 =	sadd.s32 s3, s1  }
0x30b: {  	[tilespmem:$0x1250] =	vst v0;
	vm3 =	vlt.s32 v4, v2;
	v4 =	vxor.u32 $0x80000000, v4;
	v5 =	vadd.s32 s1, v5  }
0x30c: {  	[tilespmem:$0x1060] =	vst v0;
	v6, _, _ =	vpop (xrf0);
	s21 =	spop (v2sf);
	v4 =	vnsel vm3, $0x80000000, v4;
	vm4 =	vlt.s32 v5, v2;
	v5 =	vxor.u32 $0x80000000, v5  }
0x30d: {  	[tilespmem:$0x1160] =	vst v0;
	(v2sf) =	vpush v6, $0xF;
	v6, _, _ =	vpop (xrf0);
	s1 =	sadd.s32 s21, s1;
	v5 =	vnsel vm4, $0x80000000, v5;
	(xrf0) =	vmax.scan.msk.u32 $0xffff, v4  }
0x30e: {  	(v2sf) =	vpush v6, $0xF;
	v3 =	vadd.s32 s1, v3;
	v4 =	vsel vm3, $0x1, v0;
	(xrf0) =	vmax.scan.msk.u32 $0xffff, v5  }
0x30f: {  	vm3 =	vlt.s32 v3, v2;
	v2, _, _ =	vpop (xrf0);
	v3 =	vxor.u32 $0x80000000, v3;
	v5 =	vsel vm4, $0x1, v0;
	(xrf0) =	vadd.scan.msk.s32 $0xffff, v4  }
0x310: {  	(v2sf) =	vpush v2, $0xF;
	v2 =	vnsel vm3, $0x80000000, v3;
	v4 =	vsel vm3, $0x1, v0;
	(xrf0) =	vadd.scan.msk.s32 $0xffff, v5  }
0x311: {  	[tilespmem:$0x1260] =	vst v0;
	(xrf0) =	vadd.scan.msk.s32 $0xffff, v4  }
0x312: {  	[tilespmem:$0x1070] =	vst v0;
	v3, _, _ =	vpop (xrf0);
	(xrf0) =	vmax.scan.msk.u32 $0xffff, v2  }
0x313: {  	[tilespmem:$0x1170] =	vst v0;
	(v2sf) =	vpush v3, $0xF;
	v2, _, _ =	vpop (xrf0)  }
0x314: {  	[tilespmem:$0x1270] =	vst v0;
	(v2sf) =	vpush v2, $0xF;
	v2, _, _ =	vpop (xrf0)  }
0x315: {  	[tilespmem:$0x1080] =	vst v0;
	v3, _, _ =	vpop (xrf0);
	(v2sf) =	vpush v2, $0xF  }
0x316: {  	[tilespmem:$0x1180] =	vst v0;
	(v2sf) =	vpush v3, $0xF;
	v2, _, _ =	vpop (xrf0)  }
0x317: {  	[tilespmem:$0x1280] =	vst v0;
	s29 =	spop (v2sf);
	(v2sf) =	vpush v2, $0xF;
	v2, _, _ =	vpop (xrf0)  }
0x318: {  	[tilespmem:$0x1090] =	vst v0;
	s1 =	sxor.u32 $0x80000000, s2;
	s30 =	spop (v2sf);
	(v2sf) =	vpush v2, $0xF;
	v2, _, _ =	vpop (xrf0)  }
0x319: {  	[tilespmem:$0x1190] =	vst v0;
	p0 =	sgt.s32 s31, s1;
	s7 =	spop (v2sf);
	(v2sf) =	vpush v2, $0xF  }
0x31a: {  	s0 =	sxor.u32 $0x80000000, s0;
	[tilespmem:$0x1290] =	vst v0;
	s1 =	smov.u32 @p0 s31;
	s4 =	spop (v2sf)  }
0x31b: {  	[tilespmem:$0x10A0] =	vst v0;
	s29 =	sshll.u32 s18, $0x8;
	p0 =	sgt.s32 s1, s0;
	s5 =	spop (v2sf)  }
0x31c: {  	[tilespmem:$0x11A0] =	vst v0;
	s0 =	smov.u32 @p0 s1;
	s1 =	sxor.u32 $0x80000000, s7;
	s8 =	spop (v2sf)  }
0x31d: {  	[tilespmem:$0x12A0] =	vst v0;
	s2 =	sadd.s32 s23, s30;
	p0 =	sgt.s32 s0, s1;
	s6 =	spop (v2sf)  }
0x31e: {  	[tilespmem:$0x10B0] =	vst v0;
	s4 =	sxor.u32 $0x80000000, s4;
	s1 =	smov.u32 @p0 s0;
	s9 =	spop (v2sf)  }
0x31f: {  	[tilespmem:$0x11B0] =	vst v0;
	s30 =	rddreg [dreg:$0x8];
	p0 =	sgt.s32 s1, s4;
	s7 =	spop (v2sf)  }
0x320: {  	[tilespmem:$0x12B0] =	vst v0;
	s2 =	sadd.s32 s5, s2;
	s4 =	smov.u32 @p0 s1;
	s1 =	sxor.u32 $0x80000000, s7  }
0x321: {  	[tilespmem:$0x10C0] =	vst v0;
	s31 =	sshll.u32 s22, $0x8;
	s2 =	sadd.s32 s8, s2;
	p0 =	sgt.s32 s4, s1  }
0x322: {  	[tilespmem:$0x11C0] =	vst v0;
	s0 =	sxor.u32 $0x80000000, s9;
	s13 =	spop (v2sf);
	s1 =	smov.u32 @p0 s4  }
0x323: {  	[tilespmem:$0x12C0] =	vst v0;
	s2 =	sadd.s32 s6, s2;
	p0 =	sgt.s32 s1, s0;
	s14 =	spop (v2sf)  }
0x324: {  	[tilespmem:$0x10D0] =	vst v0;
	s0 =	smov.u32 @p0 s1;
	s15 =	spop (v2sf);
	s1 =	sxor.u32 $0x80000000, s14  }
0x325: {  	[tilespmem:$0x11D0] =	vst v0;
	s2 =	sadd.s32 s2, s13;
	s16 =	spop (v2sf);
	p0 =	sgt.s32 s0, s1  }
0x326: {  	[tilespmem:$0x12D0] =	vst v0;
	s5 =	sxor.u32 $0x80000000, s15;
	s17 =	spop (v2sf);
	s1 =	smov.u32 @p0 s0  }
0x327: {  	[tilespmem:$0x10E0] =	vst v0;
	s2 =	sadd.s32 s16, s2;
	s21 =	spop (v2sf);
	p0 =	sgt.s32 s1, s5  }
0x328: {  	[tilespmem:$0x11E0] =	vst v0;
	s2 =	sadd.s32 s17, s2;
	s23 =	spop (v2sf);
	s5 =	smov.u32 @p0 s1  }
0x329: {  	[tilespmem:$0x12E0] =	vst v0;
	s0 =	sadd.s32 s21, s2;
	s2 =	sshll.u32 s30, $0x8;
	s1 =	sor.u32 s29, s26  }
0x32a: {  	[tilespmem:$0x10F0] =	vst v0;
	s23 =	sxor.u32 $0x80000000, s23;
	s2 =	sor.u32 s2, s28;
	s22 =	sor.u32 s31, s0  }
0x32b: {  	[tilespmem:$0x11F0] =	vst v0;
	[dreg:$0xa] =	wrdreg s1;
	s0 =	simm.s32 $0xFFFFFFF8;
	p0 =	sgt.s32 s5, s23  }
0x32c: {  	[tilespmem:$0x12F0] =	vst v0;
	v2 =	vmov s1;
	s1 =	simm.s32 $0x40;
	[dreg:$0xb] =	wrdreg s2;
	v3 =	vmov s2;
	v4 =	vmov s22;
	s23 =	smov.u32 @p0 s5  }
.LBB2_29:
0x32d: {  	v5 =	vld [tilespmem:s1+$0xFFFFFFC0];
	_ =	sdelay $0x4  }
0x32e: {  	v6 =	vshrl.u32 v5, $0xF  }
0x32f: {  	v5 =	vshrl.u32 v5, $0x7;
	vm3 =	veq.s32 v6, v2  }
0x330: {  	v5 =	vand.u32 $0xFF, v5;
	vm4 =	veq.s32 v6, v3  }
0x331: {  	vm5 =	veq.s32 v6, v4;
	_ =	sdelay $0x3  }
0x332: {  	[tilespmem:v5+s10+$0x0] =	vst.idx.add.s32.msk vm3, v1  }
0x333: {  	[tilespmem:v5+s11+$0x0] =	vst.idx.add.s32.msk vm4, v1  }
0x334: {  	[tilespmem:v5+s12+$0x0] =	vst.idx.add.s32.msk vm5, v1  }
0x335: {  	v5 =	vld [tilespmem:s1+$0xFFFFFFD0];
	_ =	sdelay $0x4  }
0x336: {  	v6 =	vshrl.u32 v5, $0xF  }
0x337: {  	v5 =	vshrl.u32 v5, $0x7;
	vm3 =	veq.s32 v6, v2  }
0x338: {  	v5 =	vand.u32 $0xFF, v5;
	vm10 =	veq.s32 v6, v3  }
0x339: {  	vm11 =	veq.s32 v6, v4;
	_ =	sdelay $0x3  }
0x33a: {  	[tilespmem:v5+s10+$0x0] =	vst.idx.add.s32.msk vm3, v1  }
0x33b: {  	[tilespmem:v5+s11+$0x0] =	vst.idx.add.s32.msk vm10, v1  }
0x33c: {  	[tilespmem:v5+s12+$0x0] =	vst.idx.add.s32.msk vm11, v1  }
0x33d: {  	v5 =	vld [tilespmem:s1+$0xFFFFFFE0];
	_ =	sdelay $0x4  }
0x33e: {  	v6 =	vshrl.u32 v5, $0xF  }
0x33f: {  	v5 =	vshrl.u32 v5, $0x7;
	vm3 =	veq.s32 v6, v2  }
0x340: {  	v5 =	vand.u32 $0xFF, v5;
	vm12 =	veq.s32 v6, v3  }
0x341: {  	vm13 =	veq.s32 v6, v4;
	_ =	sdelay $0x3  }
0x342: {  	[tilespmem:v5+s10+$0x0] =	vst.idx.add.s32.msk vm3, v1  }
0x343: {  	[tilespmem:v5+s11+$0x0] =	vst.idx.add.s32.msk vm12, v1  }
0x344: {  	[tilespmem:v5+s12+$0x0] =	vst.idx.add.s32.msk vm13, v1  }
0x345: {  	v5 =	vld [tilespmem:s1+$0xFFFFFFF0];
	_ =	sdelay $0x4  }
0x346: {  	v6 =	vshrl.u32 v5, $0xF  }
0x347: {  	v5 =	vshrl.u32 v5, $0x7;
	vm3 =	veq.s32 v6, v2  }
0x348: {  	v5 =	vand.u32 $0xFF, v5;
	vm14 =	veq.s32 v6, v3  }
0x349: {  	vm15 =	veq.s32 v6, v4;
	_ =	sdelay $0x3  }
0x34a: {  	[tilespmem:v5+s10+$0x0] =	vst.idx.add.s32.msk vm3, v1  }
0x34b: {  	[tilespmem:v5+s11+$0x0] =	vst.idx.add.s32.msk vm14, v1  }
0x34c: {  	[tilespmem:v5+s12+$0x0] =	vst.idx.add.s32.msk vm15, v1  }
0x34d: {  	v5 =	vld [tilespmem:s1+$0x0];
	_ =	sdelay $0x4  }
0x34e: {  	v6 =	vshrl.u32 v5, $0xF  }
0x34f: {  	v5 =	vshrl.u32 v5, $0x7;
	vm3 =	veq.s32 v6, v2  }
0x350: {  	v5 =	vand.u32 $0xFF, v5;
	vm8 =	veq.s32 v6, v3  }
0x351: {  	vm9 =	veq.s32 v6, v4;
	_ =	sdelay $0x3  }
0x352: {  	[tilespmem:v5+s10+$0x0] =	vst.idx.add.s32.msk vm3, v1  }
0x353: {  	[tilespmem:v5+s11+$0x0] =	vst.idx.add.s32.msk vm8, v1  }
0x354: {  	[tilespmem:v5+s12+$0x0] =	vst.idx.add.s32.msk vm9, v1  }
0x355: {  	v5 =	vld [tilespmem:s1+$0x10];
	_ =	sdelay $0x4  }
0x356: {  	v6 =	vshrl.u32 v5, $0xF  }
0x357: {  	v5 =	vshrl.u32 v5, $0x7;
	vm3 =	veq.s32 v6, v2  }
0x358: {  	v5 =	vand.u32 $0xFF, v5;
	vm10 =	veq.s32 v6, v3  }
0x359: {  	vm11 =	veq.s32 v6, v4;
	_ =	sdelay $0x3  }
0x35a: {  	[tilespmem:v5+s10+$0x0] =	vst.idx.add.s32.msk vm3, v1  }
0x35b: {  	[tilespmem:v5+s11+$0x0] =	vst.idx.add.s32.msk vm10, v1  }
0x35c: {  	[tilespmem:v5+s12+$0x0] =	vst.idx.add.s32.msk vm11, v1  }
0x35d: {  	v5 =	vld [tilespmem:s1+$0x20];
	_ =	sdelay $0x4  }
0x35e: {  	v6 =	vshrl.u32 v5, $0xF  }
0x35f: {  	v5 =	vshrl.u32 v5, $0x7;
	vm3 =	veq.s32 v6, v2  }
0x360: {  	v5 =	vand.u32 $0xFF, v5;
	vm12 =	veq.s32 v6, v3  }
0x361: {  	vm13 =	veq.s32 v6, v4;
	_ =	sdelay $0x3  }
0x362: {  	[tilespmem:v5+s10+$0x0] =	vst.idx.add.s32.msk vm3, v1  }
0x363: {  	[tilespmem:v5+s11+$0x0] =	vst.idx.add.s32.msk vm12, v1  }
0x364: {  	[tilespmem:v5+s12+$0x0] =	vst.idx.add.s32.msk vm13, v1  }
0x365: {  	v5 =	vld [tilespmem:s1+$0x30];
	_ =	sdelay $0x4  }
0x366: {  	v6 =	vshrl.u32 v5, $0xF  }
0x367: {  	v5 =	vshrl.u32 v5, $0x7;
	vm3 =	veq.s32 v6, v2  }
0x368: {  	v5 =	vand.u32 $0xFF, v5;
	vm14 =	veq.s32 v6, v3  }
0x369: {  	s0 =	sadd.s32 $0x8, s0;
	vm15 =	veq.s32 v6, v4  }
0x36a: {  	p0 =	slt.u32 s0, $0xF8  }
.Ltmp15:
0x36b: {  	_ = 	snop;
	(pc) =	sbr.rel @p0 .LBB2_29-.Ltmp15, $4  }
0x36c: {  	_ = 	snop  }
0x36d: {  	[tilespmem:v5+s10+$0x0] =	vst.idx.add.s32.msk vm3, v1  }
0x36e: {  	[tilespmem:v5+s11+$0x0] =	vst.idx.add.s32.msk vm14, v1  }
0x36f: {  	s1 =	sadd.s32 $0x80, s1;
	[tilespmem:v5+s12+$0x0] =	vst.idx.add.s32.msk vm15, v1  }
0x370: {  	s1 =	simm.s32 $0x1020  }
0x371: {  	v3 =	vld [tilespmem:s1+$0xFFFFFFE0]  }
0x372: {  	v4 =	vld [tilespmem:s1+$0xFFFFFFF0];
	_ =	sdelay $0x1  }
0x373: {  	v5 =	vld [tilespmem:s1+$0x0]  }
0x374: {  	v6 =	vld [tilespmem:s1+$0x10]  }
0x375: {  	(xrf0) =	vadd.scan.msk.s32 $0xffff, v3  }
0x376: {  	(xrf0) =	vadd.scan.msk.s32 $0xffff, v4;
	_ =	sdelay $0x1  }
0x377: {  	(xrf0) =	vadd.scan.msk.s32 $0xffff, v5  }
0x378: {  	(xrf0) =	vadd.scan.msk.s32 $0xffff, v6;
	_ =	sdelay $0x1  }
0x379: {  	v3, _, _ =	vpop (xrf0)  }
0x37a: {  	(v2sf) =	vpush v3, $0xF;
	v4, _, _ =	vpop (xrf0)  }
0x37b: {  	(v2sf) =	vpush v4, $0xF  }
0x37c: {  	v5, _, _ =	vpop (xrf0)  }
0x37d: {  	(v2sf) =	vpush v5, $0xF;
	v6, _, _ =	vpop (xrf0)  }
0x37e: {  	(v2sf) =	vpush v6, $0xF;
	_ =	sdelay $0x3  }
0x37f: {  	s20 =	ssub.s32 s20, s24;
	s0 =	simm.s32 $0x0;
	s7 =	simm.s32 $0x1060  }
0x380: {  	v2 =	vmov s20;
	v7 =	vld [tilespmem:s7+$0xFFFFFFE0];
	v3 =	vadd.s32 s0, v3  }
0x381: {  	v8 =	vxor.u32 $0x80000000, v3;
	vm3 =	vlt.s32 v3, v2;
	v3 =	vld [tilespmem:s7+$0xFFFFFFF0]  }
0x382: {  	v8 =	vnsel vm3, $0x80000000, v8  }
0x383: {  	v9 =	vsel vm3, $0x1, v0;
	(xrf0) =	vmax.scan.msk.u32 $0xffff, v8  }
0x384: {  	v8 =	vld [tilespmem:s7+$0x0];
	(xrf0) =	vadd.scan.msk.s32 $0xffff, v9  }
0x385: {  	v60 =	vld [tilespmem:s7+$0x10];
	(xrf0) =	vadd.scan.msk.s32 $0xffff, v7  }
0x386: {  	(xrf0) =	vadd.scan.msk.s32 $0xffff, v3;
	s8 =	spop (v2sf)  }
0x387: {  	s1 =	sadd.s32 $0x0, s8;
	s2 =	spop (v2sf)  }
0x388: {  	v3 =	vadd.s32 s1, v4;
	s1 =	sadd.s32 s2, s1  }
0x389: {  	(xrf0) =	vadd.scan.msk.s32 $0xffff, v8;
	v4, _, _ =	vpop (xrf0);
	s9 =	spop (v2sf);
	vm3 =	vlt.s32 v3, v2;
	v5 =	vadd.s32 s1, v5  }
0x38a: {  	(xrf0) =	vadd.scan.msk.s32 $0xffff, v60;
	v3 =	vxor.u32 $0x80000000, v3;
	v7, _, _ =	vpop (xrf0);
	s1 =	sadd.s32 s9, s1;
	s13 =	spop (v2sf);
	vm4 =	vlt.s32 v5, v2;
	v5 =	vxor.u32 $0x80000000, v5  }
0x38b: {  	(v2sf) =	vpush v4, $0xF;
	v3 =	vnsel vm3, $0x80000000, v3;
	s2 =	sadd.s32 s13, s1;
	v4, _, _ =	vpop (xrf0);
	v5 =	vnsel vm4, $0x80000000, v5  }
0x38c: {  	(xrf0) =	vmax.scan.msk.u32 $0xffff, v3;
	v3 =	vadd.s32 s1, v6;
	v6 =	vadd.s32 s2, v4;
	(v2sf) =	vpush v4, $0xF;
	v4, _, _ =	vpop (xrf0)  }
0x38d: {  	(xrf0) =	vmax.scan.msk.u32 $0xffff, v5;
	v5 =	vsel vm4, $0x1, v0;
	(v2sf) =	vpush v4, $0xF  }
0x38e: {  	v8 =	vsel vm3, $0x1, v0  }
0x38f: {  	vm3 =	vlt.s32 v3, v2;
	v61, _, _ =	vpop (xrf0);
	vm13 =	vlt.s32 v6, v2;
	v3 =	vxor.u32 $0x80000000, v3;
	(xrf0) =	vadd.scan.msk.s32 $0xffff, v8  }
0x390: {  	v8 =	vxor.u32 $0x80000000, v6;
	v6 =	vsel vm3, $0x1, v0;
	(v2sf) =	vpush v61, $0xF;
	(xrf0) =	vadd.scan.msk.s32 $0xffff, v5;
	v5, _, _ =	vpop (xrf0)  }
0x391: {  	v3 =	vnsel vm3, $0x80000000, v3;
	v8 =	vnsel vm13, $0x80000000, v8;
	(xrf0) =	vadd.scan.msk.s32 $0xffff, v6;
	(v2sf) =	vpush v5, $0xF  }
0x392: {  	(xrf0) =	vmax.scan.msk.u32 $0xffff, v8  }
0x393: {  	(v2sf) =	vpush v7, $0xF;
	v6, _, _ =	vpop (xrf0);
	(xrf0) =	vmax.scan.msk.u32 $0xffff, v3  }
0x394: {  	(v2sf) =	vpush v6, $0xF;
	v3, _, _ =	vpop (xrf0)  }
0x395: {  	s28 =	simm.s32 $0x10A0;
	v6, _, _ =	vpop (xrf0);
	(v2sf) =	vpush v3, $0xF  }
0x396: {  	(v2sf) =	vpush v6, $0xF;
	v3, _, _ =	vpop (xrf0);
	v6 =	vld [tilespmem:s28+$0xFFFFFFE0]  }
0x397: {  	(v2sf) =	vpush v3, $0xF;
	v3, _, _ =	vpop (xrf0)  }
0x398: {  	v7, _, _ =	vpop (xrf0);
	(v2sf) =	vpush v3, $0xF;
	v3 =	vld [tilespmem:s28+$0xFFFFFFF0]  }
0x399: {  	v10 =	vld [tilespmem:s28+$0x0];
	v8 =	vsel vm13, $0x1, v0;
	(v2sf) =	vpush v7, $0xF;
	v7, _, _ =	vpop (xrf0)  }
0x39a: {  	(xrf0) =	vadd.scan.msk.s32 $0xffff, v8;
	(v2sf) =	vpush v7, $0xF;
	v7 =	vld [tilespmem:s28+$0x10];
	s3 =	spop (v2sf)  }
0x39b: {  	(xrf0) =	vadd.scan.msk.s32 $0xffff, v6;
	s14 =	spop (v2sf)  }
0x39c: {  	s1 =	sadd.s32 s2, s14;
	s15 =	spop (v2sf)  }
0x39d: {  	(xrf0) =	vadd.scan.msk.s32 $0xffff, v3;
	v3 =	vadd.s32 s1, v4;
	s1 =	sadd.s32 s15, s1  }
0x39e: {  	(xrf0) =	vadd.scan.msk.s32 $0xffff, v10;
	v4 =	vadd.s32 s1, v61  }
0x39f: {  	s16 =	spop (v2sf);
	(xrf0) =	vadd.scan.msk.s32 $0xffff, v7;
	vm14 =	vlt.s32 v4, v2;
	v4 =	vxor.u32 $0x80000000, v4  }
0x3a0: {  	v6, _, _ =	vpop (xrf0);
	vm3 =	vlt.s32 v3, v2;
	v3 =	vxor.u32 $0x80000000, v3;
	s2 =	sadd.s32 s16, s1;
	s17 =	spop (v2sf);
	v4 =	vnsel vm14, $0x80000000, v4  }
0x3a1: {  	v3 =	vnsel vm3, $0x80000000, v3;
	v7, _, _ =	vpop (xrf0);
	s30 =	sadd.s32 s17, s2  }
0x3a2: {  	s3 =	sxor.u32 $0x80000000, s3;
	v62 =	vadd.s32 s2, v5;
	(xrf0) =	vmax.scan.msk.u32 $0xffff, v3;
	s4 =	spop (v2sf);
	v3 =	vadd.s32 s30, v7  }
0x3a3: {  	p0 =	slt.s32 s3, $0x0;
	v8 =	vsel vm3, $0x1, v0;
	vm3 =	vlt.s32 v62, v2;
	(v2sf) =	vpush v7, $0xF;
	(xrf0) =	vmax.scan.msk.u32 $0xffff, v4;
	s18 =	spop (v2sf);
	v4, _, _ =	vpop (xrf0)  }
0x3a4: {  	s3 =	smov.u32 @p0 s0;
	s1 =	simm.s32 $0x8;
	v7 =	vsel vm14, $0x1, v0;
	(xrf0) =	vadd.scan.msk.s32 $0xffff, v8;
	v8 =	vsel vm3, $0x1, v0;
	s5 =	spop (v2sf);
	(v2sf) =	vpush v4, $0xF;
	v5, _, _ =	vpop (xrf0)  }
0x3a5: {  	s4 =	sadd.s32 $0x0, s4;
	v63 =	vxor.u32 $0x80000000, v3;
	s0 =	sxor.u32 $0x80000000, s18;
	vm15 =	vlt.s32 v3, v2;
	(xrf0) =	vadd.scan.msk.s32 $0xffff, v7;
	s21 =	spop (v2sf);
	(v2sf) =	vpush v5, $0xF;
	v3, _, _ =	vpop (xrf0)  }
0x3a6: {  	v9 =	vxor.u32 $0x80000000, v62;
	p0 =	sgt.s32 s3, s0;
	s26 =	sxor.u32 $0x80000000, s5;
	v7 =	vnsel vm15, $0x80000000, v63;
	(xrf0) =	vadd.scan.msk.s32 $0xffff, v8;
	s24 =	spop (v2sf);
	(v2sf) =	vpush v3, $0xF  }
0x3a7: {  	s2 =	sadd.s32 s21, s4;
	s0 =	smov.u32 @p0 s3;
	(xrf0) =	vmax.scan.msk.u32 $0xffff, v7;
	v7 =	vnsel vm3, $0x80000000, v9;
	s31 =	spop (v2sf)  }
0x3a8: {  	v8 =	vsel vm15, $0x1, v0;
	p0 =	sgt.s32 s0, s26;
	s2 =	sadd.s32 s24, s2;
	(v2sf) =	vpush v6, $0xF;
	s29 =	spop (v2sf);
	v6, _, _ =	vpop (xrf0);
	(xrf0) =	vmax.scan.msk.u32 $0xffff, v7  }
0x3a9: {  	s26 =	smov.u32 @p0 s0;
	s24 =	sadd.s32 s31, s2;
	(xrf0) =	vadd.scan.msk.s32 $0xffff, v8;
	(v2sf) =	vpush v6, $0xF;
	v6, _, _ =	vpop (xrf0);
	s0 =	spop (v2sf)  }
.LBB2_31:
0x3aa: {  	s1 =	sadd.s32 $0x4, s1;
	s2 =	sxor.u32 $0x80000000, s29;
	v7, _, _ =	vpop (xrf0);
	(v2sf) =	vpush v6, $0xF;
	s0 =	sxor.u32 $0x80000000, s0  }
0x3ab: {  	s28 =	sadd.s32 $0x40, s28;
	p0 =	slt.u32 s1, $0xC;
	(v2sf) =	vpush v7, $0xF;
	v6, _, _ =	vpop (xrf0);
	p1 =	sgt.s32 s26, s0  }
0x3ac: {  	v7 =	vld [tilespmem:s28+$0xFFFFFFE0];
	(v2sf) =	vpush v6, $0xF;
	v6, _, _ =	vpop (xrf0);
	s0 =	smov.u32 @p1 s26  }
0x3ad: {  	v8 =	vld [tilespmem:s28+$0xFFFFFFF0];
	v9, _, _ =	vpop (xrf0);
	p1 =	sgt.s32 s0, s2;
	(v2sf) =	vpush v6, $0xF  }
0x3ae: {  	v6 =	vld [tilespmem:s28+$0x0];
	(v2sf) =	vpush v9, $0xF;
	v9, _, _ =	vpop (xrf0)  }
0x3af: {  	v10 =	vld [tilespmem:s28+$0x10];
	v11, _, _ =	vpop (xrf0);
	(v2sf) =	vpush v9, $0xF;
	_ =	sdelay $0x1  }
0x3b0: {  	(xrf0) =	vadd.scan.msk.s32 $0xffff, v7  }
0x3b1: {  	(xrf0) =	vadd.scan.msk.s32 $0xffff, v8;
	s3 =	spop (v2sf)  }
0x3b2: {  	(xrf0) =	vadd.scan.msk.s32 $0xffff, v6;
	s3 =	sadd.s32 s30, s3;
	s4 =	spop (v2sf)  }
0x3b3: {  	(xrf0) =	vadd.scan.msk.s32 $0xffff, v10;
	v4 =	vadd.s32 s3, v4;
	s3 =	sadd.s32 s4, s3;
	s4 =	spop (v2sf)  }
0x3b4: {  	vm3 =	vlt.s32 v4, v2;
	v4 =	vxor.u32 $0x80000000, v4;
	v5 =	vadd.s32 s3, v5;
	s3 =	sadd.s32 s4, s3;
	s4 =	spop (v2sf)  }
0x3b5: {  	v9 =	vnsel vm3, $0x80000000, v4;
	vm4 =	vlt.s32 v5, v2;
	v5 =	vxor.u32 $0x80000000, v5;
	s30 =	sadd.s32 s4, s3  }
0x3b6: {  	v7 =	vsel vm3, $0x1, v0;
	v8 =	vadd.s32 s3, v3;
	v6, _, _ =	vpop (xrf0);
	v10 =	vnsel vm4, $0x80000000, v5;
	(xrf0) =	vmax.scan.msk.u32 $0xffff, v9;
	s3 =	spop (v2sf)  }
0x3b7: {  	s4 =	spop (v2sf)  }
0x3b8: {  	s2 =	smov.u32 @p1 s0;
	v12 =	vadd.s32 s30, v6;
	(v2sf) =	vpush v6, $0xF;
	v4, _, _ =	vpop (xrf0);
	v6 =	vsel vm4, $0x1, v0;
	(xrf0) =	vmax.scan.msk.u32 $0xffff, v10;
	s3 =	sadd.s32 s24, s3;
	s0 =	sxor.u32 $0x80000000, s4  }
0x3b9: {  	vm3 =	vlt.s32 v8, v2;
	v9 =	vxor.u32 $0x80000000, v12;
	(v2sf) =	vpush v4, $0xF;
	v5, _, _ =	vpop (xrf0);
	(xrf0) =	vadd.scan.msk.s32 $0xffff, v7;
	s4 =	spop (v2sf);
	p1 =	sgt.s32 s2, s0  }
.Ltmp16:
0x3ba: {  	vm4 =	vlt.s32 v12, v2;
	v7 =	vsel vm3, $0x1, v0;
	(v2sf) =	vpush v5, $0xF;
	v3, _, _ =	vpop (xrf0);
	(xrf0) =	vadd.scan.msk.s32 $0xffff, v6;
	s26 =	sxor.u32 $0x80000000, s4;
	s4 =	spop (v2sf);
	(pc) =	sbr.rel @p0 .LBB2_31-.Ltmp16, $4  }
0x3bb: {  	v6 =	vnsel vm4, $0x80000000, v9;
	v9 =	vxor.u32 $0x80000000, v8;
	(v2sf) =	vpush v3, $0xF;
	(xrf0) =	vadd.scan.msk.s32 $0xffff, v7;
	s3 =	sadd.s32 s4, s3;
	s0 =	smov.u32 @p1 s2;
	s2 =	spop (v2sf)  }
0x3bc: {  	v7 =	vsel vm4, $0x1, v0;
	v9 =	vnsel vm3, $0x80000000, v9;
	(xrf0) =	vmax.scan.msk.u32 $0xffff, v6;
	p1 =	sgt.s32 s0, s26;
	s4 =	spop (v2sf)  }
0x3bd: {  	s2 =	sadd.s32 s2, s3;
	(v2sf) =	vpush v11, $0xF;
	s29 =	spop (v2sf);
	v8, _, _ =	vpop (xrf0);
	(xrf0) =	vmax.scan.msk.u32 $0xffff, v9;
	s26 =	smov.u32 @p1 s0  }
0x3be: {  	s24 =	sadd.s32 s4, s2;
	(xrf0) =	vadd.scan.msk.s32 $0xffff, v7;
	(v2sf) =	vpush v8, $0xF;
	v6, _, _ =	vpop (xrf0);
	s0 =	spop (v2sf)  }
0x3bf: {  	_ =	sdelay $0x7  }
0x3c0: {  	s1 =	spop (v2sf)  }
0x3c1: {  	s1 =	sadd.s32 s30, s1  }
0x3c2: {  	s2 =	spop (v2sf);
	v4 =	vadd.s32 s1, v4  }
0x3c3: {  	s1 =	sadd.s32 s2, s1;
	vm3 =	vlt.s32 v4, v2;
	v4 =	vxor.u32 $0x80000000, v4  }
0x3c4: {  	(v2sf) =	vpush v6, $0xF;
	v6, _, _ =	vpop (xrf0);
	v5 =	vadd.s32 s1, v5;
	v4 =	vnsel vm3, $0x80000000, v4  }
0x3c5: {  	(v2sf) =	vpush v6, $0xF;
	v6, _, _ =	vpop (xrf0);
	s16 =	spop (v2sf);
	vm4 =	vlt.s32 v5, v2;
	v5 =	vxor.u32 $0x80000000, v5  }
0x3c6: {  	s17 =	simm.s32 $0x1120;
	(v2sf) =	vpush v6, $0xF;
	s1 =	sadd.s32 s16, s1;
	v6 =	vsel vm3, $0x1, v0;
	v5 =	vnsel vm4, $0x80000000, v5;
	(xrf0) =	vmax.scan.msk.u32 $0xffff, v4  }
0x3c7: {  	v3 =	vadd.s32 s1, v3;
	v4, _, _ =	vpop (xrf0);
	(xrf0) =	vmax.scan.msk.u32 $0xffff, v5;
	v5 =	vld [tilespmem:s17+$0xFFFFFFE0]  }
0x3c8: {  	vm3 =	vlt.s32 v3, v2;
	v7, _, _ =	vpop (xrf0);
	(v2sf) =	vpush v4, $0xF;
	v4 =	vsel vm4, $0x1, v0;
	(xrf0) =	vadd.scan.msk.s32 $0xffff, v6  }
0x3c9: {  	v2 =	vld [tilespmem:s17+$0xFFFFFFF0];
	v3 =	vxor.u32 $0x80000000, v3;
	(v2sf) =	vpush v7, $0xF;
	v6, _, _ =	vpop (xrf0);
	v7 =	vsel vm3, $0x1, v0;
	(xrf0) =	vadd.scan.msk.s32 $0xffff, v4  }
0x3ca: {  	v3 =	vnsel vm3, $0x80000000, v3;
	(v2sf) =	vpush v6, $0xF;
	(xrf0) =	vadd.scan.msk.s32 $0xffff, v7;
	v6 =	vld [tilespmem:s17+$0x0]  }
0x3cb: {  	v4, _, _ =	vpop (xrf0);
	(xrf0) =	vmax.scan.msk.u32 $0xffff, v3;
	v3 =	vld [tilespmem:s17+$0x10]  }
0x3cc: {  	(v2sf) =	vpush v4, $0xF;
	v4, _, _ =	vpop (xrf0);
	(xrf0) =	vadd.scan.msk.s32 $0xffff, v5  }
0x3cd: {  	(v2sf) =	vpush v4, $0xF;
	v4, _, _ =	vpop (xrf0)  }
0x3ce: {  	(xrf0) =	vadd.scan.msk.s32 $0xffff, v2;
	v2, _, _ =	vpop (xrf0);
	(v2sf) =	vpush v4, $0xF  }
0x3cf: {  	(v2sf) =	vpush v2, $0xF;
	v2, _, _ =	vpop (xrf0);
	(xrf0) =	vadd.scan.msk.s32 $0xffff, v6  }
0x3d0: {  	(v2sf) =	vpush v2, $0xF;
	v2, _, _ =	vpop (xrf0);
	(xrf0) =	vadd.scan.msk.s32 $0xffff, v3  }
0x3d1: {  	s18 =	spop (v2sf);
	(v2sf) =	vpush v2, $0xF;
	v2, _, _ =	vpop (xrf0)  }
0x3d2: {  	s2 =	spop (v2sf);
	(v2sf) =	vpush v2, $0xF;
	v3, _, _ =	vpop (xrf0)  }
0x3d3: {  	s15 =	spop (v2sf);
	(v2sf) =	vpush v3, $0xF  }
0x3d4: {  	s9 =	spop (v2sf);
	v4, _, _ =	vpop (xrf0)  }
0x3d5: {  	s7 =	spop (v2sf);
	(v2sf) =	vpush v4, $0xF;
	v5, _, _ =	vpop (xrf0)  }
0x3d6: {  	s3 =	spop (v2sf);
	(v2sf) =	vpush v5, $0xF;
	v6, _, _ =	vpop (xrf0)  }
0x3d7: {  	s6 =	spop (v2sf);
	(v2sf) =	vpush v6, $0xF;
	_ =	sdelay $0x1  }
0x3d8: {  	s8 =	spop (v2sf)  }
0x3d9: {  	s19 =	ssub.s32 s19, s25;
	s16 =	spop (v2sf)  }
0x3da: {  	s30 =	simm.s32 $0x0;
	s17 =	simm.s32 $0x1160;
	s5 =	spop (v2sf)  }
0x3db: {  	v7 =	vld [tilespmem:s17+$0xFFFFFFE0];
	v2 =	vmov s19;
	v3 =	vadd.s32 s30, v3;
	s14 =	spop (v2sf)  }
0x3dc: {  	v8 =	vxor.u32 $0x80000000, v3;
	vm3 =	vlt.s32 v3, v2;
	v3 =	vld [tilespmem:s17+$0xFFFFFFF0];
	s13 =	spop (v2sf)  }
0x3dd: {  	v8 =	vnsel vm3, $0x80000000, v8;
	s4 =	spop (v2sf)  }
0x3de: {  	v9 =	vsel vm3, $0x1, v0;
	(xrf0) =	vmax.scan.msk.u32 $0xffff, v8;
	s25 =	spop (v2sf)  }
0x3df: {  	v8 =	vld [tilespmem:s17+$0x0];
	(xrf0) =	vadd.scan.msk.s32 $0xffff, v9;
	s1 =	spop (v2sf)  }
0x3e0: {  	v60 =	vld [tilespmem:s17+$0x10];
	(xrf0) =	vadd.scan.msk.s32 $0xffff, v7;
	s31 =	spop (v2sf)  }
0x3e1: {  	(xrf0) =	vadd.scan.msk.s32 $0xffff, v3;
	s21 =	spop (v2sf)  }
0x3e2: {  	s17 =	sadd.s32 $0x0, s21  }
0x3e3: {  	s21 =	spop (v2sf);
	v3 =	vadd.s32 s17, v4  }
0x3e4: {  	(xrf0) =	vadd.scan.msk.s32 $0xffff, v8;
	s17 =	sadd.s32 s21, s17;
	v4, _, _ =	vpop (xrf0);
	s18 =	spop (v2sf);
	vm3 =	vlt.s32 v3, v2;
	v3 =	vxor.u32 $0x80000000, v3  }
0x3e5: {  	(xrf0) =	vadd.scan.msk.s32 $0xffff, v60;
	v5 =	vadd.s32 s17, v5;
	v7, _, _ =	vpop (xrf0);
	(v2sf) =	vpush v4, $0xF;
	s17 =	sadd.s32 s18, s17;
	s18 =	spop (v2sf);
	v3 =	vnsel vm3, $0x80000000, v3  }
0x3e6: {  	vm12 =	vlt.s32 v5, v2;
	v5 =	vxor.u32 $0x80000000, v5;
	v4, _, _ =	vpop (xrf0);
	s21 =	sadd.s32 s18, s17;
	v6 =	vadd.s32 s17, v6  }
0x3e7: {  	v5 =	vnsel vm12, $0x80000000, v5;
	(xrf0) =	vmax.scan.msk.u32 $0xffff, v3;
	(v2sf) =	vpush v4, $0xF;
	v8 =	vadd.s32 s21, v4;
	v4, _, _ =	vpop (xrf0)  }
0x3e8: {  	v3 =	vsel vm3, $0x1, v0;
	(xrf0) =	vmax.scan.msk.u32 $0xffff, v5;
	v5 =	vsel vm12, $0x1, v0;
	(v2sf) =	vpush v4, $0xF  }
0x3e9: {  	s0 =	sxor.u32 $0x80000000, s0;
	vm13 =	vlt.s32 v6, v2;
	(xrf0) =	vadd.scan.msk.s32 $0xffff, v3  }
0x3ea: {  	p0 =	sgt.s32 s26, s0;
	v3 =	vxor.u32 $0x80000000, v8;
	v61, _, _ =	vpop (xrf0);
	vm3 =	vlt.s32 v8, v2;
	v8 =	vsel vm13, $0x1, v0;
	(xrf0) =	vadd.scan.msk.s32 $0xffff, v5  }
0x3eb: {  	s0 =	smov.u32 @p0 s26;
	s17 =	sxor.u32 $0x80000000, s29;
	v6 =	vxor.u32 $0x80000000, v6;
	(v2sf) =	vpush v61, $0xF;
	v3 =	vnsel vm3, $0x80000000, v3;
	v5, _, _ =	vpop (xrf0);
	(xrf0) =	vadd.scan.msk.s32 $0xffff, v8  }
0x3ec: {  	p0 =	sgt.s32 s0, s17;
	(v2sf) =	vpush v5, $0xF;
	(xrf0) =	vmax.scan.msk.u32 $0xffff, v3;
	v3 =	vnsel vm13, $0x80000000, v6  }
0x3ed: {  	s17 =	smov.u32 @p0 s0;
	s0 =	sxor.u32 $0x80000000, s15  }
0x3ee: {  	p0 =	sgt.s32 s17, s0;
	(v2sf) =	vpush v7, $0xF;
	v6, _, _ =	vpop (xrf0);
	(xrf0) =	vmax.scan.msk.u32 $0xffff, v3  }
0x3ef: {  	s9 =	sxor.u32 $0x80000000, s9;
	s0 =	smov.u32 @p0 s17;
	(v2sf) =	vpush v6, $0xF;
	v3, _, _ =	vpop (xrf0)  }
0x3f0: {  	s28 =	simm.s32 $0x11A0;
	p0 =	sgt.s32 s0, s9;
	v6, _, _ =	vpop (xrf0);
	(v2sf) =	vpush v3, $0xF  }
0x3f1: {  	s2 =	sadd.s32 s24, s2;
	s9 =	smov.u32 @p0 s0;
	s0 =	sxor.u32 $0x80000000, s16;
	(v2sf) =	vpush v6, $0xF;
	v3, _, _ =	vpop (xrf0);
	v6 =	vld [tilespmem:s28+$0xFFFFFFE0]  }
0x3f2: {  	s2 =	sadd.s32 s7, s2;
	p0 =	sgt.s32 s9, s0;
	(v2sf) =	vpush v3, $0xF;
	v3, _, _ =	vpop (xrf0)  }
0x3f3: {  	s2 =	sadd.s32 s3, s2;
	s3 =	sxor.u32 $0x80000000, s8;
	s0 =	smov.u32 @p0 s9;
	v7, _, _ =	vpop (xrf0);
	(v2sf) =	vpush v3, $0xF;
	v3 =	vld [tilespmem:s28+$0xFFFFFFF0]  }
0x3f4: {  	v10 =	vld [tilespmem:s28+$0x0];
	v8 =	vsel vm3, $0x1, v0;
	p0 =	sgt.s32 s0, s3;
	(v2sf) =	vpush v7, $0xF;
	v7, _, _ =	vpop (xrf0)  }
0x3f5: {  	s3 =	smov.u32 @p0 s0;
	s0 =	sxor.u32 $0x80000000, s14;
	(xrf0) =	vadd.scan.msk.s32 $0xffff, v8;
	s26 =	spop (v2sf);
	(v2sf) =	vpush v7, $0xF;
	v7 =	vld [tilespmem:s28+$0x10]  }
0x3f6: {  	s2 =	sadd.s32 s6, s2;
	p0 =	sgt.s32 s3, s0;
	(xrf0) =	vadd.scan.msk.s32 $0xffff, v6;
	s7 =	spop (v2sf)  }
0x3f7: {  	s0 =	smov.u32 @p0 s3;
	s3 =	sadd.s32 s21, s7;
	s8 =	spop (v2sf)  }
0x3f8: {  	s2 =	sadd.s32 s2, s5;
	(xrf0) =	vadd.scan.msk.s32 $0xffff, v3;
	s9 =	sadd.s32 s8, s3  }
0x3f9: {  	s5 =	sxor.u32 $0x80000000, s13;
	s2 =	sadd.s32 s4, s2;
	v3 =	vadd.s32 s3, v4;
	(xrf0) =	vadd.scan.msk.s32 $0xffff, v10;
	v4 =	vadd.s32 s9, v61  }
0x3fa: {  	s2 =	sadd.s32 s25, s2;
	p0 =	sgt.s32 s0, s5;
	s13 =	spop (v2sf);
	(xrf0) =	vadd.scan.msk.s32 $0xffff, v7;
	vm14 =	vlt.s32 v4, v2;
	v4 =	vxor.u32 $0x80000000, v4  }
0x3fb: {  	s5 =	smov.u32 @p0 s0;
	vm3 =	vlt.s32 v3, v2;
	v3 =	vxor.u32 $0x80000000, v3;
	v6, _, _ =	vpop (xrf0);
	s0 =	sadd.s32 s13, s9;
	s14 =	spop (v2sf);
	v4 =	vnsel vm14, $0x80000000, v4  }
0x3fc: {  	s25 =	sadd.s32 s1, s2;
	s24 =	sxor.u32 $0x80000000, s31;
	v3 =	vnsel vm3, $0x80000000, v3;
	s31 =	sadd.s32 s14, s0;
	v7, _, _ =	vpop (xrf0)  }
0x3fd: {  	p0 =	sgt.s32 s5, s24;
	s3 =	sxor.u32 $0x80000000, s26;
	(xrf0) =	vmax.scan.msk.u32 $0xffff, v3;
	v62 =	vadd.s32 s0, v5;
	s15 =	spop (v2sf);
	v3 =	vadd.s32 s31, v7  }
0x3fe: {  	s24 =	smov.u32 @p0 s5;
	v8 =	vsel vm3, $0x1, v0;
	p0 =	slt.s32 s3, $0x0;
	vm3 =	vlt.s32 v62, v2;
	(v2sf) =	vpush v7, $0xF;
	(xrf0) =	vmax.scan.msk.u32 $0xffff, v4;
	s16 =	spop (v2sf);
	v4, _, _ =	vpop (xrf0)  }
0x3ff: {  	s1 =	simm.s32 $0x8;
	s3 =	smov.u32 @p0 s30;
	v7 =	vsel vm14, $0x1, v0;
	v63 =	vxor.u32 $0x80000000, v3;
	(xrf0) =	vadd.scan.msk.s32 $0xffff, v8;
	s17 =	spop (v2sf);
	(v2sf) =	vpush v4, $0xF;
	v5, _, _ =	vpop (xrf0)  }
0x400: {  	s2 =	sadd.s32 $0x0, s15;
	s0 =	sxor.u32 $0x80000000, s16;
	vm15 =	vlt.s32 v3, v2;
	v8 =	vsel vm3, $0x1, v0;
	(xrf0) =	vadd.scan.msk.s32 $0xffff, v7;
	s18 =	spop (v2sf);
	(v2sf) =	vpush v5, $0xF;
	v3, _, _ =	vpop (xrf0)  }
0x401: {  	v9 =	vxor.u32 $0x80000000, v62;
	p0 =	sgt.s32 s3, s0;
	s29 =	sxor.u32 $0x80000000, s17;
	v7 =	vnsel vm15, $0x80000000, v63;
	(xrf0) =	vadd.scan.msk.s32 $0xffff, v8;
	s21 =	spop (v2sf);
	(v2sf) =	vpush v3, $0xF  }
0x402: {  	s0 =	smov.u32 @p0 s3;
	s2 =	sadd.s32 s18, s2;
	(xrf0) =	vmax.scan.msk.u32 $0xffff, v7;
	v7 =	vnsel vm3, $0x80000000, v9;
	s26 =	spop (v2sf)  }
0x403: {  	v8 =	vsel vm15, $0x1, v0;
	p0 =	sgt.s32 s0, s29;
	s2 =	sadd.s32 s21, s2;
	(v2sf) =	vpush v6, $0xF;
	s30 =	spop (v2sf);
	v6, _, _ =	vpop (xrf0);
	(xrf0) =	vmax.scan.msk.u32 $0xffff, v7  }
0x404: {  	s29 =	smov.u32 @p0 s0;
	s26 =	sadd.s32 s26, s2;
	(xrf0) =	vadd.scan.msk.s32 $0xffff, v8;
	(v2sf) =	vpush v6, $0xF;
	v6, _, _ =	vpop (xrf0);
	s0 =	spop (v2sf)  }
.LBB2_33:
0x405: {  	s1 =	sadd.s32 $0x4, s1;
	s2 =	sxor.u32 $0x80000000, s30;
	v7, _, _ =	vpop (xrf0);
	(v2sf) =	vpush v6, $0xF;
	s0 =	sxor.u32 $0x80000000, s0  }
0x406: {  	s28 =	sadd.s32 $0x40, s28;
	p0 =	slt.u32 s1, $0xC;
	(v2sf) =	vpush v7, $0xF;
	v6, _, _ =	vpop (xrf0);
	p1 =	sgt.s32 s29, s0  }
0x407: {  	v7 =	vld [tilespmem:s28+$0xFFFFFFE0];
	(v2sf) =	vpush v6, $0xF;
	v6, _, _ =	vpop (xrf0);
	s0 =	smov.u32 @p1 s29  }
0x408: {  	v8 =	vld [tilespmem:s28+$0xFFFFFFF0];
	v9, _, _ =	vpop (xrf0);
	p1 =	sgt.s32 s0, s2;
	(v2sf) =	vpush v6, $0xF  }
0x409: {  	v6 =	vld [tilespmem:s28+$0x0];
	(v2sf) =	vpush v9, $0xF;
	v9, _, _ =	vpop (xrf0)  }
0x40a: {  	v10 =	vld [tilespmem:s28+$0x10];
	v11, _, _ =	vpop (xrf0);
	(v2sf) =	vpush v9, $0xF;
	_ =	sdelay $0x1  }
0x40b: {  	(xrf0) =	vadd.scan.msk.s32 $0xffff, v7  }
0x40c: {  	(xrf0) =	vadd.scan.msk.s32 $0xffff, v8;
	s3 =	spop (v2sf)  }
0x40d: {  	(xrf0) =	vadd.scan.msk.s32 $0xffff, v6;
	s3 =	sadd.s32 s31, s3;
	s4 =	spop (v2sf)  }
0x40e: {  	(xrf0) =	vadd.scan.msk.s32 $0xffff, v10;
	v4 =	vadd.s32 s3, v4;
	s3 =	sadd.s32 s4, s3;
	s4 =	spop (v2sf)  }
0x40f: {  	vm3 =	vlt.s32 v4, v2;
	v4 =	vxor.u32 $0x80000000, v4;
	v5 =	vadd.s32 s3, v5;
	s3 =	sadd.s32 s4, s3;
	s4 =	spop (v2sf)  }
0x410: {  	v9 =	vnsel vm3, $0x80000000, v4;
	vm4 =	vlt.s32 v5, v2;
	v5 =	vxor.u32 $0x80000000, v5;
	s31 =	sadd.s32 s4, s3  }
0x411: {  	v7 =	vsel vm3, $0x1, v0;
	v8 =	vadd.s32 s3, v3;
	v6, _, _ =	vpop (xrf0);
	v10 =	vnsel vm4, $0x80000000, v5;
	(xrf0) =	vmax.scan.msk.u32 $0xffff, v9;
	s3 =	spop (v2sf)  }
0x412: {  	s4 =	spop (v2sf)  }
0x413: {  	s2 =	smov.u32 @p1 s0;
	v12 =	vadd.s32 s31, v6;
	(v2sf) =	vpush v6, $0xF;
	v4, _, _ =	vpop (xrf0);
	v6 =	vsel vm4, $0x1, v0;
	(xrf0) =	vmax.scan.msk.u32 $0xffff, v10;
	s3 =	sadd.s32 s26, s3;
	s0 =	sxor.u32 $0x80000000, s4  }
0x414: {  	vm3 =	vlt.s32 v8, v2;
	v9 =	vxor.u32 $0x80000000, v12;
	(v2sf) =	vpush v4, $0xF;
	v5, _, _ =	vpop (xrf0);
	(xrf0) =	vadd.scan.msk.s32 $0xffff, v7;
	s4 =	spop (v2sf);
	p1 =	sgt.s32 s2, s0  }
.Ltmp17:
0x415: {  	vm4 =	vlt.s32 v12, v2;
	v7 =	vsel vm3, $0x1, v0;
	(v2sf) =	vpush v5, $0xF;
	v3, _, _ =	vpop (xrf0);
	(xrf0) =	vadd.scan.msk.s32 $0xffff, v6;
	s29 =	sxor.u32 $0x80000000, s4;
	s4 =	spop (v2sf);
	(pc) =	sbr.rel @p0 .LBB2_33-.Ltmp17, $4  }
0x416: {  	v6 =	vnsel vm4, $0x80000000, v9;
	v9 =	vxor.u32 $0x80000000, v8;
	(v2sf) =	vpush v3, $0xF;
	(xrf0) =	vadd.scan.msk.s32 $0xffff, v7;
	s3 =	sadd.s32 s4, s3;
	s0 =	smov.u32 @p1 s2;
	s2 =	spop (v2sf)  }
0x417: {  	v7 =	vsel vm4, $0x1, v0;
	v9 =	vnsel vm3, $0x80000000, v9;
	(xrf0) =	vmax.scan.msk.u32 $0xffff, v6;
	p1 =	sgt.s32 s0, s29;
	s4 =	spop (v2sf)  }
0x418: {  	s2 =	sadd.s32 s2, s3;
	(v2sf) =	vpush v11, $0xF;
	s30 =	spop (v2sf);
	v8, _, _ =	vpop (xrf0);
	(xrf0) =	vmax.scan.msk.u32 $0xffff, v9;
	s29 =	smov.u32 @p1 s0  }
0x419: {  	s26 =	sadd.s32 s4, s2;
	(xrf0) =	vadd.scan.msk.s32 $0xffff, v7;
	(v2sf) =	vpush v8, $0xF;
	v6, _, _ =	vpop (xrf0);
	s0 =	spop (v2sf)  }
0x41a: {  	_ =	sdelay $0x7  }
0x41b: {  	s1 =	spop (v2sf)  }
0x41c: {  	s1 =	sadd.s32 s31, s1  }
0x41d: {  	s2 =	spop (v2sf);
	v4 =	vadd.s32 s1, v4  }
0x41e: {  	s1 =	sadd.s32 s2, s1;
	vm3 =	vlt.s32 v4, v2;
	v4 =	vxor.u32 $0x80000000, v4  }
0x41f: {  	(v2sf) =	vpush v6, $0xF;
	v6, _, _ =	vpop (xrf0);
	v5 =	vadd.s32 s1, v5;
	v4 =	vnsel vm3, $0x80000000, v4  }
0x420: {  	(v2sf) =	vpush v6, $0xF;
	v6, _, _ =	vpop (xrf0);
	s9 =	spop (v2sf);
	vm4 =	vlt.s32 v5, v2;
	v5 =	vxor.u32 $0x80000000, v5  }
0x421: {  	s13 =	simm.s32 $0x1220;
	(v2sf) =	vpush v6, $0xF;
	s1 =	sadd.s32 s9, s1;
	v6 =	vsel vm3, $0x1, v0;
	v5 =	vnsel vm4, $0x80000000, v5;
	(xrf0) =	vmax.scan.msk.u32 $0xffff, v4  }
0x422: {  	v3 =	vadd.s32 s1, v3;
	v4, _, _ =	vpop (xrf0);
	(xrf0) =	vmax.scan.msk.u32 $0xffff, v5;
	v5 =	vld [tilespmem:s13+$0xFFFFFFE0]  }
0x423: {  	vm3 =	vlt.s32 v3, v2;
	v7, _, _ =	vpop (xrf0);
	(v2sf) =	vpush v4, $0xF;
	v4 =	vsel vm4, $0x1, v0;
	(xrf0) =	vadd.scan.msk.s32 $0xffff, v6  }
0x424: {  	v2 =	vld [tilespmem:s13+$0xFFFFFFF0];
	v3 =	vxor.u32 $0x80000000, v3;
	(v2sf) =	vpush v7, $0xF;
	v6, _, _ =	vpop (xrf0);
	v7 =	vsel vm3, $0x1, v0;
	(xrf0) =	vadd.scan.msk.s32 $0xffff, v4  }
0x425: {  	v3 =	vnsel vm3, $0x80000000, v3;
	(v2sf) =	vpush v6, $0xF;
	(xrf0) =	vadd.scan.msk.s32 $0xffff, v7;
	v6 =	vld [tilespmem:s13+$0x0]  }
0x426: {  	v4, _, _ =	vpop (xrf0);
	(xrf0) =	vmax.scan.msk.u32 $0xffff, v3;
	v3 =	vld [tilespmem:s13+$0x10]  }
0x427: {  	(v2sf) =	vpush v4, $0xF;
	v4, _, _ =	vpop (xrf0);
	(xrf0) =	vadd.scan.msk.s32 $0xffff, v5  }
0x428: {  	(v2sf) =	vpush v4, $0xF;
	v4, _, _ =	vpop (xrf0)  }
0x429: {  	(xrf0) =	vadd.scan.msk.s32 $0xffff, v2;
	v2, _, _ =	vpop (xrf0);
	(v2sf) =	vpush v4, $0xF  }
0x42a: {  	(v2sf) =	vpush v2, $0xF;
	v2, _, _ =	vpop (xrf0);
	(xrf0) =	vadd.scan.msk.s32 $0xffff, v6  }
0x42b: {  	(v2sf) =	vpush v2, $0xF;
	v2, _, _ =	vpop (xrf0);
	(xrf0) =	vadd.scan.msk.s32 $0xffff, v3  }
0x42c: {  	s14 =	spop (v2sf);
	(v2sf) =	vpush v2, $0xF;
	v2, _, _ =	vpop (xrf0)  }
0x42d: {  	s3 =	spop (v2sf);
	(v2sf) =	vpush v2, $0xF;
	v3, _, _ =	vpop (xrf0)  }
0x42e: {  	s28 =	spop (v2sf);
	(v2sf) =	vpush v3, $0xF  }
0x42f: {  	s16 =	spop (v2sf);
	v4, _, _ =	vpop (xrf0)  }
0x430: {  	s8 =	spop (v2sf);
	(v2sf) =	vpush v4, $0xF;
	v5, _, _ =	vpop (xrf0)  }
0x431: {  	s7 =	spop (v2sf);
	(v2sf) =	vpush v5, $0xF;
	v6, _, _ =	vpop (xrf0)  }
0x432: {  	s14 =	spop (v2sf);
	(v2sf) =	vpush v6, $0xF;
	_ =	sdelay $0x1  }
0x433: {  	s9 =	spop (v2sf)  }
0x434: {  	s5 =	simm.s32 $0x1260;
	s1 =	rddreg [dreg:$0x9];
	s15 =	spop (v2sf)  }
0x435: {  	s31 =	simm.s32 $0x0;
	s21 =	ssub.s32 s1, s23;
	s6 =	spop (v2sf)  }
0x436: {  	v7 =	vld [tilespmem:s5+$0xFFFFFFE0];
	v2 =	vmov s21;
	v3 =	vadd.s32 s31, v3;
	s2 =	spop (v2sf)  }
0x437: {  	v8 =	vxor.u32 $0x80000000, v3;
	vm3 =	vlt.s32 v3, v2;
	v3 =	vld [tilespmem:s5+$0xFFFFFFF0];
	s13 =	spop (v2sf)  }
0x438: {  	v8 =	vnsel vm3, $0x80000000, v8;
	s4 =	spop (v2sf)  }
0x439: {  	v9 =	vsel vm3, $0x1, v0;
	(xrf0) =	vmax.scan.msk.u32 $0xffff, v8;
	s23 =	spop (v2sf)  }
0x43a: {  	v8 =	vld [tilespmem:s5+$0x0];
	(xrf0) =	vadd.scan.msk.s32 $0xffff, v9;
	s1 =	spop (v2sf)  }
0x43b: {  	v60 =	vld [tilespmem:s5+$0x10];
	(xrf0) =	vadd.scan.msk.s32 $0xffff, v7;
	s5 =	spop (v2sf)  }
0x43c: {  	(xrf0) =	vadd.scan.msk.s32 $0xffff, v3;
	s17 =	spop (v2sf)  }
0x43d: {  	s17 =	sadd.s32 $0x0, s17  }
0x43e: {  	s18 =	spop (v2sf);
	v3 =	vadd.s32 s17, v4  }
0x43f: {  	(xrf0) =	vadd.scan.msk.s32 $0xffff, v8;
	s17 =	sadd.s32 s18, s17;
	v4, _, _ =	vpop (xrf0);
	s18 =	spop (v2sf);
	vm3 =	vlt.s32 v3, v2;
	v3 =	vxor.u32 $0x80000000, v3  }
0x440: {  	(xrf0) =	vadd.scan.msk.s32 $0xffff, v60;
	v5 =	vadd.s32 s17, v5;
	v7, _, _ =	vpop (xrf0);
	(v2sf) =	vpush v4, $0xF;
	s18 =	sadd.s32 s18, s17;
	s17 =	spop (v2sf);
	v3 =	vnsel vm3, $0x80000000, v3  }
0x441: {  	vm12 =	vlt.s32 v5, v2;
	v5 =	vxor.u32 $0x80000000, v5;
	v4, _, _ =	vpop (xrf0);
	s17 =	sadd.s32 s17, s18;
	v6 =	vadd.s32 s18, v6  }
0x442: {  	v5 =	vnsel vm12, $0x80000000, v5;
	(xrf0) =	vmax.scan.msk.u32 $0xffff, v3;
	(v2sf) =	vpush v4, $0xF;
	v8 =	vadd.s32 s17, v4;
	v4, _, _ =	vpop (xrf0)  }
0x443: {  	v3 =	vsel vm3, $0x1, v0;
	(xrf0) =	vmax.scan.msk.u32 $0xffff, v5;
	v5 =	vsel vm12, $0x1, v0;
	(v2sf) =	vpush v4, $0xF  }
0x444: {  	vm13 =	vlt.s32 v6, v2;
	(xrf0) =	vadd.scan.msk.s32 $0xffff, v3  }
0x445: {  	s0 =	sxor.u32 $0x80000000, s0;
	v3 =	vxor.u32 $0x80000000, v8;
	v61, _, _ =	vpop (xrf0);
	vm3 =	vlt.s32 v8, v2;
	v8 =	vsel vm13, $0x1, v0;
	(xrf0) =	vadd.scan.msk.s32 $0xffff, v5  }
0x446: {  	p0 =	sgt.s32 s29, s0;
	v6 =	vxor.u32 $0x80000000, v6;
	(v2sf) =	vpush v61, $0xF;
	v3 =	vnsel vm3, $0x80000000, v3;
	v5, _, _ =	vpop (xrf0);
	(xrf0) =	vadd.scan.msk.s32 $0xffff, v8  }
0x447: {  	s0 =	smov.u32 @p0 s29;
	s18 =	sxor.u32 $0x80000000, s30;
	(v2sf) =	vpush v5, $0xF;
	(xrf0) =	vmax.scan.msk.u32 $0xffff, v3;
	v3 =	vnsel vm13, $0x80000000, v6  }
0x448: {  	p0 =	sgt.s32 s0, s18  }
0x449: {  	s18 =	smov.u32 @p0 s0;
	s0 =	sxor.u32 $0x80000000, s28;
	(v2sf) =	vpush v7, $0xF;
	v6, _, _ =	vpop (xrf0);
	(xrf0) =	vmax.scan.msk.u32 $0xffff, v3  }
0x44a: {  	p0 =	sgt.s32 s18, s0;
	(v2sf) =	vpush v6, $0xF;
	v3, _, _ =	vpop (xrf0)  }
0x44b: {  	s16 =	sxor.u32 $0x80000000, s16;
	s28 =	simm.s32 $0x12A0;
	s0 =	smov.u32 @p0 s18;
	v6, _, _ =	vpop (xrf0);
	(v2sf) =	vpush v3, $0xF  }
0x44c: {  	p0 =	sgt.s32 s0, s16;
	(v2sf) =	vpush v6, $0xF;
	v3, _, _ =	vpop (xrf0);
	v6 =	vld [tilespmem:s28+$0xFFFFFFE0]  }
0x44d: {  	s3 =	sadd.s32 s26, s3;
	s16 =	smov.u32 @p0 s0;
	s0 =	sxor.u32 $0x80000000, s15;
	(v2sf) =	vpush v3, $0xF;
	v3, _, _ =	vpop (xrf0)  }
0x44e: {  	s3 =	sadd.s32 s8, s3;
	p0 =	sgt.s32 s16, s0;
	v7, _, _ =	vpop (xrf0);
	(v2sf) =	vpush v3, $0xF;
	v3 =	vld [tilespmem:s28+$0xFFFFFFF0]  }
0x44f: {  	s3 =	sadd.s32 s7, s3;
	s7 =	sxor.u32 $0x80000000, s9;
	v10 =	vld [tilespmem:s28+$0x0];
	v8 =	vsel vm3, $0x1, v0;
	s0 =	smov.u32 @p0 s16;
	(v2sf) =	vpush v7, $0xF;
	v7, _, _ =	vpop (xrf0)  }
0x450: {  	s3 =	sadd.s32 s14, s3;
	p0 =	sgt.s32 s0, s7;
	(xrf0) =	vadd.scan.msk.s32 $0xffff, v8;
	s16 =	spop (v2sf);
	(v2sf) =	vpush v7, $0xF;
	v7 =	vld [tilespmem:s28+$0x10]  }
0x451: {  	s3 =	sadd.s32 s3, s6;
	s7 =	smov.u32 @p0 s0;
	(xrf0) =	vadd.scan.msk.s32 $0xffff, v6;
	s18 =	spop (v2sf)  }
0x452: {  	s0 =	sxor.u32 $0x80000000, s2;
	s6 =	sadd.s32 s17, s18;
	s26 =	spop (v2sf)  }
0x453: {  	s15 =	sadd.s32 s4, s3;
	p0 =	sgt.s32 s7, s0;
	(xrf0) =	vadd.scan.msk.s32 $0xffff, v3;
	s8 =	sadd.s32 s26, s6  }
0x454: {  	s4 =	sxor.u32 $0x80000000, s13;
	s2 =	sadd.s32 s23, s15;
	s0 =	smov.u32 @p0 s7;
	v3 =	vadd.s32 s6, v4;
	(xrf0) =	vadd.scan.msk.s32 $0xffff, v10;
	v4 =	vadd.s32 s8, v61  }
0x455: {  	s23 =	sxor.u32 $0x80000000, s5;
	p0 =	sgt.s32 s0, s4;
	s9 =	spop (v2sf);
	(xrf0) =	vadd.scan.msk.s32 $0xffff, v7;
	vm14 =	vlt.s32 v4, v2;
	v4 =	vxor.u32 $0x80000000, v4  }
0x456: {  	s4 =	smov.u32 @p0 s0;
	vm3 =	vlt.s32 v3, v2;
	v3 =	vxor.u32 $0x80000000, v3;
	v6, _, _ =	vpop (xrf0);
	s0 =	sadd.s32 s9, s8;
	s13 =	spop (v2sf);
	v4 =	vnsel vm14, $0x80000000, v4  }
0x457: {  	s3 =	sxor.u32 $0x80000000, s16;
	p0 =	sgt.s32 s4, s23;
	v3 =	vnsel vm3, $0x80000000, v3;
	s29 =	sadd.s32 s13, s0;
	v7, _, _ =	vpop (xrf0)  }
0x458: {  	s23 =	smov.u32 @p0 s4;
	p0 =	slt.s32 s3, $0x0;
	(xrf0) =	vmax.scan.msk.u32 $0xffff, v3;
	v62 =	vadd.s32 s0, v5;
	s14 =	spop (v2sf);
	v3 =	vadd.s32 s29, v7  }
0x459: {  	s3 =	smov.u32 @p0 s31;
	v8 =	vsel vm3, $0x1, v0;
	vm3 =	vlt.s32 v62, v2;
	(v2sf) =	vpush v7, $0xF;
	(xrf0) =	vmax.scan.msk.u32 $0xffff, v4;
	s15 =	spop (v2sf);
	v4, _, _ =	vpop (xrf0)  }
0x45a: {  	s26 =	sadd.s32 s1, s2;
	s1 =	simm.s32 $0x8;
	v7 =	vsel vm14, $0x1, v0;
	v63 =	vxor.u32 $0x80000000, v3;
	(xrf0) =	vadd.scan.msk.s32 $0xffff, v8;
	s16 =	spop (v2sf);
	(v2sf) =	vpush v4, $0xF;
	v5, _, _ =	vpop (xrf0)  }
0x45b: {  	s2 =	sadd.s32 $0x0, s14;
	s5 =	sxor.u32 $0x80000000, s15;
	vm15 =	vlt.s32 v3, v2;
	v8 =	vsel vm3, $0x1, v0;
	(xrf0) =	vadd.scan.msk.s32 $0xffff, v7;
	s17 =	spop (v2sf);
	(v2sf) =	vpush v5, $0xF;
	v3, _, _ =	vpop (xrf0)  }
0x45c: {  	v9 =	vxor.u32 $0x80000000, v62;
	p0 =	sgt.s32 s3, s5;
	s0 =	sxor.u32 $0x80000000, s16;
	v7 =	vnsel vm15, $0x80000000, v63;
	(xrf0) =	vadd.scan.msk.s32 $0xffff, v8;
	s18 =	spop (v2sf);
	(v2sf) =	vpush v3, $0xF  }
0x45d: {  	s5 =	smov.u32 @p0 s3;
	s6 =	sadd.s32 s17, s2;
	(xrf0) =	vmax.scan.msk.u32 $0xffff, v7;
	v7 =	vnsel vm3, $0x80000000, v9;
	s31 =	spop (v2sf)  }
0x45e: {  	v8 =	vsel vm15, $0x1, v0;
	p0 =	sgt.s32 s5, s0;
	s4 =	sadd.s32 s18, s6;
	(v2sf) =	vpush v6, $0xF;
	s2 =	spop (v2sf);
	v6, _, _ =	vpop (xrf0);
	(xrf0) =	vmax.scan.msk.u32 $0xffff, v7  }
0x45f: {  	s0 =	smov.u32 @p0 s5;
	s30 =	sadd.s32 s31, s4;
	(xrf0) =	vadd.scan.msk.s32 $0xffff, v8;
	(v2sf) =	vpush v6, $0xF;
	v6, _, _ =	vpop (xrf0);
	s3 =	spop (v2sf)  }
.LBB2_35:
0x460: {  	s1 =	sadd.s32 $0x4, s1;
	s2 =	sxor.u32 $0x80000000, s2;
	v7, _, _ =	vpop (xrf0);
	(v2sf) =	vpush v6, $0xF;
	s3 =	sxor.u32 $0x80000000, s3  }
0x461: {  	s28 =	sadd.s32 $0x40, s28;
	p0 =	slt.u32 s1, $0xC;
	(v2sf) =	vpush v7, $0xF;
	v6, _, _ =	vpop (xrf0);
	p1 =	sgt.s32 s0, s3  }
0x462: {  	v7 =	vld [tilespmem:s28+$0xFFFFFFE0];
	(v2sf) =	vpush v6, $0xF;
	v6, _, _ =	vpop (xrf0);
	s3 =	smov.u32 @p1 s0  }
0x463: {  	v8 =	vld [tilespmem:s28+$0xFFFFFFF0];
	v9, _, _ =	vpop (xrf0);
	p1 =	sgt.s32 s3, s2;
	(v2sf) =	vpush v6, $0xF  }
0x464: {  	v6 =	vld [tilespmem:s28+$0x0];
	(v2sf) =	vpush v9, $0xF;
	v9, _, _ =	vpop (xrf0)  }
0x465: {  	v10 =	vld [tilespmem:s28+$0x10];
	v11, _, _ =	vpop (xrf0);
	(v2sf) =	vpush v9, $0xF;
	_ =	sdelay $0x1  }
0x466: {  	(xrf0) =	vadd.scan.msk.s32 $0xffff, v7  }
0x467: {  	(xrf0) =	vadd.scan.msk.s32 $0xffff, v8;
	s0 =	spop (v2sf)  }
0x468: {  	(xrf0) =	vadd.scan.msk.s32 $0xffff, v6;
	s0 =	sadd.s32 s29, s0;
	s4 =	spop (v2sf)  }
0x469: {  	(xrf0) =	vadd.scan.msk.s32 $0xffff, v10;
	v4 =	vadd.s32 s0, v4;
	s0 =	sadd.s32 s4, s0;
	s4 =	spop (v2sf)  }
0x46a: {  	vm3 =	vlt.s32 v4, v2;
	v4 =	vxor.u32 $0x80000000, v4;
	v5 =	vadd.s32 s0, v5;
	s0 =	sadd.s32 s4, s0;
	s4 =	spop (v2sf)  }
0x46b: {  	v9 =	vnsel vm3, $0x80000000, v4;
	vm4 =	vlt.s32 v5, v2;
	v5 =	vxor.u32 $0x80000000, v5;
	s29 =	sadd.s32 s4, s0  }
0x46c: {  	v7 =	vsel vm3, $0x1, v0;
	v8 =	vadd.s32 s0, v3;
	v6, _, _ =	vpop (xrf0);
	v10 =	vnsel vm4, $0x80000000, v5;
	(xrf0) =	vmax.scan.msk.u32 $0xffff, v9;
	s0 =	spop (v2sf)  }
0x46d: {  	s4 =	sadd.s32 s30, s0;
	s0 =	spop (v2sf)  }
0x46e: {  	s2 =	smov.u32 @p1 s3;
	v12 =	vadd.s32 s29, v6;
	(v2sf) =	vpush v6, $0xF;
	v4, _, _ =	vpop (xrf0);
	v6 =	vsel vm4, $0x1, v0;
	(xrf0) =	vmax.scan.msk.u32 $0xffff, v10;
	s3 =	sxor.u32 $0x80000000, s0  }
0x46f: {  	vm3 =	vlt.s32 v8, v2;
	v9 =	vxor.u32 $0x80000000, v12;
	(v2sf) =	vpush v4, $0xF;
	v5, _, _ =	vpop (xrf0);
	(xrf0) =	vadd.scan.msk.s32 $0xffff, v7;
	s0 =	spop (v2sf);
	p1 =	sgt.s32 s2, s3  }
.Ltmp18:
0x470: {  	vm4 =	vlt.s32 v12, v2;
	v7 =	vsel vm3, $0x1, v0;
	(v2sf) =	vpush v5, $0xF;
	v3, _, _ =	vpop (xrf0);
	(xrf0) =	vadd.scan.msk.s32 $0xffff, v6;
	s0 =	sxor.u32 $0x80000000, s0;
	s5 =	spop (v2sf);
	(pc) =	sbr.rel @p0 .LBB2_35-.Ltmp18, $4  }
0x471: {  	v6 =	vnsel vm4, $0x80000000, v9;
	v9 =	vxor.u32 $0x80000000, v8;
	(v2sf) =	vpush v3, $0xF;
	(xrf0) =	vadd.scan.msk.s32 $0xffff, v7;
	s4 =	sadd.s32 s5, s4;
	s3 =	smov.u32 @p1 s2;
	s5 =	spop (v2sf)  }
0x472: {  	v7 =	vsel vm4, $0x1, v0;
	v9 =	vnsel vm3, $0x80000000, v9;
	(xrf0) =	vmax.scan.msk.u32 $0xffff, v6;
	p1 =	sgt.s32 s3, s0;
	s6 =	spop (v2sf)  }
0x473: {  	s4 =	sadd.s32 s5, s4;
	(v2sf) =	vpush v11, $0xF;
	s2 =	spop (v2sf);
	v8, _, _ =	vpop (xrf0);
	(xrf0) =	vmax.scan.msk.u32 $0xffff, v9;
	s0 =	smov.u32 @p1 s3  }
0x474: {  	s30 =	sadd.s32 s6, s4;
	(xrf0) =	vadd.scan.msk.s32 $0xffff, v7;
	(v2sf) =	vpush v8, $0xF;
	v6, _, _ =	vpop (xrf0);
	s3 =	spop (v2sf)  }
0x475: {  	_ =	sdelay $0x7  }
0x476: {  	s1 =	spop (v2sf)  }
0x477: {  	s1 =	sadd.s32 s29, s1;
	s4 =	spop (v2sf)  }
0x478: {  	v4 =	vadd.s32 s1, v4;
	s1 =	sadd.s32 s4, s1  }
0x479: {  	vm3 =	vlt.s32 v4, v2;
	v4 =	vxor.u32 $0x80000000, v4;
	v5 =	vadd.s32 s1, v5  }
0x47a: {  	v4 =	vnsel vm3, $0x80000000, v4;
	vm4 =	vlt.s32 v5, v2;
	v5 =	vxor.u32 $0x80000000, v5  }
0x47b: {  	(v2sf) =	vpush v6, $0xF;
	v6, _, _ =	vpop (xrf0);
	s15 =	spop (v2sf);
	v5 =	vnsel vm4, $0x80000000, v5  }
0x47c: {  	(v2sf) =	vpush v6, $0xF;
	v6, _, _ =	vpop (xrf0);
	s1 =	sadd.s32 s15, s1  }
0x47d: {  	(v2sf) =	vpush v6, $0xF;
	v3 =	vadd.s32 s1, v3;
	(xrf0) =	vmax.scan.msk.u32 $0xffff, v4;
	v4, _, _ =	vpop (xrf0)  }
0x47e: {  	v6 =	vsel vm3, $0x1, v0;
	vm3 =	vlt.s32 v3, v2;
	(xrf0) =	vmax.scan.msk.u32 $0xffff, v5;
	v5, _, _ =	vpop (xrf0);
	(v2sf) =	vpush v4, $0xF  }
0x47f: {  	v3 =	vxor.u32 $0x80000000, v3;
	(xrf0) =	vadd.scan.msk.s32 $0xffff, v6;
	v4 =	vsel vm4, $0x1, v0;
	(v2sf) =	vpush v5, $0xF;
	v2, _, _ =	vpop (xrf0)  }
0x480: {  	(xrf0) =	vadd.scan.msk.s32 $0xffff, v4;
	(v2sf) =	vpush v2, $0xF;
	v2 =	vnsel vm3, $0x80000000, v3  }
0x481: {  	v5 =	vsel vm3, $0x1, v0  }
0x482: {  	(xrf0) =	vadd.scan.msk.s32 $0xffff, v5;
	v3, _, _ =	vpop (xrf0)  }
0x483: {  	(xrf0) =	vmax.scan.msk.u32 $0xffff, v2;
	(v2sf) =	vpush v3, $0xF;
	v2, _, _ =	vpop (xrf0)  }
0x484: {  	(v2sf) =	vpush v2, $0xF;
	v2, _, _ =	vpop (xrf0)  }
0x485: {  	[tilespmem:$0x1000] =	vst v0;
	v3, _, _ =	vpop (xrf0);
	(v2sf) =	vpush v2, $0xF  }
0x486: {  	[tilespmem:$0x1100] =	vst v0;
	(v2sf) =	vpush v3, $0xF;
	v2, _, _ =	vpop (xrf0)  }
0x487: {  	[tilespmem:$0x1200] =	vst v0;
	(v2sf) =	vpush v2, $0xF  }
0x488: {  	[tilespmem:$0x1010] =	vst v0;
	s16 =	spop (v2sf);
	s1 =	sxor.u32 $0x80000000, s3;
	v2, _, _ =	vpop (xrf0)  }
0x489: {  	[tilespmem:$0x1110] =	vst v0;
	s17 =	spop (v2sf);
	p0 =	sgt.s32 s0, s1;
	(v2sf) =	vpush v2, $0xF;
	v2, _, _ =	vpop (xrf0)  }
0x48a: {  	s2 =	sxor.u32 $0x80000000, s2;
	[tilespmem:$0x1210] =	vst v0;
	s18 =	spop (v2sf);
	s1 =	smov.u32 @p0 s0;
	(v2sf) =	vpush v2, $0xF  }
0x48b: {  	[tilespmem:$0x1020] =	vst v0;
	s3 =	sadd.s32 s30, s17;
	p0 =	sgt.s32 s1, s2;
	s5 =	spop (v2sf)  }
0x48c: {  	[tilespmem:$0x1120] =	vst v0;
	s2 =	smov.u32 @p0 s1;
	s1 =	sxor.u32 $0x80000000, s18;
	s29 =	spop (v2sf)  }
0x48d: {  	[tilespmem:$0x1220] =	vst v0;
	s30 =	rddreg [dreg:$0xb];
	p0 =	sgt.s32 s2, s1;
	s31 =	spop (v2sf)  }
0x48e: {  	[tilespmem:$0x1030] =	vst v0;
	s1 =	smov.u32 @p0 s2;
	s5 =	sxor.u32 $0x80000000, s5;
	s6 =	spop (v2sf)  }
0x48f: {  	[tilespmem:$0x1130] =	vst v0;
	p0 =	sgt.s32 s1, s5;
	s0 =	sadd.s32 s29, s3;
	s8 =	spop (v2sf)  }
0x490: {  	[tilespmem:$0x1230] =	vst v0;
	s29 =	rddreg [dreg:$0xa];
	s5 =	smov.u32 @p0 s1;
	s7 =	spop (v2sf)  }
0x491: {  	[tilespmem:$0x1040] =	vst v0;
	s0 =	sadd.s32 s31, s0;
	s31 =	sshll.u32 s22, $0x8;
	s1 =	sxor.u32 $0x80000000, s7  }
0x492: {  	[tilespmem:$0x1140] =	vst v0;
	s0 =	sadd.s32 s6, s0;
	s9 =	spop (v2sf);
	p0 =	sgt.s32 s5, s1  }
0x493: {  	[tilespmem:$0x1240] =	vst v0;
	s2 =	sxor.u32 $0x80000000, s8;
	s1 =	smov.u32 @p0 s5;
	s13 =	spop (v2sf)  }
0x494: {  	[tilespmem:$0x1050] =	vst v0;
	s0 =	sadd.s32 s0, s9;
	p0 =	sgt.s32 s1, s2;
	s14 =	spop (v2sf)  }
0x495: {  	[tilespmem:$0x1150] =	vst v0;
	s2 =	smov.u32 @p0 s1;
	s1 =	sxor.u32 $0x80000000, s13;
	s15 =	spop (v2sf)  }
0x496: {  	[tilespmem:$0x1250] =	vst v0;
	p0 =	sgt.s32 s2, s1;
	s5 =	sxor.u32 $0x80000000, s14;
	s16 =	spop (v2sf)  }
0x497: {  	[tilespmem:$0x1060] =	vst v0;
	s1 =	smov.u32 @p0 s2;
	s0 =	sadd.s32 s15, s0;
	s2 =	sshll.u32 s30, $0x8  }
0x498: {  	[tilespmem:$0x1160] =	vst v0;
	s17 =	spop (v2sf);
	p0 =	sgt.s32 s1, s5;
	s0 =	sadd.s32 s16, s0  }
0x499: {  	[tilespmem:$0x1260] =	vst v0;
	s18 =	spop (v2sf);
	s5 =	smov.u32 @p0 s1;
	s1 =	sshll.u32 s29, $0x8  }
0x49a: {  	[tilespmem:$0x1070] =	vst v0;
	s0 =	sadd.s32 s17, s0;
	s28 =	sxor.u32 $0x80000000, s18;
	s22 =	sor.u32 s1, s25  }
0x49b: {  	[tilespmem:$0x1170] =	vst v0;
	s18 =	sor.u32 s2, s26;
	s17 =	sor.u32 s31, s0;
	p0 =	sgt.s32 s5, s28  }
0x49c: {  	[tilespmem:$0x1270] =	vst v0;
	s0 =	simm.s32 $0xFFFFFFF8;
	s1 =	simm.s32 $0x40;
	v2 =	vmov s22;
	v3 =	vmov s18;
	v4 =	vmov s17;
	s28 =	smov.u32 @p0 s5  }
.LBB2_37:
0x49d: {  	v5 =	vld [tilespmem:s1+$0xFFFFFFC0];
	_ =	sdelay $0x4  }
0x49e: {  	v6 =	vshrl.u32 v5, $0x7  }
0x49f: {  	vm3 =	veq.s32 v6, v2  }
0x4a0: {  	v5 =	vand.u32 $0x7F, v5;
	vm4 =	veq.s32 v6, v3  }
0x4a1: {  	vm5 =	veq.s32 v6, v4;
	_ =	sdelay $0x3  }
0x4a2: {  	[tilespmem:v5+s10+$0x0] =	vst.idx.add.s32.msk vm3, v1  }
0x4a3: {  	[tilespmem:v5+s11+$0x0] =	vst.idx.add.s32.msk vm4, v1  }
0x4a4: {  	[tilespmem:v5+s12+$0x0] =	vst.idx.add.s32.msk vm5, v1  }
0x4a5: {  	v5 =	vld [tilespmem:s1+$0xFFFFFFD0];
	_ =	sdelay $0x4  }
0x4a6: {  	v6 =	vshrl.u32 v5, $0x7  }
0x4a7: {  	vm3 =	veq.s32 v6, v2  }
0x4a8: {  	v5 =	vand.u32 $0x7F, v5;
	vm10 =	veq.s32 v6, v3  }
0x4a9: {  	vm11 =	veq.s32 v6, v4;
	_ =	sdelay $0x3  }
0x4aa: {  	[tilespmem:v5+s10+$0x0] =	vst.idx.add.s32.msk vm3, v1  }
0x4ab: {  	[tilespmem:v5+s11+$0x0] =	vst.idx.add.s32.msk vm10, v1  }
0x4ac: {  	[tilespmem:v5+s12+$0x0] =	vst.idx.add.s32.msk vm11, v1  }
0x4ad: {  	v5 =	vld [tilespmem:s1+$0xFFFFFFE0];
	_ =	sdelay $0x4  }
0x4ae: {  	v6 =	vshrl.u32 v5, $0x7  }
0x4af: {  	vm3 =	veq.s32 v6, v2  }
0x4b0: {  	v5 =	vand.u32 $0x7F, v5;
	vm12 =	veq.s32 v6, v3  }
0x4b1: {  	vm13 =	veq.s32 v6, v4;
	_ =	sdelay $0x3  }
0x4b2: {  	[tilespmem:v5+s10+$0x0] =	vst.idx.add.s32.msk vm3, v1  }
0x4b3: {  	[tilespmem:v5+s11+$0x0] =	vst.idx.add.s32.msk vm12, v1  }
0x4b4: {  	[tilespmem:v5+s12+$0x0] =	vst.idx.add.s32.msk vm13, v1  }
0x4b5: {  	v5 =	vld [tilespmem:s1+$0xFFFFFFF0];
	_ =	sdelay $0x4  }
0x4b6: {  	v6 =	vshrl.u32 v5, $0x7  }
0x4b7: {  	vm3 =	veq.s32 v6, v2  }
0x4b8: {  	v5 =	vand.u32 $0x7F, v5;
	vm14 =	veq.s32 v6, v3  }
0x4b9: {  	vm15 =	veq.s32 v6, v4;
	_ =	sdelay $0x3  }
0x4ba: {  	[tilespmem:v5+s10+$0x0] =	vst.idx.add.s32.msk vm3, v1  }
0x4bb: {  	[tilespmem:v5+s11+$0x0] =	vst.idx.add.s32.msk vm14, v1  }
0x4bc: {  	[tilespmem:v5+s12+$0x0] =	vst.idx.add.s32.msk vm15, v1  }
0x4bd: {  	v5 =	vld [tilespmem:s1+$0x0];
	_ =	sdelay $0x4  }
0x4be: {  	v6 =	vshrl.u32 v5, $0x7  }
0x4bf: {  	vm3 =	veq.s32 v6, v2  }
0x4c0: {  	v5 =	vand.u32 $0x7F, v5;
	vm8 =	veq.s32 v6, v3  }
0x4c1: {  	vm9 =	veq.s32 v6, v4;
	_ =	sdelay $0x3  }
0x4c2: {  	[tilespmem:v5+s10+$0x0] =	vst.idx.add.s32.msk vm3, v1  }
0x4c3: {  	[tilespmem:v5+s11+$0x0] =	vst.idx.add.s32.msk vm8, v1  }
0x4c4: {  	[tilespmem:v5+s12+$0x0] =	vst.idx.add.s32.msk vm9, v1  }
0x4c5: {  	v5 =	vld [tilespmem:s1+$0x10];
	_ =	sdelay $0x4  }
0x4c6: {  	v6 =	vshrl.u32 v5, $0x7  }
0x4c7: {  	vm3 =	veq.s32 v6, v2  }
0x4c8: {  	v5 =	vand.u32 $0x7F, v5;
	vm10 =	veq.s32 v6, v3  }
0x4c9: {  	vm11 =	veq.s32 v6, v4;
	_ =	sdelay $0x3  }
0x4ca: {  	[tilespmem:v5+s10+$0x0] =	vst.idx.add.s32.msk vm3, v1  }
0x4cb: {  	[tilespmem:v5+s11+$0x0] =	vst.idx.add.s32.msk vm10, v1  }
0x4cc: {  	[tilespmem:v5+s12+$0x0] =	vst.idx.add.s32.msk vm11, v1  }
0x4cd: {  	v5 =	vld [tilespmem:s1+$0x20];
	_ =	sdelay $0x4  }
0x4ce: {  	v6 =	vshrl.u32 v5, $0x7  }
0x4cf: {  	vm3 =	veq.s32 v6, v2  }
0x4d0: {  	v5 =	vand.u32 $0x7F, v5;
	vm12 =	veq.s32 v6, v3  }
0x4d1: {  	vm13 =	veq.s32 v6, v4;
	_ =	sdelay $0x3  }
0x4d2: {  	[tilespmem:v5+s10+$0x0] =	vst.idx.add.s32.msk vm3, v1  }
0x4d3: {  	[tilespmem:v5+s11+$0x0] =	vst.idx.add.s32.msk vm12, v1  }
0x4d4: {  	[tilespmem:v5+s12+$0x0] =	vst.idx.add.s32.msk vm13, v1  }
0x4d5: {  	v5 =	vld [tilespmem:s1+$0x30];
	_ =	sdelay $0x4  }
0x4d6: {  	v6 =	vshrl.u32 v5, $0x7  }
0x4d7: {  	vm3 =	veq.s32 v6, v2  }
0x4d8: {  	v5 =	vand.u32 $0x7F, v5;
	vm14 =	veq.s32 v6, v3  }
0x4d9: {  	s0 =	sadd.s32 $0x8, s0;
	vm15 =	veq.s32 v6, v4  }
0x4da: {  	p0 =	slt.u32 s0, $0xF8  }
.Ltmp19:
0x4db: {  	_ = 	snop;
	(pc) =	sbr.rel @p0 .LBB2_37-.Ltmp19, $4  }
0x4dc: {  	_ = 	snop  }
0x4dd: {  	[tilespmem:v5+s10+$0x0] =	vst.idx.add.s32.msk vm3, v1  }
0x4de: {  	[tilespmem:v5+s11+$0x0] =	vst.idx.add.s32.msk vm14, v1  }
0x4df: {  	s1 =	sadd.s32 $0x80, s1;
	[tilespmem:v5+s12+$0x0] =	vst.idx.add.s32.msk vm15, v1  }
0x4e0: {  	s0 =	ssub.s32 s20, s24  }
0x4e1: {  	p0 =	por $0x1, $0x1;
	s20 =	simm.s32 $0x0;
	s25 =	rddreg [dreg:$0x6]  }
0x4e2: {  	s1 =	simm.s32 $0x0;
	s7 =	rddreg [dreg:$0x7];
	v2 =	vmov s0;
	s0 =	simm.s32 $0x0  }
.LBB2_39:
0x4e3: {  	s1 =	sshra.s32 s1, $0x2  }
0x4e4: {  	v3 =	vld [tilespmem:s1+$0x1000];
	_ =	sdelay $0x4  }
0x4e5: {  	(xrf0) =	vadd.scan.msk.s32 $0xffff, v3;
	_ =	sdelay $0x5  }
0x4e6: {  	v3, _, _ =	vpop (xrf0)  }
0x4e7: {  	v4 =	vadd.s32 s0, v3  }
0x4e8: {  	vm3 =	vlt.s32 v4, v2  }
0x4e9: {  	v4 =	vsel vm3, $0x1, v0  }
0x4ea: {  	(xrf0) =	vadd.scan.msk.s32 $0xffff, v4;
	_ =	sdelay $0x5  }
0x4eb: {  	v4, _, _ =	vpop (xrf0)  }
0x4ec: {  	(v2sf) =	vpush v4, $0xF  }
0x4ed: {  	(v2sf) =	vpush v3, $0xF;
	_ =	sdelay $0x4  }
0x4ee: {  	v3 =	vld [tilespmem:s1+$0x1010];
	_ =	sdelay $0x4  }
0x4ef: {  	(xrf0) =	vadd.scan.msk.s32 $0xffff, v3;
	_ =	sdelay $0x3  }
0x4f0: {  	s2 =	spop (v2sf)  }
0x4f1: {  	s3 =	spop (v2sf)  }
0x4f2: {  	v3, _, _ =	vpop (xrf0);
	s16 =	sadd.s32 s0, s3  }
0x4f3: {  	v61 =	vadd.s32 s16, v3  }
0x4f4: {  	vm3 =	vlt.s32 v61, v2  }
0x4f5: {  	v4 =	vsel vm3, $0x1, v0  }
0x4f6: {  	(xrf0) =	vadd.scan.msk.s32 $0xffff, v4;
	_ =	sdelay $0x5  }
0x4f7: {  	v4, _, _ =	vpop (xrf0)  }
0x4f8: {  	(v2sf) =	vpush v4, $0xF  }
0x4f9: {  	(v2sf) =	vpush v3, $0xF;
	_ =	sdelay $0x4  }
0x4fa: {  	v3 =	vld [tilespmem:s1+$0x1020];
	_ =	sdelay $0x4  }
0x4fb: {  	(xrf0) =	vadd.scan.msk.s32 $0xffff, v3;
	_ =	sdelay $0x3  }
0x4fc: {  	s24 =	spop (v2sf)  }
0x4fd: {  	s4 =	spop (v2sf)  }
0x4fe: {  	v3, _, _ =	vpop (xrf0);
	s0 =	sadd.s32 s4, s16  }
0x4ff: {  	v62 =	vadd.s32 s0, v3  }
0x500: {  	vm3 =	vlt.s32 v62, v2  }
0x501: {  	v4 =	vsel vm3, $0x1, v0  }
0x502: {  	(xrf0) =	vadd.scan.msk.s32 $0xffff, v4;
	_ =	sdelay $0x5  }
0x503: {  	v4, _, _ =	vpop (xrf0)  }
0x504: {  	(v2sf) =	vpush v4, $0xF  }
0x505: {  	(v2sf) =	vpush v3, $0xF;
	_ =	sdelay $0x4  }
0x506: {  	v3 =	vld [tilespmem:s1+$0x1030];
	_ =	sdelay $0x4  }
0x507: {  	(xrf0) =	vadd.scan.msk.s32 $0xffff, v3;
	_ =	sdelay $0x3  }
0x508: {  	s26 =	spop (v2sf)  }
0x509: {  	s29 =	spop (v2sf)  }
0x50a: {  	v3, _, _ =	vpop (xrf0);
	s0 =	sadd.s32 s29, s0  }
0x50b: {  	v63 =	vadd.s32 s0, v3  }
0x50c: {  	vm3 =	vlt.s32 v63, v2  }
0x50d: {  	v4 =	vsel vm3, $0x1, v0  }
0x50e: {  	(xrf0) =	vadd.scan.msk.s32 $0xffff, v4;
	_ =	sdelay $0x5  }
0x50f: {  	v4, _, _ =	vpop (xrf0)  }
0x510: {  	(v2sf) =	vpush v4, $0xF  }
0x511: {  	(v2sf) =	vpush v3, $0xF;
	_ =	sdelay $0xa  }
0x512: {  	p1 =	por p0, p0  }
.Ltmp20:
0x513: {  	_ = 	snop;
	(pc) =	sbr.rel @p1 .LBB2_39-.Ltmp20, $4  }
0x514: {  	s2 =	sadd.s32 s20, s2  }
0x515: {  	s2 =	sadd.s32 s24, s2;
	s30 =	spop (v2sf)  }
0x516: {  	p0 =	por $0x0, $0x0;
	s1 =	sadd.s32 s26, s2;
	s31 =	spop (v2sf)  }
0x517: {  	s20 =	sadd.s32 s30, s1;
	s1 =	simm.s32 $0x100;
	s0 =	sadd.s32 s31, s0  }
0x518: {  	s0 =	ssub.s32 s19, s23;
	p0 =	por $0x1, $0x1  }
0x519: {  	s1 =	simm.s32 $0x0;
	s2 =	simm.s32 $0x0;
	v2 =	vmov s0;
	s0 =	simm.s32 $0x0  }
.LBB2_41:
0x51a: {  	s2 =	sshra.s32 s2, $0x2  }
0x51b: {  	v3 =	vld [tilespmem:s2+$0x1100];
	_ =	sdelay $0x4  }
0x51c: {  	(xrf0) =	vadd.scan.msk.s32 $0xffff, v3;
	_ =	sdelay $0x5  }
0x51d: {  	v3, _, _ =	vpop (xrf0)  }
0x51e: {  	v4 =	vadd.s32 s1, v3  }
0x51f: {  	vm3 =	vlt.s32 v4, v2  }
0x520: {  	v4 =	vsel vm3, $0x1, v0  }
0x521: {  	(xrf0) =	vadd.scan.msk.s32 $0xffff, v4;
	_ =	sdelay $0x5  }
0x522: {  	v4, _, _ =	vpop (xrf0)  }
0x523: {  	(v2sf) =	vpush v4, $0xF  }
0x524: {  	(v2sf) =	vpush v3, $0xF;
	_ =	sdelay $0x4  }
0x525: {  	v3 =	vld [tilespmem:s2+$0x1110];
	_ =	sdelay $0x4  }
0x526: {  	(xrf0) =	vadd.scan.msk.s32 $0xffff, v3;
	_ =	sdelay $0x3  }
0x527: {  	s3 =	spop (v2sf)  }
0x528: {  	s4 =	spop (v2sf)  }
0x529: {  	v3, _, _ =	vpop (xrf0);
	s23 =	sadd.s32 s1, s4  }
0x52a: {  	v61 =	vadd.s32 s23, v3  }
0x52b: {  	vm3 =	vlt.s32 v61, v2  }
0x52c: {  	v4 =	vsel vm3, $0x1, v0  }
0x52d: {  	(xrf0) =	vadd.scan.msk.s32 $0xffff, v4;
	_ =	sdelay $0x5  }
0x52e: {  	v4, _, _ =	vpop (xrf0)  }
0x52f: {  	(v2sf) =	vpush v4, $0xF  }
0x530: {  	(v2sf) =	vpush v3, $0xF;
	_ =	sdelay $0x4  }
0x531: {  	v3 =	vld [tilespmem:s2+$0x1120];
	_ =	sdelay $0x4  }
0x532: {  	(xrf0) =	vadd.scan.msk.s32 $0xffff, v3;
	_ =	sdelay $0x3  }
0x533: {  	s24 =	spop (v2sf)  }
0x534: {  	s5 =	spop (v2sf)  }
0x535: {  	v3, _, _ =	vpop (xrf0);
	s1 =	sadd.s32 s5, s23  }
0x536: {  	v62 =	vadd.s32 s1, v3  }
0x537: {  	vm3 =	vlt.s32 v62, v2  }
0x538: {  	v4 =	vsel vm3, $0x1, v0  }
0x539: {  	(xrf0) =	vadd.scan.msk.s32 $0xffff, v4;
	_ =	sdelay $0x5  }
0x53a: {  	v4, _, _ =	vpop (xrf0)  }
0x53b: {  	(v2sf) =	vpush v4, $0xF  }
0x53c: {  	(v2sf) =	vpush v3, $0xF;
	_ =	sdelay $0x4  }
0x53d: {  	v3 =	vld [tilespmem:s2+$0x1130];
	_ =	sdelay $0x4  }
0x53e: {  	(xrf0) =	vadd.scan.msk.s32 $0xffff, v3;
	_ =	sdelay $0x3  }
0x53f: {  	s26 =	spop (v2sf)  }
0x540: {  	s29 =	spop (v2sf)  }
0x541: {  	v3, _, _ =	vpop (xrf0);
	s1 =	sadd.s32 s29, s1  }
0x542: {  	v63 =	vadd.s32 s1, v3  }
0x543: {  	vm3 =	vlt.s32 v63, v2  }
0x544: {  	v4 =	vsel vm3, $0x1, v0  }
0x545: {  	(xrf0) =	vadd.scan.msk.s32 $0xffff, v4;
	_ =	sdelay $0x5  }
0x546: {  	v4, _, _ =	vpop (xrf0)  }
0x547: {  	(v2sf) =	vpush v4, $0xF  }
0x548: {  	(v2sf) =	vpush v3, $0xF;
	_ =	sdelay $0xa  }
0x549: {  	p1 =	por p0, p0  }
.Ltmp21:
0x54a: {  	_ = 	snop;
	(pc) =	sbr.rel @p1 .LBB2_41-.Ltmp21, $4  }
0x54b: {  	s0 =	sadd.s32 s0, s3  }
0x54c: {  	s0 =	sadd.s32 s24, s0;
	s30 =	spop (v2sf)  }
0x54d: {  	p0 =	por $0x0, $0x0;
	s0 =	sadd.s32 s26, s0;
	s31 =	spop (v2sf)  }
0x54e: {  	s2 =	simm.s32 $0x100;
	s0 =	sadd.s32 s30, s0;
	s1 =	sadd.s32 s31, s1  }
0x54f: {  	s1 =	ssub.s32 s21, s28;
	p0 =	por $0x1, $0x1  }
0x550: {  	s2 =	simm.s32 $0x0;
	s3 =	simm.s32 $0x0;
	v2 =	vmov s1;
	s1 =	simm.s32 $0x0  }
.LBB2_43:
0x551: {  	s3 =	sshra.s32 s3, $0x2  }
0x552: {  	v3 =	vld [tilespmem:s3+$0x1200];
	_ =	sdelay $0x4  }
0x553: {  	(xrf0) =	vadd.scan.msk.s32 $0xffff, v3;
	_ =	sdelay $0x5  }
0x554: {  	v3, _, _ =	vpop (xrf0)  }
0x555: {  	v4 =	vadd.s32 s2, v3  }
0x556: {  	vm3 =	vlt.s32 v4, v2  }
0x557: {  	v4 =	vsel vm3, $0x1, v0  }
0x558: {  	(xrf0) =	vadd.scan.msk.s32 $0xffff, v4;
	_ =	sdelay $0x5  }
0x559: {  	v4, _, _ =	vpop (xrf0)  }
0x55a: {  	(v2sf) =	vpush v4, $0xF  }
0x55b: {  	(v2sf) =	vpush v3, $0xF;
	_ =	sdelay $0x4  }
0x55c: {  	v3 =	vld [tilespmem:s3+$0x1210];
	_ =	sdelay $0x4  }
0x55d: {  	(xrf0) =	vadd.scan.msk.s32 $0xffff, v3;
	_ =	sdelay $0x3  }
0x55e: {  	s4 =	spop (v2sf)  }
0x55f: {  	s5 =	spop (v2sf)  }
0x560: {  	v3, _, _ =	vpop (xrf0);
	s24 =	sadd.s32 s2, s5  }
0x561: {  	v61 =	vadd.s32 s24, v3  }
0x562: {  	vm3 =	vlt.s32 v61, v2  }
0x563: {  	v4 =	vsel vm3, $0x1, v0  }
0x564: {  	(xrf0) =	vadd.scan.msk.s32 $0xffff, v4;
	_ =	sdelay $0x5  }
0x565: {  	v4, _, _ =	vpop (xrf0)  }
0x566: {  	(v2sf) =	vpush v4, $0xF  }
0x567: {  	(v2sf) =	vpush v3, $0xF;
	_ =	sdelay $0x4  }
0x568: {  	v3 =	vld [tilespmem:s3+$0x1220];
	_ =	sdelay $0x4  }
0x569: {  	(xrf0) =	vadd.scan.msk.s32 $0xffff, v3;
	_ =	sdelay $0x3  }
0x56a: {  	s26 =	spop (v2sf)  }
0x56b: {  	s6 =	spop (v2sf)  }
0x56c: {  	v3, _, _ =	vpop (xrf0);
	s2 =	sadd.s32 s6, s24  }
0x56d: {  	v62 =	vadd.s32 s2, v3  }
0x56e: {  	vm3 =	vlt.s32 v62, v2  }
0x56f: {  	v4 =	vsel vm3, $0x1, v0  }
0x570: {  	(xrf0) =	vadd.scan.msk.s32 $0xffff, v4;
	_ =	sdelay $0x5  }
0x571: {  	v4, _, _ =	vpop (xrf0)  }
0x572: {  	(v2sf) =	vpush v4, $0xF  }
0x573: {  	(v2sf) =	vpush v3, $0xF;
	_ =	sdelay $0x4  }
0x574: {  	v3 =	vld [tilespmem:s3+$0x1230];
	_ =	sdelay $0x4  }
0x575: {  	(xrf0) =	vadd.scan.msk.s32 $0xffff, v3;
	_ =	sdelay $0x3  }
0x576: {  	s28 =	spop (v2sf)  }
0x577: {  	s29 =	spop (v2sf)  }
0x578: {  	v3, _, _ =	vpop (xrf0);
	s2 =	sadd.s32 s29, s2  }
0x579: {  	v63 =	vadd.s32 s2, v3  }
0x57a: {  	vm3 =	vlt.s32 v63, v2  }
0x57b: {  	v4 =	vsel vm3, $0x1, v0  }
0x57c: {  	(xrf0) =	vadd.scan.msk.s32 $0xffff, v4;
	_ =	sdelay $0x5  }
0x57d: {  	v4, _, _ =	vpop (xrf0)  }
0x57e: {  	(v2sf) =	vpush v4, $0xF  }
0x57f: {  	(v2sf) =	vpush v3, $0xF;
	_ =	sdelay $0xa  }
0x580: {  	p1 =	por p0, p0  }
.Ltmp22:
0x581: {  	_ = 	snop;
	(pc) =	sbr.rel @p1 .LBB2_43-.Ltmp22, $4  }
0x582: {  	s1 =	sadd.s32 s1, s4  }
0x583: {  	s1 =	sadd.s32 s26, s1;
	s30 =	spop (v2sf)  }
0x584: {  	p0 =	por $0x0, $0x0;
	s1 =	sadd.s32 s28, s1;
	s31 =	spop (v2sf)  }
0x585: {  	s3 =	simm.s32 $0x100;
	s1 =	sadd.s32 s30, s1;
	s2 =	sadd.s32 s31, s2  }
0x586: {  	s2 =	sshll.u32 s22, $0x7;
	s25 =	sadd.s32 $0x1, s25  }
0x587: {  	s2 =	sor.u32 s2, s20;
	p0 =	sne.s32 s25, $0x30  }
.Ltmp23:
0x588: {  	s3 =	sshll.u32 s18, $0x7;
	v2 =	vmov s2;
	(pc) =	sbr.rel @p0 .LBB2_2-.Ltmp23, $4  }
.Ltmp24:
0x589: {  	s30 =	sshll.u32 s17, $0x7;
	s0 =	sor.u32 s3, s0;
	v2 =	vnsel vm0, $0x0, v2;
	(pc) =	sbr.rel @!p0 .LBB2_45-.Ltmp24, $4  }
0x58a: {  	s1 =	sor.u32 s30, s1;
	v2 =	vsel vm1, s0, v2  }
0x58b: {  	s31 =	sand.u32 $0x3FFFFFF0, s7;
	v2 =	vsel vm2, s1, v2  }
0x58c: {  	[tilespmem:s31+$0x1300] =	vst v2  }
0x58d: {  	_ = 	snop  }
.LBB2_9:
.Ltmp25:
0x58e: {  	(pc) =	sbr.rel .LBB2_20-.Ltmp25, $2  }
0x58f: {  	_ =	sdelay $0x2  }
0x590: {  	s22 =	simm.s32 $0x0  }
.LBB2_11:
.Ltmp26:
0x591: {  	(pc) =	sbr.rel .LBB2_20-.Ltmp26, $2  }
0x592: {  	_ =	sdelay $0x2  }
0x593: {  	s22 =	simm.s32 $0x0;
	v2 =	vmov v3  }
.LBB2_13:
.Ltmp27:
0x594: {  	(pc) =	sbr.rel .LBB2_20-.Ltmp27, $2  }
0x595: {  	_ =	sdelay $0x3  }
0x596: {  	v10 =	vmov v11;
	v11 =	vmov v5;
	v7 =	vmov v4  }
.LBB2_15:
.Ltmp28:
0x597: {  	(pc) =	sbr.rel .LBB2_20-.Ltmp28, $2  }
0x598: {  	_ =	sdelay $0x2  }
0x599: {  	v13 =	vmovc v4;
	v9 =	vmovc v5;
	vm4 =	vmmov vm3;
	v6 =	vmov v3;
	v2 =	vmov v16  }
.LBB2_17:
.Ltmp29:
0x59a: {  	(pc) =	sbr.rel .LBB2_20-.Ltmp29, $2  }
0x59b: {  	_ =	sdelay $0x2  }
0x59c: {  	v10 =	vmov v14;
	v11 =	vmov v15;
	v7 =	vmov v12  }
.LBB2_46:
0x59d: {  	_ =	sfence.sel $0x180000  }
0x59e: {  	[bflag:$0x0] =	sbarrier.arrive $0xFFFF  }
0x59f: {  	_ =	strace $0x90000047  }
0x5a0: {  	s0 =	stileid.u32;
	[bflag:$0x2] =	sbarrier.arrive $0xFFFF  }
0x5a1: {  	p0 =	sne.s32 s0, $0x0;
	s0 =	rddreg [dreg:$0x1]  }
0x5a2: {  	s0 =	sadd.s32 @!p0 $0x100000, s0  }
0x5a3: {  	[sflag:s0] =	ssyncadd.tile.s32 @!p0 $0x1;
	_ =	shalt  }
.Lfunc_end2:
_tile_overlayer_lowered:
.L_overlay_start_2:
0x5a4: {  	(tag) =	ssettag $0x2  }
0x5a5: {  	s0 =	rddreg [dreg:$0x0];
	s2 =	stileid.u32  }
0x5a6: {  	s1 =	rddreg [dreg:$0x1];
	p0 =	sne.s32 s2, $0x0  }
0x5a7: {  	s3 =	rddreg [dreg:$0x2];
	[bflag:$0x3] =	sbarrier.arrive $0xFFFF;
	s2 =	simm.s32 @!p0 $0x1C01  }
0x5a8: {  	[timem:s3], [sflag:s2] =	dma.local @!p0 [hbm:s0], s1  }
0x5a9: {  	s0 =	simm.s32 @!p0 $0x1  }
0x5aa: {  	_ =	swait.ge @!p0 [sflag:s0], s1  }
0x5ab: {  	s1 =	ssub.s32 @!p0 $0x0, s1;
	[sflag:s0] =	ssyncset.done @!p0 $0x0  }
0x5ac: {  	[sflag:s0] =	ssyncadd.s32 @!p0 s1  }
0x5ad: {  	[bflag:$0x3] =	sbarrier.arrive $0xFFFF  }
0x5ae: {  	_ =	shalt  }

</sc_bundles>
